<compile_context>
chip_gen: v7x
topology: tpu7x:2x2x1
jax: 0.10.2.dev20260603
libtpu: 0.0.44.dev20260713+nightly
codegen_flags: <defaults>
</compile_context>

<pallas_src>
import functools

import jax
import jax.numpy as jnp
from jax import lax
from jax.experimental import pallas as pl
from jax.experimental.pallas import tpu as pltpu
from jax.experimental.pallas import tpu_sc as plsc

_NUM_WORKERS = 32
_NB = 4
_LANES = 16


def _add_t_body(a_ref, b_ref, o_ref):
    o_ref[...] = (a_ref[...] + b_ref[...]).T


def _make_sc_gather(b, l, d, r):
    mesh = plsc.VectorSubcoreMesh(core_axis_name="c", subcore_axis_name="s")
    bw = b // _NUM_WORKERS
    dhi, dlo = d // 8, 8
    bhi = b // bw

    @functools.partial(
        pl.kernel,
        mesh=mesh,
        out_type=jax.ShapeDtypeStruct((l, dhi, bhi, dlo, bw), jnp.float32),
        compiler_params=pltpu.CompilerParams(
            use_tc_tiling_on_sc=False, needs_layout_passes=False
        ),
        scratch_types=[
            pltpu.VMEM((d * r,), jnp.float32),
            pltpu.VMEM((l, bw), jnp.int32),
            pltpu.VMEM((_NB, dhi, dlo, bw), jnp.float32),
            pltpu.SemaphoreType.DMA((_NB,)),
        ],
    )
    def sc_gather(combt_hbm, xt_hbm, out_hbm, combt_v, idxt_v, tiles_v, wsem):
        wid = lax.axis_index("s") * 2 + lax.axis_index("c")
        b0 = wid * bw
        pltpu.sync_copy(combt_hbm, combt_v)
        pltpu.sync_copy(xt_hbm.at[:, pl.ds(b0, bw)], idxt_v)

        def build_tile(li, bf):
            ivs = [idxt_v[li, pl.ds(j * _LANES, _LANES)] for j in range(bw // _LANES)]

            @plsc.parallel_loop(0, d, 1, unroll=4)
            def dd_body(dd):
                row = combt_v.at[pl.ds(dd * r, r)]
                for j, iv in enumerate(ivs):
                    vals = plsc.load_gather(row, [iv])
                    tiles_v[bf, dd // dlo, dd % dlo, pl.ds(j * _LANES, _LANES)] = vals

        def start_write(li, bf):
            pltpu.async_copy(tiles_v.at[bf], out_hbm.at[li, :, wid], wsem.at[bf])

        def wait_write(li, bf):
            pltpu.make_async_copy(
                tiles_v.at[bf], out_hbm.at[li, :, wid], wsem.at[bf]
            ).wait()

        for bf in range(_NB):
            build_tile(bf, bf)
            start_write(bf, bf)

        def block(l0, carry):
            for bf in range(_NB):
                li = l0 * _NB + bf
                wait_write(li - _NB, bf)
                build_tile(li, bf)
                start_write(li, bf)
            return carry

        lax.fori_loop(1, l // _NB, block, 0)

        for li in range(l - _NB, l):
            wait_write(li, li % _NB)

    return sc_gather


def kernel(x, tok_table, pos_table):
    b, l = x.shape
    r, d = pos_table.shape

    xt = x.T.astype(jnp.int32)

    combt = pl.pallas_call(
        _add_t_body,
        out_shape=jax.ShapeDtypeStruct((d, r), jnp.float32),
    )(tok_table[:r], pos_table)

    out4 = _make_sc_gather(b, l, d, r)(combt.reshape(d * r), xt)
    return out4.transpose(2, 4, 0, 1, 3).reshape(b, l, d)

# --- scband reference (transcript-rebuilt; emitter-appended) ---
"""Pipeline reference for scband-bert-input-embedding-35201551958209 (READ-ONLY COPY).

The authoritative reference and input builder live on the scoring server;
editing this copy changes nothing except your own understanding.
"""

import jax, jax.numpy as jnp
import numpy as np

VOCAB = 1000000
D_MODEL = 64
MAX_SEQ = 512
B, L = 4096, 200

def setup_inputs(seed: int = 0) -> dict:
    key = jax.random.key(seed)
    k1, k2, k3 = jax.random.split(key, 3)
    x = jax.random.randint(k1, (B, L), 0, MAX_SEQ, dtype=jnp.int64 if jax.config.jax_enable_x64 else jnp.int32)
    tok_table = jax.random.normal(k2, (VOCAB, D_MODEL), dtype=jnp.float32) * 0.02
    pos_table = jax.random.normal(k3, (MAX_SEQ, D_MODEL), dtype=jnp.float32) * 0.02
    return {"x": x, "tok_table": tok_table, "pos_table": pos_table}

def reference(x, tok_table, pos_table):
    # Faithful translation of the original forward, including its quirk:
    # pos is computed but the module indexes position_embedding with x, not pos.
    seq_len = x.shape[1]
    pos = jnp.arange(seq_len, dtype=x.dtype)
    pos = jnp.broadcast_to(pos[None, :], x.shape)  # computed, unused (as in original)
    out = jnp.take(tok_table, x, axis=0) + jnp.take(pos_table, x, axis=0)
    return out

if __name__ == "__main__":
    import jax
    _d = setup_inputs()
    print(jax.jit(kernel)(*tuple(_d.values())))

</pallas_src>

<mosaic_0001>
#map = affine_map<(d0, d1) -> (0)>
#map1 = affine_map<(d0, d1) -> (0, 0)>
#map2 = affine_map<(d0, d1) -> (0, 0, 0, 0, 0)>
module attributes {stable_mosaic.version = 14 : i64} {
  func.func @sc_gather(%arg0: i32, %arg1: i32, %arg2: memref<32768xf32, #tpu.memory_space<hbm>>, %arg3: memref<200x4096xi32, #tpu.memory_space<hbm>>, %arg4: memref<200x8x32x8x128xf32, #tpu.memory_space<hbm>>, %arg5: memref<32768xf32, #tpu.memory_space<vmem>>, %arg6: memref<200x128xi32, #tpu.memory_space<vmem>>, %arg7: memref<4x8x8x128xf32, #tpu.memory_space<vmem>>, %arg8: memref<4x!tpu.dma_semaphore, #tpu.memory_space<semaphore_mem>>) attributes {dimension_semantics = [#tpu.dimension_semantics<core_parallel>, #tpu.dimension_semantics<subcore_parallel>], iteration_bounds = array<i64: 2, 16>, scalar_prefetch = 0 : i64, scratch_operands = 4 : i64, tpu.core_type = #tpu.core_type<sc_vector_subcore>, window_params = [{transform_indices = #map}, {transform_indices = #map1}, {transform_indices = #map2}]} {
    %mul3A = arith.constant 2 : i32
    %mul3A_0 = arith.muli %arg1, %mul3A : i32
    %add3A = arith.addi %mul3A_0, %arg0 : i32
    %mul3A_1 = arith.constant 128 : i32
    %mul3A_2 = arith.muli %add3A, %mul3A_1 : i32
    "tpu.region"() ({
      %run_scoped3A = tpu.sem_alloc : memref<!tpu.dma_semaphore, #tpu.memory_space<semaphore_mem>>
      tpu.enqueue_dma source(%arg2 : memref<32768xf32, #tpu.memory_space<hbm>>) target(%arg5 : memref<32768xf32, #tpu.memory_space<vmem>>) target_semaphore(%run_scoped3A : memref<!tpu.dma_semaphore, #tpu.memory_space<semaphore_mem>>)
      tpu.wait_dma2 semaphore(%run_scoped3A : memref<!tpu.dma_semaphore, #tpu.memory_space<semaphore_mem>>) src(%arg2 : memref<32768xf32, #tpu.memory_space<hbm>>) dst(%arg5 : memref<32768xf32, #tpu.memory_space<vmem>>)
      tpu.yield
    }) : () -> ()
    "tpu.region"() ({
      %run_scoped3A = tpu.sem_alloc : memref<!tpu.dma_semaphore, #tpu.memory_space<semaphore_mem>>
      %dma_start3A_344 = arith.constant 0 : i32
      %dma_start3A_345 = tpu.memref_slice %arg3[%dma_start3A_344, %mul3A_2] : memref<200x4096xi32, #tpu.memory_space<hbm>> -> memref<200x128xi32, #tpu.memory_space<hbm>>
      %dma_start3A_346 = arith.constant 0 : i32
      %dma_start3A_347 = tpu.memref_slice %arg3[%dma_start3A_346, %mul3A_2] : memref<200x4096xi32, #tpu.memory_space<hbm>> -> memref<200x128xi32, #tpu.memory_space<hbm>>
      tpu.enqueue_dma source(%dma_start3A_347 : memref<200x128xi32, #tpu.memory_space<hbm>>) target(%arg6 : memref<200x128xi32, #tpu.memory_space<vmem>>) target_semaphore(%run_scoped3A : memref<!tpu.dma_semaphore, #tpu.memory_space<semaphore_mem>>)
      %dma_wait3A_348 = arith.constant 0 : i32
      %dma_wait3A_349 = tpu.memref_slice %arg3[%dma_wait3A_348, %mul3A_2] : memref<200x4096xi32, #tpu.memory_space<hbm>> -> memref<200x128xi32, #tpu.memory_space<hbm>>
      %dma_wait3A_350 = arith.constant 0 : i32
      %dma_wait3A_351 = tpu.memref_slice %arg3[%dma_wait3A_350, %mul3A_2] : memref<200x4096xi32, #tpu.memory_space<hbm>> -> memref<200x128xi32, #tpu.memory_space<hbm>>
      tpu.wait_dma2 semaphore(%run_scoped3A : memref<!tpu.dma_semaphore, #tpu.memory_space<semaphore_mem>>) src(%dma_wait3A_351 : memref<200x128xi32, #tpu.memory_space<hbm>>) dst(%arg6 : memref<200x128xi32, #tpu.memory_space<vmem>>)
      tpu.yield
    }) : () -> ()
    %get3A = arith.constant 0 : i32
    %get3A_3 = arith.index_cast %get3A : i32 to index
    %get3A_4 = arith.constant 0 : index
    %get3A_5 = tpu.vector_load %arg6[%get3A_3, %get3A_4] {strides = array<i32>} : memref<200x128xi32, #tpu.memory_space<vmem>>, vector<16xi32>,
    %get3A_6 = arith.constant 0 : i32
    %get3A_7 = arith.index_cast %get3A_6 : i32 to index
    %get3A_8 = arith.constant 16 : index
    %get3A_9 = tpu.vector_load %arg6[%get3A_7, %get3A_8] {strides = array<i32>} : memref<200x128xi32, #tpu.memory_space<vmem>>, vector<16xi32>,
    %get3A_10 = arith.constant 0 : i32
    %get3A_11 = arith.index_cast %get3A_10 : i32 to index
    %get3A_12 = arith.constant 32 : index
    %get3A_13 = tpu.vector_load %arg6[%get3A_11, %get3A_12] {strides = array<i32>} : memref<200x128xi32, #tpu.memory_space<vmem>>, vector<16xi32>,
    %get3A_14 = arith.constant 0 : i32
    %get3A_15 = arith.index_cast %get3A_14 : i32 to index
    %get3A_16 = arith.constant 48 : index
    %get3A_17 = tpu.vector_load %arg6[%get3A_15, %get3A_16] {strides = array<i32>} : memref<200x128xi32, #tpu.memory_space<vmem>>, vector<16xi32>,
    %get3A_18 = arith.constant 0 : i32
    %get3A_19 = arith.index_cast %get3A_18 : i32 to index
    %get3A_20 = arith.constant 64 : index
    %get3A_21 = tpu.vector_load %arg6[%get3A_19, %get3A_20] {strides = array<i32>} : memref<200x128xi32, #tpu.memory_space<vmem>>, vector<16xi32>,
    %get3A_22 = arith.constant 0 : i32
    %get3A_23 = arith.index_cast %get3A_22 : i32 to index
    %get3A_24 = arith.constant 80 : index
    %get3A_25 = tpu.vector_load %arg6[%get3A_23, %get3A_24] {strides = array<i32>} : memref<200x128xi32, #tpu.memory_space<vmem>>, vector<16xi32>,
    %get3A_26 = arith.constant 0 : i32
    %get3A_27 = arith.index_cast %get3A_26 : i32 to index
    %get3A_28 = arith.constant 96 : index
    %get3A_29 = tpu.vector_load %arg6[%get3A_27, %get3A_28] {strides = array<i32>} : memref<200x128xi32, #tpu.memory_space<vmem>>, vector<16xi32>,
    %get3A_30 = arith.constant 0 : i32
    %get3A_31 = arith.index_cast %get3A_30 : i32 to index
    %get3A_32 = arith.constant 112 : index
    %get3A_33 = tpu.vector_load %arg6[%get3A_31, %get3A_32] {strides = array<i32>} : memref<200x128xi32, #tpu.memory_space<vmem>>, vector<16xi32>,
    %parallel_loop3A = arith.constant 0 : i32
    %parallel_loop3A_34 = arith.constant 64 : i32
    %parallel_loop3A_35 = arith.constant 1 : i32
    scf.for %parallel_loop3A_344 = %parallel_loop3A to %parallel_loop3A_34 step %parallel_loop3A_35  : i32 {
      %parallel_loop3A_345 = arith.constant 512 : i32
      %parallel_loop3A_346 = arith.muli %parallel_loop3A_344, %parallel_loop3A_345 : i32
      %parallel_loop3A_347 = tpu.memref_slice %arg5[%parallel_loop3A_346] : memref<32768xf32, #tpu.memory_space<vmem>> -> memref<512xf32, #tpu.memory_space<vmem>>
      %parallel_loop3A_348 = tpu.vector_load_idx %parallel_loop3A_347[%get3A_5] : memref<512xf32, #tpu.memory_space<vmem>>[vector<16xi32>], vector<16xf32>,
      %parallel_loop3A_349 = arith.constant 8 : i32
      %parallel_loop3A_350 = arith.divsi %parallel_loop3A_344, %parallel_loop3A_349 : i32
      %parallel_loop3A_351 = arith.constant 0 : i32
      %parallel_loop3A_352 = arith.cmpi sgt, %parallel_loop3A_344, %parallel_loop3A_351 : i32
      %parallel_loop3A_353 = arith.extui %parallel_loop3A_352 : i1 to i32
      %parallel_loop3A_354 = arith.constant 0 : i32
      %parallel_loop3A_355 = arith.cmpi slt, %parallel_loop3A_344, %parallel_loop3A_354 : i32
      %parallel_loop3A_356 = arith.extui %parallel_loop3A_355 : i1 to i32
      %parallel_loop3A_357 = arith.subi %parallel_loop3A_353, %parallel_loop3A_356 : i32
      %parallel_loop3A_358 = arith.constant 0 : i32
      %parallel_loop3A_359 = arith.cmpi sgt, %parallel_loop3A_349, %parallel_loop3A_358 : i32
      %parallel_loop3A_360 = arith.extui %parallel_loop3A_359 : i1 to i32
      %parallel_loop3A_361 = arith.constant 0 : i32
      %parallel_loop3A_362 = arith.cmpi slt, %parallel_loop3A_349, %parallel_loop3A_361 : i32
      %parallel_loop3A_363 = arith.extui %parallel_loop3A_362 : i1 to i32
      %parallel_loop3A_364 = arith.subi %parallel_loop3A_360, %parallel_loop3A_363 : i32
      %parallel_loop3A_365 = arith.cmpi ne, %parallel_loop3A_357, %parallel_loop3A_364 : i32
      %parallel_loop3A_366 = arith.remsi %parallel_loop3A_344, %parallel_loop3A_349 : i32
      %parallel_loop3A_367 = arith.constant 0 : i32
      %parallel_loop3A_368 = arith.cmpi ne, %parallel_loop3A_366, %parallel_loop3A_367 : i32
      %parallel_loop3A_369 = arith.andi %parallel_loop3A_365, %parallel_loop3A_368 : i1
      %parallel_loop3A_370 = arith.constant 1 : i32
      %parallel_loop3A_371 = arith.subi %parallel_loop3A_350, %parallel_loop3A_370 : i32
      %parallel_loop3A_372 = arith.select %parallel_loop3A_369, %parallel_loop3A_371, %parallel_loop3A_350 : i32
      %parallel_loop3A_373 = arith.constant 8 : i32
      %parallel_loop3A_374 = arith.constant 0 : i32
      %parallel_loop3A_375 = arith.cmpi eq, %parallel_loop3A_373, %parallel_loop3A_374 : i32
      %parallel_loop3A_376 = arith.constant 1 : i32
      %parallel_loop3A_377 = arith.select %parallel_loop3A_375, %parallel_loop3A_376, %parallel_loop3A_373 : i32
      %parallel_loop3A_378 = arith.remsi %parallel_loop3A_344, %parallel_loop3A_377 : i32
      %parallel_loop3A_379 = arith.constant 0 : i32
      %parallel_loop3A_380 = arith.cmpi ne, %parallel_loop3A_378, %parallel_loop3A_379 : i32
      %parallel_loop3A_381 = arith.constant 0 : i32
      %parallel_loop3A_382 = arith.cmpi slt, %parallel_loop3A_378, %parallel_loop3A_381 : i32
      %parallel_loop3A_383 = arith.constant 0 : i32
      %parallel_loop3A_384 = arith.cmpi slt, %parallel_loop3A_377, %parallel_loop3A_383 : i32
      %parallel_loop3A_385 = arith.xori %parallel_loop3A_382, %parallel_loop3A_384 : i1
      %parallel_loop3A_386 = arith.andi %parallel_loop3A_385, %parallel_loop3A_380 : i1
      %parallel_loop3A_387 = arith.addi %parallel_loop3A_378, %parallel_loop3A_377 : i32
      %parallel_loop3A_388 = arith.select %parallel_loop3A_386, %parallel_loop3A_387, %parallel_loop3A_378 : i32
      %parallel_loop3A_389 = arith.constant 0 : i32
      %parallel_loop3A_390 = arith.index_cast %parallel_loop3A_389 : i32 to index
      %parallel_loop3A_391 = arith.index_cast %parallel_loop3A_372 : i32 to index
      %parallel_loop3A_392 = arith.index_cast %parallel_loop3A_388 : i32 to index
      %parallel_loop3A_393 = arith.constant 0 : index
      %parallel_loop3A_394 = tpu.vector_load %arg7[%parallel_loop3A_390, %parallel_loop3A_391, %parallel_loop3A_392, %parallel_loop3A_393] {strides = array<i32>} : memref<4x8x8x128xf32, #tpu.memory_space<vmem>>, vector<16xf32>,
      tpu.vector_store %arg7[%parallel_loop3A_390, %parallel_loop3A_391, %parallel_loop3A_392, %parallel_loop3A_393], %parallel_loop3A_348 {strides = array<i32>} : memref<4x8x8x128xf32, #tpu.memory_space<vmem>>, vector<16xf32>,
      %parallel_loop3A_395 = tpu.memref_slice %arg5[%parallel_loop3A_346] : memref<32768xf32, #tpu.memory_space<vmem>> -> memref<512xf32, #tpu.memory_space<vmem>>
      %parallel_loop3A_396 = tpu.vector_load_idx %parallel_loop3A_395[%get3A_9] : memref<512xf32, #tpu.memory_space<vmem>>[vector<16xi32>], vector<16xf32>,
      %parallel_loop3A_397 = arith.constant 8 : i32
      %parallel_loop3A_398 = arith.divsi %parallel_loop3A_344, %parallel_loop3A_397 : i32
      %parallel_loop3A_399 = arith.constant 0 : i32
      %parallel_loop3A_400 = arith.cmpi sgt, %parallel_loop3A_344, %parallel_loop3A_399 : i32
      %parallel_loop3A_401 = arith.extui %parallel_loop3A_400 : i1 to i32
      %parallel_loop3A_402 = arith.constant 0 : i32
      %parallel_loop3A_403 = arith.cmpi slt, %parallel_loop3A_344, %parallel_loop3A_402 : i32
      %parallel_loop3A_404 = arith.extui %parallel_loop3A_403 : i1 to i32
      %parallel_loop3A_405 = arith.subi %parallel_loop3A_401, %parallel_loop3A_404 : i32
      %parallel_loop3A_406 = arith.constant 0 : i32
      %parallel_loop3A_407 = arith.cmpi sgt, %parallel_loop3A_397, %parallel_loop3A_406 : i32
      %parallel_loop3A_408 = arith.extui %parallel_loop3A_407 : i1 to i32
      %parallel_loop3A_409 = arith.constant 0 : i32
      %parallel_loop3A_410 = arith.cmpi slt, %parallel_loop3A_397, %parallel_loop3A_409 : i32
      %parallel_loop3A_411 = arith.extui %parallel_loop3A_410 : i1 to i32
      %parallel_loop3A_412 = arith.subi %parallel_loop3A_408, %parallel_loop3A_411 : i32
      %parallel_loop3A_413 = arith.cmpi ne, %parallel_loop3A_405, %parallel_loop3A_412 : i32
      %parallel_loop3A_414 = arith.remsi %parallel_loop3A_344, %parallel_loop3A_397 : i32
      %parallel_loop3A_415 = arith.constant 0 : i32
      %parallel_loop3A_416 = arith.cmpi ne, %parallel_loop3A_414, %parallel_loop3A_415 : i32
      %parallel_loop3A_417 = arith.andi %parallel_loop3A_413, %parallel_loop3A_416 : i1
      %parallel_loop3A_418 = arith.constant 1 : i32
      %parallel_loop3A_419 = arith.subi %parallel_loop3A_398, %parallel_loop3A_418 : i32
      %parallel_loop3A_420 = arith.select %parallel_loop3A_417, %parallel_loop3A_419, %parallel_loop3A_398 : i32
      %parallel_loop3A_421 = arith.constant 8 : i32
      %parallel_loop3A_422 = arith.constant 0 : i32
      %parallel_loop3A_423 = arith.cmpi eq, %parallel_loop3A_421, %parallel_loop3A_422 : i32
      %parallel_loop3A_424 = arith.constant 1 : i32
      %parallel_loop3A_425 = arith.select %parallel_loop3A_423, %parallel_loop3A_424, %parallel_loop3A_421 : i32
      %parallel_loop3A_426 = arith.remsi %parallel_loop3A_344, %parallel_loop3A_425 : i32
      %parallel_loop3A_427 = arith.constant 0 : i32
      %parallel_loop3A_428 = arith.cmpi ne, %parallel_loop3A_426, %parallel_loop3A_427 : i32
      %parallel_loop3A_429 = arith.constant 0 : i32
      %parallel_loop3A_430 = arith.cmpi slt, %parallel_loop3A_426, %parallel_loop3A_429 : i32
      %parallel_loop3A_431 = arith.constant 0 : i32
      %parallel_loop3A_432 = arith.cmpi slt, %parallel_loop3A_425, %parallel_loop3A_431 : i32
      %parallel_loop3A_433 = arith.xori %parallel_loop3A_430, %parallel_loop3A_432 : i1
      %parallel_loop3A_434 = arith.andi %parallel_loop3A_433, %parallel_loop3A_428 : i1
      %parallel_loop3A_435 = arith.addi %parallel_loop3A_426, %parallel_loop3A_425 : i32
      %parallel_loop3A_436 = arith.select %parallel_loop3A_434, %parallel_loop3A_435, %parallel_loop3A_426 : i32
      %parallel_loop3A_437 = arith.constant 0 : i32
      %parallel_loop3A_438 = arith.index_cast %parallel_loop3A_437 : i32 to index
      %parallel_loop3A_439 = arith.index_cast %parallel_loop3A_420 : i32 to index
      %parallel_loop3A_440 = arith.index_cast %parallel_loop3A_436 : i32 to index
      %parallel_loop3A_441 = arith.constant 16 : index
      %parallel_loop3A_442 = tpu.vector_load %arg7[%parallel_loop3A_438, %parallel_loop3A_439, %parallel_loop3A_440, %parallel_loop3A_441] {strides = array<i32>} : memref<4x8x8x128xf32, #tpu.memory_space<vmem>>, vector<16xf32>,
      tpu.vector_store %arg7[%parallel_loop3A_438, %parallel_loop3A_439, %parallel_loop3A_440, %parallel_loop3A_441], %parallel_loop3A_396 {strides = array<i32>} : memref<4x8x8x128xf32, #tpu.memory_space<vmem>>, vector<16xf32>,
      %parallel_loop3A_443 = tpu.memref_slice %arg5[%parallel_loop3A_346] : memref<32768xf32, #tpu.memory_space<vmem>> -> memref<512xf32, #tpu.memory_space<vmem>>
      %parallel_loop3A_444 = tpu.vector_load_idx %parallel_loop3A_443[%get3A_13] : memref<512xf32, #tpu.memory_space<vmem>>[vector<16xi32>], vector<16xf32>,
      %parallel_loop3A_445 = arith.constant 8 : i32
      %parallel_loop3A_446 = arith.divsi %parallel_loop3A_344, %parallel_loop3A_445 : i32
      %parallel_loop3A_447 = arith.constant 0 : i32
      %parallel_loop3A_448 = arith.cmpi sgt, %parallel_loop3A_344, %parallel_loop3A_447 : i32
      %parallel_loop3A_449 = arith.extui %parallel_loop3A_448 : i1 to i32
      %parallel_loop3A_450 = arith.constant 0 : i32
      %parallel_loop3A_451 = arith.cmpi slt, %parallel_loop3A_344, %parallel_loop3A_450 : i32
      %parallel_loop3A_452 = arith.extui %parallel_loop3A_451 : i1 to i32
      %parallel_loop3A_453 = arith.subi %parallel_loop3A_449, %parallel_loop3A_452 : i32
      %parallel_loop3A_454 = arith.constant 0 : i32
      %parallel_loop3A_455 = arith.cmpi sgt, %parallel_loop3A_445, %parallel_loop3A_454 : i32
      %parallel_loop3A_456 = arith.extui %parallel_loop3A_455 : i1 to i32
      %parallel_loop3A_457 = arith.constant 0 : i32
      %parallel_loop3A_458 = arith.cmpi slt, %parallel_loop3A_445, %parallel_loop3A_457 : i32
      %parallel_loop3A_459 = arith.extui %parallel_loop3A_458 : i1 to i32
      %parallel_loop3A_460 = arith.subi %parallel_loop3A_456, %parallel_loop3A_459 : i32
      %parallel_loop3A_461 = arith.cmpi ne, %parallel_loop3A_453, %parallel_loop3A_460 : i32
      %parallel_loop3A_462 = arith.remsi %parallel_loop3A_344, %parallel_loop3A_445 : i32
      %parallel_loop3A_463 = arith.constant 0 : i32
      %parallel_loop3A_464 = arith.cmpi ne, %parallel_loop3A_462, %parallel_loop3A_463 : i32
      %parallel_loop3A_465 = arith.andi %parallel_loop3A_461, %parallel_loop3A_464 : i1
      %parallel_loop3A_466 = arith.constant 1 : i32
      %parallel_loop3A_467 = arith.subi %parallel_loop3A_446, %parallel_loop3A_466 : i32
      %parallel_loop3A_468 = arith.select %parallel_loop3A_465, %parallel_loop3A_467, %parallel_loop3A_446 : i32
      %parallel_loop3A_469 = arith.constant 8 : i32
      %parallel_loop3A_470 = arith.constant 0 : i32
      %parallel_loop3A_471 = arith.cmpi eq, %parallel_loop3A_469, %parallel_loop3A_470 : i32
      %parallel_loop3A_472 = arith.constant 1 : i32
      %parallel_loop3A_473 = arith.select %parallel_loop3A_471, %parallel_loop3A_472, %parallel_loop3A_469 : i32
      %parallel_loop3A_474 = arith.remsi %parallel_loop3A_344, %parallel_loop3A_473 : i32
      %parallel_loop3A_475 = arith.constant 0 : i32
      %parallel_loop3A_476 = arith.cmpi ne, %parallel_loop3A_474, %parallel_loop3A_475 : i32
      %parallel_loop3A_477 = arith.constant 0 : i32
      %parallel_loop3A_478 = arith.cmpi slt, %parallel_loop3A_474, %parallel_loop3A_477 : i32
      %parallel_loop3A_479 = arith.constant 0 : i32
      %parallel_loop3A_480 = arith.cmpi slt, %parallel_loop3A_473, %parallel_loop3A_479 : i32
      %parallel_loop3A_481 = arith.xori %parallel_loop3A_478, %parallel_loop3A_480 : i1
      %parallel_loop3A_482 = arith.andi %parallel_loop3A_481, %parallel_loop3A_476 : i1
      %parallel_loop3A_483 = arith.addi %parallel_loop3A_474, %parallel_loop3A_473 : i32
      %parallel_loop3A_484 = arith.select %parallel_loop3A_482, %parallel_loop3A_483, %parallel_loop3A_474 : i32
      %parallel_loop3A_485 = arith.constant 0 : i32
      %parallel_loop3A_486 = arith.index_cast %parallel_loop3A_485 : i32 to index
      %parallel_loop3A_487 = arith.index_cast %parallel_loop3A_468 : i32 to index
      %parallel_loop3A_488 = arith.index_cast %parallel_loop3A_484 : i32 to index
      %parallel_loop3A_489 = arith.constant 32 : index
      %parallel_loop3A_490 = tpu.vector_load %arg7[%parallel_loop3A_486, %parallel_loop3A_487, %parallel_loop3A_488, %parallel_loop3A_489] {strides = array<i32>} : memref<4x8x8x128xf32, #tpu.memory_space<vmem>>, vector<16xf32>,
      tpu.vector_store %arg7[%parallel_loop3A_486, %parallel_loop3A_487, %parallel_loop3A_488, %parallel_loop3A_489], %parallel_loop3A_444 {strides = array<i32>} : memref<4x8x8x128xf32, #tpu.memory_space<vmem>>, vector<16xf32>,
      %parallel_loop3A_491 = tpu.memref_slice %arg5[%parallel_loop3A_346] : memref<32768xf32, #tpu.memory_space<vmem>> -> memref<512xf32, #tpu.memory_space<vmem>>
      %parallel_loop3A_492 = tpu.vector_load_idx %parallel_loop3A_491[%get3A_17] : memref<512xf32, #tpu.memory_space<vmem>>[vector<16xi32>], vector<16xf32>,
      %parallel_loop3A_493 = arith.constant 8 : i32
      %parallel_loop3A_494 = arith.divsi %parallel_loop3A_344, %parallel_loop3A_493 : i32
      %parallel_loop3A_495 = arith.constant 0 : i32
      %parallel_loop3A_496 = arith.cmpi sgt, %parallel_loop3A_344, %parallel_loop3A_495 : i32
      %parallel_loop3A_497 = arith.extui %parallel_loop3A_496 : i1 to i32
      %parallel_loop3A_498 = arith.constant 0 : i32
      %parallel_loop3A_499 = arith.cmpi slt, %parallel_loop3A_344, %parallel_loop3A_498 : i32
      %parallel_loop3A_500 = arith.extui %parallel_loop3A_499 : i1 to i32
      %parallel_loop3A_501 = arith.subi %parallel_loop3A_497, %parallel_loop3A_500 : i32
      %parallel_loop3A_502 = arith.constant 0 : i32
      %parallel_loop3A_503 = arith.cmpi sgt, %parallel_loop3A_493, %parallel_loop3A_502 : i32
      %parallel_loop3A_504 = arith.extui %parallel_loop3A_503 : i1 to i32
      %parallel_loop3A_505 = arith.constant 0 : i32
      %parallel_loop3A_506 = arith.cmpi slt, %parallel_loop3A_493, %parallel_loop3A_505 : i32
      %parallel_loop3A_507 = arith.extui %parallel_loop3A_506 : i1 to i32
      %parallel_loop3A_508 = arith.subi %parallel_loop3A_504, %parallel_loop3A_507 : i32
      %parallel_loop3A_509 = arith.cmpi ne, %parallel_loop3A_501, %parallel_loop3A_508 : i32
      %parallel_loop3A_510 = arith.remsi %parallel_loop3A_344, %parallel_loop3A_493 : i32
      %parallel_loop3A_511 = arith.constant 0 : i32
      %parallel_loop3A_512 = arith.cmpi ne, %parallel_loop3A_510, %parallel_loop3A_511 : i32
      %parallel_loop3A_513 = arith.andi %parallel_loop3A_509, %parallel_loop3A_512 : i1
      %parallel_loop3A_514 = arith.constant 1 : i32
      %parallel_loop3A_515 = arith.subi %parallel_loop3A_494, %parallel_loop3A_514 : i32
      %parallel_loop3A_516 = arith.select %parallel_loop3A_513, %parallel_loop3A_515, %parallel_loop3A_494 : i32
      %parallel_loop3A_517 = arith.constant 8 : i32
      %parallel_loop3A_518 = arith.constant 0 : i32
      %parallel_loop3A_519 = arith.cmpi eq, %parallel_loop3A_517, %parallel_loop3A_518 : i32
      %parallel_loop3A_520 = arith.constant 1 : i32
      %parallel_loop3A_521 = arith.select %parallel_loop3A_519, %parallel_loop3A_520, %parallel_loop3A_517 : i32
      %parallel_loop3A_522 = arith.remsi %parallel_loop3A_344, %parallel_loop3A_521 : i32
      %parallel_loop3A_523 = arith.constant 0 : i32
      %parallel_loop3A_524 = arith.cmpi ne, %parallel_loop3A_522, %parallel_loop3A_523 : i32
      %parallel_loop3A_525 = arith.constant 0 : i32
      %parallel_loop3A_526 = arith.cmpi slt, %parallel_loop3A_522, %parallel_loop3A_525 : i32
      %parallel_loop3A_527 = arith.constant 0 : i32
      %parallel_loop3A_528 = arith.cmpi slt, %parallel_loop3A_521, %parallel_loop3A_527 : i32
      %parallel_loop3A_529 = arith.xori %parallel_loop3A_526, %parallel_loop3A_528 : i1
      %parallel_loop3A_530 = arith.andi %parallel_loop3A_529, %parallel_loop3A_524 : i1
      %parallel_loop3A_531 = arith.addi %parallel_loop3A_522, %parallel_loop3A_521 : i32
      %parallel_loop3A_532 = arith.select %parallel_loop3A_530, %parallel_loop3A_531, %parallel_loop3A_522 : i32
      %parallel_loop3A_533 = arith.constant 0 : i32
      %parallel_loop3A_534 = arith.index_cast %parallel_loop3A_533 : i32 to index
      %parallel_loop3A_535 = arith.index_cast %parallel_loop3A_516 : i32 to index
      %parallel_loop3A_536 = arith.index_cast %parallel_loop3A_532 : i32 to index
      %parallel_loop3A_537 = arith.constant 48 : index
      %parallel_loop3A_538 = tpu.vector_load %arg7[%parallel_loop3A_534, %parallel_loop3A_535, %parallel_loop3A_536, %parallel_loop3A_537] {strides = array<i32>} : memref<4x8x8x128xf32, #tpu.memory_space<vmem>>, vector<16xf32>,
      tpu.vector_store %arg7[%parallel_loop3A_534, %parallel_loop3A_535, %parallel_loop3A_536, %parallel_loop3A_537], %parallel_loop3A_492 {strides = array<i32>} : memref<4x8x8x128xf32, #tpu.memory_space<vmem>>, vector<16xf32>,
      %parallel_loop3A_539 = tpu.memref_slice %arg5[%parallel_loop3A_346] : memref<32768xf32, #tpu.memory_space<vmem>> -> memref<512xf32, #tpu.memory_space<vmem>>
      %parallel_loop3A_540 = tpu.vector_load_idx %parallel_loop3A_539[%get3A_21] : memref<512xf32, #tpu.memory_space<vmem>>[vector<16xi32>], vector<16xf32>,
      %parallel_loop3A_541 = arith.constant 8 : i32
      %parallel_loop3A_542 = arith.divsi %parallel_loop3A_344, %parallel_loop3A_541 : i32
      %parallel_loop3A_543 = arith.constant 0 : i32
      %parallel_loop3A_544 = arith.cmpi sgt, %parallel_loop3A_344, %parallel_loop3A_543 : i32
      %parallel_loop3A_545 = arith.extui %parallel_loop3A_544 : i1 to i32
      %parallel_loop3A_546 = arith.constant 0 : i32
      %parallel_loop3A_547 = arith.cmpi slt, %parallel_loop3A_344, %parallel_loop3A_546 : i32
      %parallel_loop3A_548 = arith.extui %parallel_loop3A_547 : i1 to i32
      %parallel_loop3A_549 = arith.subi %parallel_loop3A_545, %parallel_loop3A_548 : i32
      %parallel_loop3A_550 = arith.constant 0 : i32
      %parallel_loop3A_551 = arith.cmpi sgt, %parallel_loop3A_541, %parallel_loop3A_550 : i32
      %parallel_loop3A_552 = arith.extui %parallel_loop3A_551 : i1 to i32
      %parallel_loop3A_553 = arith.constant 0 : i32
      %parallel_loop3A_554 = arith.cmpi slt, %parallel_loop3A_541, %parallel_loop3A_553 : i32
      %parallel_loop3A_555 = arith.extui %parallel_loop3A_554 : i1 to i32
      %parallel_loop3A_556 = arith.subi %parallel_loop3A_552, %parallel_loop3A_555 : i32
      %parallel_loop3A_557 = arith.cmpi ne, %parallel_loop3A_549, %parallel_loop3A_556 : i32
      %parallel_loop3A_558 = arith.remsi %parallel_loop3A_344, %parallel_loop3A_541 : i32
      %parallel_loop3A_559 = arith.constant 0 : i32
      %parallel_loop3A_560 = arith.cmpi ne, %parallel_loop3A_558, %parallel_loop3A_559 : i32
      %parallel_loop3A_561 = arith.andi %parallel_loop3A_557, %parallel_loop3A_560 : i1
      %parallel_loop3A_562 = arith.constant 1 : i32
      %parallel_loop3A_563 = arith.subi %parallel_loop3A_542, %parallel_loop3A_562 : i32
      %parallel_loop3A_564 = arith.select %parallel_loop3A_561, %parallel_loop3A_563, %parallel_loop3A_542 : i32
      %parallel_loop3A_565 = arith.constant 8 : i32
      %parallel_loop3A_566 = arith.constant 0 : i32
      %parallel_loop3A_567 = arith.cmpi eq, %parallel_loop3A_565, %parallel_loop3A_566 : i32
      %parallel_loop3A_568 = arith.constant 1 : i32
      %parallel_loop3A_569 = arith.select %parallel_loop3A_567, %parallel_loop3A_568, %parallel_loop3A_565 : i32
      %parallel_loop3A_570 = arith.remsi %parallel_loop3A_344, %parallel_loop3A_569 : i32
      %parallel_loop3A_571 = arith.constant 0 : i32
      %parallel_loop3A_572 = arith.cmpi ne, %parallel_loop3A_570, %parallel_loop3A_571 : i32
      %parallel_loop3A_573 = arith.constant 0 : i32
      %parallel_loop3A_574 = arith.cmpi slt, %parallel_loop3A_570, %parallel_loop3A_573 : i32
      %parallel_loop3A_575 = arith.constant 0 : i32
      %parallel_loop3A_576 = arith.cmpi slt, %parallel_loop3A_569, %parallel_loop3A_575 : i32
      %parallel_loop3A_577 = arith.xori %parallel_loop3A_574, %parallel_loop3A_576 : i1
      %parallel_loop3A_578 = arith.andi %parallel_loop3A_577, %parallel_loop3A_572 : i1
      %parallel_loop3A_579 = arith.addi %parallel_loop3A_570, %parallel_loop3A_569 : i32
      %parallel_loop3A_580 = arith.select %parallel_loop3A_578, %parallel_loop3A_579, %parallel_loop3A_570 : i32
      %parallel_loop3A_581 = arith.constant 0 : i32
      %parallel_loop3A_582 = arith.index_cast %parallel_loop3A_581 : i32 to index
      %parallel_loop3A_583 = arith.index_cast %parallel_loop3A_564 : i32 to index
      %parallel_loop3A_584 = arith.index_cast %parallel_loop3A_580 : i32 to index
      %parallel_loop3A_585 = arith.constant 64 : index
      %parallel_loop3A_586 = tpu.vector_load %arg7[%parallel_loop3A_582, %parallel_loop3A_583, %parallel_loop3A_584, %parallel_loop3A_585] {strides = array<i32>} : memref<4x8x8x128xf32, #tpu.memory_space<vmem>>, vector<16xf32>,
      tpu.vector_store %arg7[%parallel_loop3A_582, %parallel_loop3A_583, %parallel_loop3A_584, %parallel_loop3A_585], %parallel_loop3A_540 {strides = array<i32>} : memref<4x8x8x128xf32, #tpu.memory_space<vmem>>, vector<16xf32>,
      %parallel_loop3A_587 = tpu.memref_slice %arg5[%parallel_loop3A_346] : memref<32768xf32, #tpu.memory_space<vmem>> -> memref<512xf32, #tpu.memory_space<vmem>>
      %parallel_loop3A_588 = tpu.vector_load_idx %parallel_loop3A_587[%get3A_25] : memref<512xf32, #tpu.memory_space<vmem>>[vector<16xi32>], vector<16xf32>,
      %parallel_loop3A_589 = arith.constant 8 : i32
      %parallel_loop3A_590 = arith.divsi %parallel_loop3A_344, %parallel_loop3A_589 : i32
      %parallel_loop3A_591 = arith.constant 0 : i32
      %parallel_loop3A_592 = arith.cmpi sgt, %parallel_loop3A_344, %parallel_loop3A_591 : i32
      %parallel_loop3A_593 = arith.extui %parallel_loop3A_592 : i1 to i32
      %parallel_loop3A_594 = arith.constant 0 : i32
      %parallel_loop3A_595 = arith.cmpi slt, %parallel_loop3A_344, %parallel_loop3A_594 : i32
      %parallel_loop3A_596 = arith.extui %parallel_loop3A_595 : i1 to i32
      %parallel_loop3A_597 = arith.subi %parallel_loop3A_593, %parallel_loop3A_596 : i32
      %parallel_loop3A_598 = arith.constant 0 : i32
      %parallel_loop3A_599 = arith.cmpi sgt, %parallel_loop3A_589, %parallel_loop3A_598 : i32
      %parallel_loop3A_600 = arith.extui %parallel_loop3A_599 : i1 to i32
      %parallel_loop3A_601 = arith.constant 0 : i32
      %parallel_loop3A_602 = arith.cmpi slt, %parallel_loop3A_589, %parallel_loop3A_601 : i32
      %parallel_loop3A_603 = arith.extui %parallel_loop3A_602 : i1 to i32
      %parallel_loop3A_604 = arith.subi %parallel_loop3A_600, %parallel_loop3A_603 : i32
      %parallel_loop3A_605 = arith.cmpi ne, %parallel_loop3A_597, %parallel_loop3A_604 : i32
      %parallel_loop3A_606 = arith.remsi %parallel_loop3A_344, %parallel_loop3A_589 : i32
      %parallel_loop3A_607 = arith.constant 0 : i32
      %parallel_loop3A_608 = arith.cmpi ne, %parallel_loop3A_606, %parallel_loop3A_607 : i32
      %parallel_loop3A_609 = arith.andi %parallel_loop3A_605, %parallel_loop3A_608 : i1
      %parallel_loop3A_610 = arith.constant 1 : i32
      %parallel_loop3A_611 = arith.subi %parallel_loop3A_590, %parallel_loop3A_610 : i32
      %parallel_loop3A_612 = arith.select %parallel_loop3A_609, %parallel_loop3A_611, %parallel_loop3A_590 : i32
      %parallel_loop3A_613 = arith.constant 8 : i32
      %parallel_loop3A_614 = arith.constant 0 : i32
      %parallel_loop3A_615 = arith.cmpi eq, %parallel_loop3A_613, %parallel_loop3A_614 : i32
      %parallel_loop3A_616 = arith.constant 1 : i32
      %parallel_loop3A_617 = arith.select %parallel_loop3A_615, %parallel_loop3A_616, %parallel_loop3A_613 : i32
      %parallel_loop3A_618 = arith.remsi %parallel_loop3A_344, %parallel_loop3A_617 : i32
      %parallel_loop3A_619 = arith.constant 0 : i32
      %parallel_loop3A_620 = arith.cmpi ne, %parallel_loop3A_618, %parallel_loop3A_619 : i32
      %parallel_loop3A_621 = arith.constant 0 : i32
      %parallel_loop3A_622 = arith.cmpi slt, %parallel_loop3A_618, %parallel_loop3A_621 : i32
      %parallel_loop3A_623 = arith.constant 0 : i32
      %parallel_loop3A_624 = arith.cmpi slt, %parallel_loop3A_617, %parallel_loop3A_623 : i32
      %parallel_loop3A_625 = arith.xori %parallel_loop3A_622, %parallel_loop3A_624 : i1
      %parallel_loop3A_626 = arith.andi %parallel_loop3A_625, %parallel_loop3A_620 : i1
      %parallel_loop3A_627 = arith.addi %parallel_loop3A_618, %parallel_loop3A_617 : i32
      %parallel_loop3A_628 = arith.select %parallel_loop3A_626, %parallel_loop3A_627, %parallel_loop3A_618 : i32
      %parallel_loop3A_629 = arith.constant 0 : i32
      %parallel_loop3A_630 = arith.index_cast %parallel_loop3A_629 : i32 to index
      %parallel_loop3A_631 = arith.index_cast %parallel_loop3A_612 : i32 to index
      %parallel_loop3A_632 = arith.index_cast %parallel_loop3A_628 : i32 to index
      %parallel_loop3A_633 = arith.constant 80 : index
      %parallel_loop3A_634 = tpu.vector_load %arg7[%parallel_loop3A_630, %parallel_loop3A_631, %parallel_loop3A_632, %parallel_loop3A_633] {strides = array<i32>} : memref<4x8x8x128xf32, #tpu.memory_space<vmem>>, vector<16xf32>,
      tpu.vector_store %arg7[%parallel_loop3A_630, %parallel_loop3A_631, %parallel_loop3A_632, %parallel_loop3A_633], %parallel_loop3A_588 {strides = array<i32>} : memref<4x8x8x128xf32, #tpu.memory_space<vmem>>, vector<16xf32>,
      %parallel_loop3A_635 = tpu.memref_slice %arg5[%parallel_loop3A_346] : memref<32768xf32, #tpu.memory_space<vmem>> -> memref<512xf32, #tpu.memory_space<vmem>>
      %parallel_loop3A_636 = tpu.vector_load_idx %parallel_loop3A_635[%get3A_29] : memref<512xf32, #tpu.memory_space<vmem>>[vector<16xi32>], vector<16xf32>,
      %parallel_loop3A_637 = arith.constant 8 : i32
      %parallel_loop3A_638 = arith.divsi %parallel_loop3A_344, %parallel_loop3A_637 : i32
      %parallel_loop3A_639 = arith.constant 0 : i32
      %parallel_loop3A_640 = arith.cmpi sgt, %parallel_loop3A_344, %parallel_loop3A_639 : i32
      %parallel_loop3A_641 = arith.extui %parallel_loop3A_640 : i1 to i32
      %parallel_loop3A_642 = arith.constant 0 : i32
      %parallel_loop3A_643 = arith.cmpi slt, %parallel_loop3A_344, %parallel_loop3A_642 : i32
      %parallel_loop3A_644 = arith.extui %parallel_loop3A_643 : i1 to i32
      %parallel_loop3A_645 = arith.subi %parallel_loop3A_641, %parallel_loop3A_644 : i32
      %parallel_loop3A_646 = arith.constant 0 : i32
      %parallel_loop3A_647 = arith.cmpi sgt, %parallel_loop3A_637, %parallel_loop3A_646 : i32
      %parallel_loop3A_648 = arith.extui %parallel_loop3A_647 : i1 to i32
      %parallel_loop3A_649 = arith.constant 0 : i32
      %parallel_loop3A_650 = arith.cmpi slt, %parallel_loop3A_637, %parallel_loop3A_649 : i32
      %parallel_loop3A_651 = arith.extui %parallel_loop3A_650 : i1 to i32
      %parallel_loop3A_652 = arith.subi %parallel_loop3A_648, %parallel_loop3A_651 : i32
      %parallel_loop3A_653 = arith.cmpi ne, %parallel_loop3A_645, %parallel_loop3A_652 : i32
      %parallel_loop3A_654 = arith.remsi %parallel_loop3A_344, %parallel_loop3A_637 : i32
      %parallel_loop3A_655 = arith.constant 0 : i32
      %parallel_loop3A_656 = arith.cmpi ne, %parallel_loop3A_654, %parallel_loop3A_655 : i32
      %parallel_loop3A_657 = arith.andi %parallel_loop3A_653, %parallel_loop3A_656 : i1
      %parallel_loop3A_658 = arith.constant 1 : i32
      %parallel_loop3A_659 = arith.subi %parallel_loop3A_638, %parallel_loop3A_658 : i32
      %parallel_loop3A_660 = arith.select %parallel_loop3A_657, %parallel_loop3A_659, %parallel_loop3A_638 : i32
      %parallel_loop3A_661 = arith.constant 8 : i32
      %parallel_loop3A_662 = arith.constant 0 : i32
      %parallel_loop3A_663 = arith.cmpi eq, %parallel_loop3A_661, %parallel_loop3A_662 : i32
      %parallel_loop3A_664 = arith.constant 1 : i32
      %parallel_loop3A_665 = arith.select %parallel_loop3A_663, %parallel_loop3A_664, %parallel_loop3A_661 : i32
      %parallel_loop3A_666 = arith.remsi %parallel_loop3A_344, %parallel_loop3A_665 : i32
      %parallel_loop3A_667 = arith.constant 0 : i32
      %parallel_loop3A_668 = arith.cmpi ne, %parallel_loop3A_666, %parallel_loop3A_667 : i32
      %parallel_loop3A_669 = arith.constant 0 : i32
      %parallel_loop3A_670 = arith.cmpi slt, %parallel_loop3A_666, %parallel_loop3A_669 : i32
      %parallel_loop3A_671 = arith.constant 0 : i32
      %parallel_loop3A_672 = arith.cmpi slt, %parallel_loop3A_665, %parallel_loop3A_671 : i32
      %parallel_loop3A_673 = arith.xori %parallel_loop3A_670, %parallel_loop3A_672 : i1
      %parallel_loop3A_674 = arith.andi %parallel_loop3A_673, %parallel_loop3A_668 : i1
      %parallel_loop3A_675 = arith.addi %parallel_loop3A_666, %parallel_loop3A_665 : i32
      %parallel_loop3A_676 = arith.select %parallel_loop3A_674, %parallel_loop3A_675, %parallel_loop3A_666 : i32
      %parallel_loop3A_677 = arith.constant 0 : i32
      %parallel_loop3A_678 = arith.index_cast %parallel_loop3A_677 : i32 to index
      %parallel_loop3A_679 = arith.index_cast %parallel_loop3A_660 : i32 to index
      %parallel_loop3A_680 = arith.index_cast %parallel_loop3A_676 : i32 to index
      %parallel_loop3A_681 = arith.constant 96 : index
      %parallel_loop3A_682 = tpu.vector_load %arg7[%parallel_loop3A_678, %parallel_loop3A_679, %parallel_loop3A_680, %parallel_loop3A_681] {strides = array<i32>} : memref<4x8x8x128xf32, #tpu.memory_space<vmem>>, vector<16xf32>,
      tpu.vector_store %arg7[%parallel_loop3A_678, %parallel_loop3A_679, %parallel_loop3A_680, %parallel_loop3A_681], %parallel_loop3A_636 {strides = array<i32>} : memref<4x8x8x128xf32, #tpu.memory_space<vmem>>, vector<16xf32>,
      %parallel_loop3A_683 = tpu.memref_slice %arg5[%parallel_loop3A_346] : memref<32768xf32, #tpu.memory_space<vmem>> -> memref<512xf32, #tpu.memory_space<vmem>>
      %parallel_loop3A_684 = tpu.vector_load_idx %parallel_loop3A_683[%get3A_33] : memref<512xf32, #tpu.memory_space<vmem>>[vector<16xi32>], vector<16xf32>,
      %parallel_loop3A_685 = arith.constant 8 : i32
      %parallel_loop3A_686 = arith.divsi %parallel_loop3A_344, %parallel_loop3A_685 : i32
      %parallel_loop3A_687 = arith.constant 0 : i32
      %parallel_loop3A_688 = arith.cmpi sgt, %parallel_loop3A_344, %parallel_loop3A_687 : i32
      %parallel_loop3A_689 = arith.extui %parallel_loop3A_688 : i1 to i32
      %parallel_loop3A_690 = arith.constant 0 : i32
      %parallel_loop3A_691 = arith.cmpi slt, %parallel_loop3A_344, %parallel_loop3A_690 : i32
      %parallel_loop3A_692 = arith.extui %parallel_loop3A_691 : i1 to i32
      %parallel_loop3A_693 = arith.subi %parallel_loop3A_689, %parallel_loop3A_692 : i32
      %parallel_loop3A_694 = arith.constant 0 : i32
      %parallel_loop3A_695 = arith.cmpi sgt, %parallel_loop3A_685, %parallel_loop3A_694 : i32
      %parallel_loop3A_696 = arith.extui %parallel_loop3A_695 : i1 to i32
      %parallel_loop3A_697 = arith.constant 0 : i32
      %parallel_loop3A_698 = arith.cmpi slt, %parallel_loop3A_685, %parallel_loop3A_697 : i32
      %parallel_loop3A_699 = arith.extui %parallel_loop3A_698 : i1 to i32
      %parallel_loop3A_700 = arith.subi %parallel_loop3A_696, %parallel_loop3A_699 : i32
      %parallel_loop3A_701 = arith.cmpi ne, %parallel_loop3A_693, %parallel_loop3A_700 : i32
      %parallel_loop3A_702 = arith.remsi %parallel_loop3A_344, %parallel_loop3A_685 : i32
      %parallel_loop3A_703 = arith.constant 0 : i32
      %parallel_loop3A_704 = arith.cmpi ne, %parallel_loop3A_702, %parallel_loop3A_703 : i32
      %parallel_loop3A_705 = arith.andi %parallel_loop3A_701, %parallel_loop3A_704 : i1
      %parallel_loop3A_706 = arith.constant 1 : i32
      %parallel_loop3A_707 = arith.subi %parallel_loop3A_686, %parallel_loop3A_706 : i32
      %parallel_loop3A_708 = arith.select %parallel_loop3A_705, %parallel_loop3A_707, %parallel_loop3A_686 : i32
      %parallel_loop3A_709 = arith.constant 8 : i32
      %parallel_loop3A_710 = arith.constant 0 : i32
      %parallel_loop3A_711 = arith.cmpi eq, %parallel_loop3A_709, %parallel_loop3A_710 : i32
      %parallel_loop3A_712 = arith.constant 1 : i32
      %parallel_loop3A_713 = arith.select %parallel_loop3A_711, %parallel_loop3A_712, %parallel_loop3A_709 : i32
      %parallel_loop3A_714 = arith.remsi %parallel_loop3A_344, %parallel_loop3A_713 : i32
      %parallel_loop3A_715 = arith.constant 0 : i32
      %parallel_loop3A_716 = arith.cmpi ne, %parallel_loop3A_714, %parallel_loop3A_715 : i32
      %parallel_loop3A_717 = arith.constant 0 : i32
      %parallel_loop3A_718 = arith.cmpi slt, %parallel_loop3A_714, %parallel_loop3A_717 : i32
      %parallel_loop3A_719 = arith.constant 0 : i32
      %parallel_loop3A_720 = arith.cmpi slt, %parallel_loop3A_713, %parallel_loop3A_719 : i32
      %parallel_loop3A_721 = arith.xori %parallel_loop3A_718, %parallel_loop3A_720 : i1
      %parallel_loop3A_722 = arith.andi %parallel_loop3A_721, %parallel_loop3A_716 : i1
      %parallel_loop3A_723 = arith.addi %parallel_loop3A_714, %parallel_loop3A_713 : i32
      %parallel_loop3A_724 = arith.select %parallel_loop3A_722, %parallel_loop3A_723, %parallel_loop3A_714 : i32
      %parallel_loop3A_725 = arith.constant 0 : i32
      %parallel_loop3A_726 = arith.index_cast %parallel_loop3A_725 : i32 to index
      %parallel_loop3A_727 = arith.index_cast %parallel_loop3A_708 : i32 to index
      %parallel_loop3A_728 = arith.index_cast %parallel_loop3A_724 : i32 to index
      %parallel_loop3A_729 = arith.constant 112 : index
      %parallel_loop3A_730 = tpu.vector_load %arg7[%parallel_loop3A_726, %parallel_loop3A_727, %parallel_loop3A_728, %parallel_loop3A_729] {strides = array<i32>} : memref<4x8x8x128xf32, #tpu.memory_space<vmem>>, vector<16xf32>,
      tpu.vector_store %arg7[%parallel_loop3A_726, %parallel_loop3A_727, %parallel_loop3A_728, %parallel_loop3A_729], %parallel_loop3A_684 {strides = array<i32>} : memref<4x8x8x128xf32, #tpu.memory_space<vmem>>, vector<16xf32>,
    } {sc.loop_unroll_factor = 4 : i64, sc.parallel_access}
    %dma_start3A = arith.constant 0 : i32
    %dma_start3A_36 = arith.constant 0 : i32
    %dma_start3A_37 = arith.constant 0 : i32
    %dma_start3A_38 = arith.constant 0 : i32
    %dma_start3A_39 = arith.constant 0 : i32
    %dma_start3A_40 = arith.constant 0 : i32
    %dma_start3A_41 = tpu.memref_slice %arg7[%dma_start3A, %dma_start3A_38, %dma_start3A_39, %dma_start3A_40] : memref<4x8x8x128xf32, #tpu.memory_space<vmem>> -> memref<1x8x8x128xf32, #tpu.memory_space<vmem>>
    %dma_start3A_42 = tpu.memref_squeeze %dma_start3A_41 : memref<1x8x8x128xf32, #tpu.memory_space<vmem>> -> memref<8x8x128xf32, #tpu.memory_space<vmem>>
    %dma_start3A_43 = arith.constant 0 : i32
    %dma_start3A_44 = arith.constant 0 : i32
    %dma_start3A_45 = arith.constant 0 : i32
    %dma_start3A_46 = tpu.memref_slice %arg4[%dma_start3A_36, %dma_start3A_43, %add3A, %dma_start3A_44, %dma_start3A_45] : memref<200x8x32x8x128xf32, #tpu.memory_space<hbm>> -> memref<1x8x1x8x128xf32, #tpu.memory_space<hbm>>
    %dma_start3A_47 = tpu.memref_squeeze %dma_start3A_46 : memref<1x8x1x8x128xf32, #tpu.memory_space<hbm>> -> memref<8x8x128xf32, #tpu.memory_space<hbm>>
    %dma_start3A_48 = tpu.memref_slice %arg8[%dma_start3A_37] : memref<4x!tpu.dma_semaphore, #tpu.memory_space<semaphore_mem>> -> memref<1x!tpu.dma_semaphore, #tpu.memory_space<semaphore_mem>>
    %dma_start3A_49 = tpu.memref_squeeze %dma_start3A_48 : memref<1x!tpu.dma_semaphore, #tpu.memory_space<semaphore_mem>> -> memref<!tpu.dma_semaphore, #tpu.memory_space<semaphore_mem>>
    %dma_start3A_50 = arith.constant 0 : i32
    %dma_start3A_51 = arith.constant 0 : i32
    %dma_start3A_52 = arith.constant 0 : i32
    %dma_start3A_53 = tpu.memref_slice %arg4[%dma_start3A_36, %dma_start3A_50, %add3A, %dma_start3A_51, %dma_start3A_52] : memref<200x8x32x8x128xf32, #tpu.memory_space<hbm>> -> memref<1x8x1x8x128xf32, #tpu.memory_space<hbm>>
    %dma_start3A_54 = tpu.memref_squeeze %dma_start3A_53 : memref<1x8x1x8x128xf32, #tpu.memory_space<hbm>> -> memref<8x8x128xf32, #tpu.memory_space<hbm>>
    %dma_start3A_55 = arith.constant 0 : i32
    %dma_start3A_56 = arith.constant 0 : i32
    %dma_start3A_57 = arith.constant 0 : i32
    %dma_start3A_58 = tpu.memref_slice %arg7[%dma_start3A, %dma_start3A_55, %dma_start3A_56, %dma_start3A_57] : memref<4x8x8x128xf32, #tpu.memory_space<vmem>> -> memref<1x8x8x128xf32, #tpu.memory_space<vmem>>
    %dma_start3A_59 = tpu.memref_squeeze %dma_start3A_58 : memref<1x8x8x128xf32, #tpu.memory_space<vmem>> -> memref<8x8x128xf32, #tpu.memory_space<vmem>>
    tpu.enqueue_dma source(%dma_start3A_59 : memref<8x8x128xf32, #tpu.memory_space<vmem>>) target(%dma_start3A_54 : memref<8x8x128xf32, #tpu.memory_space<hbm>>) target_semaphore(%dma_start3A_49 : memref<!tpu.dma_semaphore, #tpu.memory_space<semaphore_mem>>)
    %get3A_60 = arith.constant 1 : i32
    %get3A_61 = arith.index_cast %get3A_60 : i32 to index
    %get3A_62 = arith.constant 0 : index
    %get3A_63 = tpu.vector_load %arg6[%get3A_61, %get3A_62] {strides = array<i32>} : memref<200x128xi32, #tpu.memory_space<vmem>>, vector<16xi32>,
    %get3A_64 = arith.constant 1 : i32
    %get3A_65 = arith.index_cast %get3A_64 : i32 to index
    %get3A_66 = arith.constant 16 : index
    %get3A_67 = tpu.vector_load %arg6[%get3A_65, %get3A_66] {strides = array<i32>} : memref<200x128xi32, #tpu.memory_space<vmem>>, vector<16xi32>,
    %get3A_68 = arith.constant 1 : i32
    %get3A_69 = arith.index_cast %get3A_68 : i32 to index
    %get3A_70 = arith.constant 32 : index
    %get3A_71 = tpu.vector_load %arg6[%get3A_69, %get3A_70] {strides = array<i32>} : memref<200x128xi32, #tpu.memory_space<vmem>>, vector<16xi32>,
    %get3A_72 = arith.constant 1 : i32
    %get3A_73 = arith.index_cast %get3A_72 : i32 to index
    %get3A_74 = arith.constant 48 : index
    %get3A_75 = tpu.vector_load %arg6[%get3A_73, %get3A_74] {strides = array<i32>} : memref<200x128xi32, #tpu.memory_space<vmem>>, vector<16xi32>,
    %get3A_76 = arith.constant 1 : i32
    %get3A_77 = arith.index_cast %get3A_76 : i32 to index
    %get3A_78 = arith.constant 64 : index
    %get3A_79 = tpu.vector_load %arg6[%get3A_77, %get3A_78] {strides = array<i32>} : memref<200x128xi32, #tpu.memory_space<vmem>>, vector<16xi32>,
    %get3A_80 = arith.constant 1 : i32
    %get3A_81 = arith.index_cast %get3A_80 : i32 to index
    %get3A_82 = arith.constant 80 : index
    %get3A_83 = tpu.vector_load %arg6[%get3A_81, %get3A_82] {strides = array<i32>} : memref<200x128xi32, #tpu.memory_space<vmem>>, vector<16xi32>,
    %get3A_84 = arith.constant 1 : i32
    %get3A_85 = arith.index_cast %get3A_84 : i32 to index
    %get3A_86 = arith.constant 96 : index
    %get3A_87 = tpu.vector_load %arg6[%get3A_85, %get3A_86] {strides = array<i32>} : memref<200x128xi32, #tpu.memory_space<vmem>>, vector<16xi32>,
    %get3A_88 = arith.constant 1 : i32
    %get3A_89 = arith.index_cast %get3A_88 : i32 to index
    %get3A_90 = arith.constant 112 : index
    %get3A_91 = tpu.vector_load %arg6[%get3A_89, %get3A_90] {strides = array<i32>} : memref<200x128xi32, #tpu.memory_space<vmem>>, vector<16xi32>,
    %parallel_loop3A_92 = arith.constant 0 : i32
    %parallel_loop3A_93 = arith.constant 64 : i32
    %parallel_loop3A_94 = arith.constant 1 : i32
    scf.for %parallel_loop3A_344 = %parallel_loop3A_92 to %parallel_loop3A_93 step %parallel_loop3A_94  : i32 {
      %parallel_loop3A_345 = arith.constant 512 : i32
      %parallel_loop3A_346 = arith.muli %parallel_loop3A_344, %parallel_loop3A_345 : i32
      %parallel_loop3A_347 = tpu.memref_slice %arg5[%parallel_loop3A_346] : memref<32768xf32, #tpu.memory_space<vmem>> -> memref<512xf32, #tpu.memory_space<vmem>>
      %parallel_loop3A_348 = tpu.vector_load_idx %parallel_loop3A_347[%get3A_63] : memref<512xf32, #tpu.memory_space<vmem>>[vector<16xi32>], vector<16xf32>,
      %parallel_loop3A_349 = arith.constant 8 : i32
      %parallel_loop3A_350 = arith.divsi %parallel_loop3A_344, %parallel_loop3A_349 : i32
      %parallel_loop3A_351 = arith.constant 0 : i32
      %parallel_loop3A_352 = arith.cmpi sgt, %parallel_loop3A_344, %parallel_loop3A_351 : i32
      %parallel_loop3A_353 = arith.extui %parallel_loop3A_352 : i1 to i32
      %parallel_loop3A_354 = arith.constant 0 : i32
      %parallel_loop3A_355 = arith.cmpi slt, %parallel_loop3A_344, %parallel_loop3A_354 : i32
      %parallel_loop3A_356 = arith.extui %parallel_loop3A_355 : i1 to i32
      %parallel_loop3A_357 = arith.subi %parallel_loop3A_353, %parallel_loop3A_356 : i32
      %parallel_loop3A_358 = arith.constant 0 : i32
      %parallel_loop3A_359 = arith.cmpi sgt, %parallel_loop3A_349, %parallel_loop3A_358 : i32
      %parallel_loop3A_360 = arith.extui %parallel_loop3A_359 : i1 to i32
      %parallel_loop3A_361 = arith.constant 0 : i32
      %parallel_loop3A_362 = arith.cmpi slt, %parallel_loop3A_349, %parallel_loop3A_361 : i32
      %parallel_loop3A_363 = arith.extui %parallel_loop3A_362 : i1 to i32
      %parallel_loop3A_364 = arith.subi %parallel_loop3A_360, %parallel_loop3A_363 : i32
      %parallel_loop3A_365 = arith.cmpi ne, %parallel_loop3A_357, %parallel_loop3A_364 : i32
      %parallel_loop3A_366 = arith.remsi %parallel_loop3A_344, %parallel_loop3A_349 : i32
      %parallel_loop3A_367 = arith.constant 0 : i32
      %parallel_loop3A_368 = arith.cmpi ne, %parallel_loop3A_366, %parallel_loop3A_367 : i32
      %parallel_loop3A_369 = arith.andi %parallel_loop3A_365, %parallel_loop3A_368 : i1
      %parallel_loop3A_370 = arith.constant 1 : i32
      %parallel_loop3A_371 = arith.subi %parallel_loop3A_350, %parallel_loop3A_370 : i32
      %parallel_loop3A_372 = arith.select %parallel_loop3A_369, %parallel_loop3A_371, %parallel_loop3A_350 : i32
      %parallel_loop3A_373 = arith.constant 8 : i32
      %parallel_loop3A_374 = arith.constant 0 : i32
      %parallel_loop3A_375 = arith.cmpi eq, %parallel_loop3A_373, %parallel_loop3A_374 : i32
      %parallel_loop3A_376 = arith.constant 1 : i32
      %parallel_loop3A_377 = arith.select %parallel_loop3A_375, %parallel_loop3A_376, %parallel_loop3A_373 : i32
      %parallel_loop3A_378 = arith.remsi %parallel_loop3A_344, %parallel_loop3A_377 : i32
      %parallel_loop3A_379 = arith.constant 0 : i32
      %parallel_loop3A_380 = arith.cmpi ne, %parallel_loop3A_378, %parallel_loop3A_379 : i32
      %parallel_loop3A_381 = arith.constant 0 : i32
      %parallel_loop3A_382 = arith.cmpi slt, %parallel_loop3A_378, %parallel_loop3A_381 : i32
      %parallel_loop3A_383 = arith.constant 0 : i32
      %parallel_loop3A_384 = arith.cmpi slt, %parallel_loop3A_377, %parallel_loop3A_383 : i32
      %parallel_loop3A_385 = arith.xori %parallel_loop3A_382, %parallel_loop3A_384 : i1
      %parallel_loop3A_386 = arith.andi %parallel_loop3A_385, %parallel_loop3A_380 : i1
      %parallel_loop3A_387 = arith.addi %parallel_loop3A_378, %parallel_loop3A_377 : i32
      %parallel_loop3A_388 = arith.select %parallel_loop3A_386, %parallel_loop3A_387, %parallel_loop3A_378 : i32
      %parallel_loop3A_389 = arith.constant 1 : i32
      %parallel_loop3A_390 = arith.index_cast %parallel_loop3A_389 : i32 to index
      %parallel_loop3A_391 = arith.index_cast %parallel_loop3A_372 : i32 to index
      %parallel_loop3A_392 = arith.index_cast %parallel_loop3A_388 : i32 to index
      %parallel_loop3A_393 = arith.constant 0 : index
      %parallel_loop3A_394 = tpu.vector_load %arg7[%parallel_loop3A_390, %parallel_loop3A_391, %parallel_loop3A_392, %parallel_loop3A_393] {strides = array<i32>} : memref<4x8x8x128xf32, #tpu.memory_space<vmem>>, vector<16xf32>,
      tpu.vector_store %arg7[%parallel_loop3A_390, %parallel_loop3A_391, %parallel_loop3A_392, %parallel_loop3A_393], %parallel_loop3A_348 {strides = array<i32>} : memref<4x8x8x128xf32, #tpu.memory_space<vmem>>, vector<16xf32>,
      %parallel_loop3A_395 = tpu.memref_slice %arg5[%parallel_loop3A_346] : memref<32768xf32, #tpu.memory_space<vmem>> -> memref<512xf32, #tpu.memory_space<vmem>>
      %parallel_loop3A_396 = tpu.vector_load_idx %parallel_loop3A_395[%get3A_67] : memref<512xf32, #tpu.memory_space<vmem>>[vector<16xi32>], vector<16xf32>,
      %parallel_loop3A_397 = arith.constant 8 : i32
      %parallel_loop3A_398 = arith.divsi %parallel_loop3A_344, %parallel_loop3A_397 : i32
      %parallel_loop3A_399 = arith.constant 0 : i32
      %parallel_loop3A_400 = arith.cmpi sgt, %parallel_loop3A_344, %parallel_loop3A_399 : i32
      %parallel_loop3A_401 = arith.extui %parallel_loop3A_400 : i1 to i32
      %parallel_loop3A_402 = arith.constant 0 : i32
      %parallel_loop3A_403 = arith.cmpi slt, %parallel_loop3A_344, %parallel_loop3A_402 : i32
      %parallel_loop3A_404 = arith.extui %parallel_loop3A_403 : i1 to i32
      %parallel_loop3A_405 = arith.subi %parallel_loop3A_401, %parallel_loop3A_404 : i32
      %parallel_loop3A_406 = arith.constant 0 : i32
      %parallel_loop3A_407 = arith.cmpi sgt, %parallel_loop3A_397, %parallel_loop3A_406 : i32
      %parallel_loop3A_408 = arith.extui %parallel_loop3A_407 : i1 to i32
      %parallel_loop3A_409 = arith.constant 0 : i32
      %parallel_loop3A_410 = arith.cmpi slt, %parallel_loop3A_397, %parallel_loop3A_409 : i32
      %parallel_loop3A_411 = arith.extui %parallel_loop3A_410 : i1 to i32
      %parallel_loop3A_412 = arith.subi %parallel_loop3A_408, %parallel_loop3A_411 : i32
      %parallel_loop3A_413 = arith.cmpi ne, %parallel_loop3A_405, %parallel_loop3A_412 : i32
      %parallel_loop3A_414 = arith.remsi %parallel_loop3A_344, %parallel_loop3A_397 : i32
      %parallel_loop3A_415 = arith.constant 0 : i32
      %parallel_loop3A_416 = arith.cmpi ne, %parallel_loop3A_414, %parallel_loop3A_415 : i32
      %parallel_loop3A_417 = arith.andi %parallel_loop3A_413, %parallel_loop3A_416 : i1
      %parallel_loop3A_418 = arith.constant 1 : i32
      %parallel_loop3A_419 = arith.subi %parallel_loop3A_398, %parallel_loop3A_418 : i32
      %parallel_loop3A_420 = arith.select %parallel_loop3A_417, %parallel_loop3A_419, %parallel_loop3A_398 : i32
      %parallel_loop3A_421 = arith.constant 8 : i32
      %parallel_loop3A_422 = arith.constant 0 : i32
      %parallel_loop3A_423 = arith.cmpi eq, %parallel_loop3A_421, %parallel_loop3A_422 : i32
      %parallel_loop3A_424 = arith.constant 1 : i32
      %parallel_loop3A_425 = arith.select %parallel_loop3A_423, %parallel_loop3A_424, %parallel_loop3A_421 : i32
      %parallel_loop3A_426 = arith.remsi %parallel_loop3A_344, %parallel_loop3A_425 : i32
      %parallel_loop3A_427 = arith.constant 0 : i32
      %parallel_loop3A_428 = arith.cmpi ne, %parallel_loop3A_426, %parallel_loop3A_427 : i32
      %parallel_loop3A_429 = arith.constant 0 : i32
      %parallel_loop3A_430 = arith.cmpi slt, %parallel_loop3A_426, %parallel_loop3A_429 : i32
      %parallel_loop3A_431 = arith.constant 0 : i32
      %parallel_loop3A_432 = arith.cmpi slt, %parallel_loop3A_425, %parallel_loop3A_431 : i32
      %parallel_loop3A_433 = arith.xori %parallel_loop3A_430, %parallel_loop3A_432 : i1
      %parallel_loop3A_434 = arith.andi %parallel_loop3A_433, %parallel_loop3A_428 : i1
      %parallel_loop3A_435 = arith.addi %parallel_loop3A_426, %parallel_loop3A_425 : i32
      %parallel_loop3A_436 = arith.select %parallel_loop3A_434, %parallel_loop3A_435, %parallel_loop3A_426 : i32
      %parallel_loop3A_437 = arith.constant 1 : i32
      %parallel_loop3A_438 = arith.index_cast %parallel_loop3A_437 : i32 to index
      %parallel_loop3A_439 = arith.index_cast %parallel_loop3A_420 : i32 to index
      %parallel_loop3A_440 = arith.index_cast %parallel_loop3A_436 : i32 to index
      %parallel_loop3A_441 = arith.constant 16 : index
      %parallel_loop3A_442 = tpu.vector_load %arg7[%parallel_loop3A_438, %parallel_loop3A_439, %parallel_loop3A_440, %parallel_loop3A_441] {strides = array<i32>} : memref<4x8x8x128xf32, #tpu.memory_space<vmem>>, vector<16xf32>,
      tpu.vector_store %arg7[%parallel_loop3A_438, %parallel_loop3A_439, %parallel_loop3A_440, %parallel_loop3A_441], %parallel_loop3A_396 {strides = array<i32>} : memref<4x8x8x128xf32, #tpu.memory_space<vmem>>, vector<16xf32>,
      %parallel_loop3A_443 = tpu.memref_slice %arg5[%parallel_loop3A_346] : memref<32768xf32, #tpu.memory_space<vmem>> -> memref<512xf32, #tpu.memory_space<vmem>>
      %parallel_loop3A_444 = tpu.vector_load_idx %parallel_loop3A_443[%get3A_71] : memref<512xf32, #tpu.memory_space<vmem>>[vector<16xi32>], vector<16xf32>,
      %parallel_loop3A_445 = arith.constant 8 : i32
      %parallel_loop3A_446 = arith.divsi %parallel_loop3A_344, %parallel_loop3A_445 : i32
      %parallel_loop3A_447 = arith.constant 0 : i32
      %parallel_loop3A_448 = arith.cmpi sgt, %parallel_loop3A_344, %parallel_loop3A_447 : i32
      %parallel_loop3A_449 = arith.extui %parallel_loop3A_448 : i1 to i32
      %parallel_loop3A_450 = arith.constant 0 : i32
      %parallel_loop3A_451 = arith.cmpi slt, %parallel_loop3A_344, %parallel_loop3A_450 : i32
      %parallel_loop3A_452 = arith.extui %parallel_loop3A_451 : i1 to i32
      %parallel_loop3A_453 = arith.subi %parallel_loop3A_449, %parallel_loop3A_452 : i32
      %parallel_loop3A_454 = arith.constant 0 : i32
      %parallel_loop3A_455 = arith.cmpi sgt, %parallel_loop3A_445, %parallel_loop3A_454 : i32
      %parallel_loop3A_456 = arith.extui %parallel_loop3A_455 : i1 to i32
      %parallel_loop3A_457 = arith.constant 0 : i32
      %parallel_loop3A_458 = arith.cmpi slt, %parallel_loop3A_445, %parallel_loop3A_457 : i32
      %parallel_loop3A_459 = arith.extui %parallel_loop3A_458 : i1 to i32
      %parallel_loop3A_460 = arith.subi %parallel_loop3A_456, %parallel_loop3A_459 : i32
      %parallel_loop3A_461 = arith.cmpi ne, %parallel_loop3A_453, %parallel_loop3A_460 : i32
      %parallel_loop3A_462 = arith.remsi %parallel_loop3A_344, %parallel_loop3A_445 : i32
      %parallel_loop3A_463 = arith.constant 0 : i32
      %parallel_loop3A_464 = arith.cmpi ne, %parallel_loop3A_462, %parallel_loop3A_463 : i32
      %parallel_loop3A_465 = arith.andi %parallel_loop3A_461, %parallel_loop3A_464 : i1
      %parallel_loop3A_466 = arith.constant 1 : i32
      %parallel_loop3A_467 = arith.subi %parallel_loop3A_446, %parallel_loop3A_466 : i32
      %parallel_loop3A_468 = arith.select %parallel_loop3A_465, %parallel_loop3A_467, %parallel_loop3A_446 : i32
      %parallel_loop3A_469 = arith.constant 8 : i32
      %parallel_loop3A_470 = arith.constant 0 : i32
      %parallel_loop3A_471 = arith.cmpi eq, %parallel_loop3A_469, %parallel_loop3A_470 : i32
      %parallel_loop3A_472 = arith.constant 1 : i32
      %parallel_loop3A_473 = arith.select %parallel_loop3A_471, %parallel_loop3A_472, %parallel_loop3A_469 : i32
      %parallel_loop3A_474 = arith.remsi %parallel_loop3A_344, %parallel_loop3A_473 : i32
      %parallel_loop3A_475 = arith.constant 0 : i32
      %parallel_loop3A_476 = arith.cmpi ne, %parallel_loop3A_474, %parallel_loop3A_475 : i32
      %parallel_loop3A_477 = arith.constant 0 : i32
      %parallel_loop3A_478 = arith.cmpi slt, %parallel_loop3A_474, %parallel_loop3A_477 : i32
      %parallel_loop3A_479 = arith.constant 0 : i32
      %parallel_loop3A_480 = arith.cmpi slt, %parallel_loop3A_473, %parallel_loop3A_479 : i32
      %parallel_loop3A_481 = arith.xori %parallel_loop3A_478, %parallel_loop3A_480 : i1
      %parallel_loop3A_482 = arith.andi %parallel_loop3A_481, %parallel_loop3A_476 : i1
      %parallel_loop3A_483 = arith.addi %parallel_loop3A_474, %parallel_loop3A_473 : i32
      %parallel_loop3A_484 = arith.select %parallel_loop3A_482, %parallel_loop3A_483, %parallel_loop3A_474 : i32
      %parallel_loop3A_485 = arith.constant 1 : i32
      %parallel_loop3A_486 = arith.index_cast %parallel_loop3A_485 : i32 to index
      %parallel_loop3A_487 = arith.index_cast %parallel_loop3A_468 : i32 to index
      %parallel_loop3A_488 = arith.index_cast %parallel_loop3A_484 : i32 to index
      %parallel_loop3A_489 = arith.constant 32 : index
      %parallel_loop3A_490 = tpu.vector_load %arg7[%parallel_loop3A_486, %parallel_loop3A_487, %parallel_loop3A_488, %parallel_loop3A_489] {strides = array<i32>} : memref<4x8x8x128xf32, #tpu.memory_space<vmem>>, vector<16xf32>,
      tpu.vector_store %arg7[%parallel_loop3A_486, %parallel_loop3A_487, %parallel_loop3A_488, %parallel_loop3A_489], %parallel_loop3A_444 {strides = array<i32>} : memref<4x8x8x128xf32, #tpu.memory_space<vmem>>, vector<16xf32>,
      %parallel_loop3A_491 = tpu.memref_slice %arg5[%parallel_loop3A_346] : memref<32768xf32, #tpu.memory_space<vmem>> -> memref<512xf32, #tpu.memory_space<vmem>>
      %parallel_loop3A_492 = tpu.vector_load_idx %parallel_loop3A_491[%get3A_75] : memref<512xf32, #tpu.memory_space<vmem>>[vector<16xi32>], vector<16xf32>,
      %parallel_loop3A_493 = arith.constant 8 : i32
      %parallel_loop3A_494 = arith.divsi %parallel_loop3A_344, %parallel_loop3A_493 : i32
      %parallel_loop3A_495 = arith.constant 0 : i32
      %parallel_loop3A_496 = arith.cmpi sgt, %parallel_loop3A_344, %parallel_loop3A_495 : i32
      %parallel_loop3A_497 = arith.extui %parallel_loop3A_496 : i1 to i32
      %parallel_loop3A_498 = arith.constant 0 : i32
      %parallel_loop3A_499 = arith.cmpi slt, %parallel_loop3A_344, %parallel_loop3A_498 : i32
      %parallel_loop3A_500 = arith.extui %parallel_loop3A_499 : i1 to i32
      %parallel_loop3A_501 = arith.subi %parallel_loop3A_497, %parallel_loop3A_500 : i32
      %parallel_loop3A_502 = arith.constant 0 : i32
      %parallel_loop3A_503 = arith.cmpi sgt, %parallel_loop3A_493, %parallel_loop3A_502 : i32
      %parallel_loop3A_504 = arith.extui %parallel_loop3A_503 : i1 to i32
      %parallel_loop3A_505 = arith.constant 0 : i32
      %parallel_loop3A_506 = arith.cmpi slt, %parallel_loop3A_493, %parallel_loop3A_505 : i32
      %parallel_loop3A_507 = arith.extui %parallel_loop3A_506 : i1 to i32
      %parallel_loop3A_508 = arith.subi %parallel_loop3A_504, %parallel_loop3A_507 : i32
      %parallel_loop3A_509 = arith.cmpi ne, %parallel_loop3A_501, %parallel_loop3A_508 : i32
      %parallel_loop3A_510 = arith.remsi %parallel_loop3A_344, %parallel_loop3A_493 : i32
      %parallel_loop3A_511 = arith.constant 0 : i32
      %parallel_loop3A_512 = arith.cmpi ne, %parallel_loop3A_510, %parallel_loop3A_511 : i32
      %parallel_loop3A_513 = arith.andi %parallel_loop3A_509, %parallel_loop3A_512 : i1
      %parallel_loop3A_514 = arith.constant 1 : i32
      %parallel_loop3A_515 = arith.subi %parallel_loop3A_494, %parallel_loop3A_514 : i32
      %parallel_loop3A_516 = arith.select %parallel_loop3A_513, %parallel_loop3A_515, %parallel_loop3A_494 : i32
      %parallel_loop3A_517 = arith.constant 8 : i32
      %parallel_loop3A_518 = arith.constant 0 : i32
      %parallel_loop3A_519 = arith.cmpi eq, %parallel_loop3A_517, %parallel_loop3A_518 : i32
      %parallel_loop3A_520 = arith.constant 1 : i32
      %parallel_loop3A_521 = arith.select %parallel_loop3A_519, %parallel_loop3A_520, %parallel_loop3A_517 : i32
      %parallel_loop3A_522 = arith.remsi %parallel_loop3A_344, %parallel_loop3A_521 : i32
      %parallel_loop3A_523 = arith.constant 0 : i32
      %parallel_loop3A_524 = arith.cmpi ne, %parallel_loop3A_522, %parallel_loop3A_523 : i32
      %parallel_loop3A_525 = arith.constant 0 : i32
      %parallel_loop3A_526 = arith.cmpi slt, %parallel_loop3A_522, %parallel_loop3A_525 : i32
      %parallel_loop3A_527 = arith.constant 0 : i32
      %parallel_loop3A_528 = arith.cmpi slt, %parallel_loop3A_521, %parallel_loop3A_527 : i32
      %parallel_loop3A_529 = arith.xori %parallel_loop3A_526, %parallel_loop3A_528 : i1
      %parallel_loop3A_530 = arith.andi %parallel_loop3A_529, %parallel_loop3A_524 : i1
      %parallel_loop3A_531 = arith.addi %parallel_loop3A_522, %parallel_loop3A_521 : i32
      %parallel_loop3A_532 = arith.select %parallel_loop3A_530, %parallel_loop3A_531, %parallel_loop3A_522 : i32
      %parallel_loop3A_533 = arith.constant 1 : i32
      %parallel_loop3A_534 = arith.index_cast %parallel_loop3A_533 : i32 to index
      %parallel_loop3A_535 = arith.index_cast %parallel_loop3A_516 : i32 to index
      %parallel_loop3A_536 = arith.index_cast %parallel_loop3A_532 : i32 to index
      %parallel_loop3A_537 = arith.constant 48 : index
      %parallel_loop3A_538 = tpu.vector_load %arg7[%parallel_loop3A_534, %parallel_loop3A_535, %parallel_loop3A_536, %parallel_loop3A_537] {strides = array<i32>} : memref<4x8x8x128xf32, #tpu.memory_space<vmem>>, vector<16xf32>,
      tpu.vector_store %arg7[%parallel_loop3A_534, %parallel_loop3A_535, %parallel_loop3A_536, %parallel_loop3A_537], %parallel_loop3A_492 {strides = array<i32>} : memref<4x8x8x128xf32, #tpu.memory_space<vmem>>, vector<16xf32>,
      %parallel_loop3A_539 = tpu.memref_slice %arg5[%parallel_loop3A_346] : memref<32768xf32, #tpu.memory_space<vmem>> -> memref<512xf32, #tpu.memory_space<vmem>>
      %parallel_loop3A_540 = tpu.vector_load_idx %parallel_loop3A_539[%get3A_79] : memref<512xf32, #tpu.memory_space<vmem>>[vector<16xi32>], vector<16xf32>,
      %parallel_loop3A_541 = arith.constant 8 : i32
      %parallel_loop3A_542 = arith.divsi %parallel_loop3A_344, %parallel_loop3A_541 : i32
      %parallel_loop3A_543 = arith.constant 0 : i32
      %parallel_loop3A_544 = arith.cmpi sgt, %parallel_loop3A_344, %parallel_loop3A_543 : i32
      %parallel_loop3A_545 = arith.extui %parallel_loop3A_544 : i1 to i32
      %parallel_loop3A_546 = arith.constant 0 : i32
      %parallel_loop3A_547 = arith.cmpi slt, %parallel_loop3A_344, %parallel_loop3A_546 : i32
      %parallel_loop3A_548 = arith.extui %parallel_loop3A_547 : i1 to i32
      %parallel_loop3A_549 = arith.subi %parallel_loop3A_545, %parallel_loop3A_548 : i32
      %parallel_loop3A_550 = arith.constant 0 : i32
      %parallel_loop3A_551 = arith.cmpi sgt, %parallel_loop3A_541, %parallel_loop3A_550 : i32
      %parallel_loop3A_552 = arith.extui %parallel_loop3A_551 : i1 to i32
      %parallel_loop3A_553 = arith.constant 0 : i32
      %parallel_loop3A_554 = arith.cmpi slt, %parallel_loop3A_541, %parallel_loop3A_553 : i32
      %parallel_loop3A_555 = arith.extui %parallel_loop3A_554 : i1 to i32
      %parallel_loop3A_556 = arith.subi %parallel_loop3A_552, %parallel_loop3A_555 : i32
      %parallel_loop3A_557 = arith.cmpi ne, %parallel_loop3A_549, %parallel_loop3A_556 : i32
      %parallel_loop3A_558 = arith.remsi %parallel_loop3A_344, %parallel_loop3A_541 : i32
      %parallel_loop3A_559 = arith.constant 0 : i32
      %parallel_loop3A_560 = arith.cmpi ne, %parallel_loop3A_558, %parallel_loop3A_559 : i32
      %parallel_loop3A_561 = arith.andi %parallel_loop3A_557, %parallel_loop3A_560 : i1
      %parallel_loop3A_562 = arith.constant 1 : i32
      %parallel_loop3A_563 = arith.subi %parallel_loop3A_542, %parallel_loop3A_562 : i32
      %parallel_loop3A_564 = arith.select %parallel_loop3A_561, %parallel_loop3A_563, %parallel_loop3A_542 : i32
      %parallel_loop3A_565 = arith.constant 8 : i32
      %parallel_loop3A_566 = arith.constant 0 : i32
      %parallel_loop3A_567 = arith.cmpi eq, %parallel_loop3A_565, %parallel_loop3A_566 : i32
      %parallel_loop3A_568 = arith.constant 1 : i32
      %parallel_loop3A_569 = arith.select %parallel_loop3A_567, %parallel_loop3A_568, %parallel_loop3A_565 : i32
      %parallel_loop3A_570 = arith.remsi %parallel_loop3A_344, %parallel_loop3A_569 : i32
      %parallel_loop3A_571 = arith.constant 0 : i32
      %parallel_loop3A_572 = arith.cmpi ne, %parallel_loop3A_570, %parallel_loop3A_571 : i32
      %parallel_loop3A_573 = arith.constant 0 : i32
      %parallel_loop3A_574 = arith.cmpi slt, %parallel_loop3A_570, %parallel_loop3A_573 : i32
      %parallel_loop3A_575 = arith.constant 0 : i32
      %parallel_loop3A_576 = arith.cmpi slt, %parallel_loop3A_569, %parallel_loop3A_575 : i32
      %parallel_loop3A_577 = arith.xori %parallel_loop3A_574, %parallel_loop3A_576 : i1
      %parallel_loop3A_578 = arith.andi %parallel_loop3A_577, %parallel_loop3A_572 : i1
      %parallel_loop3A_579 = arith.addi %parallel_loop3A_570, %parallel_loop3A_569 : i32
      %parallel_loop3A_580 = arith.select %parallel_loop3A_578, %parallel_loop3A_579, %parallel_loop3A_570 : i32
      %parallel_loop3A_581 = arith.constant 1 : i32
      %parallel_loop3A_582 = arith.index_cast %parallel_loop3A_581 : i32 to index
      %parallel_loop3A_583 = arith.index_cast %parallel_loop3A_564 : i32 to index
      %parallel_loop3A_584 = arith.index_cast %parallel_loop3A_580 : i32 to index
      %parallel_loop3A_585 = arith.constant 64 : index
      %parallel_loop3A_586 = tpu.vector_load %arg7[%parallel_loop3A_582, %parallel_loop3A_583, %parallel_loop3A_584, %parallel_loop3A_585] {strides = array<i32>} : memref<4x8x8x128xf32, #tpu.memory_space<vmem>>, vector<16xf32>,
      tpu.vector_store %arg7[%parallel_loop3A_582, %parallel_loop3A_583, %parallel_loop3A_584, %parallel_loop3A_585], %parallel_loop3A_540 {strides = array<i32>} : memref<4x8x8x128xf32, #tpu.memory_space<vmem>>, vector<16xf32>,
      %parallel_loop3A_587 = tpu.memref_slice %arg5[%parallel_loop3A_346] : memref<32768xf32, #tpu.memory_space<vmem>> -> memref<512xf32, #tpu.memory_space<vmem>>
      %parallel_loop3A_588 = tpu.vector_load_idx %parallel_loop3A_587[%get3A_83] : memref<512xf32, #tpu.memory_space<vmem>>[vector<16xi32>], vector<16xf32>,
      %parallel_loop3A_589 = arith.constant 8 : i32
      %parallel_loop3A_590 = arith.divsi %parallel_loop3A_344, %parallel_loop3A_589 : i32
      %parallel_loop3A_591 = arith.constant 0 : i32
      %parallel_loop3A_592 = arith.cmpi sgt, %parallel_loop3A_344, %parallel_loop3A_591 : i32
      %parallel_loop3A_593 = arith.extui %parallel_loop3A_592 : i1 to i32
      %parallel_loop3A_594 = arith.constant 0 : i32
      %parallel_loop3A_595 = arith.cmpi slt, %parallel_loop3A_344, %parallel_loop3A_594 : i32
      %parallel_loop3A_596 = arith.extui %parallel_loop3A_595 : i1 to i32
      %parallel_loop3A_597 = arith.subi %parallel_loop3A_593, %parallel_loop3A_596 : i32
      %parallel_loop3A_598 = arith.constant 0 : i32
      %parallel_loop3A_599 = arith.cmpi sgt, %parallel_loop3A_589, %parallel_loop3A_598 : i32
      %parallel_loop3A_600 = arith.extui %parallel_loop3A_599 : i1 to i32
      %parallel_loop3A_601 = arith.constant 0 : i32
      %parallel_loop3A_602 = arith.cmpi slt, %parallel_loop3A_589, %parallel_loop3A_601 : i32
      %parallel_loop3A_603 = arith.extui %parallel_loop3A_602 : i1 to i32
      %parallel_loop3A_604 = arith.subi %parallel_loop3A_600, %parallel_loop3A_603 : i32
      %parallel_loop3A_605 = arith.cmpi ne, %parallel_loop3A_597, %parallel_loop3A_604 : i32
      %parallel_loop3A_606 = arith.remsi %parallel_loop3A_344, %parallel_loop3A_589 : i32
      %parallel_loop3A_607 = arith.constant 0 : i32
      %parallel_loop3A_608 = arith.cmpi ne, %parallel_loop3A_606, %parallel_loop3A_607 : i32
      %parallel_loop3A_609 = arith.andi %parallel_loop3A_605, %parallel_loop3A_608 : i1
      %parallel_loop3A_610 = arith.constant 1 : i32
      %parallel_loop3A_611 = arith.subi %parallel_loop3A_590, %parallel_loop3A_610 : i32
      %parallel_loop3A_612 = arith.select %parallel_loop3A_609, %parallel_loop3A_611, %parallel_loop3A_590 : i32
      %parallel_loop3A_613 = arith.constant 8 : i32
      %parallel_loop3A_614 = arith.constant 0 : i32
      %parallel_loop3A_615 = arith.cmpi eq, %parallel_loop3A_613, %parallel_loop3A_614 : i32
      %parallel_loop3A_616 = arith.constant 1 : i32
      %parallel_loop3A_617 = arith.select %parallel_loop3A_615, %parallel_loop3A_616, %parallel_loop3A_613 : i32
      %parallel_loop3A_618 = arith.remsi %parallel_loop3A_344, %parallel_loop3A_617 : i32
      %parallel_loop3A_619 = arith.constant 0 : i32
      %parallel_loop3A_620 = arith.cmpi ne, %parallel_loop3A_618, %parallel_loop3A_619 : i32
      %parallel_loop3A_621 = arith.constant 0 : i32
      %parallel_loop3A_622 = arith.cmpi slt, %parallel_loop3A_618, %parallel_loop3A_621 : i32
      %parallel_loop3A_623 = arith.constant 0 : i32
      %parallel_loop3A_624 = arith.cmpi slt, %parallel_loop3A_617, %parallel_loop3A_623 : i32
      %parallel_loop3A_625 = arith.xori %parallel_loop3A_622, %parallel_loop3A_624 : i1
      %parallel_loop3A_626 = arith.andi %parallel_loop3A_625, %parallel_loop3A_620 : i1
      %parallel_loop3A_627 = arith.addi %parallel_loop3A_618, %parallel_loop3A_617 : i32
      %parallel_loop3A_628 = arith.select %parallel_loop3A_626, %parallel_loop3A_627, %parallel_loop3A_618 : i32
      %parallel_loop3A_629 = arith.constant 1 : i32
      %parallel_loop3A_630 = arith.index_cast %parallel_loop3A_629 : i32 to index
      %parallel_loop3A_631 = arith.index_cast %parallel_loop3A_612 : i32 to index
      %parallel_loop3A_632 = arith.index_cast %parallel_loop3A_628 : i32 to index
      %parallel_loop3A_633 = arith.constant 80 : index
      %parallel_loop3A_634 = tpu.vector_load %arg7[%parallel_loop3A_630, %parallel_loop3A_631, %parallel_loop3A_632, %parallel_loop3A_633] {strides = array<i32>} : memref<4x8x8x128xf32, #tpu.memory_space<vmem>>, vector<16xf32>,
      tpu.vector_store %arg7[%parallel_loop3A_630, %parallel_loop3A_631, %parallel_loop3A_632, %parallel_loop3A_633], %parallel_loop3A_588 {strides = array<i32>} : memref<4x8x8x128xf32, #tpu.memory_space<vmem>>, vector<16xf32>,
      %parallel_loop3A_635 = tpu.memref_slice %arg5[%parallel_loop3A_346] : memref<32768xf32, #tpu.memory_space<vmem>> -> memref<512xf32, #tpu.memory_space<vmem>>
      %parallel_loop3A_636 = tpu.vector_load_idx %parallel_loop3A_635[%get3A_87] : memref<512xf32, #tpu.memory_space<vmem>>[vector<16xi32>], vector<16xf32>,
      %parallel_loop3A_637 = arith.constant 8 : i32
      %parallel_loop3A_638 = arith.divsi %parallel_loop3A_344, %parallel_loop3A_637 : i32
      %parallel_loop3A_639 = arith.constant 0 : i32
      %parallel_loop3A_640 = arith.cmpi sgt, %parallel_loop3A_344, %parallel_loop3A_639 : i32
      %parallel_loop3A_641 = arith.extui %parallel_loop3A_640 : i1 to i32
      %parallel_loop3A_642 = arith.constant 0 : i32
      %parallel_loop3A_643 = arith.cmpi slt, %parallel_loop3A_344, %parallel_loop3A_642 : i32
      %parallel_loop3A_644 = arith.extui %parallel_loop3A_643 : i1 to i32
      %parallel_loop3A_645 = arith.subi %parallel_loop3A_641, %parallel_loop3A_644 : i32
      %parallel_loop3A_646 = arith.constant 0 : i32
      %parallel_loop3A_647 = arith.cmpi sgt, %parallel_loop3A_637, %parallel_loop3A_646 : i32
      %parallel_loop3A_648 = arith.extui %parallel_loop3A_647 : i1 to i32
      %parallel_loop3A_649 = arith.constant 0 : i32
      %parallel_loop3A_650 = arith.cmpi slt, %parallel_loop3A_637, %parallel_loop3A_649 : i32
      %parallel_loop3A_651 = arith.extui %parallel_loop3A_650 : i1 to i32
      %parallel_loop3A_652 = arith.subi %parallel_loop3A_648, %parallel_loop3A_651 : i32
      %parallel_loop3A_653 = arith.cmpi ne, %parallel_loop3A_645, %parallel_loop3A_652 : i32
      %parallel_loop3A_654 = arith.remsi %parallel_loop3A_344, %parallel_loop3A_637 : i32
      %parallel_loop3A_655 = arith.constant 0 : i32
      %parallel_loop3A_656 = arith.cmpi ne, %parallel_loop3A_654, %parallel_loop3A_655 : i32
      %parallel_loop3A_657 = arith.andi %parallel_loop3A_653, %parallel_loop3A_656 : i1
      %parallel_loop3A_658 = arith.constant 1 : i32
      %parallel_loop3A_659 = arith.subi %parallel_loop3A_638, %parallel_loop3A_658 : i32
      %parallel_loop3A_660 = arith.select %parallel_loop3A_657, %parallel_loop3A_659, %parallel_loop3A_638 : i32
      %parallel_loop3A_661 = arith.constant 8 : i32
      %parallel_loop3A_662 = arith.constant 0 : i32
      %parallel_loop3A_663 = arith.cmpi eq, %parallel_loop3A_661, %parallel_loop3A_662 : i32
      %parallel_loop3A_664 = arith.constant 1 : i32
      %parallel_loop3A_665 = arith.select %parallel_loop3A_663, %parallel_loop3A_664, %parallel_loop3A_661 : i32
      %parallel_loop3A_666 = arith.remsi %parallel_loop3A_344, %parallel_loop3A_665 : i32
      %parallel_loop3A_667 = arith.constant 0 : i32
      %parallel_loop3A_668 = arith.cmpi ne, %parallel_loop3A_666, %parallel_loop3A_667 : i32
      %parallel_loop3A_669 = arith.constant 0 : i32
      %parallel_loop3A_670 = arith.cmpi slt, %parallel_loop3A_666, %parallel_loop3A_669 : i32
      %parallel_loop3A_671 = arith.constant 0 : i32
      %parallel_loop3A_672 = arith.cmpi slt, %parallel_loop3A_665, %parallel_loop3A_671 : i32
      %parallel_loop3A_673 = arith.xori %parallel_loop3A_670, %parallel_loop3A_672 : i1
      %parallel_loop3A_674 = arith.andi %parallel_loop3A_673, %parallel_loop3A_668 : i1
      %parallel_loop3A_675 = arith.addi %parallel_loop3A_666, %parallel_loop3A_665 : i32
      %parallel_loop3A_676 = arith.select %parallel_loop3A_674, %parallel_loop3A_675, %parallel_loop3A_666 : i32
      %parallel_loop3A_677 = arith.constant 1 : i32
      %parallel_loop3A_678 = arith.index_cast %parallel_loop3A_677 : i32 to index
      %parallel_loop3A_679 = arith.index_cast %parallel_loop3A_660 : i32 to index
      %parallel_loop3A_680 = arith.index_cast %parallel_loop3A_676 : i32 to index
      %parallel_loop3A_681 = arith.constant 96 : index
      %parallel_loop3A_682 = tpu.vector_load %arg7[%parallel_loop3A_678, %parallel_loop3A_679, %parallel_loop3A_680, %parallel_loop3A_681] {strides = array<i32>} : memref<4x8x8x128xf32, #tpu.memory_space<vmem>>, vector<16xf32>,
      tpu.vector_store %arg7[%parallel_loop3A_678, %parallel_loop3A_679, %parallel_loop3A_680, %parallel_loop3A_681], %parallel_loop3A_636 {strides = array<i32>} : memref<4x8x8x128xf32, #tpu.memory_space<vmem>>, vector<16xf32>,
      %parallel_loop3A_683 = tpu.memref_slice %arg5[%parallel_loop3A_346] : memref<32768xf32, #tpu.memory_space<vmem>> -> memref<512xf32, #tpu.memory_space<vmem>>
      %parallel_loop3A_684 = tpu.vector_load_idx %parallel_loop3A_683[%get3A_91] : memref<512xf32, #tpu.memory_space<vmem>>[vector<16xi32>], vector<16xf32>,
      %parallel_loop3A_685 = arith.constant 8 : i32
      %parallel_loop3A_686 = arith.divsi %parallel_loop3A_344, %parallel_loop3A_685 : i32
      %parallel_loop3A_687 = arith.constant 0 : i32
      %parallel_loop3A_688 = arith.cmpi sgt, %parallel_loop3A_344, %parallel_loop3A_687 : i32
      %parallel_loop3A_689 = arith.extui %parallel_loop3A_688 : i1 to i32
      %parallel_loop3A_690 = arith.constant 0 : i32
      %parallel_loop3A_691 = arith.cmpi slt, %parallel_loop3A_344, %parallel_loop3A_690 : i32
      %parallel_loop3A_692 = arith.extui %parallel_loop3A_691 : i1 to i32
      %parallel_loop3A_693 = arith.subi %parallel_loop3A_689, %parallel_loop3A_692 : i32
      %parallel_loop3A_694 = arith.constant 0 : i32
      %parallel_loop3A_695 = arith.cmpi sgt, %parallel_loop3A_685, %parallel_loop3A_694 : i32
      %parallel_loop3A_696 = arith.extui %parallel_loop3A_695 : i1 to i32
      %parallel_loop3A_697 = arith.constant 0 : i32
      %parallel_loop3A_698 = arith.cmpi slt, %parallel_loop3A_685, %parallel_loop3A_697 : i32
      %parallel_loop3A_699 = arith.extui %parallel_loop3A_698 : i1 to i32
      %parallel_loop3A_700 = arith.subi %parallel_loop3A_696, %parallel_loop3A_699 : i32
      %parallel_loop3A_701 = arith.cmpi ne, %parallel_loop3A_693, %parallel_loop3A_700 : i32
      %parallel_loop3A_702 = arith.remsi %parallel_loop3A_344, %parallel_loop3A_685 : i32
      %parallel_loop3A_703 = arith.constant 0 : i32
      %parallel_loop3A_704 = arith.cmpi ne, %parallel_loop3A_702, %parallel_loop3A_703 : i32
      %parallel_loop3A_705 = arith.andi %parallel_loop3A_701, %parallel_loop3A_704 : i1
      %parallel_loop3A_706 = arith.constant 1 : i32
      %parallel_loop3A_707 = arith.subi %parallel_loop3A_686, %parallel_loop3A_706 : i32
      %parallel_loop3A_708 = arith.select %parallel_loop3A_705, %parallel_loop3A_707, %parallel_loop3A_686 : i32
      %parallel_loop3A_709 = arith.constant 8 : i32
      %parallel_loop3A_710 = arith.constant 0 : i32
      %parallel_loop3A_711 = arith.cmpi eq, %parallel_loop3A_709, %parallel_loop3A_710 : i32
      %parallel_loop3A_712 = arith.constant 1 : i32
      %parallel_loop3A_713 = arith.select %parallel_loop3A_711, %parallel_loop3A_712, %parallel_loop3A_709 : i32
      %parallel_loop3A_714 = arith.remsi %parallel_loop3A_344, %parallel_loop3A_713 : i32
      %parallel_loop3A_715 = arith.constant 0 : i32
      %parallel_loop3A_716 = arith.cmpi ne, %parallel_loop3A_714, %parallel_loop3A_715 : i32
      %parallel_loop3A_717 = arith.constant 0 : i32
      %parallel_loop3A_718 = arith.cmpi slt, %parallel_loop3A_714, %parallel_loop3A_717 : i32
      %parallel_loop3A_719 = arith.constant 0 : i32
      %parallel_loop3A_720 = arith.cmpi slt, %parallel_loop3A_713, %parallel_loop3A_719 : i32
      %parallel_loop3A_721 = arith.xori %parallel_loop3A_718, %parallel_loop3A_720 : i1
      %parallel_loop3A_722 = arith.andi %parallel_loop3A_721, %parallel_loop3A_716 : i1
      %parallel_loop3A_723 = arith.addi %parallel_loop3A_714, %parallel_loop3A_713 : i32
      %parallel_loop3A_724 = arith.select %parallel_loop3A_722, %parallel_loop3A_723, %parallel_loop3A_714 : i32
      %parallel_loop3A_725 = arith.constant 1 : i32
      %parallel_loop3A_726 = arith.index_cast %parallel_loop3A_725 : i32 to index
      %parallel_loop3A_727 = arith.index_cast %parallel_loop3A_708 : i32 to index
      %parallel_loop3A_728 = arith.index_cast %parallel_loop3A_724 : i32 to index
      %parallel_loop3A_729 = arith.constant 112 : index
      %parallel_loop3A_730 = tpu.vector_load %arg7[%parallel_loop3A_726, %parallel_loop3A_727, %parallel_loop3A_728, %parallel_loop3A_729] {strides = array<i32>} : memref<4x8x8x128xf32, #tpu.memory_space<vmem>>, vector<16xf32>,
      tpu.vector_store %arg7[%parallel_loop3A_726, %parallel_loop3A_727, %parallel_loop3A_728, %parallel_loop3A_729], %parallel_loop3A_684 {strides = array<i32>} : memref<4x8x8x128xf32, #tpu.memory_space<vmem>>, vector<16xf32>,
    } {sc.loop_unroll_factor = 4 : i64, sc.parallel_access}
    %dma_start3A_95 = arith.constant 1 : i32
    %dma_start3A_96 = arith.constant 1 : i32
    %dma_start3A_97 = arith.constant 1 : i32
    %dma_start3A_98 = arith.constant 0 : i32
    %dma_start3A_99 = arith.constant 0 : i32
    %dma_start3A_100 = arith.constant 0 : i32
    %dma_start3A_101 = tpu.memref_slice %arg7[%dma_start3A_95, %dma_start3A_98, %dma_start3A_99, %dma_start3A_100] : memref<4x8x8x128xf32, #tpu.memory_space<vmem>> -> memref<1x8x8x128xf32, #tpu.memory_space<vmem>>
    %dma_start3A_102 = tpu.memref_squeeze %dma_start3A_101 : memref<1x8x8x128xf32, #tpu.memory_space<vmem>> -> memref<8x8x128xf32, #tpu.memory_space<vmem>>
    %dma_start3A_103 = arith.constant 0 : i32
    %dma_start3A_104 = arith.constant 0 : i32
    %dma_start3A_105 = arith.constant 0 : i32
    %dma_start3A_106 = tpu.memref_slice %arg4[%dma_start3A_96, %dma_start3A_103, %add3A, %dma_start3A_104, %dma_start3A_105] : memref<200x8x32x8x128xf32, #tpu.memory_space<hbm>> -> memref<1x8x1x8x128xf32, #tpu.memory_space<hbm>>
    %dma_start3A_107 = tpu.memref_squeeze %dma_start3A_106 : memref<1x8x1x8x128xf32, #tpu.memory_space<hbm>> -> memref<8x8x128xf32, #tpu.memory_space<hbm>>
    %dma_start3A_108 = tpu.memref_slice %arg8[%dma_start3A_97] : memref<4x!tpu.dma_semaphore, #tpu.memory_space<semaphore_mem>> -> memref<1x!tpu.dma_semaphore, #tpu.memory_space<semaphore_mem>>
    %dma_start3A_109 = tpu.memref_squeeze %dma_start3A_108 : memref<1x!tpu.dma_semaphore, #tpu.memory_space<semaphore_mem>> -> memref<!tpu.dma_semaphore, #tpu.memory_space<semaphore_mem>>
    %dma_start3A_110 = arith.constant 0 : i32
    %dma_start3A_111 = arith.constant 0 : i32
    %dma_start3A_112 = arith.constant 0 : i32
    %dma_start3A_113 = tpu.memref_slice %arg4[%dma_start3A_96, %dma_start3A_110, %add3A, %dma_start3A_111, %dma_start3A_112] : memref<200x8x32x8x128xf32, #tpu.memory_space<hbm>> -> memref<1x8x1x8x128xf32, #tpu.memory_space<hbm>>
    %dma_start3A_114 = tpu.memref_squeeze %dma_start3A_113 : memref<1x8x1x8x128xf32, #tpu.memory_space<hbm>> -> memref<8x8x128xf32, #tpu.memory_space<hbm>>
    %dma_start3A_115 = arith.constant 0 : i32
    %dma_start3A_116 = arith.constant 0 : i32
    %dma_start3A_117 = arith.constant 0 : i32
    %dma_start3A_118 = tpu.memref_slice %arg7[%dma_start3A_95, %dma_start3A_115, %dma_start3A_116, %dma_start3A_117] : memref<4x8x8x128xf32, #tpu.memory_space<vmem>> -> memref<1x8x8x128xf32, #tpu.memory_space<vmem>>
    %dma_start3A_119 = tpu.memref_squeeze %dma_start3A_118 : memref<1x8x8x128xf32, #tpu.memory_space<vmem>> -> memref<8x8x128xf32, #tpu.memory_space<vmem>>
    tpu.enqueue_dma source(%dma_start3A_119 : memref<8x8x128xf32, #tpu.memory_space<vmem>>) target(%dma_start3A_114 : memref<8x8x128xf32, #tpu.memory_space<hbm>>) target_semaphore(%dma_start3A_109 : memref<!tpu.dma_semaphore, #tpu.memory_space<semaphore_mem>>)
    %get3A_120 = arith.constant 2 : i32
    %get3A_121 = arith.index_cast %get3A_120 : i32 to index
    %get3A_122 = arith.constant 0 : index
    %get3A_123 = tpu.vector_load %arg6[%get3A_121, %get3A_122] {strides = array<i32>} : memref<200x128xi32, #tpu.memory_space<vmem>>, vector<16xi32>,
    %get3A_124 = arith.constant 2 : i32
    %get3A_125 = arith.index_cast %get3A_124 : i32 to index
    %get3A_126 = arith.constant 16 : index
    %get3A_127 = tpu.vector_load %arg6[%get3A_125, %get3A_126] {strides = array<i32>} : memref<200x128xi32, #tpu.memory_space<vmem>>, vector<16xi32>,
    %get3A_128 = arith.constant 2 : i32
    %get3A_129 = arith.index_cast %get3A_128 : i32 to index
    %get3A_130 = arith.constant 32 : index
    %get3A_131 = tpu.vector_load %arg6[%get3A_129, %get3A_130] {strides = array<i32>} : memref<200x128xi32, #tpu.memory_space<vmem>>, vector<16xi32>,
    %get3A_132 = arith.constant 2 : i32
    %get3A_133 = arith.index_cast %get3A_132 : i32 to index
    %get3A_134 = arith.constant 48 : index
    %get3A_135 = tpu.vector_load %arg6[%get3A_133, %get3A_134] {strides = array<i32>} : memref<200x128xi32, #tpu.memory_space<vmem>>, vector<16xi32>,
    %get3A_136 = arith.constant 2 : i32
    %get3A_137 = arith.index_cast %get3A_136 : i32 to index
    %get3A_138 = arith.constant 64 : index
    %get3A_139 = tpu.vector_load %arg6[%get3A_137, %get3A_138] {strides = array<i32>} : memref<200x128xi32, #tpu.memory_space<vmem>>, vector<16xi32>,
    %get3A_140 = arith.constant 2 : i32
    %get3A_141 = arith.index_cast %get3A_140 : i32 to index
    %get3A_142 = arith.constant 80 : index
    %get3A_143 = tpu.vector_load %arg6[%get3A_141, %get3A_142] {strides = array<i32>} : memref<200x128xi32, #tpu.memory_space<vmem>>, vector<16xi32>,
    %get3A_144 = arith.constant 2 : i32
    %get3A_145 = arith.index_cast %get3A_144 : i32 to index
    %get3A_146 = arith.constant 96 : index
    %get3A_147 = tpu.vector_load %arg6[%get3A_145, %get3A_146] {strides = array<i32>} : memref<200x128xi32, #tpu.memory_space<vmem>>, vector<16xi32>,
    %get3A_148 = arith.constant 2 : i32
    %get3A_149 = arith.index_cast %get3A_148 : i32 to index
    %get3A_150 = arith.constant 112 : index
    %get3A_151 = tpu.vector_load %arg6[%get3A_149, %get3A_150] {strides = array<i32>} : memref<200x128xi32, #tpu.memory_space<vmem>>, vector<16xi32>,
    %parallel_loop3A_152 = arith.constant 0 : i32
    %parallel_loop3A_153 = arith.constant 64 : i32
    %parallel_loop3A_154 = arith.constant 1 : i32
    scf.for %parallel_loop3A_344 = %parallel_loop3A_152 to %parallel_loop3A_153 step %parallel_loop3A_154  : i32 {
      %parallel_loop3A_345 = arith.constant 512 : i32
      %parallel_loop3A_346 = arith.muli %parallel_loop3A_344, %parallel_loop3A_345 : i32
      %parallel_loop3A_347 = tpu.memref_slice %arg5[%parallel_loop3A_346] : memref<32768xf32, #tpu.memory_space<vmem>> -> memref<512xf32, #tpu.memory_space<vmem>>
      %parallel_loop3A_348 = tpu.vector_load_idx %parallel_loop3A_347[%get3A_123] : memref<512xf32, #tpu.memory_space<vmem>>[vector<16xi32>], vector<16xf32>,
      %parallel_loop3A_349 = arith.constant 8 : i32
      %parallel_loop3A_350 = arith.divsi %parallel_loop3A_344, %parallel_loop3A_349 : i32
      %parallel_loop3A_351 = arith.constant 0 : i32
      %parallel_loop3A_352 = arith.cmpi sgt, %parallel_loop3A_344, %parallel_loop3A_351 : i32
      %parallel_loop3A_353 = arith.extui %parallel_loop3A_352 : i1 to i32
      %parallel_loop3A_354 = arith.constant 0 : i32
      %parallel_loop3A_355 = arith.cmpi slt, %parallel_loop3A_344, %parallel_loop3A_354 : i32
      %parallel_loop3A_356 = arith.extui %parallel_loop3A_355 : i1 to i32
      %parallel_loop3A_357 = arith.subi %parallel_loop3A_353, %parallel_loop3A_356 : i32
      %parallel_loop3A_358 = arith.constant 0 : i32
      %parallel_loop3A_359 = arith.cmpi sgt, %parallel_loop3A_349, %parallel_loop3A_358 : i32
      %parallel_loop3A_360 = arith.extui %parallel_loop3A_359 : i1 to i32
      %parallel_loop3A_361 = arith.constant 0 : i32
      %parallel_loop3A_362 = arith.cmpi slt, %parallel_loop3A_349, %parallel_loop3A_361 : i32
      %parallel_loop3A_363 = arith.extui %parallel_loop3A_362 : i1 to i32
      %parallel_loop3A_364 = arith.subi %parallel_loop3A_360, %parallel_loop3A_363 : i32
      %parallel_loop3A_365 = arith.cmpi ne, %parallel_loop3A_357, %parallel_loop3A_364 : i32
      %parallel_loop3A_366 = arith.remsi %parallel_loop3A_344, %parallel_loop3A_349 : i32
      %parallel_loop3A_367 = arith.constant 0 : i32
      %parallel_loop3A_368 = arith.cmpi ne, %parallel_loop3A_366, %parallel_loop3A_367 : i32
      %parallel_loop3A_369 = arith.andi %parallel_loop3A_365, %parallel_loop3A_368 : i1
      %parallel_loop3A_370 = arith.constant 1 : i32
      %parallel_loop3A_371 = arith.subi %parallel_loop3A_350, %parallel_loop3A_370 : i32
      %parallel_loop3A_372 = arith.select %parallel_loop3A_369, %parallel_loop3A_371, %parallel_loop3A_350 : i32
      %parallel_loop3A_373 = arith.constant 8 : i32
      %parallel_loop3A_374 = arith.constant 0 : i32
      %parallel_loop3A_375 = arith.cmpi eq, %parallel_loop3A_373, %parallel_loop3A_374 : i32
      %parallel_loop3A_376 = arith.constant 1 : i32
      %parallel_loop3A_377 = arith.select %parallel_loop3A_375, %parallel_loop3A_376, %parallel_loop3A_373 : i32
      %parallel_loop3A_378 = arith.remsi %parallel_loop3A_344, %parallel_loop3A_377 : i32
      %parallel_loop3A_379 = arith.constant 0 : i32
      %parallel_loop3A_380 = arith.cmpi ne, %parallel_loop3A_378, %parallel_loop3A_379 : i32
      %parallel_loop3A_381 = arith.constant 0 : i32
      %parallel_loop3A_382 = arith.cmpi slt, %parallel_loop3A_378, %parallel_loop3A_381 : i32
      %parallel_loop3A_383 = arith.constant 0 : i32
      %parallel_loop3A_384 = arith.cmpi slt, %parallel_loop3A_377, %parallel_loop3A_383 : i32
      %parallel_loop3A_385 = arith.xori %parallel_loop3A_382, %parallel_loop3A_384 : i1
      %parallel_loop3A_386 = arith.andi %parallel_loop3A_385, %parallel_loop3A_380 : i1
      %parallel_loop3A_387 = arith.addi %parallel_loop3A_378, %parallel_loop3A_377 : i32
      %parallel_loop3A_388 = arith.select %parallel_loop3A_386, %parallel_loop3A_387, %parallel_loop3A_378 : i32
      %parallel_loop3A_389 = arith.constant 2 : i32
      %parallel_loop3A_390 = arith.index_cast %parallel_loop3A_389 : i32 to index
      %parallel_loop3A_391 = arith.index_cast %parallel_loop3A_372 : i32 to index
      %parallel_loop3A_392 = arith.index_cast %parallel_loop3A_388 : i32 to index
      %parallel_loop3A_393 = arith.constant 0 : index
      %parallel_loop3A_394 = tpu.vector_load %arg7[%parallel_loop3A_390, %parallel_loop3A_391, %parallel_loop3A_392, %parallel_loop3A_393] {strides = array<i32>} : memref<4x8x8x128xf32, #tpu.memory_space<vmem>>, vector<16xf32>,
      tpu.vector_store %arg7[%parallel_loop3A_390, %parallel_loop3A_391, %parallel_loop3A_392, %parallel_loop3A_393], %parallel_loop3A_348 {strides = array<i32>} : memref<4x8x8x128xf32, #tpu.memory_space<vmem>>, vector<16xf32>,
      %parallel_loop3A_395 = tpu.memref_slice %arg5[%parallel_loop3A_346] : memref<32768xf32, #tpu.memory_space<vmem>> -> memref<512xf32, #tpu.memory_space<vmem>>
      %parallel_loop3A_396 = tpu.vector_load_idx %parallel_loop3A_395[%get3A_127] : memref<512xf32, #tpu.memory_space<vmem>>[vector<16xi32>], vector<16xf32>,
      %parallel_loop3A_397 = arith.constant 8 : i32
      %parallel_loop3A_398 = arith.divsi %parallel_loop3A_344, %parallel_loop3A_397 : i32
      %parallel_loop3A_399 = arith.constant 0 : i32
      %parallel_loop3A_400 = arith.cmpi sgt, %parallel_loop3A_344, %parallel_loop3A_399 : i32
      %parallel_loop3A_401 = arith.extui %parallel_loop3A_400 : i1 to i32
      %parallel_loop3A_402 = arith.constant 0 : i32
      %parallel_loop3A_403 = arith.cmpi slt, %parallel_loop3A_344, %parallel_loop3A_402 : i32
      %parallel_loop3A_404 = arith.extui %parallel_loop3A_403 : i1 to i32
      %parallel_loop3A_405 = arith.subi %parallel_loop3A_401, %parallel_loop3A_404 : i32
      %parallel_loop3A_406 = arith.constant 0 : i32
      %parallel_loop3A_407 = arith.cmpi sgt, %parallel_loop3A_397, %parallel_loop3A_406 : i32
      %parallel_loop3A_408 = arith.extui %parallel_loop3A_407 : i1 to i32
      %parallel_loop3A_409 = arith.constant 0 : i32
      %parallel_loop3A_410 = arith.cmpi slt, %parallel_loop3A_397, %parallel_loop3A_409 : i32
      %parallel_loop3A_411 = arith.extui %parallel_loop3A_410 : i1 to i32
      %parallel_loop3A_412 = arith.subi %parallel_loop3A_408, %parallel_loop3A_411 : i32
      %parallel_loop3A_413 = arith.cmpi ne, %parallel_loop3A_405, %parallel_loop3A_412 : i32
      %parallel_loop3A_414 = arith.remsi %parallel_loop3A_344, %parallel_loop3A_397 : i32
      %parallel_loop3A_415 = arith.constant 0 : i32
      %parallel_loop3A_416 = arith.cmpi ne, %parallel_loop3A_414, %parallel_loop3A_415 : i32
      %parallel_loop3A_417 = arith.andi %parallel_loop3A_413, %parallel_loop3A_416 : i1
      %parallel_loop3A_418 = arith.constant 1 : i32
      %parallel_loop3A_419 = arith.subi %parallel_loop3A_398, %parallel_loop3A_418 : i32
      %parallel_loop3A_420 = arith.select %parallel_loop3A_417, %parallel_loop3A_419, %parallel_loop3A_398 : i32
      %parallel_loop3A_421 = arith.constant 8 : i32
      %parallel_loop3A_422 = arith.constant 0 : i32
      %parallel_loop3A_423 = arith.cmpi eq, %parallel_loop3A_421, %parallel_loop3A_422 : i32
      %parallel_loop3A_424 = arith.constant 1 : i32
      %parallel_loop3A_425 = arith.select %parallel_loop3A_423, %parallel_loop3A_424, %parallel_loop3A_421 : i32
      %parallel_loop3A_426 = arith.remsi %parallel_loop3A_344, %parallel_loop3A_425 : i32
      %parallel_loop3A_427 = arith.constant 0 : i32
      %parallel_loop3A_428 = arith.cmpi ne, %parallel_loop3A_426, %parallel_loop3A_427 : i32
      %parallel_loop3A_429 = arith.constant 0 : i32
      %parallel_loop3A_430 = arith.cmpi slt, %parallel_loop3A_426, %parallel_loop3A_429 : i32
      %parallel_loop3A_431 = arith.constant 0 : i32
      %parallel_loop3A_432 = arith.cmpi slt, %parallel_loop3A_425, %parallel_loop3A_431 : i32
      %parallel_loop3A_433 = arith.xori %parallel_loop3A_430, %parallel_loop3A_432 : i1
      %parallel_loop3A_434 = arith.andi %parallel_loop3A_433, %parallel_loop3A_428 : i1
      %parallel_loop3A_435 = arith.addi %parallel_loop3A_426, %parallel_loop3A_425 : i32
      %parallel_loop3A_436 = arith.select %parallel_loop3A_434, %parallel_loop3A_435, %parallel_loop3A_426 : i32
      %parallel_loop3A_437 = arith.constant 2 : i32
      %parallel_loop3A_438 = arith.index_cast %parallel_loop3A_437 : i32 to index
      %parallel_loop3A_439 = arith.index_cast %parallel_loop3A_420 : i32 to index
      %parallel_loop3A_440 = arith.index_cast %parallel_loop3A_436 : i32 to index
      %parallel_loop3A_441 = arith.constant 16 : index
      %parallel_loop3A_442 = tpu.vector_load %arg7[%parallel_loop3A_438, %parallel_loop3A_439, %parallel_loop3A_440, %parallel_loop3A_441] {strides = array<i32>} : memref<4x8x8x128xf32, #tpu.memory_space<vmem>>, vector<16xf32>,
      tpu.vector_store %arg7[%parallel_loop3A_438, %parallel_loop3A_439, %parallel_loop3A_440, %parallel_loop3A_441], %parallel_loop3A_396 {strides = array<i32>} : memref<4x8x8x128xf32, #tpu.memory_space<vmem>>, vector<16xf32>,
      %parallel_loop3A_443 = tpu.memref_slice %arg5[%parallel_loop3A_346] : memref<32768xf32, #tpu.memory_space<vmem>> -> memref<512xf32, #tpu.memory_space<vmem>>
      %parallel_loop3A_444 = tpu.vector_load_idx %parallel_loop3A_443[%get3A_131] : memref<512xf32, #tpu.memory_space<vmem>>[vector<16xi32>], vector<16xf32>,
      %parallel_loop3A_445 = arith.constant 8 : i32
      %parallel_loop3A_446 = arith.divsi %parallel_loop3A_344, %parallel_loop3A_445 : i32
      %parallel_loop3A_447 = arith.constant 0 : i32
      %parallel_loop3A_448 = arith.cmpi sgt, %parallel_loop3A_344, %parallel_loop3A_447 : i32
      %parallel_loop3A_449 = arith.extui %parallel_loop3A_448 : i1 to i32
      %parallel_loop3A_450 = arith.constant 0 : i32
      %parallel_loop3A_451 = arith.cmpi slt, %parallel_loop3A_344, %parallel_loop3A_450 : i32
      %parallel_loop3A_452 = arith.extui %parallel_loop3A_451 : i1 to i32
      %parallel_loop3A_453 = arith.subi %parallel_loop3A_449, %parallel_loop3A_452 : i32
      %parallel_loop3A_454 = arith.constant 0 : i32
      %parallel_loop3A_455 = arith.cmpi sgt, %parallel_loop3A_445, %parallel_loop3A_454 : i32
      %parallel_loop3A_456 = arith.extui %parallel_loop3A_455 : i1 to i32
      %parallel_loop3A_457 = arith.constant 0 : i32
      %parallel_loop3A_458 = arith.cmpi slt, %parallel_loop3A_445, %parallel_loop3A_457 : i32
      %parallel_loop3A_459 = arith.extui %parallel_loop3A_458 : i1 to i32
      %parallel_loop3A_460 = arith.subi %parallel_loop3A_456, %parallel_loop3A_459 : i32
      %parallel_loop3A_461 = arith.cmpi ne, %parallel_loop3A_453, %parallel_loop3A_460 : i32
      %parallel_loop3A_462 = arith.remsi %parallel_loop3A_344, %parallel_loop3A_445 : i32
      %parallel_loop3A_463 = arith.constant 0 : i32
      %parallel_loop3A_464 = arith.cmpi ne, %parallel_loop3A_462, %parallel_loop3A_463 : i32
      %parallel_loop3A_465 = arith.andi %parallel_loop3A_461, %parallel_loop3A_464 : i1
      %parallel_loop3A_466 = arith.constant 1 : i32
      %parallel_loop3A_467 = arith.subi %parallel_loop3A_446, %parallel_loop3A_466 : i32
      %parallel_loop3A_468 = arith.select %parallel_loop3A_465, %parallel_loop3A_467, %parallel_loop3A_446 : i32
      %parallel_loop3A_469 = arith.constant 8 : i32
      %parallel_loop3A_470 = arith.constant 0 : i32
      %parallel_loop3A_471 = arith.cmpi eq, %parallel_loop3A_469, %parallel_loop3A_470 : i32
      %parallel_loop3A_472 = arith.constant 1 : i32
      %parallel_loop3A_473 = arith.select %parallel_loop3A_471, %parallel_loop3A_472, %parallel_loop3A_469 : i32
      %parallel_loop3A_474 = arith.remsi %parallel_loop3A_344, %parallel_loop3A_473 : i32
      %parallel_loop3A_475 = arith.constant 0 : i32
      %parallel_loop3A_476 = arith.cmpi ne, %parallel_loop3A_474, %parallel_loop3A_475 : i32
      %parallel_loop3A_477 = arith.constant 0 : i32
      %parallel_loop3A_478 = arith.cmpi slt, %parallel_loop3A_474, %parallel_loop3A_477 : i32
      %parallel_loop3A_479 = arith.constant 0 : i32
      %parallel_loop3A_480 = arith.cmpi slt, %parallel_loop3A_473, %parallel_loop3A_479 : i32
      %parallel_loop3A_481 = arith.xori %parallel_loop3A_478, %parallel_loop3A_480 : i1
      %parallel_loop3A_482 = arith.andi %parallel_loop3A_481, %parallel_loop3A_476 : i1
      %parallel_loop3A_483 = arith.addi %parallel_loop3A_474, %parallel_loop3A_473 : i32
      %parallel_loop3A_484 = arith.select %parallel_loop3A_482, %parallel_loop3A_483, %parallel_loop3A_474 : i32
      %parallel_loop3A_485 = arith.constant 2 : i32
      %parallel_loop3A_486 = arith.index_cast %parallel_loop3A_485 : i32 to index
      %parallel_loop3A_487 = arith.index_cast %parallel_loop3A_468 : i32 to index
      %parallel_loop3A_488 = arith.index_cast %parallel_loop3A_484 : i32 to index
      %parallel_loop3A_489 = arith.constant 32 : index
      %parallel_loop3A_490 = tpu.vector_load %arg7[%parallel_loop3A_486, %parallel_loop3A_487, %parallel_loop3A_488, %parallel_loop3A_489] {strides = array<i32>} : memref<4x8x8x128xf32, #tpu.memory_space<vmem>>, vector<16xf32>,
      tpu.vector_store %arg7[%parallel_loop3A_486, %parallel_loop3A_487, %parallel_loop3A_488, %parallel_loop3A_489], %parallel_loop3A_444 {strides = array<i32>} : memref<4x8x8x128xf32, #tpu.memory_space<vmem>>, vector<16xf32>,
      %parallel_loop3A_491 = tpu.memref_slice %arg5[%parallel_loop3A_346] : memref<32768xf32, #tpu.memory_space<vmem>> -> memref<512xf32, #tpu.memory_space<vmem>>
      %parallel_loop3A_492 = tpu.vector_load_idx %parallel_loop3A_491[%get3A_135] : memref<512xf32, #tpu.memory_space<vmem>>[vector<16xi32>], vector<16xf32>,
      %parallel_loop3A_493 = arith.constant 8 : i32
      %parallel_loop3A_494 = arith.divsi %parallel_loop3A_344, %parallel_loop3A_493 : i32
      %parallel_loop3A_495 = arith.constant 0 : i32
      %parallel_loop3A_496 = arith.cmpi sgt, %parallel_loop3A_344, %parallel_loop3A_495 : i32
      %parallel_loop3A_497 = arith.extui %parallel_loop3A_496 : i1 to i32
      %parallel_loop3A_498 = arith.constant 0 : i32
      %parallel_loop3A_499 = arith.cmpi slt, %parallel_loop3A_344, %parallel_loop3A_498 : i32
      %parallel_loop3A_500 = arith.extui %parallel_loop3A_499 : i1 to i32
      %parallel_loop3A_501 = arith.subi %parallel_loop3A_497, %parallel_loop3A_500 : i32
      %parallel_loop3A_502 = arith.constant 0 : i32
      %parallel_loop3A_503 = arith.cmpi sgt, %parallel_loop3A_493, %parallel_loop3A_502 : i32
      %parallel_loop3A_504 = arith.extui %parallel_loop3A_503 : i1 to i32
      %parallel_loop3A_505 = arith.constant 0 : i32
      %parallel_loop3A_506 = arith.cmpi slt, %parallel_loop3A_493, %parallel_loop3A_505 : i32
      %parallel_loop3A_507 = arith.extui %parallel_loop3A_506 : i1 to i32
      %parallel_loop3A_508 = arith.subi %parallel_loop3A_504, %parallel_loop3A_507 : i32
      %parallel_loop3A_509 = arith.cmpi ne, %parallel_loop3A_501, %parallel_loop3A_508 : i32
      %parallel_loop3A_510 = arith.remsi %parallel_loop3A_344, %parallel_loop3A_493 : i32
      %parallel_loop3A_511 = arith.constant 0 : i32
      %parallel_loop3A_512 = arith.cmpi ne, %parallel_loop3A_510, %parallel_loop3A_511 : i32
      %parallel_loop3A_513 = arith.andi %parallel_loop3A_509, %parallel_loop3A_512 : i1
      %parallel_loop3A_514 = arith.constant 1 : i32
      %parallel_loop3A_515 = arith.subi %parallel_loop3A_494, %parallel_loop3A_514 : i32
      %parallel_loop3A_516 = arith.select %parallel_loop3A_513, %parallel_loop3A_515, %parallel_loop3A_494 : i32
      %parallel_loop3A_517 = arith.constant 8 : i32
      %parallel_loop3A_518 = arith.constant 0 : i32
      %parallel_loop3A_519 = arith.cmpi eq, %parallel_loop3A_517, %parallel_loop3A_518 : i32
      %parallel_loop3A_520 = arith.constant 1 : i32
      %parallel_loop3A_521 = arith.select %parallel_loop3A_519, %parallel_loop3A_520, %parallel_loop3A_517 : i32
      %parallel_loop3A_522 = arith.remsi %parallel_loop3A_344, %parallel_loop3A_521 : i32
      %parallel_loop3A_523 = arith.constant 0 : i32
      %parallel_loop3A_524 = arith.cmpi ne, %parallel_loop3A_522, %parallel_loop3A_523 : i32
      %parallel_loop3A_525 = arith.constant 0 : i32
      %parallel_loop3A_526 = arith.cmpi slt, %parallel_loop3A_522, %parallel_loop3A_525 : i32
      %parallel_loop3A_527 = arith.constant 0 : i32
      %parallel_loop3A_528 = arith.cmpi slt, %parallel_loop3A_521, %parallel_loop3A_527 : i32
      %parallel_loop3A_529 = arith.xori %parallel_loop3A_526, %parallel_loop3A_528 : i1
      %parallel_loop3A_530 = arith.andi %parallel_loop3A_529, %parallel_loop3A_524 : i1
      %parallel_loop3A_531 = arith.addi %parallel_loop3A_522, %parallel_loop3A_521 : i32
      %parallel_loop3A_532 = arith.select %parallel_loop3A_530, %parallel_loop3A_531, %parallel_loop3A_522 : i32
      %parallel_loop3A_533 = arith.constant 2 : i32
      %parallel_loop3A_534 = arith.index_cast %parallel_loop3A_533 : i32 to index
      %parallel_loop3A_535 = arith.index_cast %parallel_loop3A_516 : i32 to index
      %parallel_loop3A_536 = arith.index_cast %parallel_loop3A_532 : i32 to index
      %parallel_loop3A_537 = arith.constant 48 : index
      %parallel_loop3A_538 = tpu.vector_load %arg7[%parallel_loop3A_534, %parallel_loop3A_535, %parallel_loop3A_536, %parallel_loop3A_537] {strides = array<i32>} : memref<4x8x8x128xf32, #tpu.memory_space<vmem>>, vector<16xf32>,
      tpu.vector_store %arg7[%parallel_loop3A_534, %parallel_loop3A_535, %parallel_loop3A_536, %parallel_loop3A_537], %parallel_loop3A_492 {strides = array<i32>} : memref<4x8x8x128xf32, #tpu.memory_space<vmem>>, vector<16xf32>,
      %parallel_loop3A_539 = tpu.memref_slice %arg5[%parallel_loop3A_346] : memref<32768xf32, #tpu.memory_space<vmem>> -> memref<512xf32, #tpu.memory_space<vmem>>
      %parallel_loop3A_540 = tpu.vector_load_idx %parallel_loop3A_539[%get3A_139] : memref<512xf32, #tpu.memory_space<vmem>>[vector<16xi32>], vector<16xf32>,
      %parallel_loop3A_541 = arith.constant 8 : i32
      %parallel_loop3A_542 = arith.divsi %parallel_loop3A_344, %parallel_loop3A_541 : i32
      %parallel_loop3A_543 = arith.constant 0 : i32
      %parallel_loop3A_544 = arith.cmpi sgt, %parallel_loop3A_344, %parallel_loop3A_543 : i32
      %parallel_loop3A_545 = arith.extui %parallel_loop3A_544 : i1 to i32
      %parallel_loop3A_546 = arith.constant 0 : i32
      %parallel_loop3A_547 = arith.cmpi slt, %parallel_loop3A_344, %parallel_loop3A_546 : i32
      %parallel_loop3A_548 = arith.extui %parallel_loop3A_547 : i1 to i32
      %parallel_loop3A_549 = arith.subi %parallel_loop3A_545, %parallel_loop3A_548 : i32
      %parallel_loop3A_550 = arith.constant 0 : i32
      %parallel_loop3A_551 = arith.cmpi sgt, %parallel_loop3A_541, %parallel_loop3A_550 : i32
      %parallel_loop3A_552 = arith.extui %parallel_loop3A_551 : i1 to i32
      %parallel_loop3A_553 = arith.constant 0 : i32
      %parallel_loop3A_554 = arith.cmpi slt, %parallel_loop3A_541, %parallel_loop3A_553 : i32
      %parallel_loop3A_555 = arith.extui %parallel_loop3A_554 : i1 to i32
      %parallel_loop3A_556 = arith.subi %parallel_loop3A_552, %parallel_loop3A_555 : i32
      %parallel_loop3A_557 = arith.cmpi ne, %parallel_loop3A_549, %parallel_loop3A_556 : i32
      %parallel_loop3A_558 = arith.remsi %parallel_loop3A_344, %parallel_loop3A_541 : i32
      %parallel_loop3A_559 = arith.constant 0 : i32
      %parallel_loop3A_560 = arith.cmpi ne, %parallel_loop3A_558, %parallel_loop3A_559 : i32
      %parallel_loop3A_561 = arith.andi %parallel_loop3A_557, %parallel_loop3A_560 : i1
      %parallel_loop3A_562 = arith.constant 1 : i32
      %parallel_loop3A_563 = arith.subi %parallel_loop3A_542, %parallel_loop3A_562 : i32
      %parallel_loop3A_564 = arith.select %parallel_loop3A_561, %parallel_loop3A_563, %parallel_loop3A_542 : i32
      %parallel_loop3A_565 = arith.constant 8 : i32
      %parallel_loop3A_566 = arith.constant 0 : i32
      %parallel_loop3A_567 = arith.cmpi eq, %parallel_loop3A_565, %parallel_loop3A_566 : i32
      %parallel_loop3A_568 = arith.constant 1 : i32
      %parallel_loop3A_569 = arith.select %parallel_loop3A_567, %parallel_loop3A_568, %parallel_loop3A_565 : i32
      %parallel_loop3A_570 = arith.remsi %parallel_loop3A_344, %parallel_loop3A_569 : i32
      %parallel_loop3A_571 = arith.constant 0 : i32
      %parallel_loop3A_572 = arith.cmpi ne, %parallel_loop3A_570, %parallel_loop3A_571 : i32
      %parallel_loop3A_573 = arith.constant 0 : i32
      %parallel_loop3A_574 = arith.cmpi slt, %parallel_loop3A_570, %parallel_loop3A_573 : i32
      %parallel_loop3A_575 = arith.constant 0 : i32
      %parallel_loop3A_576 = arith.cmpi slt, %parallel_loop3A_569, %parallel_loop3A_575 : i32
      %parallel_loop3A_577 = arith.xori %parallel_loop3A_574, %parallel_loop3A_576 : i1
      %parallel_loop3A_578 = arith.andi %parallel_loop3A_577, %parallel_loop3A_572 : i1
      %parallel_loop3A_579 = arith.addi %parallel_loop3A_570, %parallel_loop3A_569 : i32
      %parallel_loop3A_580 = arith.select %parallel_loop3A_578, %parallel_loop3A_579, %parallel_loop3A_570 : i32
      %parallel_loop3A_581 = arith.constant 2 : i32
      %parallel_loop3A_582 = arith.index_cast %parallel_loop3A_581 : i32 to index
      %parallel_loop3A_583 = arith.index_cast %parallel_loop3A_564 : i32 to index
      %parallel_loop3A_584 = arith.index_cast %parallel_loop3A_580 : i32 to index
      %parallel_loop3A_585 = arith.constant 64 : index
      %parallel_loop3A_586 = tpu.vector_load %arg7[%parallel_loop3A_582, %parallel_loop3A_583, %parallel_loop3A_584, %parallel_loop3A_585] {strides = array<i32>} : memref<4x8x8x128xf32, #tpu.memory_space<vmem>>, vector<16xf32>,
      tpu.vector_store %arg7[%parallel_loop3A_582, %parallel_loop3A_583, %parallel_loop3A_584, %parallel_loop3A_585], %parallel_loop3A_540 {strides = array<i32>} : memref<4x8x8x128xf32, #tpu.memory_space<vmem>>, vector<16xf32>,
      %parallel_loop3A_587 = tpu.memref_slice %arg5[%parallel_loop3A_346] : memref<32768xf32, #tpu.memory_space<vmem>> -> memref<512xf32, #tpu.memory_space<vmem>>
      %parallel_loop3A_588 = tpu.vector_load_idx %parallel_loop3A_587[%get3A_143] : memref<512xf32, #tpu.memory_space<vmem>>[vector<16xi32>], vector<16xf32>,
      %parallel_loop3A_589 = arith.constant 8 : i32
      %parallel_loop3A_590 = arith.divsi %parallel_loop3A_344, %parallel_loop3A_589 : i32
      %parallel_loop3A_591 = arith.constant 0 : i32
      %parallel_loop3A_592 = arith.cmpi sgt, %parallel_loop3A_344, %parallel_loop3A_591 : i32
      %parallel_loop3A_593 = arith.extui %parallel_loop3A_592 : i1 to i32
      %parallel_loop3A_594 = arith.constant 0 : i32
      %parallel_loop3A_595 = arith.cmpi slt, %parallel_loop3A_344, %parallel_loop3A_594 : i32
      %parallel_loop3A_596 = arith.extui %parallel_loop3A_595 : i1 to i32
      %parallel_loop3A_597 = arith.subi %parallel_loop3A_593, %parallel_loop3A_596 : i32
      %parallel_loop3A_598 = arith.constant 0 : i32
      %parallel_loop3A_599 = arith.cmpi sgt, %parallel_loop3A_589, %parallel_loop3A_598 : i32
      %parallel_loop3A_600 = arith.extui %parallel_loop3A_599 : i1 to i32
      %parallel_loop3A_601 = arith.constant 0 : i32
      %parallel_loop3A_602 = arith.cmpi slt, %parallel_loop3A_589, %parallel_loop3A_601 : i32
      %parallel_loop3A_603 = arith.extui %parallel_loop3A_602 : i1 to i32
      %parallel_loop3A_604 = arith.subi %parallel_loop3A_600, %parallel_loop3A_603 : i32
      %parallel_loop3A_605 = arith.cmpi ne, %parallel_loop3A_597, %parallel_loop3A_604 : i32
      %parallel_loop3A_606 = arith.remsi %parallel_loop3A_344, %parallel_loop3A_589 : i32
      %parallel_loop3A_607 = arith.constant 0 : i32
      %parallel_loop3A_608 = arith.cmpi ne, %parallel_loop3A_606, %parallel_loop3A_607 : i32
      %parallel_loop3A_609 = arith.andi %parallel_loop3A_605, %parallel_loop3A_608 : i1
      %parallel_loop3A_610 = arith.constant 1 : i32
      %parallel_loop3A_611 = arith.subi %parallel_loop3A_590, %parallel_loop3A_610 : i32
      %parallel_loop3A_612 = arith.select %parallel_loop3A_609, %parallel_loop3A_611, %parallel_loop3A_590 : i32
      %parallel_loop3A_613 = arith.constant 8 : i32
      %parallel_loop3A_614 = arith.constant 0 : i32
      %parallel_loop3A_615 = arith.cmpi eq, %parallel_loop3A_613, %parallel_loop3A_614 : i32
      %parallel_loop3A_616 = arith.constant 1 : i32
      %parallel_loop3A_617 = arith.select %parallel_loop3A_615, %parallel_loop3A_616, %parallel_loop3A_613 : i32
      %parallel_loop3A_618 = arith.remsi %parallel_loop3A_344, %parallel_loop3A_617 : i32
      %parallel_loop3A_619 = arith.constant 0 : i32
      %parallel_loop3A_620 = arith.cmpi ne, %parallel_loop3A_618, %parallel_loop3A_619 : i32
      %parallel_loop3A_621 = arith.constant 0 : i32
      %parallel_loop3A_622 = arith.cmpi slt, %parallel_loop3A_618, %parallel_loop3A_621 : i32
      %parallel_loop3A_623 = arith.constant 0 : i32
      %parallel_loop3A_624 = arith.cmpi slt, %parallel_loop3A_617, %parallel_loop3A_623 : i32
      %parallel_loop3A_625 = arith.xori %parallel_loop3A_622, %parallel_loop3A_624 : i1
      %parallel_loop3A_626 = arith.andi %parallel_loop3A_625, %parallel_loop3A_620 : i1
      %parallel_loop3A_627 = arith.addi %parallel_loop3A_618, %parallel_loop3A_617 : i32
      %parallel_loop3A_628 = arith.select %parallel_loop3A_626, %parallel_loop3A_627, %parallel_loop3A_618 : i32
      %parallel_loop3A_629 = arith.constant 2 : i32
      %parallel_loop3A_630 = arith.index_cast %parallel_loop3A_629 : i32 to index
      %parallel_loop3A_631 = arith.index_cast %parallel_loop3A_612 : i32 to index
      %parallel_loop3A_632 = arith.index_cast %parallel_loop3A_628 : i32 to index
      %parallel_loop3A_633 = arith.constant 80 : index
      %parallel_loop3A_634 = tpu.vector_load %arg7[%parallel_loop3A_630, %parallel_loop3A_631, %parallel_loop3A_632, %parallel_loop3A_633] {strides = array<i32>} : memref<4x8x8x128xf32, #tpu.memory_space<vmem>>, vector<16xf32>,
      tpu.vector_store %arg7[%parallel_loop3A_630, %parallel_loop3A_631, %parallel_loop3A_632, %parallel_loop3A_633], %parallel_loop3A_588 {strides = array<i32>} : memref<4x8x8x128xf32, #tpu.memory_space<vmem>>, vector<16xf32>,
      %parallel_loop3A_635 = tpu.memref_slice %arg5[%parallel_loop3A_346] : memref<32768xf32, #tpu.memory_space<vmem>> -> memref<512xf32, #tpu.memory_space<vmem>>
      %parallel_loop3A_636 = tpu.vector_load_idx %parallel_loop3A_635[%get3A_147] : memref<512xf32, #tpu.memory_space<vmem>>[vector<16xi32>], vector<16xf32>,
      %parallel_loop3A_637 = arith.constant 8 : i32
      %parallel_loop3A_638 = arith.divsi %parallel_loop3A_344, %parallel_loop3A_637 : i32
      %parallel_loop3A_639 = arith.constant 0 : i32
      %parallel_loop3A_640 = arith.cmpi sgt, %parallel_loop3A_344, %parallel_loop3A_639 : i32
      %parallel_loop3A_641 = arith.extui %parallel_loop3A_640 : i1 to i32
      %parallel_loop3A_642 = arith.constant 0 : i32
      %parallel_loop3A_643 = arith.cmpi slt, %parallel_loop3A_344, %parallel_loop3A_642 : i32
      %parallel_loop3A_644 = arith.extui %parallel_loop3A_643 : i1 to i32
      %parallel_loop3A_645 = arith.subi %parallel_loop3A_641, %parallel_loop3A_644 : i32
      %parallel_loop3A_646 = arith.constant 0 : i32
      %parallel_loop3A_647 = arith.cmpi sgt, %parallel_loop3A_637, %parallel_loop3A_646 : i32
      %parallel_loop3A_648 = arith.extui %parallel_loop3A_647 : i1 to i32
      %parallel_loop3A_649 = arith.constant 0 : i32
      %parallel_loop3A_650 = arith.cmpi slt, %parallel_loop3A_637, %parallel_loop3A_649 : i32
      %parallel_loop3A_651 = arith.extui %parallel_loop3A_650 : i1 to i32
      %parallel_loop3A_652 = arith.subi %parallel_loop3A_648, %parallel_loop3A_651 : i32
      %parallel_loop3A_653 = arith.cmpi ne, %parallel_loop3A_645, %parallel_loop3A_652 : i32
      %parallel_loop3A_654 = arith.remsi %parallel_loop3A_344, %parallel_loop3A_637 : i32
      %parallel_loop3A_655 = arith.constant 0 : i32
      %parallel_loop3A_656 = arith.cmpi ne, %parallel_loop3A_654, %parallel_loop3A_655 : i32
      %parallel_loop3A_657 = arith.andi %parallel_loop3A_653, %parallel_loop3A_656 : i1
      %parallel_loop3A_658 = arith.constant 1 : i32
      %parallel_loop3A_659 = arith.subi %parallel_loop3A_638, %parallel_loop3A_658 : i32
      %parallel_loop3A_660 = arith.select %parallel_loop3A_657, %parallel_loop3A_659, %parallel_loop3A_638 : i32
      %parallel_loop3A_661 = arith.constant 8 : i32
      %parallel_loop3A_662 = arith.constant 0 : i32
      %parallel_loop3A_663 = arith.cmpi eq, %parallel_loop3A_661, %parallel_loop3A_662 : i32
      %parallel_loop3A_664 = arith.constant 1 : i32
      %parallel_loop3A_665 = arith.select %parallel_loop3A_663, %parallel_loop3A_664, %parallel_loop3A_661 : i32
      %parallel_loop3A_666 = arith.remsi %parallel_loop3A_344, %parallel_loop3A_665 : i32
      %parallel_loop3A_667 = arith.constant 0 : i32
      %parallel_loop3A_668 = arith.cmpi ne, %parallel_loop3A_666, %parallel_loop3A_667 : i32
      %parallel_loop3A_669 = arith.constant 0 : i32
      %parallel_loop3A_670 = arith.cmpi slt, %parallel_loop3A_666, %parallel_loop3A_669 : i32
      %parallel_loop3A_671 = arith.constant 0 : i32
      %parallel_loop3A_672 = arith.cmpi slt, %parallel_loop3A_665, %parallel_loop3A_671 : i32
      %parallel_loop3A_673 = arith.xori %parallel_loop3A_670, %parallel_loop3A_672 : i1
      %parallel_loop3A_674 = arith.andi %parallel_loop3A_673, %parallel_loop3A_668 : i1
      %parallel_loop3A_675 = arith.addi %parallel_loop3A_666, %parallel_loop3A_665 : i32
      %parallel_loop3A_676 = arith.select %parallel_loop3A_674, %parallel_loop3A_675, %parallel_loop3A_666 : i32
      %parallel_loop3A_677 = arith.constant 2 : i32
      %parallel_loop3A_678 = arith.index_cast %parallel_loop3A_677 : i32 to index
      %parallel_loop3A_679 = arith.index_cast %parallel_loop3A_660 : i32 to index
      %parallel_loop3A_680 = arith.index_cast %parallel_loop3A_676 : i32 to index
      %parallel_loop3A_681 = arith.constant 96 : index
      %parallel_loop3A_682 = tpu.vector_load %arg7[%parallel_loop3A_678, %parallel_loop3A_679, %parallel_loop3A_680, %parallel_loop3A_681] {strides = array<i32>} : memref<4x8x8x128xf32, #tpu.memory_space<vmem>>, vector<16xf32>,
      tpu.vector_store %arg7[%parallel_loop3A_678, %parallel_loop3A_679, %parallel_loop3A_680, %parallel_loop3A_681], %parallel_loop3A_636 {strides = array<i32>} : memref<4x8x8x128xf32, #tpu.memory_space<vmem>>, vector<16xf32>,
      %parallel_loop3A_683 = tpu.memref_slice %arg5[%parallel_loop3A_346] : memref<32768xf32, #tpu.memory_space<vmem>> -> memref<512xf32, #tpu.memory_space<vmem>>
      %parallel_loop3A_684 = tpu.vector_load_idx %parallel_loop3A_683[%get3A_151] : memref<512xf32, #tpu.memory_space<vmem>>[vector<16xi32>], vector<16xf32>,
      %parallel_loop3A_685 = arith.constant 8 : i32
      %parallel_loop3A_686 = arith.divsi %parallel_loop3A_344, %parallel_loop3A_685 : i32
      %parallel_loop3A_687 = arith.constant 0 : i32
      %parallel_loop3A_688 = arith.cmpi sgt, %parallel_loop3A_344, %parallel_loop3A_687 : i32
      %parallel_loop3A_689 = arith.extui %parallel_loop3A_688 : i1 to i32
      %parallel_loop3A_690 = arith.constant 0 : i32
      %parallel_loop3A_691 = arith.cmpi slt, %parallel_loop3A_344, %parallel_loop3A_690 : i32
      %parallel_loop3A_692 = arith.extui %parallel_loop3A_691 : i1 to i32
      %parallel_loop3A_693 = arith.subi %parallel_loop3A_689, %parallel_loop3A_692 : i32
      %parallel_loop3A_694 = arith.constant 0 : i32
      %parallel_loop3A_695 = arith.cmpi sgt, %parallel_loop3A_685, %parallel_loop3A_694 : i32
      %parallel_loop3A_696 = arith.extui %parallel_loop3A_695 : i1 to i32
      %parallel_loop3A_697 = arith.constant 0 : i32
      %parallel_loop3A_698 = arith.cmpi slt, %parallel_loop3A_685, %parallel_loop3A_697 : i32
      %parallel_loop3A_699 = arith.extui %parallel_loop3A_698 : i1 to i32
      %parallel_loop3A_700 = arith.subi %parallel_loop3A_696, %parallel_loop3A_699 : i32
      %parallel_loop3A_701 = arith.cmpi ne, %parallel_loop3A_693, %parallel_loop3A_700 : i32
      %parallel_loop3A_702 = arith.remsi %parallel_loop3A_344, %parallel_loop3A_685 : i32
      %parallel_loop3A_703 = arith.constant 0 : i32
      %parallel_loop3A_704 = arith.cmpi ne, %parallel_loop3A_702, %parallel_loop3A_703 : i32
      %parallel_loop3A_705 = arith.andi %parallel_loop3A_701, %parallel_loop3A_704 : i1
      %parallel_loop3A_706 = arith.constant 1 : i32
      %parallel_loop3A_707 = arith.subi %parallel_loop3A_686, %parallel_loop3A_706 : i32
      %parallel_loop3A_708 = arith.select %parallel_loop3A_705, %parallel_loop3A_707, %parallel_loop3A_686 : i32
      %parallel_loop3A_709 = arith.constant 8 : i32
      %parallel_loop3A_710 = arith.constant 0 : i32
      %parallel_loop3A_711 = arith.cmpi eq, %parallel_loop3A_709, %parallel_loop3A_710 : i32
      %parallel_loop3A_712 = arith.constant 1 : i32
      %parallel_loop3A_713 = arith.select %parallel_loop3A_711, %parallel_loop3A_712, %parallel_loop3A_709 : i32
      %parallel_loop3A_714 = arith.remsi %parallel_loop3A_344, %parallel_loop3A_713 : i32
      %parallel_loop3A_715 = arith.constant 0 : i32
      %parallel_loop3A_716 = arith.cmpi ne, %parallel_loop3A_714, %parallel_loop3A_715 : i32
      %parallel_loop3A_717 = arith.constant 0 : i32
      %parallel_loop3A_718 = arith.cmpi slt, %parallel_loop3A_714, %parallel_loop3A_717 : i32
      %parallel_loop3A_719 = arith.constant 0 : i32
      %parallel_loop3A_720 = arith.cmpi slt, %parallel_loop3A_713, %parallel_loop3A_719 : i32
      %parallel_loop3A_721 = arith.xori %parallel_loop3A_718, %parallel_loop3A_720 : i1
      %parallel_loop3A_722 = arith.andi %parallel_loop3A_721, %parallel_loop3A_716 : i1
      %parallel_loop3A_723 = arith.addi %parallel_loop3A_714, %parallel_loop3A_713 : i32
      %parallel_loop3A_724 = arith.select %parallel_loop3A_722, %parallel_loop3A_723, %parallel_loop3A_714 : i32
      %parallel_loop3A_725 = arith.constant 2 : i32
      %parallel_loop3A_726 = arith.index_cast %parallel_loop3A_725 : i32 to index
      %parallel_loop3A_727 = arith.index_cast %parallel_loop3A_708 : i32 to index
      %parallel_loop3A_728 = arith.index_cast %parallel_loop3A_724 : i32 to index
      %parallel_loop3A_729 = arith.constant 112 : index
      %parallel_loop3A_730 = tpu.vector_load %arg7[%parallel_loop3A_726, %parallel_loop3A_727, %parallel_loop3A_728, %parallel_loop3A_729] {strides = array<i32>} : memref<4x8x8x128xf32, #tpu.memory_space<vmem>>, vector<16xf32>,
      tpu.vector_store %arg7[%parallel_loop3A_726, %parallel_loop3A_727, %parallel_loop3A_728, %parallel_loop3A_729], %parallel_loop3A_684 {strides = array<i32>} : memref<4x8x8x128xf32, #tpu.memory_space<vmem>>, vector<16xf32>,
    } {sc.loop_unroll_factor = 4 : i64, sc.parallel_access}
    %dma_start3A_155 = arith.constant 2 : i32
    %dma_start3A_156 = arith.constant 2 : i32
    %dma_start3A_157 = arith.constant 2 : i32
    %dma_start3A_158 = arith.constant 0 : i32
    %dma_start3A_159 = arith.constant 0 : i32
    %dma_start3A_160 = arith.constant 0 : i32
    %dma_start3A_161 = tpu.memref_slice %arg7[%dma_start3A_155, %dma_start3A_158, %dma_start3A_159, %dma_start3A_160] : memref<4x8x8x128xf32, #tpu.memory_space<vmem>> -> memref<1x8x8x128xf32, #tpu.memory_space<vmem>>
    %dma_start3A_162 = tpu.memref_squeeze %dma_start3A_161 : memref<1x8x8x128xf32, #tpu.memory_space<vmem>> -> memref<8x8x128xf32, #tpu.memory_space<vmem>>
    %dma_start3A_163 = arith.constant 0 : i32
    %dma_start3A_164 = arith.constant 0 : i32
    %dma_start3A_165 = arith.constant 0 : i32
    %dma_start3A_166 = tpu.memref_slice %arg4[%dma_start3A_156, %dma_start3A_163, %add3A, %dma_start3A_164, %dma_start3A_165] : memref<200x8x32x8x128xf32, #tpu.memory_space<hbm>> -> memref<1x8x1x8x128xf32, #tpu.memory_space<hbm>>
    %dma_start3A_167 = tpu.memref_squeeze %dma_start3A_166 : memref<1x8x1x8x128xf32, #tpu.memory_space<hbm>> -> memref<8x8x128xf32, #tpu.memory_space<hbm>>
    %dma_start3A_168 = tpu.memref_slice %arg8[%dma_start3A_157] : memref<4x!tpu.dma_semaphore, #tpu.memory_space<semaphore_mem>> -> memref<1x!tpu.dma_semaphore, #tpu.memory_space<semaphore_mem>>
    %dma_start3A_169 = tpu.memref_squeeze %dma_start3A_168 : memref<1x!tpu.dma_semaphore, #tpu.memory_space<semaphore_mem>> -> memref<!tpu.dma_semaphore, #tpu.memory_space<semaphore_mem>>
    %dma_start3A_170 = arith.constant 0 : i32
    %dma_start3A_171 = arith.constant 0 : i32
    %dma_start3A_172 = arith.constant 0 : i32
    %dma_start3A_173 = tpu.memref_slice %arg4[%dma_start3A_156, %dma_start3A_170, %add3A, %dma_start3A_171, %dma_start3A_172] : memref<200x8x32x8x128xf32, #tpu.memory_space<hbm>> -> memref<1x8x1x8x128xf32, #tpu.memory_space<hbm>>
    %dma_start3A_174 = tpu.memref_squeeze %dma_start3A_173 : memref<1x8x1x8x128xf32, #tpu.memory_space<hbm>> -> memref<8x8x128xf32, #tpu.memory_space<hbm>>
    %dma_start3A_175 = arith.constant 0 : i32
    %dma_start3A_176 = arith.constant 0 : i32
    %dma_start3A_177 = arith.constant 0 : i32
    %dma_start3A_178 = tpu.memref_slice %arg7[%dma_start3A_155, %dma_start3A_175, %dma_start3A_176, %dma_start3A_177] : memref<4x8x8x128xf32, #tpu.memory_space<vmem>> -> memref<1x8x8x128xf32, #tpu.memory_space<vmem>>
    %dma_start3A_179 = tpu.memref_squeeze %dma_start3A_178 : memref<1x8x8x128xf32, #tpu.memory_space<vmem>> -> memref<8x8x128xf32, #tpu.memory_space<vmem>>
    tpu.enqueue_dma source(%dma_start3A_179 : memref<8x8x128xf32, #tpu.memory_space<vmem>>) target(%dma_start3A_174 : memref<8x8x128xf32, #tpu.memory_space<hbm>>) target_semaphore(%dma_start3A_169 : memref<!tpu.dma_semaphore, #tpu.memory_space<semaphore_mem>>)
    %get3A_180 = arith.constant 3 : i32
    %get3A_181 = arith.index_cast %get3A_180 : i32 to index
    %get3A_182 = arith.constant 0 : index
    %get3A_183 = tpu.vector_load %arg6[%get3A_181, %get3A_182] {strides = array<i32>} : memref<200x128xi32, #tpu.memory_space<vmem>>, vector<16xi32>,
    %get3A_184 = arith.constant 3 : i32
    %get3A_185 = arith.index_cast %get3A_184 : i32 to index
    %get3A_186 = arith.constant 16 : index
    %get3A_187 = tpu.vector_load %arg6[%get3A_185, %get3A_186] {strides = array<i32>} : memref<200x128xi32, #tpu.memory_space<vmem>>, vector<16xi32>,
    %get3A_188 = arith.constant 3 : i32
    %get3A_189 = arith.index_cast %get3A_188 : i32 to index
    %get3A_190 = arith.constant 32 : index
    %get3A_191 = tpu.vector_load %arg6[%get3A_189, %get3A_190] {strides = array<i32>} : memref<200x128xi32, #tpu.memory_space<vmem>>, vector<16xi32>,
    %get3A_192 = arith.constant 3 : i32
    %get3A_193 = arith.index_cast %get3A_192 : i32 to index
    %get3A_194 = arith.constant 48 : index
    %get3A_195 = tpu.vector_load %arg6[%get3A_193, %get3A_194] {strides = array<i32>} : memref<200x128xi32, #tpu.memory_space<vmem>>, vector<16xi32>,
    %get3A_196 = arith.constant 3 : i32
    %get3A_197 = arith.index_cast %get3A_196 : i32 to index
    %get3A_198 = arith.constant 64 : index
    %get3A_199 = tpu.vector_load %arg6[%get3A_197, %get3A_198] {strides = array<i32>} : memref<200x128xi32, #tpu.memory_space<vmem>>, vector<16xi32>,
    %get3A_200 = arith.constant 3 : i32
    %get3A_201 = arith.index_cast %get3A_200 : i32 to index
    %get3A_202 = arith.constant 80 : index
    %get3A_203 = tpu.vector_load %arg6[%get3A_201, %get3A_202] {strides = array<i32>} : memref<200x128xi32, #tpu.memory_space<vmem>>, vector<16xi32>,
    %get3A_204 = arith.constant 3 : i32
    %get3A_205 = arith.index_cast %get3A_204 : i32 to index
    %get3A_206 = arith.constant 96 : index
    %get3A_207 = tpu.vector_load %arg6[%get3A_205, %get3A_206] {strides = array<i32>} : memref<200x128xi32, #tpu.memory_space<vmem>>, vector<16xi32>,
    %get3A_208 = arith.constant 3 : i32
    %get3A_209 = arith.index_cast %get3A_208 : i32 to index
    %get3A_210 = arith.constant 112 : index
    %get3A_211 = tpu.vector_load %arg6[%get3A_209, %get3A_210] {strides = array<i32>} : memref<200x128xi32, #tpu.memory_space<vmem>>, vector<16xi32>,
    %parallel_loop3A_212 = arith.constant 0 : i32
    %parallel_loop3A_213 = arith.constant 64 : i32
    %parallel_loop3A_214 = arith.constant 1 : i32
    scf.for %parallel_loop3A_344 = %parallel_loop3A_212 to %parallel_loop3A_213 step %parallel_loop3A_214  : i32 {
      %parallel_loop3A_345 = arith.constant 512 : i32
      %parallel_loop3A_346 = arith.muli %parallel_loop3A_344, %parallel_loop3A_345 : i32
      %parallel_loop3A_347 = tpu.memref_slice %arg5[%parallel_loop3A_346] : memref<32768xf32, #tpu.memory_space<vmem>> -> memref<512xf32, #tpu.memory_space<vmem>>
      %parallel_loop3A_348 = tpu.vector_load_idx %parallel_loop3A_347[%get3A_183] : memref<512xf32, #tpu.memory_space<vmem>>[vector<16xi32>], vector<16xf32>,
      %parallel_loop3A_349 = arith.constant 8 : i32
      %parallel_loop3A_350 = arith.divsi %parallel_loop3A_344, %parallel_loop3A_349 : i32
      %parallel_loop3A_351 = arith.constant 0 : i32
      %parallel_loop3A_352 = arith.cmpi sgt, %parallel_loop3A_344, %parallel_loop3A_351 : i32
      %parallel_loop3A_353 = arith.extui %parallel_loop3A_352 : i1 to i32
      %parallel_loop3A_354 = arith.constant 0 : i32
      %parallel_loop3A_355 = arith.cmpi slt, %parallel_loop3A_344, %parallel_loop3A_354 : i32
      %parallel_loop3A_356 = arith.extui %parallel_loop3A_355 : i1 to i32
      %parallel_loop3A_357 = arith.subi %parallel_loop3A_353, %parallel_loop3A_356 : i32
      %parallel_loop3A_358 = arith.constant 0 : i32
      %parallel_loop3A_359 = arith.cmpi sgt, %parallel_loop3A_349, %parallel_loop3A_358 : i32
      %parallel_loop3A_360 = arith.extui %parallel_loop3A_359 : i1 to i32
      %parallel_loop3A_361 = arith.constant 0 : i32
      %parallel_loop3A_362 = arith.cmpi slt, %parallel_loop3A_349, %parallel_loop3A_361 : i32
      %parallel_loop3A_363 = arith.extui %parallel_loop3A_362 : i1 to i32
      %parallel_loop3A_364 = arith.subi %parallel_loop3A_360, %parallel_loop3A_363 : i32
      %parallel_loop3A_365 = arith.cmpi ne, %parallel_loop3A_357, %parallel_loop3A_364 : i32
      %parallel_loop3A_366 = arith.remsi %parallel_loop3A_344, %parallel_loop3A_349 : i32
      %parallel_loop3A_367 = arith.constant 0 : i32
      %parallel_loop3A_368 = arith.cmpi ne, %parallel_loop3A_366, %parallel_loop3A_367 : i32
      %parallel_loop3A_369 = arith.andi %parallel_loop3A_365, %parallel_loop3A_368 : i1
      %parallel_loop3A_370 = arith.constant 1 : i32
      %parallel_loop3A_371 = arith.subi %parallel_loop3A_350, %parallel_loop3A_370 : i32
      %parallel_loop3A_372 = arith.select %parallel_loop3A_369, %parallel_loop3A_371, %parallel_loop3A_350 : i32
      %parallel_loop3A_373 = arith.constant 8 : i32
      %parallel_loop3A_374 = arith.constant 0 : i32
      %parallel_loop3A_375 = arith.cmpi eq, %parallel_loop3A_373, %parallel_loop3A_374 : i32
      %parallel_loop3A_376 = arith.constant 1 : i32
      %parallel_loop3A_377 = arith.select %parallel_loop3A_375, %parallel_loop3A_376, %parallel_loop3A_373 : i32
      %parallel_loop3A_378 = arith.remsi %parallel_loop3A_344, %parallel_loop3A_377 : i32
      %parallel_loop3A_379 = arith.constant 0 : i32
      %parallel_loop3A_380 = arith.cmpi ne, %parallel_loop3A_378, %parallel_loop3A_379 : i32
      %parallel_loop3A_381 = arith.constant 0 : i32
      %parallel_loop3A_382 = arith.cmpi slt, %parallel_loop3A_378, %parallel_loop3A_381 : i32
      %parallel_loop3A_383 = arith.constant 0 : i32
      %parallel_loop3A_384 = arith.cmpi slt, %parallel_loop3A_377, %parallel_loop3A_383 : i32
      %parallel_loop3A_385 = arith.xori %parallel_loop3A_382, %parallel_loop3A_384 : i1
      %parallel_loop3A_386 = arith.andi %parallel_loop3A_385, %parallel_loop3A_380 : i1
      %parallel_loop3A_387 = arith.addi %parallel_loop3A_378, %parallel_loop3A_377 : i32
      %parallel_loop3A_388 = arith.select %parallel_loop3A_386, %parallel_loop3A_387, %parallel_loop3A_378 : i32
      %parallel_loop3A_389 = arith.constant 3 : i32
      %parallel_loop3A_390 = arith.index_cast %parallel_loop3A_389 : i32 to index
      %parallel_loop3A_391 = arith.index_cast %parallel_loop3A_372 : i32 to index
      %parallel_loop3A_392 = arith.index_cast %parallel_loop3A_388 : i32 to index
      %parallel_loop3A_393 = arith.constant 0 : index
      %parallel_loop3A_394 = tpu.vector_load %arg7[%parallel_loop3A_390, %parallel_loop3A_391, %parallel_loop3A_392, %parallel_loop3A_393] {strides = array<i32>} : memref<4x8x8x128xf32, #tpu.memory_space<vmem>>, vector<16xf32>,
      tpu.vector_store %arg7[%parallel_loop3A_390, %parallel_loop3A_391, %parallel_loop3A_392, %parallel_loop3A_393], %parallel_loop3A_348 {strides = array<i32>} : memref<4x8x8x128xf32, #tpu.memory_space<vmem>>, vector<16xf32>,
      %parallel_loop3A_395 = tpu.memref_slice %arg5[%parallel_loop3A_346] : memref<32768xf32, #tpu.memory_space<vmem>> -> memref<512xf32, #tpu.memory_space<vmem>>
      %parallel_loop3A_396 = tpu.vector_load_idx %parallel_loop3A_395[%get3A_187] : memref<512xf32, #tpu.memory_space<vmem>>[vector<16xi32>], vector<16xf32>,
      %parallel_loop3A_397 = arith.constant 8 : i32
      %parallel_loop3A_398 = arith.divsi %parallel_loop3A_344, %parallel_loop3A_397 : i32
      %parallel_loop3A_399 = arith.constant 0 : i32
      %parallel_loop3A_400 = arith.cmpi sgt, %parallel_loop3A_344, %parallel_loop3A_399 : i32
      %parallel_loop3A_401 = arith.extui %parallel_loop3A_400 : i1 to i32
      %parallel_loop3A_402 = arith.constant 0 : i32
      %parallel_loop3A_403 = arith.cmpi slt, %parallel_loop3A_344, %parallel_loop3A_402 : i32
      %parallel_loop3A_404 = arith.extui %parallel_loop3A_403 : i1 to i32
      %parallel_loop3A_405 = arith.subi %parallel_loop3A_401, %parallel_loop3A_404 : i32
      %parallel_loop3A_406 = arith.constant 0 : i32
      %parallel_loop3A_407 = arith.cmpi sgt, %parallel_loop3A_397, %parallel_loop3A_406 : i32
      %parallel_loop3A_408 = arith.extui %parallel_loop3A_407 : i1 to i32
      %parallel_loop3A_409 = arith.constant 0 : i32
      %parallel_loop3A_410 = arith.cmpi slt, %parallel_loop3A_397, %parallel_loop3A_409 : i32
      %parallel_loop3A_411 = arith.extui %parallel_loop3A_410 : i1 to i32
      %parallel_loop3A_412 = arith.subi %parallel_loop3A_408, %parallel_loop3A_411 : i32
      %parallel_loop3A_413 = arith.cmpi ne, %parallel_loop3A_405, %parallel_loop3A_412 : i32
      %parallel_loop3A_414 = arith.remsi %parallel_loop3A_344, %parallel_loop3A_397 : i32
      %parallel_loop3A_415 = arith.constant 0 : i32
      %parallel_loop3A_416 = arith.cmpi ne, %parallel_loop3A_414, %parallel_loop3A_415 : i32
      %parallel_loop3A_417 = arith.andi %parallel_loop3A_413, %parallel_loop3A_416 : i1
      %parallel_loop3A_418 = arith.constant 1 : i32
      %parallel_loop3A_419 = arith.subi %parallel_loop3A_398, %parallel_loop3A_418 : i32
      %parallel_loop3A_420 = arith.select %parallel_loop3A_417, %parallel_loop3A_419, %parallel_loop3A_398 : i32
      %parallel_loop3A_421 = arith.constant 8 : i32
      %parallel_loop3A_422 = arith.constant 0 : i32
      %parallel_loop3A_423 = arith.cmpi eq, %parallel_loop3A_421, %parallel_loop3A_422 : i32
      %parallel_loop3A_424 = arith.constant 1 : i32
      %parallel_loop3A_425 = arith.select %parallel_loop3A_423, %parallel_loop3A_424, %parallel_loop3A_421 : i32
      %parallel_loop3A_426 = arith.remsi %parallel_loop3A_344, %parallel_loop3A_425 : i32
      %parallel_loop3A_427 = arith.constant 0 : i32
      %parallel_loop3A_428 = arith.cmpi ne, %parallel_loop3A_426, %parallel_loop3A_427 : i32
      %parallel_loop3A_429 = arith.constant 0 : i32
      %parallel_loop3A_430 = arith.cmpi slt, %parallel_loop3A_426, %parallel_loop3A_429 : i32
      %parallel_loop3A_431 = arith.constant 0 : i32
      %parallel_loop3A_432 = arith.cmpi slt, %parallel_loop3A_425, %parallel_loop3A_431 : i32
      %parallel_loop3A_433 = arith.xori %parallel_loop3A_430, %parallel_loop3A_432 : i1
      %parallel_loop3A_434 = arith.andi %parallel_loop3A_433, %parallel_loop3A_428 : i1
      %parallel_loop3A_435 = arith.addi %parallel_loop3A_426, %parallel_loop3A_425 : i32
      %parallel_loop3A_436 = arith.select %parallel_loop3A_434, %parallel_loop3A_435, %parallel_loop3A_426 : i32
      %parallel_loop3A_437 = arith.constant 3 : i32
      %parallel_loop3A_438 = arith.index_cast %parallel_loop3A_437 : i32 to index
      %parallel_loop3A_439 = arith.index_cast %parallel_loop3A_420 : i32 to index
      %parallel_loop3A_440 = arith.index_cast %parallel_loop3A_436 : i32 to index
      %parallel_loop3A_441 = arith.constant 16 : index
      %parallel_loop3A_442 = tpu.vector_load %arg7[%parallel_loop3A_438, %parallel_loop3A_439, %parallel_loop3A_440, %parallel_loop3A_441] {strides = array<i32>} : memref<4x8x8x128xf32, #tpu.memory_space<vmem>>, vector<16xf32>,
      tpu.vector_store %arg7[%parallel_loop3A_438, %parallel_loop3A_439, %parallel_loop3A_440, %parallel_loop3A_441], %parallel_loop3A_396 {strides = array<i32>} : memref<4x8x8x128xf32, #tpu.memory_space<vmem>>, vector<16xf32>,
      %parallel_loop3A_443 = tpu.memref_slice %arg5[%parallel_loop3A_346] : memref<32768xf32, #tpu.memory_space<vmem>> -> memref<512xf32, #tpu.memory_space<vmem>>
      %parallel_loop3A_444 = tpu.vector_load_idx %parallel_loop3A_443[%get3A_191] : memref<512xf32, #tpu.memory_space<vmem>>[vector<16xi32>], vector<16xf32>,
      %parallel_loop3A_445 = arith.constant 8 : i32
      %parallel_loop3A_446 = arith.divsi %parallel_loop3A_344, %parallel_loop3A_445 : i32
      %parallel_loop3A_447 = arith.constant 0 : i32
      %parallel_loop3A_448 = arith.cmpi sgt, %parallel_loop3A_344, %parallel_loop3A_447 : i32
      %parallel_loop3A_449 = arith.extui %parallel_loop3A_448 : i1 to i32
      %parallel_loop3A_450 = arith.constant 0 : i32
      %parallel_loop3A_451 = arith.cmpi slt, %parallel_loop3A_344, %parallel_loop3A_450 : i32
      %parallel_loop3A_452 = arith.extui %parallel_loop3A_451 : i1 to i32
      %parallel_loop3A_453 = arith.subi %parallel_loop3A_449, %parallel_loop3A_452 : i32
      %parallel_loop3A_454 = arith.constant 0 : i32
      %parallel_loop3A_455 = arith.cmpi sgt, %parallel_loop3A_445, %parallel_loop3A_454 : i32
      %parallel_loop3A_456 = arith.extui %parallel_loop3A_455 : i1 to i32
      %parallel_loop3A_457 = arith.constant 0 : i32
      %parallel_loop3A_458 = arith.cmpi slt, %parallel_loop3A_445, %parallel_loop3A_457 : i32
      %parallel_loop3A_459 = arith.extui %parallel_loop3A_458 : i1 to i32
      %parallel_loop3A_460 = arith.subi %parallel_loop3A_456, %parallel_loop3A_459 : i32
      %parallel_loop3A_461 = arith.cmpi ne, %parallel_loop3A_453, %parallel_loop3A_460 : i32
      %parallel_loop3A_462 = arith.remsi %parallel_loop3A_344, %parallel_loop3A_445 : i32
      %parallel_loop3A_463 = arith.constant 0 : i32
      %parallel_loop3A_464 = arith.cmpi ne, %parallel_loop3A_462, %parallel_loop3A_463 : i32
      %parallel_loop3A_465 = arith.andi %parallel_loop3A_461, %parallel_loop3A_464 : i1
      %parallel_loop3A_466 = arith.constant 1 : i32
      %parallel_loop3A_467 = arith.subi %parallel_loop3A_446, %parallel_loop3A_466 : i32
      %parallel_loop3A_468 = arith.select %parallel_loop3A_465, %parallel_loop3A_467, %parallel_loop3A_446 : i32
      %parallel_loop3A_469 = arith.constant 8 : i32
      %parallel_loop3A_470 = arith.constant 0 : i32
      %parallel_loop3A_471 = arith.cmpi eq, %parallel_loop3A_469, %parallel_loop3A_470 : i32
      %parallel_loop3A_472 = arith.constant 1 : i32
      %parallel_loop3A_473 = arith.select %parallel_loop3A_471, %parallel_loop3A_472, %parallel_loop3A_469 : i32
      %parallel_loop3A_474 = arith.remsi %parallel_loop3A_344, %parallel_loop3A_473 : i32
      %parallel_loop3A_475 = arith.constant 0 : i32
      %parallel_loop3A_476 = arith.cmpi ne, %parallel_loop3A_474, %parallel_loop3A_475 : i32
      %parallel_loop3A_477 = arith.constant 0 : i32
      %parallel_loop3A_478 = arith.cmpi slt, %parallel_loop3A_474, %parallel_loop3A_477 : i32
      %parallel_loop3A_479 = arith.constant 0 : i32
      %parallel_loop3A_480 = arith.cmpi slt, %parallel_loop3A_473, %parallel_loop3A_479 : i32
      %parallel_loop3A_481 = arith.xori %parallel_loop3A_478, %parallel_loop3A_480 : i1
      %parallel_loop3A_482 = arith.andi %parallel_loop3A_481, %parallel_loop3A_476 : i1
      %parallel_loop3A_483 = arith.addi %parallel_loop3A_474, %parallel_loop3A_473 : i32
      %parallel_loop3A_484 = arith.select %parallel_loop3A_482, %parallel_loop3A_483, %parallel_loop3A_474 : i32
      %parallel_loop3A_485 = arith.constant 3 : i32
      %parallel_loop3A_486 = arith.index_cast %parallel_loop3A_485 : i32 to index
      %parallel_loop3A_487 = arith.index_cast %parallel_loop3A_468 : i32 to index
      %parallel_loop3A_488 = arith.index_cast %parallel_loop3A_484 : i32 to index
      %parallel_loop3A_489 = arith.constant 32 : index
      %parallel_loop3A_490 = tpu.vector_load %arg7[%parallel_loop3A_486, %parallel_loop3A_487, %parallel_loop3A_488, %parallel_loop3A_489] {strides = array<i32>} : memref<4x8x8x128xf32, #tpu.memory_space<vmem>>, vector<16xf32>,
      tpu.vector_store %arg7[%parallel_loop3A_486, %parallel_loop3A_487, %parallel_loop3A_488, %parallel_loop3A_489], %parallel_loop3A_444 {strides = array<i32>} : memref<4x8x8x128xf32, #tpu.memory_space<vmem>>, vector<16xf32>,
      %parallel_loop3A_491 = tpu.memref_slice %arg5[%parallel_loop3A_346] : memref<32768xf32, #tpu.memory_space<vmem>> -> memref<512xf32, #tpu.memory_space<vmem>>
      %parallel_loop3A_492 = tpu.vector_load_idx %parallel_loop3A_491[%get3A_195] : memref<512xf32, #tpu.memory_space<vmem>>[vector<16xi32>], vector<16xf32>,
      %parallel_loop3A_493 = arith.constant 8 : i32
      %parallel_loop3A_494 = arith.divsi %parallel_loop3A_344, %parallel_loop3A_493 : i32
      %parallel_loop3A_495 = arith.constant 0 : i32
      %parallel_loop3A_496 = arith.cmpi sgt, %parallel_loop3A_344, %parallel_loop3A_495 : i32
      %parallel_loop3A_497 = arith.extui %parallel_loop3A_496 : i1 to i32
      %parallel_loop3A_498 = arith.constant 0 : i32
      %parallel_loop3A_499 = arith.cmpi slt, %parallel_loop3A_344, %parallel_loop3A_498 : i32
      %parallel_loop3A_500 = arith.extui %parallel_loop3A_499 : i1 to i32
      %parallel_loop3A_501 = arith.subi %parallel_loop3A_497, %parallel_loop3A_500 : i32
      %parallel_loop3A_502 = arith.constant 0 : i32
      %parallel_loop3A_503 = arith.cmpi sgt, %parallel_loop3A_493, %parallel_loop3A_502 : i32
      %parallel_loop3A_504 = arith.extui %parallel_loop3A_503 : i1 to i32
      %parallel_loop3A_505 = arith.constant 0 : i32
      %parallel_loop3A_506 = arith.cmpi slt, %parallel_loop3A_493, %parallel_loop3A_505 : i32
      %parallel_loop3A_507 = arith.extui %parallel_loop3A_506 : i1 to i32
      %parallel_loop3A_508 = arith.subi %parallel_loop3A_504, %parallel_loop3A_507 : i32
      %parallel_loop3A_509 = arith.cmpi ne, %parallel_loop3A_501, %parallel_loop3A_508 : i32
      %parallel_loop3A_510 = arith.remsi %parallel_loop3A_344, %parallel_loop3A_493 : i32
      %parallel_loop3A_511 = arith.constant 0 : i32
      %parallel_loop3A_512 = arith.cmpi ne, %parallel_loop3A_510, %parallel_loop3A_511 : i32
      %parallel_loop3A_513 = arith.andi %parallel_loop3A_509, %parallel_loop3A_512 : i1
      %parallel_loop3A_514 = arith.constant 1 : i32
      %parallel_loop3A_515 = arith.subi %parallel_loop3A_494, %parallel_loop3A_514 : i32
      %parallel_loop3A_516 = arith.select %parallel_loop3A_513, %parallel_loop3A_515, %parallel_loop3A_494 : i32
      %parallel_loop3A_517 = arith.constant 8 : i32
      %parallel_loop3A_518 = arith.constant 0 : i32
      %parallel_loop3A_519 = arith.cmpi eq, %parallel_loop3A_517, %parallel_loop3A_518 : i32
      %parallel_loop3A_520 = arith.constant 1 : i32
      %parallel_loop3A_521 = arith.select %parallel_loop3A_519, %parallel_loop3A_520, %parallel_loop3A_517 : i32
      %parallel_loop3A_522 = arith.remsi %parallel_loop3A_344, %parallel_loop3A_521 : i32
      %parallel_loop3A_523 = arith.constant 0 : i32
      %parallel_loop3A_524 = arith.cmpi ne, %parallel_loop3A_522, %parallel_loop3A_523 : i32
      %parallel_loop3A_525 = arith.constant 0 : i32
      %parallel_loop3A_526 = arith.cmpi slt, %parallel_loop3A_522, %parallel_loop3A_525 : i32
      %parallel_loop3A_527 = arith.constant 0 : i32
      %parallel_loop3A_528 = arith.cmpi slt, %parallel_loop3A_521, %parallel_loop3A_527 : i32
      %parallel_loop3A_529 = arith.xori %parallel_loop3A_526, %parallel_loop3A_528 : i1
      %parallel_loop3A_530 = arith.andi %parallel_loop3A_529, %parallel_loop3A_524 : i1
      %parallel_loop3A_531 = arith.addi %parallel_loop3A_522, %parallel_loop3A_521 : i32
      %parallel_loop3A_532 = arith.select %parallel_loop3A_530, %parallel_loop3A_531, %parallel_loop3A_522 : i32
      %parallel_loop3A_533 = arith.constant 3 : i32
      %parallel_loop3A_534 = arith.index_cast %parallel_loop3A_533 : i32 to index
      %parallel_loop3A_535 = arith.index_cast %parallel_loop3A_516 : i32 to index
      %parallel_loop3A_536 = arith.index_cast %parallel_loop3A_532 : i32 to index
      %parallel_loop3A_537 = arith.constant 48 : index
      %parallel_loop3A_538 = tpu.vector_load %arg7[%parallel_loop3A_534, %parallel_loop3A_535, %parallel_loop3A_536, %parallel_loop3A_537] {strides = array<i32>} : memref<4x8x8x128xf32, #tpu.memory_space<vmem>>, vector<16xf32>,
      tpu.vector_store %arg7[%parallel_loop3A_534, %parallel_loop3A_535, %parallel_loop3A_536, %parallel_loop3A_537], %parallel_loop3A_492 {strides = array<i32>} : memref<4x8x8x128xf32, #tpu.memory_space<vmem>>, vector<16xf32>,
      %parallel_loop3A_539 = tpu.memref_slice %arg5[%parallel_loop3A_346] : memref<32768xf32, #tpu.memory_space<vmem>> -> memref<512xf32, #tpu.memory_space<vmem>>
      %parallel_loop3A_540 = tpu.vector_load_idx %parallel_loop3A_539[%get3A_199] : memref<512xf32, #tpu.memory_space<vmem>>[vector<16xi32>], vector<16xf32>,
      %parallel_loop3A_541 = arith.constant 8 : i32
      %parallel_loop3A_542 = arith.divsi %parallel_loop3A_344, %parallel_loop3A_541 : i32
      %parallel_loop3A_543 = arith.constant 0 : i32
      %parallel_loop3A_544 = arith.cmpi sgt, %parallel_loop3A_344, %parallel_loop3A_543 : i32
      %parallel_loop3A_545 = arith.extui %parallel_loop3A_544 : i1 to i32
      %parallel_loop3A_546 = arith.constant 0 : i32
      %parallel_loop3A_547 = arith.cmpi slt, %parallel_loop3A_344, %parallel_loop3A_546 : i32
      %parallel_loop3A_548 = arith.extui %parallel_loop3A_547 : i1 to i32
      %parallel_loop3A_549 = arith.subi %parallel_loop3A_545, %parallel_loop3A_548 : i32
      %parallel_loop3A_550 = arith.constant 0 : i32
      %parallel_loop3A_551 = arith.cmpi sgt, %parallel_loop3A_541, %parallel_loop3A_550 : i32
      %parallel_loop3A_552 = arith.extui %parallel_loop3A_551 : i1 to i32
      %parallel_loop3A_553 = arith.constant 0 : i32
      %parallel_loop3A_554 = arith.cmpi slt, %parallel_loop3A_541, %parallel_loop3A_553 : i32
      %parallel_loop3A_555 = arith.extui %parallel_loop3A_554 : i1 to i32
      %parallel_loop3A_556 = arith.subi %parallel_loop3A_552, %parallel_loop3A_555 : i32
      %parallel_loop3A_557 = arith.cmpi ne, %parallel_loop3A_549, %parallel_loop3A_556 : i32
      %parallel_loop3A_558 = arith.remsi %parallel_loop3A_344, %parallel_loop3A_541 : i32
      %parallel_loop3A_559 = arith.constant 0 : i32
      %parallel_loop3A_560 = arith.cmpi ne, %parallel_loop3A_558, %parallel_loop3A_559 : i32
      %parallel_loop3A_561 = arith.andi %parallel_loop3A_557, %parallel_loop3A_560 : i1
      %parallel_loop3A_562 = arith.constant 1 : i32
      %parallel_loop3A_563 = arith.subi %parallel_loop3A_542, %parallel_loop3A_562 : i32
      %parallel_loop3A_564 = arith.select %parallel_loop3A_561, %parallel_loop3A_563, %parallel_loop3A_542 : i32
      %parallel_loop3A_565 = arith.constant 8 : i32
      %parallel_loop3A_566 = arith.constant 0 : i32
      %parallel_loop3A_567 = arith.cmpi eq, %parallel_loop3A_565, %parallel_loop3A_566 : i32
      %parallel_loop3A_568 = arith.constant 1 : i32
      %parallel_loop3A_569 = arith.select %parallel_loop3A_567, %parallel_loop3A_568, %parallel_loop3A_565 : i32
      %parallel_loop3A_570 = arith.remsi %parallel_loop3A_344, %parallel_loop3A_569 : i32
      %parallel_loop3A_571 = arith.constant 0 : i32
      %parallel_loop3A_572 = arith.cmpi ne, %parallel_loop3A_570, %parallel_loop3A_571 : i32
      %parallel_loop3A_573 = arith.constant 0 : i32
      %parallel_loop3A_574 = arith.cmpi slt, %parallel_loop3A_570, %parallel_loop3A_573 : i32
      %parallel_loop3A_575 = arith.constant 0 : i32
      %parallel_loop3A_576 = arith.cmpi slt, %parallel_loop3A_569, %parallel_loop3A_575 : i32
      %parallel_loop3A_577 = arith.xori %parallel_loop3A_574, %parallel_loop3A_576 : i1
      %parallel_loop3A_578 = arith.andi %parallel_loop3A_577, %parallel_loop3A_572 : i1
      %parallel_loop3A_579 = arith.addi %parallel_loop3A_570, %parallel_loop3A_569 : i32
      %parallel_loop3A_580 = arith.select %parallel_loop3A_578, %parallel_loop3A_579, %parallel_loop3A_570 : i32
      %parallel_loop3A_581 = arith.constant 3 : i32
      %parallel_loop3A_582 = arith.index_cast %parallel_loop3A_581 : i32 to index
      %parallel_loop3A_583 = arith.index_cast %parallel_loop3A_564 : i32 to index
      %parallel_loop3A_584 = arith.index_cast %parallel_loop3A_580 : i32 to index
      %parallel_loop3A_585 = arith.constant 64 : index
      %parallel_loop3A_586 = tpu.vector_load %arg7[%parallel_loop3A_582, %parallel_loop3A_583, %parallel_loop3A_584, %parallel_loop3A_585] {strides = array<i32>} : memref<4x8x8x128xf32, #tpu.memory_space<vmem>>, vector<16xf32>,
      tpu.vector_store %arg7[%parallel_loop3A_582, %parallel_loop3A_583, %parallel_loop3A_584, %parallel_loop3A_585], %parallel_loop3A_540 {strides = array<i32>} : memref<4x8x8x128xf32, #tpu.memory_space<vmem>>, vector<16xf32>,
      %parallel_loop3A_587 = tpu.memref_slice %arg5[%parallel_loop3A_346] : memref<32768xf32, #tpu.memory_space<vmem>> -> memref<512xf32, #tpu.memory_space<vmem>>
      %parallel_loop3A_588 = tpu.vector_load_idx %parallel_loop3A_587[%get3A_203] : memref<512xf32, #tpu.memory_space<vmem>>[vector<16xi32>], vector<16xf32>,
      %parallel_loop3A_589 = arith.constant 8 : i32
      %parallel_loop3A_590 = arith.divsi %parallel_loop3A_344, %parallel_loop3A_589 : i32
      %parallel_loop3A_591 = arith.constant 0 : i32
      %parallel_loop3A_592 = arith.cmpi sgt, %parallel_loop3A_344, %parallel_loop3A_591 : i32
      %parallel_loop3A_593 = arith.extui %parallel_loop3A_592 : i1 to i32
      %parallel_loop3A_594 = arith.constant 0 : i32
      %parallel_loop3A_595 = arith.cmpi slt, %parallel_loop3A_344, %parallel_loop3A_594 : i32
      %parallel_loop3A_596 = arith.extui %parallel_loop3A_595 : i1 to i32
      %parallel_loop3A_597 = arith.subi %parallel_loop3A_593, %parallel_loop3A_596 : i32
      %parallel_loop3A_598 = arith.constant 0 : i32
      %parallel_loop3A_599 = arith.cmpi sgt, %parallel_loop3A_589, %parallel_loop3A_598 : i32
      %parallel_loop3A_600 = arith.extui %parallel_loop3A_599 : i1 to i32
      %parallel_loop3A_601 = arith.constant 0 : i32
      %parallel_loop3A_602 = arith.cmpi slt, %parallel_loop3A_589, %parallel_loop3A_601 : i32
      %parallel_loop3A_603 = arith.extui %parallel_loop3A_602 : i1 to i32
      %parallel_loop3A_604 = arith.subi %parallel_loop3A_600, %parallel_loop3A_603 : i32
      %parallel_loop3A_605 = arith.cmpi ne, %parallel_loop3A_597, %parallel_loop3A_604 : i32
      %parallel_loop3A_606 = arith.remsi %parallel_loop3A_344, %parallel_loop3A_589 : i32
      %parallel_loop3A_607 = arith.constant 0 : i32
      %parallel_loop3A_608 = arith.cmpi ne, %parallel_loop3A_606, %parallel_loop3A_607 : i32
      %parallel_loop3A_609 = arith.andi %parallel_loop3A_605, %parallel_loop3A_608 : i1
      %parallel_loop3A_610 = arith.constant 1 : i32
      %parallel_loop3A_611 = arith.subi %parallel_loop3A_590, %parallel_loop3A_610 : i32
      %parallel_loop3A_612 = arith.select %parallel_loop3A_609, %parallel_loop3A_611, %parallel_loop3A_590 : i32
      %parallel_loop3A_613 = arith.constant 8 : i32
      %parallel_loop3A_614 = arith.constant 0 : i32
      %parallel_loop3A_615 = arith.cmpi eq, %parallel_loop3A_613, %parallel_loop3A_614 : i32
      %parallel_loop3A_616 = arith.constant 1 : i32
      %parallel_loop3A_617 = arith.select %parallel_loop3A_615, %parallel_loop3A_616, %parallel_loop3A_613 : i32
      %parallel_loop3A_618 = arith.remsi %parallel_loop3A_344, %parallel_loop3A_617 : i32
      %parallel_loop3A_619 = arith.constant 0 : i32
      %parallel_loop3A_620 = arith.cmpi ne, %parallel_loop3A_618, %parallel_loop3A_619 : i32
      %parallel_loop3A_621 = arith.constant 0 : i32
      %parallel_loop3A_622 = arith.cmpi slt, %parallel_loop3A_618, %parallel_loop3A_621 : i32
      %parallel_loop3A_623 = arith.constant 0 : i32
      %parallel_loop3A_624 = arith.cmpi slt, %parallel_loop3A_617, %parallel_loop3A_623 : i32
      %parallel_loop3A_625 = arith.xori %parallel_loop3A_622, %parallel_loop3A_624 : i1
      %parallel_loop3A_626 = arith.andi %parallel_loop3A_625, %parallel_loop3A_620 : i1
      %parallel_loop3A_627 = arith.addi %parallel_loop3A_618, %parallel_loop3A_617 : i32
      %parallel_loop3A_628 = arith.select %parallel_loop3A_626, %parallel_loop3A_627, %parallel_loop3A_618 : i32
      %parallel_loop3A_629 = arith.constant 3 : i32
      %parallel_loop3A_630 = arith.index_cast %parallel_loop3A_629 : i32 to index
      %parallel_loop3A_631 = arith.index_cast %parallel_loop3A_612 : i32 to index
      %parallel_loop3A_632 = arith.index_cast %parallel_loop3A_628 : i32 to index
      %parallel_loop3A_633 = arith.constant 80 : index
      %parallel_loop3A_634 = tpu.vector_load %arg7[%parallel_loop3A_630, %parallel_loop3A_631, %parallel_loop3A_632, %parallel_loop3A_633] {strides = array<i32>} : memref<4x8x8x128xf32, #tpu.memory_space<vmem>>, vector<16xf32>,
      tpu.vector_store %arg7[%parallel_loop3A_630, %parallel_loop3A_631, %parallel_loop3A_632, %parallel_loop3A_633], %parallel_loop3A_588 {strides = array<i32>} : memref<4x8x8x128xf32, #tpu.memory_space<vmem>>, vector<16xf32>,
      %parallel_loop3A_635 = tpu.memref_slice %arg5[%parallel_loop3A_346] : memref<32768xf32, #tpu.memory_space<vmem>> -> memref<512xf32, #tpu.memory_space<vmem>>
      %parallel_loop3A_636 = tpu.vector_load_idx %parallel_loop3A_635[%get3A_207] : memref<512xf32, #tpu.memory_space<vmem>>[vector<16xi32>], vector<16xf32>,
      %parallel_loop3A_637 = arith.constant 8 : i32
      %parallel_loop3A_638 = arith.divsi %parallel_loop3A_344, %parallel_loop3A_637 : i32
      %parallel_loop3A_639 = arith.constant 0 : i32
      %parallel_loop3A_640 = arith.cmpi sgt, %parallel_loop3A_344, %parallel_loop3A_639 : i32
      %parallel_loop3A_641 = arith.extui %parallel_loop3A_640 : i1 to i32
      %parallel_loop3A_642 = arith.constant 0 : i32
      %parallel_loop3A_643 = arith.cmpi slt, %parallel_loop3A_344, %parallel_loop3A_642 : i32
      %parallel_loop3A_644 = arith.extui %parallel_loop3A_643 : i1 to i32
      %parallel_loop3A_645 = arith.subi %parallel_loop3A_641, %parallel_loop3A_644 : i32
      %parallel_loop3A_646 = arith.constant 0 : i32
      %parallel_loop3A_647 = arith.cmpi sgt, %parallel_loop3A_637, %parallel_loop3A_646 : i32
      %parallel_loop3A_648 = arith.extui %parallel_loop3A_647 : i1 to i32
      %parallel_loop3A_649 = arith.constant 0 : i32
      %parallel_loop3A_650 = arith.cmpi slt, %parallel_loop3A_637, %parallel_loop3A_649 : i32
      %parallel_loop3A_651 = arith.extui %parallel_loop3A_650 : i1 to i32
      %parallel_loop3A_652 = arith.subi %parallel_loop3A_648, %parallel_loop3A_651 : i32
      %parallel_loop3A_653 = arith.cmpi ne, %parallel_loop3A_645, %parallel_loop3A_652 : i32
      %parallel_loop3A_654 = arith.remsi %parallel_loop3A_344, %parallel_loop3A_637 : i32
      %parallel_loop3A_655 = arith.constant 0 : i32
      %parallel_loop3A_656 = arith.cmpi ne, %parallel_loop3A_654, %parallel_loop3A_655 : i32
      %parallel_loop3A_657 = arith.andi %parallel_loop3A_653, %parallel_loop3A_656 : i1
      %parallel_loop3A_658 = arith.constant 1 : i32
      %parallel_loop3A_659 = arith.subi %parallel_loop3A_638, %parallel_loop3A_658 : i32
      %parallel_loop3A_660 = arith.select %parallel_loop3A_657, %parallel_loop3A_659, %parallel_loop3A_638 : i32
      %parallel_loop3A_661 = arith.constant 8 : i32
      %parallel_loop3A_662 = arith.constant 0 : i32
      %parallel_loop3A_663 = arith.cmpi eq, %parallel_loop3A_661, %parallel_loop3A_662 : i32
      %parallel_loop3A_664 = arith.constant 1 : i32
      %parallel_loop3A_665 = arith.select %parallel_loop3A_663, %parallel_loop3A_664, %parallel_loop3A_661 : i32
      %parallel_loop3A_666 = arith.remsi %parallel_loop3A_344, %parallel_loop3A_665 : i32
      %parallel_loop3A_667 = arith.constant 0 : i32
      %parallel_loop3A_668 = arith.cmpi ne, %parallel_loop3A_666, %parallel_loop3A_667 : i32
      %parallel_loop3A_669 = arith.constant 0 : i32
      %parallel_loop3A_670 = arith.cmpi slt, %parallel_loop3A_666, %parallel_loop3A_669 : i32
      %parallel_loop3A_671 = arith.constant 0 : i32
      %parallel_loop3A_672 = arith.cmpi slt, %parallel_loop3A_665, %parallel_loop3A_671 : i32
      %parallel_loop3A_673 = arith.xori %parallel_loop3A_670, %parallel_loop3A_672 : i1
      %parallel_loop3A_674 = arith.andi %parallel_loop3A_673, %parallel_loop3A_668 : i1
      %parallel_loop3A_675 = arith.addi %parallel_loop3A_666, %parallel_loop3A_665 : i32
      %parallel_loop3A_676 = arith.select %parallel_loop3A_674, %parallel_loop3A_675, %parallel_loop3A_666 : i32
      %parallel_loop3A_677 = arith.constant 3 : i32
      %parallel_loop3A_678 = arith.index_cast %parallel_loop3A_677 : i32 to index
      %parallel_loop3A_679 = arith.index_cast %parallel_loop3A_660 : i32 to index
      %parallel_loop3A_680 = arith.index_cast %parallel_loop3A_676 : i32 to index
      %parallel_loop3A_681 = arith.constant 96 : index
      %parallel_loop3A_682 = tpu.vector_load %arg7[%parallel_loop3A_678, %parallel_loop3A_679, %parallel_loop3A_680, %parallel_loop3A_681] {strides = array<i32>} : memref<4x8x8x128xf32, #tpu.memory_space<vmem>>, vector<16xf32>,
      tpu.vector_store %arg7[%parallel_loop3A_678, %parallel_loop3A_679, %parallel_loop3A_680, %parallel_loop3A_681], %parallel_loop3A_636 {strides = array<i32>} : memref<4x8x8x128xf32, #tpu.memory_space<vmem>>, vector<16xf32>,
      %parallel_loop3A_683 = tpu.memref_slice %arg5[%parallel_loop3A_346] : memref<32768xf32, #tpu.memory_space<vmem>> -> memref<512xf32, #tpu.memory_space<vmem>>
      %parallel_loop3A_684 = tpu.vector_load_idx %parallel_loop3A_683[%get3A_211] : memref<512xf32, #tpu.memory_space<vmem>>[vector<16xi32>], vector<16xf32>,
      %parallel_loop3A_685 = arith.constant 8 : i32
      %parallel_loop3A_686 = arith.divsi %parallel_loop3A_344, %parallel_loop3A_685 : i32
      %parallel_loop3A_687 = arith.constant 0 : i32
      %parallel_loop3A_688 = arith.cmpi sgt, %parallel_loop3A_344, %parallel_loop3A_687 : i32
      %parallel_loop3A_689 = arith.extui %parallel_loop3A_688 : i1 to i32
      %parallel_loop3A_690 = arith.constant 0 : i32
      %parallel_loop3A_691 = arith.cmpi slt, %parallel_loop3A_344, %parallel_loop3A_690 : i32
      %parallel_loop3A_692 = arith.extui %parallel_loop3A_691 : i1 to i32
      %parallel_loop3A_693 = arith.subi %parallel_loop3A_689, %parallel_loop3A_692 : i32
      %parallel_loop3A_694 = arith.constant 0 : i32
      %parallel_loop3A_695 = arith.cmpi sgt, %parallel_loop3A_685, %parallel_loop3A_694 : i32
      %parallel_loop3A_696 = arith.extui %parallel_loop3A_695 : i1 to i32
      %parallel_loop3A_697 = arith.constant 0 : i32
      %parallel_loop3A_698 = arith.cmpi slt, %parallel_loop3A_685, %parallel_loop3A_697 : i32
      %parallel_loop3A_699 = arith.extui %parallel_loop3A_698 : i1 to i32
      %parallel_loop3A_700 = arith.subi %parallel_loop3A_696, %parallel_loop3A_699 : i32
      %parallel_loop3A_701 = arith.cmpi ne, %parallel_loop3A_693, %parallel_loop3A_700 : i32
      %parallel_loop3A_702 = arith.remsi %parallel_loop3A_344, %parallel_loop3A_685 : i32
      %parallel_loop3A_703 = arith.constant 0 : i32
      %parallel_loop3A_704 = arith.cmpi ne, %parallel_loop3A_702, %parallel_loop3A_703 : i32
      %parallel_loop3A_705 = arith.andi %parallel_loop3A_701, %parallel_loop3A_704 : i1
      %parallel_loop3A_706 = arith.constant 1 : i32
      %parallel_loop3A_707 = arith.subi %parallel_loop3A_686, %parallel_loop3A_706 : i32
      %parallel_loop3A_708 = arith.select %parallel_loop3A_705, %parallel_loop3A_707, %parallel_loop3A_686 : i32
      %parallel_loop3A_709 = arith.constant 8 : i32
      %parallel_loop3A_710 = arith.constant 0 : i32
      %parallel_loop3A_711 = arith.cmpi eq, %parallel_loop3A_709, %parallel_loop3A_710 : i32
      %parallel_loop3A_712 = arith.constant 1 : i32
      %parallel_loop3A_713 = arith.select %parallel_loop3A_711, %parallel_loop3A_712, %parallel_loop3A_709 : i32
      %parallel_loop3A_714 = arith.remsi %parallel_loop3A_344, %parallel_loop3A_713 : i32
      %parallel_loop3A_715 = arith.constant 0 : i32
      %parallel_loop3A_716 = arith.cmpi ne, %parallel_loop3A_714, %parallel_loop3A_715 : i32
      %parallel_loop3A_717 = arith.constant 0 : i32
      %parallel_loop3A_718 = arith.cmpi slt, %parallel_loop3A_714, %parallel_loop3A_717 : i32
      %parallel_loop3A_719 = arith.constant 0 : i32
      %parallel_loop3A_720 = arith.cmpi slt, %parallel_loop3A_713, %parallel_loop3A_719 : i32
      %parallel_loop3A_721 = arith.xori %parallel_loop3A_718, %parallel_loop3A_720 : i1
      %parallel_loop3A_722 = arith.andi %parallel_loop3A_721, %parallel_loop3A_716 : i1
      %parallel_loop3A_723 = arith.addi %parallel_loop3A_714, %parallel_loop3A_713 : i32
      %parallel_loop3A_724 = arith.select %parallel_loop3A_722, %parallel_loop3A_723, %parallel_loop3A_714 : i32
      %parallel_loop3A_725 = arith.constant 3 : i32
      %parallel_loop3A_726 = arith.index_cast %parallel_loop3A_725 : i32 to index
      %parallel_loop3A_727 = arith.index_cast %parallel_loop3A_708 : i32 to index
      %parallel_loop3A_728 = arith.index_cast %parallel_loop3A_724 : i32 to index
      %parallel_loop3A_729 = arith.constant 112 : index
      %parallel_loop3A_730 = tpu.vector_load %arg7[%parallel_loop3A_726, %parallel_loop3A_727, %parallel_loop3A_728, %parallel_loop3A_729] {strides = array<i32>} : memref<4x8x8x128xf32, #tpu.memory_space<vmem>>, vector<16xf32>,
      tpu.vector_store %arg7[%parallel_loop3A_726, %parallel_loop3A_727, %parallel_loop3A_728, %parallel_loop3A_729], %parallel_loop3A_684 {strides = array<i32>} : memref<4x8x8x128xf32, #tpu.memory_space<vmem>>, vector<16xf32>,
    } {sc.loop_unroll_factor = 4 : i64, sc.parallel_access}
    %dma_start3A_215 = arith.constant 3 : i32
    %dma_start3A_216 = arith.constant 3 : i32
    %dma_start3A_217 = arith.constant 3 : i32
    %dma_start3A_218 = arith.constant 0 : i32
    %dma_start3A_219 = arith.constant 0 : i32
    %dma_start3A_220 = arith.constant 0 : i32
    %dma_start3A_221 = tpu.memref_slice %arg7[%dma_start3A_215, %dma_start3A_218, %dma_start3A_219, %dma_start3A_220] : memref<4x8x8x128xf32, #tpu.memory_space<vmem>> -> memref<1x8x8x128xf32, #tpu.memory_space<vmem>>
    %dma_start3A_222 = tpu.memref_squeeze %dma_start3A_221 : memref<1x8x8x128xf32, #tpu.memory_space<vmem>> -> memref<8x8x128xf32, #tpu.memory_space<vmem>>
    %dma_start3A_223 = arith.constant 0 : i32
    %dma_start3A_224 = arith.constant 0 : i32
    %dma_start3A_225 = arith.constant 0 : i32
    %dma_start3A_226 = tpu.memref_slice %arg4[%dma_start3A_216, %dma_start3A_223, %add3A, %dma_start3A_224, %dma_start3A_225] : memref<200x8x32x8x128xf32, #tpu.memory_space<hbm>> -> memref<1x8x1x8x128xf32, #tpu.memory_space<hbm>>
    %dma_start3A_227 = tpu.memref_squeeze %dma_start3A_226 : memref<1x8x1x8x128xf32, #tpu.memory_space<hbm>> -> memref<8x8x128xf32, #tpu.memory_space<hbm>>
    %dma_start3A_228 = tpu.memref_slice %arg8[%dma_start3A_217] : memref<4x!tpu.dma_semaphore, #tpu.memory_space<semaphore_mem>> -> memref<1x!tpu.dma_semaphore, #tpu.memory_space<semaphore_mem>>
    %dma_start3A_229 = tpu.memref_squeeze %dma_start3A_228 : memref<1x!tpu.dma_semaphore, #tpu.memory_space<semaphore_mem>> -> memref<!tpu.dma_semaphore, #tpu.memory_space<semaphore_mem>>
    %dma_start3A_230 = arith.constant 0 : i32
    %dma_start3A_231 = arith.constant 0 : i32
    %dma_start3A_232 = arith.constant 0 : i32
    %dma_start3A_233 = tpu.memref_slice %arg4[%dma_start3A_216, %dma_start3A_230, %add3A, %dma_start3A_231, %dma_start3A_232] : memref<200x8x32x8x128xf32, #tpu.memory_space<hbm>> -> memref<1x8x1x8x128xf32, #tpu.memory_space<hbm>>
    %dma_start3A_234 = tpu.memref_squeeze %dma_start3A_233 : memref<1x8x1x8x128xf32, #tpu.memory_space<hbm>> -> memref<8x8x128xf32, #tpu.memory_space<hbm>>
    %dma_start3A_235 = arith.constant 0 : i32
    %dma_start3A_236 = arith.constant 0 : i32
    %dma_start3A_237 = arith.constant 0 : i32
    %dma_start3A_238 = tpu.memref_slice %arg7[%dma_start3A_215, %dma_start3A_235, %dma_start3A_236, %dma_start3A_237] : memref<4x8x8x128xf32, #tpu.memory_space<vmem>> -> memref<1x8x8x128xf32, #tpu.memory_space<vmem>>
    %dma_start3A_239 = tpu.memref_squeeze %dma_start3A_238 : memref<1x8x8x128xf32, #tpu.memory_space<vmem>> -> memref<8x8x128xf32, #tpu.memory_space<vmem>>
    tpu.enqueue_dma source(%dma_start3A_239 : memref<8x8x128xf32, #tpu.memory_space<vmem>>) target(%dma_start3A_234 : memref<8x8x128xf32, #tpu.memory_space<hbm>>) target_semaphore(%dma_start3A_229 : memref<!tpu.dma_semaphore, #tpu.memory_space<semaphore_mem>>)
    %scan3A = arith.constant 0 : i32
    %scan3A_240 = arith.constant 1 : i32
    %scan3A_241 = arith.constant 49 : i32
    %scan3A_242 = arith.addi %scan3A_240, %scan3A_241 : i32
    %scan3A_243 = arith.constant 1 : i32
    scf.for %scan3A_344 = %scan3A_240 to %scan3A_242 step %scan3A_243  : i32 {
      %mul3A_345 = arith.constant 4 : i32
      %mul3A_346 = arith.muli %scan3A_344, %mul3A_345 : i32
      %add3A_347 = arith.constant 0 : i32
      %add3A_348 = arith.addi %mul3A_346, %add3A_347 : i32
      %sub3A = arith.constant 4 : i32
      %sub3A_349 = arith.subi %add3A_348, %sub3A : i32
      %dma_wait3A_350 = arith.constant 0 : i32
      %dma_wait3A_351 = arith.constant 0 : i32
      %dma_wait3A_352 = arith.constant 0 : i32
      %dma_wait3A_353 = arith.constant 0 : i32
      %dma_wait3A_354 = arith.constant 0 : i32
      %dma_wait3A_355 = tpu.memref_slice %arg7[%dma_wait3A_350, %dma_wait3A_352, %dma_wait3A_353, %dma_wait3A_354] : memref<4x8x8x128xf32, #tpu.memory_space<vmem>> -> memref<1x8x8x128xf32, #tpu.memory_space<vmem>>
      %dma_wait3A_356 = tpu.memref_squeeze %dma_wait3A_355 : memref<1x8x8x128xf32, #tpu.memory_space<vmem>> -> memref<8x8x128xf32, #tpu.memory_space<vmem>>
      %dma_wait3A_357 = arith.constant 0 : i32
      %dma_wait3A_358 = arith.constant 0 : i32
      %dma_wait3A_359 = arith.constant 0 : i32
      %dma_wait3A_360 = tpu.memref_slice %arg4[%sub3A_349, %dma_wait3A_357, %add3A, %dma_wait3A_358, %dma_wait3A_359] : memref<200x8x32x8x128xf32, #tpu.memory_space<hbm>> -> memref<1x8x1x8x128xf32, #tpu.memory_space<hbm>>
      %dma_wait3A_361 = tpu.memref_squeeze %dma_wait3A_360 : memref<1x8x1x8x128xf32, #tpu.memory_space<hbm>> -> memref<8x8x128xf32, #tpu.memory_space<hbm>>
      %dma_wait3A_362 = tpu.memref_slice %arg8[%dma_wait3A_351] : memref<4x!tpu.dma_semaphore, #tpu.memory_space<semaphore_mem>> -> memref<1x!tpu.dma_semaphore, #tpu.memory_space<semaphore_mem>>
      %dma_wait3A_363 = tpu.memref_squeeze %dma_wait3A_362 : memref<1x!tpu.dma_semaphore, #tpu.memory_space<semaphore_mem>> -> memref<!tpu.dma_semaphore, #tpu.memory_space<semaphore_mem>>
      %dma_wait3A_364 = arith.constant 0 : i32
      %dma_wait3A_365 = arith.constant 0 : i32
      %dma_wait3A_366 = arith.constant 0 : i32
      %dma_wait3A_367 = tpu.memref_slice %arg4[%sub3A_349, %dma_wait3A_364, %add3A, %dma_wait3A_365, %dma_wait3A_366] : memref<200x8x32x8x128xf32, #tpu.memory_space<hbm>> -> memref<1x8x1x8x128xf32, #tpu.memory_space<hbm>>
      %dma_wait3A_368 = tpu.memref_squeeze %dma_wait3A_367 : memref<1x8x1x8x128xf32, #tpu.memory_space<hbm>> -> memref<8x8x128xf32, #tpu.memory_space<hbm>>
      %dma_wait3A_369 = arith.constant 0 : i32
      %dma_wait3A_370 = arith.constant 0 : i32
      %dma_wait3A_371 = arith.constant 0 : i32
      %dma_wait3A_372 = tpu.memref_slice %arg7[%dma_wait3A_350, %dma_wait3A_369, %dma_wait3A_370, %dma_wait3A_371] : memref<4x8x8x128xf32, #tpu.memory_space<vmem>> -> memref<1x8x8x128xf32, #tpu.memory_space<vmem>>
      %dma_wait3A_373 = tpu.memref_squeeze %dma_wait3A_372 : memref<1x8x8x128xf32, #tpu.memory_space<vmem>> -> memref<8x8x128xf32, #tpu.memory_space<vmem>>
      tpu.wait_dma2 semaphore(%dma_wait3A_363 : memref<!tpu.dma_semaphore, #tpu.memory_space<semaphore_mem>>) src(%dma_wait3A_373 : memref<8x8x128xf32, #tpu.memory_space<vmem>>) dst(%dma_wait3A_368 : memref<8x8x128xf32, #tpu.memory_space<hbm>>)
      %get3A_374 = arith.index_cast %add3A_348 : i32 to index
      %get3A_375 = arith.constant 0 : index
      %get3A_376 = tpu.vector_load %arg6[%get3A_374, %get3A_375] {strides = array<i32>} : memref<200x128xi32, #tpu.memory_space<vmem>>, vector<16xi32>,
      %get3A_377 = arith.index_cast %add3A_348 : i32 to index
      %get3A_378 = arith.constant 16 : index
      %get3A_379 = tpu.vector_load %arg6[%get3A_377, %get3A_378] {strides = array<i32>} : memref<200x128xi32, #tpu.memory_space<vmem>>, vector<16xi32>,
      %get3A_380 = arith.index_cast %add3A_348 : i32 to index
      %get3A_381 = arith.constant 32 : index
      %get3A_382 = tpu.vector_load %arg6[%get3A_380, %get3A_381] {strides = array<i32>} : memref<200x128xi32, #tpu.memory_space<vmem>>, vector<16xi32>,
      %get3A_383 = arith.index_cast %add3A_348 : i32 to index
      %get3A_384 = arith.constant 48 : index
      %get3A_385 = tpu.vector_load %arg6[%get3A_383, %get3A_384] {strides = array<i32>} : memref<200x128xi32, #tpu.memory_space<vmem>>, vector<16xi32>,
      %get3A_386 = arith.index_cast %add3A_348 : i32 to index
      %get3A_387 = arith.constant 64 : index
      %get3A_388 = tpu.vector_load %arg6[%get3A_386, %get3A_387] {strides = array<i32>} : memref<200x128xi32, #tpu.memory_space<vmem>>, vector<16xi32>,
      %get3A_389 = arith.index_cast %add3A_348 : i32 to index
      %get3A_390 = arith.constant 80 : index
      %get3A_391 = tpu.vector_load %arg6[%get3A_389, %get3A_390] {strides = array<i32>} : memref<200x128xi32, #tpu.memory_space<vmem>>, vector<16xi32>,
      %get3A_392 = arith.index_cast %add3A_348 : i32 to index
      %get3A_393 = arith.constant 96 : index
      %get3A_394 = tpu.vector_load %arg6[%get3A_392, %get3A_393] {strides = array<i32>} : memref<200x128xi32, #tpu.memory_space<vmem>>, vector<16xi32>,
      %get3A_395 = arith.index_cast %add3A_348 : i32 to index
      %get3A_396 = arith.constant 112 : index
      %get3A_397 = tpu.vector_load %arg6[%get3A_395, %get3A_396] {strides = array<i32>} : memref<200x128xi32, #tpu.memory_space<vmem>>, vector<16xi32>,
      %parallel_loop3A_398 = arith.constant 0 : i32
      %parallel_loop3A_399 = arith.constant 64 : i32
      %parallel_loop3A_400 = arith.constant 1 : i32
      scf.for %parallel_loop3A_668 = %parallel_loop3A_398 to %parallel_loop3A_399 step %parallel_loop3A_400  : i32 {
        %parallel_loop3A_669 = arith.constant 512 : i32
        %parallel_loop3A_670 = arith.muli %parallel_loop3A_668, %parallel_loop3A_669 : i32
        %parallel_loop3A_671 = tpu.memref_slice %arg5[%parallel_loop3A_670] : memref<32768xf32, #tpu.memory_space<vmem>> -> memref<512xf32, #tpu.memory_space<vmem>>
        %parallel_loop3A_672 = tpu.vector_load_idx %parallel_loop3A_671[%get3A_376] : memref<512xf32, #tpu.memory_space<vmem>>[vector<16xi32>], vector<16xf32>,
        %parallel_loop3A_673 = arith.constant 8 : i32
        %parallel_loop3A_674 = arith.divsi %parallel_loop3A_668, %parallel_loop3A_673 : i32
        %parallel_loop3A_675 = arith.constant 0 : i32
        %parallel_loop3A_676 = arith.cmpi sgt, %parallel_loop3A_668, %parallel_loop3A_675 : i32
        %parallel_loop3A_677 = arith.extui %parallel_loop3A_676 : i1 to i32
        %parallel_loop3A_678 = arith.constant 0 : i32
        %parallel_loop3A_679 = arith.cmpi slt, %parallel_loop3A_668, %parallel_loop3A_678 : i32
        %parallel_loop3A_680 = arith.extui %parallel_loop3A_679 : i1 to i32
        %parallel_loop3A_681 = arith.subi %parallel_loop3A_677, %parallel_loop3A_680 : i32
        %parallel_loop3A_682 = arith.constant 0 : i32
        %parallel_loop3A_683 = arith.cmpi sgt, %parallel_loop3A_673, %parallel_loop3A_682 : i32
        %parallel_loop3A_684 = arith.extui %parallel_loop3A_683 : i1 to i32
        %parallel_loop3A_685 = arith.constant 0 : i32
        %parallel_loop3A_686 = arith.cmpi slt, %parallel_loop3A_673, %parallel_loop3A_685 : i32
        %parallel_loop3A_687 = arith.extui %parallel_loop3A_686 : i1 to i32
        %parallel_loop3A_688 = arith.subi %parallel_loop3A_684, %parallel_loop3A_687 : i32
        %parallel_loop3A_689 = arith.cmpi ne, %parallel_loop3A_681, %parallel_loop3A_688 : i32
        %parallel_loop3A_690 = arith.remsi %parallel_loop3A_668, %parallel_loop3A_673 : i32
        %parallel_loop3A_691 = arith.constant 0 : i32
        %parallel_loop3A_692 = arith.cmpi ne, %parallel_loop3A_690, %parallel_loop3A_691 : i32
        %parallel_loop3A_693 = arith.andi %parallel_loop3A_689, %parallel_loop3A_692 : i1
        %parallel_loop3A_694 = arith.constant 1 : i32
        %parallel_loop3A_695 = arith.subi %parallel_loop3A_674, %parallel_loop3A_694 : i32
        %parallel_loop3A_696 = arith.select %parallel_loop3A_693, %parallel_loop3A_695, %parallel_loop3A_674 : i32
        %parallel_loop3A_697 = arith.constant 8 : i32
        %parallel_loop3A_698 = arith.constant 0 : i32
        %parallel_loop3A_699 = arith.cmpi eq, %parallel_loop3A_697, %parallel_loop3A_698 : i32
        %parallel_loop3A_700 = arith.constant 1 : i32
        %parallel_loop3A_701 = arith.select %parallel_loop3A_699, %parallel_loop3A_700, %parallel_loop3A_697 : i32
        %parallel_loop3A_702 = arith.remsi %parallel_loop3A_668, %parallel_loop3A_701 : i32
        %parallel_loop3A_703 = arith.constant 0 : i32
        %parallel_loop3A_704 = arith.cmpi ne, %parallel_loop3A_702, %parallel_loop3A_703 : i32
        %parallel_loop3A_705 = arith.constant 0 : i32
        %parallel_loop3A_706 = arith.cmpi slt, %parallel_loop3A_702, %parallel_loop3A_705 : i32
        %parallel_loop3A_707 = arith.constant 0 : i32
        %parallel_loop3A_708 = arith.cmpi slt, %parallel_loop3A_701, %parallel_loop3A_707 : i32
        %parallel_loop3A_709 = arith.xori %parallel_loop3A_706, %parallel_loop3A_708 : i1
        %parallel_loop3A_710 = arith.andi %parallel_loop3A_709, %parallel_loop3A_704 : i1
        %parallel_loop3A_711 = arith.addi %parallel_loop3A_702, %parallel_loop3A_701 : i32
        %parallel_loop3A_712 = arith.select %parallel_loop3A_710, %parallel_loop3A_711, %parallel_loop3A_702 : i32
        %parallel_loop3A_713 = arith.constant 0 : i32
        %parallel_loop3A_714 = arith.index_cast %parallel_loop3A_713 : i32 to index
        %parallel_loop3A_715 = arith.index_cast %parallel_loop3A_696 : i32 to index
        %parallel_loop3A_716 = arith.index_cast %parallel_loop3A_712 : i32 to index
        %parallel_loop3A_717 = arith.constant 0 : index
        %parallel_loop3A_718 = tpu.vector_load %arg7[%parallel_loop3A_714, %parallel_loop3A_715, %parallel_loop3A_716, %parallel_loop3A_717] {strides = array<i32>} : memref<4x8x8x128xf32, #tpu.memory_space<vmem>>, vector<16xf32>,
        tpu.vector_store %arg7[%parallel_loop3A_714, %parallel_loop3A_715, %parallel_loop3A_716, %parallel_loop3A_717], %parallel_loop3A_672 {strides = array<i32>} : memref<4x8x8x128xf32, #tpu.memory_space<vmem>>, vector<16xf32>,
        %parallel_loop3A_719 = tpu.memref_slice %arg5[%parallel_loop3A_670] : memref<32768xf32, #tpu.memory_space<vmem>> -> memref<512xf32, #tpu.memory_space<vmem>>
        %parallel_loop3A_720 = tpu.vector_load_idx %parallel_loop3A_719[%get3A_379] : memref<512xf32, #tpu.memory_space<vmem>>[vector<16xi32>], vector<16xf32>,
        %parallel_loop3A_721 = arith.constant 8 : i32
        %parallel_loop3A_722 = arith.divsi %parallel_loop3A_668, %parallel_loop3A_721 : i32
        %parallel_loop3A_723 = arith.constant 0 : i32
        %parallel_loop3A_724 = arith.cmpi sgt, %parallel_loop3A_668, %parallel_loop3A_723 : i32
        %parallel_loop3A_725 = arith.extui %parallel_loop3A_724 : i1 to i32
        %parallel_loop3A_726 = arith.constant 0 : i32
        %parallel_loop3A_727 = arith.cmpi slt, %parallel_loop3A_668, %parallel_loop3A_726 : i32
        %parallel_loop3A_728 = arith.extui %parallel_loop3A_727 : i1 to i32
        %parallel_loop3A_729 = arith.subi %parallel_loop3A_725, %parallel_loop3A_728 : i32
        %parallel_loop3A_730 = arith.constant 0 : i32
        %parallel_loop3A_731 = arith.cmpi sgt, %parallel_loop3A_721, %parallel_loop3A_730 : i32
        %parallel_loop3A_732 = arith.extui %parallel_loop3A_731 : i1 to i32
        %parallel_loop3A_733 = arith.constant 0 : i32
        %parallel_loop3A_734 = arith.cmpi slt, %parallel_loop3A_721, %parallel_loop3A_733 : i32
        %parallel_loop3A_735 = arith.extui %parallel_loop3A_734 : i1 to i32
        %parallel_loop3A_736 = arith.subi %parallel_loop3A_732, %parallel_loop3A_735 : i32
        %parallel_loop3A_737 = arith.cmpi ne, %parallel_loop3A_729, %parallel_loop3A_736 : i32
        %parallel_loop3A_738 = arith.remsi %parallel_loop3A_668, %parallel_loop3A_721 : i32
        %parallel_loop3A_739 = arith.constant 0 : i32
        %parallel_loop3A_740 = arith.cmpi ne, %parallel_loop3A_738, %parallel_loop3A_739 : i32
        %parallel_loop3A_741 = arith.andi %parallel_loop3A_737, %parallel_loop3A_740 : i1
        %parallel_loop3A_742 = arith.constant 1 : i32
        %parallel_loop3A_743 = arith.subi %parallel_loop3A_722, %parallel_loop3A_742 : i32
        %parallel_loop3A_744 = arith.select %parallel_loop3A_741, %parallel_loop3A_743, %parallel_loop3A_722 : i32
        %parallel_loop3A_745 = arith.constant 8 : i32
        %parallel_loop3A_746 = arith.constant 0 : i32
        %parallel_loop3A_747 = arith.cmpi eq, %parallel_loop3A_745, %parallel_loop3A_746 : i32
        %parallel_loop3A_748 = arith.constant 1 : i32
        %parallel_loop3A_749 = arith.select %parallel_loop3A_747, %parallel_loop3A_748, %parallel_loop3A_745 : i32
        %parallel_loop3A_750 = arith.remsi %parallel_loop3A_668, %parallel_loop3A_749 : i32
        %parallel_loop3A_751 = arith.constant 0 : i32
        %parallel_loop3A_752 = arith.cmpi ne, %parallel_loop3A_750, %parallel_loop3A_751 : i32
        %parallel_loop3A_753 = arith.constant 0 : i32
        %parallel_loop3A_754 = arith.cmpi slt, %parallel_loop3A_750, %parallel_loop3A_753 : i32
        %parallel_loop3A_755 = arith.constant 0 : i32
        %parallel_loop3A_756 = arith.cmpi slt, %parallel_loop3A_749, %parallel_loop3A_755 : i32
        %parallel_loop3A_757 = arith.xori %parallel_loop3A_754, %parallel_loop3A_756 : i1
        %parallel_loop3A_758 = arith.andi %parallel_loop3A_757, %parallel_loop3A_752 : i1
        %parallel_loop3A_759 = arith.addi %parallel_loop3A_750, %parallel_loop3A_749 : i32
        %parallel_loop3A_760 = arith.select %parallel_loop3A_758, %parallel_loop3A_759, %parallel_loop3A_750 : i32
        %parallel_loop3A_761 = arith.constant 0 : i32
        %parallel_loop3A_762 = arith.index_cast %parallel_loop3A_761 : i32 to index
        %parallel_loop3A_763 = arith.index_cast %parallel_loop3A_744 : i32 to index
        %parallel_loop3A_764 = arith.index_cast %parallel_loop3A_760 : i32 to index
        %parallel_loop3A_765 = arith.constant 16 : index
        %parallel_loop3A_766 = tpu.vector_load %arg7[%parallel_loop3A_762, %parallel_loop3A_763, %parallel_loop3A_764, %parallel_loop3A_765] {strides = array<i32>} : memref<4x8x8x128xf32, #tpu.memory_space<vmem>>, vector<16xf32>,
        tpu.vector_store %arg7[%parallel_loop3A_762, %parallel_loop3A_763, %parallel_loop3A_764, %parallel_loop3A_765], %parallel_loop3A_720 {strides = array<i32>} : memref<4x8x8x128xf32, #tpu.memory_space<vmem>>, vector<16xf32>,
        %parallel_loop3A_767 = tpu.memref_slice %arg5[%parallel_loop3A_670] : memref<32768xf32, #tpu.memory_space<vmem>> -> memref<512xf32, #tpu.memory_space<vmem>>
        %parallel_loop3A_768 = tpu.vector_load_idx %parallel_loop3A_767[%get3A_382] : memref<512xf32, #tpu.memory_space<vmem>>[vector<16xi32>], vector<16xf32>,
        %parallel_loop3A_769 = arith.constant 8 : i32
        %parallel_loop3A_770 = arith.divsi %parallel_loop3A_668, %parallel_loop3A_769 : i32
        %parallel_loop3A_771 = arith.constant 0 : i32
        %parallel_loop3A_772 = arith.cmpi sgt, %parallel_loop3A_668, %parallel_loop3A_771 : i32
        %parallel_loop3A_773 = arith.extui %parallel_loop3A_772 : i1 to i32
        %parallel_loop3A_774 = arith.constant 0 : i32
        %parallel_loop3A_775 = arith.cmpi slt, %parallel_loop3A_668, %parallel_loop3A_774 : i32
        %parallel_loop3A_776 = arith.extui %parallel_loop3A_775 : i1 to i32
        %parallel_loop3A_777 = arith.subi %parallel_loop3A_773, %parallel_loop3A_776 : i32
        %parallel_loop3A_778 = arith.constant 0 : i32
        %parallel_loop3A_779 = arith.cmpi sgt, %parallel_loop3A_769, %parallel_loop3A_778 : i32
        %parallel_loop3A_780 = arith.extui %parallel_loop3A_779 : i1 to i32
        %parallel_loop3A_781 = arith.constant 0 : i32
        %parallel_loop3A_782 = arith.cmpi slt, %parallel_loop3A_769, %parallel_loop3A_781 : i32
        %parallel_loop3A_783 = arith.extui %parallel_loop3A_782 : i1 to i32
        %parallel_loop3A_784 = arith.subi %parallel_loop3A_780, %parallel_loop3A_783 : i32
        %parallel_loop3A_785 = arith.cmpi ne, %parallel_loop3A_777, %parallel_loop3A_784 : i32
        %parallel_loop3A_786 = arith.remsi %parallel_loop3A_668, %parallel_loop3A_769 : i32
        %parallel_loop3A_787 = arith.constant 0 : i32
        %parallel_loop3A_788 = arith.cmpi ne, %parallel_loop3A_786, %parallel_loop3A_787 : i32
        %parallel_loop3A_789 = arith.andi %parallel_loop3A_785, %parallel_loop3A_788 : i1
        %parallel_loop3A_790 = arith.constant 1 : i32
        %parallel_loop3A_791 = arith.subi %parallel_loop3A_770, %parallel_loop3A_790 : i32
        %parallel_loop3A_792 = arith.select %parallel_loop3A_789, %parallel_loop3A_791, %parallel_loop3A_770 : i32
        %parallel_loop3A_793 = arith.constant 8 : i32
        %parallel_loop3A_794 = arith.constant 0 : i32
        %parallel_loop3A_795 = arith.cmpi eq, %parallel_loop3A_793, %parallel_loop3A_794 : i32
        %parallel_loop3A_796 = arith.constant 1 : i32
        %parallel_loop3A_797 = arith.select %parallel_loop3A_795, %parallel_loop3A_796, %parallel_loop3A_793 : i32
        %parallel_loop3A_798 = arith.remsi %parallel_loop3A_668, %parallel_loop3A_797 : i32
        %parallel_loop3A_799 = arith.constant 0 : i32
        %parallel_loop3A_800 = arith.cmpi ne, %parallel_loop3A_798, %parallel_loop3A_799 : i32
        %parallel_loop3A_801 = arith.constant 0 : i32
        %parallel_loop3A_802 = arith.cmpi slt, %parallel_loop3A_798, %parallel_loop3A_801 : i32
        %parallel_loop3A_803 = arith.constant 0 : i32
        %parallel_loop3A_804 = arith.cmpi slt, %parallel_loop3A_797, %parallel_loop3A_803 : i32
        %parallel_loop3A_805 = arith.xori %parallel_loop3A_802, %parallel_loop3A_804 : i1
        %parallel_loop3A_806 = arith.andi %parallel_loop3A_805, %parallel_loop3A_800 : i1
        %parallel_loop3A_807 = arith.addi %parallel_loop3A_798, %parallel_loop3A_797 : i32
        %parallel_loop3A_808 = arith.select %parallel_loop3A_806, %parallel_loop3A_807, %parallel_loop3A_798 : i32
        %parallel_loop3A_809 = arith.constant 0 : i32
        %parallel_loop3A_810 = arith.index_cast %parallel_loop3A_809 : i32 to index
        %parallel_loop3A_811 = arith.index_cast %parallel_loop3A_792 : i32 to index
        %parallel_loop3A_812 = arith.index_cast %parallel_loop3A_808 : i32 to index
        %parallel_loop3A_813 = arith.constant 32 : index
        %parallel_loop3A_814 = tpu.vector_load %arg7[%parallel_loop3A_810, %parallel_loop3A_811, %parallel_loop3A_812, %parallel_loop3A_813] {strides = array<i32>} : memref<4x8x8x128xf32, #tpu.memory_space<vmem>>, vector<16xf32>,
        tpu.vector_store %arg7[%parallel_loop3A_810, %parallel_loop3A_811, %parallel_loop3A_812, %parallel_loop3A_813], %parallel_loop3A_768 {strides = array<i32>} : memref<4x8x8x128xf32, #tpu.memory_space<vmem>>, vector<16xf32>,
        %parallel_loop3A_815 = tpu.memref_slice %arg5[%parallel_loop3A_670] : memref<32768xf32, #tpu.memory_space<vmem>> -> memref<512xf32, #tpu.memory_space<vmem>>
        %parallel_loop3A_816 = tpu.vector_load_idx %parallel_loop3A_815[%get3A_385] : memref<512xf32, #tpu.memory_space<vmem>>[vector<16xi32>], vector<16xf32>,
        %parallel_loop3A_817 = arith.constant 8 : i32
        %parallel_loop3A_818 = arith.divsi %parallel_loop3A_668, %parallel_loop3A_817 : i32
        %parallel_loop3A_819 = arith.constant 0 : i32
        %parallel_loop3A_820 = arith.cmpi sgt, %parallel_loop3A_668, %parallel_loop3A_819 : i32
        %parallel_loop3A_821 = arith.extui %parallel_loop3A_820 : i1 to i32
        %parallel_loop3A_822 = arith.constant 0 : i32
        %parallel_loop3A_823 = arith.cmpi slt, %parallel_loop3A_668, %parallel_loop3A_822 : i32
        %parallel_loop3A_824 = arith.extui %parallel_loop3A_823 : i1 to i32
        %parallel_loop3A_825 = arith.subi %parallel_loop3A_821, %parallel_loop3A_824 : i32
        %parallel_loop3A_826 = arith.constant 0 : i32
        %parallel_loop3A_827 = arith.cmpi sgt, %parallel_loop3A_817, %parallel_loop3A_826 : i32
        %parallel_loop3A_828 = arith.extui %parallel_loop3A_827 : i1 to i32
        %parallel_loop3A_829 = arith.constant 0 : i32
        %parallel_loop3A_830 = arith.cmpi slt, %parallel_loop3A_817, %parallel_loop3A_829 : i32
        %parallel_loop3A_831 = arith.extui %parallel_loop3A_830 : i1 to i32
        %parallel_loop3A_832 = arith.subi %parallel_loop3A_828, %parallel_loop3A_831 : i32
        %parallel_loop3A_833 = arith.cmpi ne, %parallel_loop3A_825, %parallel_loop3A_832 : i32
        %parallel_loop3A_834 = arith.remsi %parallel_loop3A_668, %parallel_loop3A_817 : i32
        %parallel_loop3A_835 = arith.constant 0 : i32
        %parallel_loop3A_836 = arith.cmpi ne, %parallel_loop3A_834, %parallel_loop3A_835 : i32
        %parallel_loop3A_837 = arith.andi %parallel_loop3A_833, %parallel_loop3A_836 : i1
        %parallel_loop3A_838 = arith.constant 1 : i32
        %parallel_loop3A_839 = arith.subi %parallel_loop3A_818, %parallel_loop3A_838 : i32
        %parallel_loop3A_840 = arith.select %parallel_loop3A_837, %parallel_loop3A_839, %parallel_loop3A_818 : i32
        %parallel_loop3A_841 = arith.constant 8 : i32
        %parallel_loop3A_842 = arith.constant 0 : i32
        %parallel_loop3A_843 = arith.cmpi eq, %parallel_loop3A_841, %parallel_loop3A_842 : i32
        %parallel_loop3A_844 = arith.constant 1 : i32
        %parallel_loop3A_845 = arith.select %parallel_loop3A_843, %parallel_loop3A_844, %parallel_loop3A_841 : i32
        %parallel_loop3A_846 = arith.remsi %parallel_loop3A_668, %parallel_loop3A_845 : i32
        %parallel_loop3A_847 = arith.constant 0 : i32
        %parallel_loop3A_848 = arith.cmpi ne, %parallel_loop3A_846, %parallel_loop3A_847 : i32
        %parallel_loop3A_849 = arith.constant 0 : i32
        %parallel_loop3A_850 = arith.cmpi slt, %parallel_loop3A_846, %parallel_loop3A_849 : i32
        %parallel_loop3A_851 = arith.constant 0 : i32
        %parallel_loop3A_852 = arith.cmpi slt, %parallel_loop3A_845, %parallel_loop3A_851 : i32
        %parallel_loop3A_853 = arith.xori %parallel_loop3A_850, %parallel_loop3A_852 : i1
        %parallel_loop3A_854 = arith.andi %parallel_loop3A_853, %parallel_loop3A_848 : i1
        %parallel_loop3A_855 = arith.addi %parallel_loop3A_846, %parallel_loop3A_845 : i32
        %parallel_loop3A_856 = arith.select %parallel_loop3A_854, %parallel_loop3A_855, %parallel_loop3A_846 : i32
        %parallel_loop3A_857 = arith.constant 0 : i32
        %parallel_loop3A_858 = arith.index_cast %parallel_loop3A_857 : i32 to index
        %parallel_loop3A_859 = arith.index_cast %parallel_loop3A_840 : i32 to index
        %parallel_loop3A_860 = arith.index_cast %parallel_loop3A_856 : i32 to index
        %parallel_loop3A_861 = arith.constant 48 : index
        %parallel_loop3A_862 = tpu.vector_load %arg7[%parallel_loop3A_858, %parallel_loop3A_859, %parallel_loop3A_860, %parallel_loop3A_861] {strides = array<i32>} : memref<4x8x8x128xf32, #tpu.memory_space<vmem>>, vector<16xf32>,
        tpu.vector_store %arg7[%parallel_loop3A_858, %parallel_loop3A_859, %parallel_loop3A_860, %parallel_loop3A_861], %parallel_loop3A_816 {strides = array<i32>} : memref<4x8x8x128xf32, #tpu.memory_space<vmem>>, vector<16xf32>,
        %parallel_loop3A_863 = tpu.memref_slice %arg5[%parallel_loop3A_670] : memref<32768xf32, #tpu.memory_space<vmem>> -> memref<512xf32, #tpu.memory_space<vmem>>
        %parallel_loop3A_864 = tpu.vector_load_idx %parallel_loop3A_863[%get3A_388] : memref<512xf32, #tpu.memory_space<vmem>>[vector<16xi32>], vector<16xf32>,
        %parallel_loop3A_865 = arith.constant 8 : i32
        %parallel_loop3A_866 = arith.divsi %parallel_loop3A_668, %parallel_loop3A_865 : i32
        %parallel_loop3A_867 = arith.constant 0 : i32
        %parallel_loop3A_868 = arith.cmpi sgt, %parallel_loop3A_668, %parallel_loop3A_867 : i32
        %parallel_loop3A_869 = arith.extui %parallel_loop3A_868 : i1 to i32
        %parallel_loop3A_870 = arith.constant 0 : i32
        %parallel_loop3A_871 = arith.cmpi slt, %parallel_loop3A_668, %parallel_loop3A_870 : i32
        %parallel_loop3A_872 = arith.extui %parallel_loop3A_871 : i1 to i32
        %parallel_loop3A_873 = arith.subi %parallel_loop3A_869, %parallel_loop3A_872 : i32
        %parallel_loop3A_874 = arith.constant 0 : i32
        %parallel_loop3A_875 = arith.cmpi sgt, %parallel_loop3A_865, %parallel_loop3A_874 : i32
        %parallel_loop3A_876 = arith.extui %parallel_loop3A_875 : i1 to i32
        %parallel_loop3A_877 = arith.constant 0 : i32
        %parallel_loop3A_878 = arith.cmpi slt, %parallel_loop3A_865, %parallel_loop3A_877 : i32
        %parallel_loop3A_879 = arith.extui %parallel_loop3A_878 : i1 to i32
        %parallel_loop3A_880 = arith.subi %parallel_loop3A_876, %parallel_loop3A_879 : i32
        %parallel_loop3A_881 = arith.cmpi ne, %parallel_loop3A_873, %parallel_loop3A_880 : i32
        %parallel_loop3A_882 = arith.remsi %parallel_loop3A_668, %parallel_loop3A_865 : i32
        %parallel_loop3A_883 = arith.constant 0 : i32
        %parallel_loop3A_884 = arith.cmpi ne, %parallel_loop3A_882, %parallel_loop3A_883 : i32
        %parallel_loop3A_885 = arith.andi %parallel_loop3A_881, %parallel_loop3A_884 : i1
        %parallel_loop3A_886 = arith.constant 1 : i32
        %parallel_loop3A_887 = arith.subi %parallel_loop3A_866, %parallel_loop3A_886 : i32
        %parallel_loop3A_888 = arith.select %parallel_loop3A_885, %parallel_loop3A_887, %parallel_loop3A_866 : i32
        %parallel_loop3A_889 = arith.constant 8 : i32
        %parallel_loop3A_890 = arith.constant 0 : i32
        %parallel_loop3A_891 = arith.cmpi eq, %parallel_loop3A_889, %parallel_loop3A_890 : i32
        %parallel_loop3A_892 = arith.constant 1 : i32
        %parallel_loop3A_893 = arith.select %parallel_loop3A_891, %parallel_loop3A_892, %parallel_loop3A_889 : i32
        %parallel_loop3A_894 = arith.remsi %parallel_loop3A_668, %parallel_loop3A_893 : i32
        %parallel_loop3A_895 = arith.constant 0 : i32
        %parallel_loop3A_896 = arith.cmpi ne, %parallel_loop3A_894, %parallel_loop3A_895 : i32
        %parallel_loop3A_897 = arith.constant 0 : i32
        %parallel_loop3A_898 = arith.cmpi slt, %parallel_loop3A_894, %parallel_loop3A_897 : i32
        %parallel_loop3A_899 = arith.constant 0 : i32
        %parallel_loop3A_900 = arith.cmpi slt, %parallel_loop3A_893, %parallel_loop3A_899 : i32
        %parallel_loop3A_901 = arith.xori %parallel_loop3A_898, %parallel_loop3A_900 : i1
        %parallel_loop3A_902 = arith.andi %parallel_loop3A_901, %parallel_loop3A_896 : i1
        %parallel_loop3A_903 = arith.addi %parallel_loop3A_894, %parallel_loop3A_893 : i32
        %parallel_loop3A_904 = arith.select %parallel_loop3A_902, %parallel_loop3A_903, %parallel_loop3A_894 : i32
        %parallel_loop3A_905 = arith.constant 0 : i32
        %parallel_loop3A_906 = arith.index_cast %parallel_loop3A_905 : i32 to index
        %parallel_loop3A_907 = arith.index_cast %parallel_loop3A_888 : i32 to index
        %parallel_loop3A_908 = arith.index_cast %parallel_loop3A_904 : i32 to index
        %parallel_loop3A_909 = arith.constant 64 : index
        %parallel_loop3A_910 = tpu.vector_load %arg7[%parallel_loop3A_906, %parallel_loop3A_907, %parallel_loop3A_908, %parallel_loop3A_909] {strides = array<i32>} : memref<4x8x8x128xf32, #tpu.memory_space<vmem>>, vector<16xf32>,
        tpu.vector_store %arg7[%parallel_loop3A_906, %parallel_loop3A_907, %parallel_loop3A_908, %parallel_loop3A_909], %parallel_loop3A_864 {strides = array<i32>} : memref<4x8x8x128xf32, #tpu.memory_space<vmem>>, vector<16xf32>,
        %parallel_loop3A_911 = tpu.memref_slice %arg5[%parallel_loop3A_670] : memref<32768xf32, #tpu.memory_space<vmem>> -> memref<512xf32, #tpu.memory_space<vmem>>
        %parallel_loop3A_912 = tpu.vector_load_idx %parallel_loop3A_911[%get3A_391] : memref<512xf32, #tpu.memory_space<vmem>>[vector<16xi32>], vector<16xf32>,
        %parallel_loop3A_913 = arith.constant 8 : i32
        %parallel_loop3A_914 = arith.divsi %parallel_loop3A_668, %parallel_loop3A_913 : i32
        %parallel_loop3A_915 = arith.constant 0 : i32
        %parallel_loop3A_916 = arith.cmpi sgt, %parallel_loop3A_668, %parallel_loop3A_915 : i32
        %parallel_loop3A_917 = arith.extui %parallel_loop3A_916 : i1 to i32
        %parallel_loop3A_918 = arith.constant 0 : i32
        %parallel_loop3A_919 = arith.cmpi slt, %parallel_loop3A_668, %parallel_loop3A_918 : i32
        %parallel_loop3A_920 = arith.extui %parallel_loop3A_919 : i1 to i32
        %parallel_loop3A_921 = arith.subi %parallel_loop3A_917, %parallel_loop3A_920 : i32
        %parallel_loop3A_922 = arith.constant 0 : i32
        %parallel_loop3A_923 = arith.cmpi sgt, %parallel_loop3A_913, %parallel_loop3A_922 : i32
        %parallel_loop3A_924 = arith.extui %parallel_loop3A_923 : i1 to i32
        %parallel_loop3A_925 = arith.constant 0 : i32
        %parallel_loop3A_926 = arith.cmpi slt, %parallel_loop3A_913, %parallel_loop3A_925 : i32
        %parallel_loop3A_927 = arith.extui %parallel_loop3A_926 : i1 to i32
        %parallel_loop3A_928 = arith.subi %parallel_loop3A_924, %parallel_loop3A_927 : i32
        %parallel_loop3A_929 = arith.cmpi ne, %parallel_loop3A_921, %parallel_loop3A_928 : i32
        %parallel_loop3A_930 = arith.remsi %parallel_loop3A_668, %parallel_loop3A_913 : i32
        %parallel_loop3A_931 = arith.constant 0 : i32
        %parallel_loop3A_932 = arith.cmpi ne, %parallel_loop3A_930, %parallel_loop3A_931 : i32
        %parallel_loop3A_933 = arith.andi %parallel_loop3A_929, %parallel_loop3A_932 : i1
        %parallel_loop3A_934 = arith.constant 1 : i32
        %parallel_loop3A_935 = arith.subi %parallel_loop3A_914, %parallel_loop3A_934 : i32
        %parallel_loop3A_936 = arith.select %parallel_loop3A_933, %parallel_loop3A_935, %parallel_loop3A_914 : i32
        %parallel_loop3A_937 = arith.constant 8 : i32
        %parallel_loop3A_938 = arith.constant 0 : i32
        %parallel_loop3A_939 = arith.cmpi eq, %parallel_loop3A_937, %parallel_loop3A_938 : i32
        %parallel_loop3A_940 = arith.constant 1 : i32
        %parallel_loop3A_941 = arith.select %parallel_loop3A_939, %parallel_loop3A_940, %parallel_loop3A_937 : i32
        %parallel_loop3A_942 = arith.remsi %parallel_loop3A_668, %parallel_loop3A_941 : i32
        %parallel_loop3A_943 = arith.constant 0 : i32
        %parallel_loop3A_944 = arith.cmpi ne, %parallel_loop3A_942, %parallel_loop3A_943 : i32
        %parallel_loop3A_945 = arith.constant 0 : i32
        %parallel_loop3A_946 = arith.cmpi slt, %parallel_loop3A_942, %parallel_loop3A_945 : i32
        %parallel_loop3A_947 = arith.constant 0 : i32
        %parallel_loop3A_948 = arith.cmpi slt, %parallel_loop3A_941, %parallel_loop3A_947 : i32
        %parallel_loop3A_949 = arith.xori %parallel_loop3A_946, %parallel_loop3A_948 : i1
        %parallel_loop3A_950 = arith.andi %parallel_loop3A_949, %parallel_loop3A_944 : i1
        %parallel_loop3A_951 = arith.addi %parallel_loop3A_942, %parallel_loop3A_941 : i32
        %parallel_loop3A_952 = arith.select %parallel_loop3A_950, %parallel_loop3A_951, %parallel_loop3A_942 : i32
        %parallel_loop3A_953 = arith.constant 0 : i32
        %parallel_loop3A_954 = arith.index_cast %parallel_loop3A_953 : i32 to index
        %parallel_loop3A_955 = arith.index_cast %parallel_loop3A_936 : i32 to index
        %parallel_loop3A_956 = arith.index_cast %parallel_loop3A_952 : i32 to index
        %parallel_loop3A_957 = arith.constant 80 : index
        %parallel_loop3A_958 = tpu.vector_load %arg7[%parallel_loop3A_954, %parallel_loop3A_955, %parallel_loop3A_956, %parallel_loop3A_957] {strides = array<i32>} : memref<4x8x8x128xf32, #tpu.memory_space<vmem>>, vector<16xf32>,
        tpu.vector_store %arg7[%parallel_loop3A_954, %parallel_loop3A_955, %parallel_loop3A_956, %parallel_loop3A_957], %parallel_loop3A_912 {strides = array<i32>} : memref<4x8x8x128xf32, #tpu.memory_space<vmem>>, vector<16xf32>,
        %parallel_loop3A_959 = tpu.memref_slice %arg5[%parallel_loop3A_670] : memref<32768xf32, #tpu.memory_space<vmem>> -> memref<512xf32, #tpu.memory_space<vmem>>
        %parallel_loop3A_960 = tpu.vector_load_idx %parallel_loop3A_959[%get3A_394] : memref<512xf32, #tpu.memory_space<vmem>>[vector<16xi32>], vector<16xf32>,
        %parallel_loop3A_961 = arith.constant 8 : i32
        %parallel_loop3A_962 = arith.divsi %parallel_loop3A_668, %parallel_loop3A_961 : i32
        %parallel_loop3A_963 = arith.constant 0 : i32
        %parallel_loop3A_964 = arith.cmpi sgt, %parallel_loop3A_668, %parallel_loop3A_963 : i32
        %parallel_loop3A_965 = arith.extui %parallel_loop3A_964 : i1 to i32
        %parallel_loop3A_966 = arith.constant 0 : i32
        %parallel_loop3A_967 = arith.cmpi slt, %parallel_loop3A_668, %parallel_loop3A_966 : i32
        %parallel_loop3A_968 = arith.extui %parallel_loop3A_967 : i1 to i32
        %parallel_loop3A_969 = arith.subi %parallel_loop3A_965, %parallel_loop3A_968 : i32
        %parallel_loop3A_970 = arith.constant 0 : i32
        %parallel_loop3A_971 = arith.cmpi sgt, %parallel_loop3A_961, %parallel_loop3A_970 : i32
        %parallel_loop3A_972 = arith.extui %parallel_loop3A_971 : i1 to i32
        %parallel_loop3A_973 = arith.constant 0 : i32
        %parallel_loop3A_974 = arith.cmpi slt, %parallel_loop3A_961, %parallel_loop3A_973 : i32
        %parallel_loop3A_975 = arith.extui %parallel_loop3A_974 : i1 to i32
        %parallel_loop3A_976 = arith.subi %parallel_loop3A_972, %parallel_loop3A_975 : i32
        %parallel_loop3A_977 = arith.cmpi ne, %parallel_loop3A_969, %parallel_loop3A_976 : i32
        %parallel_loop3A_978 = arith.remsi %parallel_loop3A_668, %parallel_loop3A_961 : i32
        %parallel_loop3A_979 = arith.constant 0 : i32
        %parallel_loop3A_980 = arith.cmpi ne, %parallel_loop3A_978, %parallel_loop3A_979 : i32
        %parallel_loop3A_981 = arith.andi %parallel_loop3A_977, %parallel_loop3A_980 : i1
        %parallel_loop3A_982 = arith.constant 1 : i32
        %parallel_loop3A_983 = arith.subi %parallel_loop3A_962, %parallel_loop3A_982 : i32
        %parallel_loop3A_984 = arith.select %parallel_loop3A_981, %parallel_loop3A_983, %parallel_loop3A_962 : i32
        %parallel_loop3A_985 = arith.constant 8 : i32
        %parallel_loop3A_986 = arith.constant 0 : i32
        %parallel_loop3A_987 = arith.cmpi eq, %parallel_loop3A_985, %parallel_loop3A_986 : i32
        %parallel_loop3A_988 = arith.constant 1 : i32
        %parallel_loop3A_989 = arith.select %parallel_loop3A_987, %parallel_loop3A_988, %parallel_loop3A_985 : i32
        %parallel_loop3A_990 = arith.remsi %parallel_loop3A_668, %parallel_loop3A_989 : i32
        %parallel_loop3A_991 = arith.constant 0 : i32
        %parallel_loop3A_992 = arith.cmpi ne, %parallel_loop3A_990, %parallel_loop3A_991 : i32
        %parallel_loop3A_993 = arith.constant 0 : i32
        %parallel_loop3A_994 = arith.cmpi slt, %parallel_loop3A_990, %parallel_loop3A_993 : i32
        %parallel_loop3A_995 = arith.constant 0 : i32
        %parallel_loop3A_996 = arith.cmpi slt, %parallel_loop3A_989, %parallel_loop3A_995 : i32
        %parallel_loop3A_997 = arith.xori %parallel_loop3A_994, %parallel_loop3A_996 : i1
        %parallel_loop3A_998 = arith.andi %parallel_loop3A_997, %parallel_loop3A_992 : i1
        %parallel_loop3A_999 = arith.addi %parallel_loop3A_990, %parallel_loop3A_989 : i32
        %parallel_loop3A_1000 = arith.select %parallel_loop3A_998, %parallel_loop3A_999, %parallel_loop3A_990 : i32
        %parallel_loop3A_1001 = arith.constant 0 : i32
        %parallel_loop3A_1002 = arith.index_cast %parallel_loop3A_1001 : i32 to index
        %parallel_loop3A_1003 = arith.index_cast %parallel_loop3A_984 : i32 to index
        %parallel_loop3A_1004 = arith.index_cast %parallel_loop3A_1000 : i32 to index
        %parallel_loop3A_1005 = arith.constant 96 : index
        %parallel_loop3A_1006 = tpu.vector_load %arg7[%parallel_loop3A_1002, %parallel_loop3A_1003, %parallel_loop3A_1004, %parallel_loop3A_1005] {strides = array<i32>} : memref<4x8x8x128xf32, #tpu.memory_space<vmem>>, vector<16xf32>,
        tpu.vector_store %arg7[%parallel_loop3A_1002, %parallel_loop3A_1003, %parallel_loop3A_1004, %parallel_loop3A_1005], %parallel_loop3A_960 {strides = array<i32>} : memref<4x8x8x128xf32, #tpu.memory_space<vmem>>, vector<16xf32>,
        %parallel_loop3A_1007 = tpu.memref_slice %arg5[%parallel_loop3A_670] : memref<32768xf32, #tpu.memory_space<vmem>> -> memref<512xf32, #tpu.memory_space<vmem>>
        %parallel_loop3A_1008 = tpu.vector_load_idx %parallel_loop3A_1007[%get3A_397] : memref<512xf32, #tpu.memory_space<vmem>>[vector<16xi32>], vector<16xf32>,
        %parallel_loop3A_1009 = arith.constant 8 : i32
        %parallel_loop3A_1010 = arith.divsi %parallel_loop3A_668, %parallel_loop3A_1009 : i32
        %parallel_loop3A_1011 = arith.constant 0 : i32
        %parallel_loop3A_1012 = arith.cmpi sgt, %parallel_loop3A_668, %parallel_loop3A_1011 : i32
        %parallel_loop3A_1013 = arith.extui %parallel_loop3A_1012 : i1 to i32
        %parallel_loop3A_1014 = arith.constant 0 : i32
        %parallel_loop3A_1015 = arith.cmpi slt, %parallel_loop3A_668, %parallel_loop3A_1014 : i32
        %parallel_loop3A_1016 = arith.extui %parallel_loop3A_1015 : i1 to i32
        %parallel_loop3A_1017 = arith.subi %parallel_loop3A_1013, %parallel_loop3A_1016 : i32
        %parallel_loop3A_1018 = arith.constant 0 : i32
        %parallel_loop3A_1019 = arith.cmpi sgt, %parallel_loop3A_1009, %parallel_loop3A_1018 : i32
        %parallel_loop3A_1020 = arith.extui %parallel_loop3A_1019 : i1 to i32
        %parallel_loop3A_1021 = arith.constant 0 : i32
        %parallel_loop3A_1022 = arith.cmpi slt, %parallel_loop3A_1009, %parallel_loop3A_1021 : i32
        %parallel_loop3A_1023 = arith.extui %parallel_loop3A_1022 : i1 to i32
        %parallel_loop3A_1024 = arith.subi %parallel_loop3A_1020, %parallel_loop3A_1023 : i32
        %parallel_loop3A_1025 = arith.cmpi ne, %parallel_loop3A_1017, %parallel_loop3A_1024 : i32
        %parallel_loop3A_1026 = arith.remsi %parallel_loop3A_668, %parallel_loop3A_1009 : i32
        %parallel_loop3A_1027 = arith.constant 0 : i32
        %parallel_loop3A_1028 = arith.cmpi ne, %parallel_loop3A_1026, %parallel_loop3A_1027 : i32
        %parallel_loop3A_1029 = arith.andi %parallel_loop3A_1025, %parallel_loop3A_1028 : i1
        %parallel_loop3A_1030 = arith.constant 1 : i32
        %parallel_loop3A_1031 = arith.subi %parallel_loop3A_1010, %parallel_loop3A_1030 : i32
        %parallel_loop3A_1032 = arith.select %parallel_loop3A_1029, %parallel_loop3A_1031, %parallel_loop3A_1010 : i32
        %parallel_loop3A_1033 = arith.constant 8 : i32
        %parallel_loop3A_1034 = arith.constant 0 : i32
        %parallel_loop3A_1035 = arith.cmpi eq, %parallel_loop3A_1033, %parallel_loop3A_1034 : i32
        %parallel_loop3A_1036 = arith.constant 1 : i32
        %parallel_loop3A_1037 = arith.select %parallel_loop3A_1035, %parallel_loop3A_1036, %parallel_loop3A_1033 : i32
        %parallel_loop3A_1038 = arith.remsi %parallel_loop3A_668, %parallel_loop3A_1037 : i32
        %parallel_loop3A_1039 = arith.constant 0 : i32
        %parallel_loop3A_1040 = arith.cmpi ne, %parallel_loop3A_1038, %parallel_loop3A_1039 : i32
        %parallel_loop3A_1041 = arith.constant 0 : i32
        %parallel_loop3A_1042 = arith.cmpi slt, %parallel_loop3A_1038, %parallel_loop3A_1041 : i32
        %parallel_loop3A_1043 = arith.constant 0 : i32
        %parallel_loop3A_1044 = arith.cmpi slt, %parallel_loop3A_1037, %parallel_loop3A_1043 : i32
        %parallel_loop3A_1045 = arith.xori %parallel_loop3A_1042, %parallel_loop3A_1044 : i1
        %parallel_loop3A_1046 = arith.andi %parallel_loop3A_1045, %parallel_loop3A_1040 : i1
        %parallel_loop3A_1047 = arith.addi %parallel_loop3A_1038, %parallel_loop3A_1037 : i32
        %parallel_loop3A_1048 = arith.select %parallel_loop3A_1046, %parallel_loop3A_1047, %parallel_loop3A_1038 : i32
        %parallel_loop3A_1049 = arith.constant 0 : i32
        %parallel_loop3A_1050 = arith.index_cast %parallel_loop3A_1049 : i32 to index
        %parallel_loop3A_1051 = arith.index_cast %parallel_loop3A_1032 : i32 to index
        %parallel_loop3A_1052 = arith.index_cast %parallel_loop3A_1048 : i32 to index
        %parallel_loop3A_1053 = arith.constant 112 : index
        %parallel_loop3A_1054 = tpu.vector_load %arg7[%parallel_loop3A_1050, %parallel_loop3A_1051, %parallel_loop3A_1052, %parallel_loop3A_1053] {strides = array<i32>} : memref<4x8x8x128xf32, #tpu.memory_space<vmem>>, vector<16xf32>,
        tpu.vector_store %arg7[%parallel_loop3A_1050, %parallel_loop3A_1051, %parallel_loop3A_1052, %parallel_loop3A_1053], %parallel_loop3A_1008 {strides = array<i32>} : memref<4x8x8x128xf32, #tpu.memory_space<vmem>>, vector<16xf32>,
      } {sc.loop_unroll_factor = 4 : i64, sc.parallel_access}
      %dma_start3A_401 = arith.constant 0 : i32
      %dma_start3A_402 = arith.constant 0 : i32
      %dma_start3A_403 = arith.constant 0 : i32
      %dma_start3A_404 = arith.constant 0 : i32
      %dma_start3A_405 = arith.constant 0 : i32
      %dma_start3A_406 = tpu.memref_slice %arg7[%dma_start3A_401, %dma_start3A_403, %dma_start3A_404, %dma_start3A_405] : memref<4x8x8x128xf32, #tpu.memory_space<vmem>> -> memref<1x8x8x128xf32, #tpu.memory_space<vmem>>
      %dma_start3A_407 = tpu.memref_squeeze %dma_start3A_406 : memref<1x8x8x128xf32, #tpu.memory_space<vmem>> -> memref<8x8x128xf32, #tpu.memory_space<vmem>>
      %dma_start3A_408 = arith.constant 0 : i32
      %dma_start3A_409 = arith.constant 0 : i32
      %dma_start3A_410 = arith.constant 0 : i32
      %dma_start3A_411 = tpu.memref_slice %arg4[%add3A_348, %dma_start3A_408, %add3A, %dma_start3A_409, %dma_start3A_410] : memref<200x8x32x8x128xf32, #tpu.memory_space<hbm>> -> memref<1x8x1x8x128xf32, #tpu.memory_space<hbm>>
      %dma_start3A_412 = tpu.memref_squeeze %dma_start3A_411 : memref<1x8x1x8x128xf32, #tpu.memory_space<hbm>> -> memref<8x8x128xf32, #tpu.memory_space<hbm>>
      %dma_start3A_413 = tpu.memref_slice %arg8[%dma_start3A_402] : memref<4x!tpu.dma_semaphore, #tpu.memory_space<semaphore_mem>> -> memref<1x!tpu.dma_semaphore, #tpu.memory_space<semaphore_mem>>
      %dma_start3A_414 = tpu.memref_squeeze %dma_start3A_413 : memref<1x!tpu.dma_semaphore, #tpu.memory_space<semaphore_mem>> -> memref<!tpu.dma_semaphore, #tpu.memory_space<semaphore_mem>>
      %dma_start3A_415 = arith.constant 0 : i32
      %dma_start3A_416 = arith.constant 0 : i32
      %dma_start3A_417 = arith.constant 0 : i32
      %dma_start3A_418 = tpu.memref_slice %arg4[%add3A_348, %dma_start3A_415, %add3A, %dma_start3A_416, %dma_start3A_417] : memref<200x8x32x8x128xf32, #tpu.memory_space<hbm>> -> memref<1x8x1x8x128xf32, #tpu.memory_space<hbm>>
      %dma_start3A_419 = tpu.memref_squeeze %dma_start3A_418 : memref<1x8x1x8x128xf32, #tpu.memory_space<hbm>> -> memref<8x8x128xf32, #tpu.memory_space<hbm>>
      %dma_start3A_420 = arith.constant 0 : i32
      %dma_start3A_421 = arith.constant 0 : i32
      %dma_start3A_422 = arith.constant 0 : i32
      %dma_start3A_423 = tpu.memref_slice %arg7[%dma_start3A_401, %dma_start3A_420, %dma_start3A_421, %dma_start3A_422] : memref<4x8x8x128xf32, #tpu.memory_space<vmem>> -> memref<1x8x8x128xf32, #tpu.memory_space<vmem>>
      %dma_start3A_424 = tpu.memref_squeeze %dma_start3A_423 : memref<1x8x8x128xf32, #tpu.memory_space<vmem>> -> memref<8x8x128xf32, #tpu.memory_space<vmem>>
      tpu.enqueue_dma source(%dma_start3A_424 : memref<8x8x128xf32, #tpu.memory_space<vmem>>) target(%dma_start3A_419 : memref<8x8x128xf32, #tpu.memory_space<hbm>>) target_semaphore(%dma_start3A_414 : memref<!tpu.dma_semaphore, #tpu.memory_space<semaphore_mem>>)
      %mul3A_425 = arith.constant 4 : i32
      %mul3A_426 = arith.muli %scan3A_344, %mul3A_425 : i32
      %add3A_427 = arith.constant 1 : i32
      %add3A_428 = arith.addi %mul3A_426, %add3A_427 : i32
      %sub3A_429 = arith.constant 4 : i32
      %sub3A_430 = arith.subi %add3A_428, %sub3A_429 : i32
      %dma_wait3A_431 = arith.constant 1 : i32
      %dma_wait3A_432 = arith.constant 1 : i32
      %dma_wait3A_433 = arith.constant 0 : i32
      %dma_wait3A_434 = arith.constant 0 : i32
      %dma_wait3A_435 = arith.constant 0 : i32
      %dma_wait3A_436 = tpu.memref_slice %arg7[%dma_wait3A_431, %dma_wait3A_433, %dma_wait3A_434, %dma_wait3A_435] : memref<4x8x8x128xf32, #tpu.memory_space<vmem>> -> memref<1x8x8x128xf32, #tpu.memory_space<vmem>>
      %dma_wait3A_437 = tpu.memref_squeeze %dma_wait3A_436 : memref<1x8x8x128xf32, #tpu.memory_space<vmem>> -> memref<8x8x128xf32, #tpu.memory_space<vmem>>
      %dma_wait3A_438 = arith.constant 0 : i32
      %dma_wait3A_439 = arith.constant 0 : i32
      %dma_wait3A_440 = arith.constant 0 : i32
      %dma_wait3A_441 = tpu.memref_slice %arg4[%sub3A_430, %dma_wait3A_438, %add3A, %dma_wait3A_439, %dma_wait3A_440] : memref<200x8x32x8x128xf32, #tpu.memory_space<hbm>> -> memref<1x8x1x8x128xf32, #tpu.memory_space<hbm>>
      %dma_wait3A_442 = tpu.memref_squeeze %dma_wait3A_441 : memref<1x8x1x8x128xf32, #tpu.memory_space<hbm>> -> memref<8x8x128xf32, #tpu.memory_space<hbm>>
      %dma_wait3A_443 = tpu.memref_slice %arg8[%dma_wait3A_432] : memref<4x!tpu.dma_semaphore, #tpu.memory_space<semaphore_mem>> -> memref<1x!tpu.dma_semaphore, #tpu.memory_space<semaphore_mem>>
      %dma_wait3A_444 = tpu.memref_squeeze %dma_wait3A_443 : memref<1x!tpu.dma_semaphore, #tpu.memory_space<semaphore_mem>> -> memref<!tpu.dma_semaphore, #tpu.memory_space<semaphore_mem>>
      %dma_wait3A_445 = arith.constant 0 : i32
      %dma_wait3A_446 = arith.constant 0 : i32
      %dma_wait3A_447 = arith.constant 0 : i32
      %dma_wait3A_448 = tpu.memref_slice %arg4[%sub3A_430, %dma_wait3A_445, %add3A, %dma_wait3A_446, %dma_wait3A_447] : memref<200x8x32x8x128xf32, #tpu.memory_space<hbm>> -> memref<1x8x1x8x128xf32, #tpu.memory_space<hbm>>
      %dma_wait3A_449 = tpu.memref_squeeze %dma_wait3A_448 : memref<1x8x1x8x128xf32, #tpu.memory_space<hbm>> -> memref<8x8x128xf32, #tpu.memory_space<hbm>>
      %dma_wait3A_450 = arith.constant 0 : i32
      %dma_wait3A_451 = arith.constant 0 : i32
      %dma_wait3A_452 = arith.constant 0 : i32
      %dma_wait3A_453 = tpu.memref_slice %arg7[%dma_wait3A_431, %dma_wait3A_450, %dma_wait3A_451, %dma_wait3A_452] : memref<4x8x8x128xf32, #tpu.memory_space<vmem>> -> memref<1x8x8x128xf32, #tpu.memory_space<vmem>>
      %dma_wait3A_454 = tpu.memref_squeeze %dma_wait3A_453 : memref<1x8x8x128xf32, #tpu.memory_space<vmem>> -> memref<8x8x128xf32, #tpu.memory_space<vmem>>
      tpu.wait_dma2 semaphore(%dma_wait3A_444 : memref<!tpu.dma_semaphore, #tpu.memory_space<semaphore_mem>>) src(%dma_wait3A_454 : memref<8x8x128xf32, #tpu.memory_space<vmem>>) dst(%dma_wait3A_449 : memref<8x8x128xf32, #tpu.memory_space<hbm>>)
      %get3A_455 = arith.index_cast %add3A_428 : i32 to index
      %get3A_456 = arith.constant 0 : index
      %get3A_457 = tpu.vector_load %arg6[%get3A_455, %get3A_456] {strides = array<i32>} : memref<200x128xi32, #tpu.memory_space<vmem>>, vector<16xi32>,
      %get3A_458 = arith.index_cast %add3A_428 : i32 to index
      %get3A_459 = arith.constant 16 : index
      %get3A_460 = tpu.vector_load %arg6[%get3A_458, %get3A_459] {strides = array<i32>} : memref<200x128xi32, #tpu.memory_space<vmem>>, vector<16xi32>,
      %get3A_461 = arith.index_cast %add3A_428 : i32 to index
      %get3A_462 = arith.constant 32 : index
      %get3A_463 = tpu.vector_load %arg6[%get3A_461, %get3A_462] {strides = array<i32>} : memref<200x128xi32, #tpu.memory_space<vmem>>, vector<16xi32>,
      %get3A_464 = arith.index_cast %add3A_428 : i32 to index
      %get3A_465 = arith.constant 48 : index
      %get3A_466 = tpu.vector_load %arg6[%get3A_464, %get3A_465] {strides = array<i32>} : memref<200x128xi32, #tpu.memory_space<vmem>>, vector<16xi32>,
      %get3A_467 = arith.index_cast %add3A_428 : i32 to index
      %get3A_468 = arith.constant 64 : index
      %get3A_469 = tpu.vector_load %arg6[%get3A_467, %get3A_468] {strides = array<i32>} : memref<200x128xi32, #tpu.memory_space<vmem>>, vector<16xi32>,
      %get3A_470 = arith.index_cast %add3A_428 : i32 to index
      %get3A_471 = arith.constant 80 : index
      %get3A_472 = tpu.vector_load %arg6[%get3A_470, %get3A_471] {strides = array<i32>} : memref<200x128xi32, #tpu.memory_space<vmem>>, vector<16xi32>,
      %get3A_473 = arith.index_cast %add3A_428 : i32 to index
      %get3A_474 = arith.constant 96 : index
      %get3A_475 = tpu.vector_load %arg6[%get3A_473, %get3A_474] {strides = array<i32>} : memref<200x128xi32, #tpu.memory_space<vmem>>, vector<16xi32>,
      %get3A_476 = arith.index_cast %add3A_428 : i32 to index
      %get3A_477 = arith.constant 112 : index
      %get3A_478 = tpu.vector_load %arg6[%get3A_476, %get3A_477] {strides = array<i32>} : memref<200x128xi32, #tpu.memory_space<vmem>>, vector<16xi32>,
      %parallel_loop3A_479 = arith.constant 0 : i32
      %parallel_loop3A_480 = arith.constant 64 : i32
      %parallel_loop3A_481 = arith.constant 1 : i32
      scf.for %parallel_loop3A_668 = %parallel_loop3A_479 to %parallel_loop3A_480 step %parallel_loop3A_481  : i32 {
        %parallel_loop3A_669 = arith.constant 512 : i32
        %parallel_loop3A_670 = arith.muli %parallel_loop3A_668, %parallel_loop3A_669 : i32
        %parallel_loop3A_671 = tpu.memref_slice %arg5[%parallel_loop3A_670] : memref<32768xf32, #tpu.memory_space<vmem>> -> memref<512xf32, #tpu.memory_space<vmem>>
        %parallel_loop3A_672 = tpu.vector_load_idx %parallel_loop3A_671[%get3A_457] : memref<512xf32, #tpu.memory_space<vmem>>[vector<16xi32>], vector<16xf32>,
        %parallel_loop3A_673 = arith.constant 8 : i32
        %parallel_loop3A_674 = arith.divsi %parallel_loop3A_668, %parallel_loop3A_673 : i32
        %parallel_loop3A_675 = arith.constant 0 : i32
        %parallel_loop3A_676 = arith.cmpi sgt, %parallel_loop3A_668, %parallel_loop3A_675 : i32
        %parallel_loop3A_677 = arith.extui %parallel_loop3A_676 : i1 to i32
        %parallel_loop3A_678 = arith.constant 0 : i32
        %parallel_loop3A_679 = arith.cmpi slt, %parallel_loop3A_668, %parallel_loop3A_678 : i32
        %parallel_loop3A_680 = arith.extui %parallel_loop3A_679 : i1 to i32
        %parallel_loop3A_681 = arith.subi %parallel_loop3A_677, %parallel_loop3A_680 : i32
        %parallel_loop3A_682 = arith.constant 0 : i32
        %parallel_loop3A_683 = arith.cmpi sgt, %parallel_loop3A_673, %parallel_loop3A_682 : i32
        %parallel_loop3A_684 = arith.extui %parallel_loop3A_683 : i1 to i32
        %parallel_loop3A_685 = arith.constant 0 : i32
        %parallel_loop3A_686 = arith.cmpi slt, %parallel_loop3A_673, %parallel_loop3A_685 : i32
        %parallel_loop3A_687 = arith.extui %parallel_loop3A_686 : i1 to i32
        %parallel_loop3A_688 = arith.subi %parallel_loop3A_684, %parallel_loop3A_687 : i32
        %parallel_loop3A_689 = arith.cmpi ne, %parallel_loop3A_681, %parallel_loop3A_688 : i32
        %parallel_loop3A_690 = arith.remsi %parallel_loop3A_668, %parallel_loop3A_673 : i32
        %parallel_loop3A_691 = arith.constant 0 : i32
        %parallel_loop3A_692 = arith.cmpi ne, %parallel_loop3A_690, %parallel_loop3A_691 : i32
        %parallel_loop3A_693 = arith.andi %parallel_loop3A_689, %parallel_loop3A_692 : i1
        %parallel_loop3A_694 = arith.constant 1 : i32
        %parallel_loop3A_695 = arith.subi %parallel_loop3A_674, %parallel_loop3A_694 : i32
        %parallel_loop3A_696 = arith.select %parallel_loop3A_693, %parallel_loop3A_695, %parallel_loop3A_674 : i32
        %parallel_loop3A_697 = arith.constant 8 : i32
        %parallel_loop3A_698 = arith.constant 0 : i32
        %parallel_loop3A_699 = arith.cmpi eq, %parallel_loop3A_697, %parallel_loop3A_698 : i32
        %parallel_loop3A_700 = arith.constant 1 : i32
        %parallel_loop3A_701 = arith.select %parallel_loop3A_699, %parallel_loop3A_700, %parallel_loop3A_697 : i32
        %parallel_loop3A_702 = arith.remsi %parallel_loop3A_668, %parallel_loop3A_701 : i32
        %parallel_loop3A_703 = arith.constant 0 : i32
        %parallel_loop3A_704 = arith.cmpi ne, %parallel_loop3A_702, %parallel_loop3A_703 : i32
        %parallel_loop3A_705 = arith.constant 0 : i32
        %parallel_loop3A_706 = arith.cmpi slt, %parallel_loop3A_702, %parallel_loop3A_705 : i32
        %parallel_loop3A_707 = arith.constant 0 : i32
        %parallel_loop3A_708 = arith.cmpi slt, %parallel_loop3A_701, %parallel_loop3A_707 : i32
        %parallel_loop3A_709 = arith.xori %parallel_loop3A_706, %parallel_loop3A_708 : i1
        %parallel_loop3A_710 = arith.andi %parallel_loop3A_709, %parallel_loop3A_704 : i1
        %parallel_loop3A_711 = arith.addi %parallel_loop3A_702, %parallel_loop3A_701 : i32
        %parallel_loop3A_712 = arith.select %parallel_loop3A_710, %parallel_loop3A_711, %parallel_loop3A_702 : i32
        %parallel_loop3A_713 = arith.constant 1 : i32
        %parallel_loop3A_714 = arith.index_cast %parallel_loop3A_713 : i32 to index
        %parallel_loop3A_715 = arith.index_cast %parallel_loop3A_696 : i32 to index
        %parallel_loop3A_716 = arith.index_cast %parallel_loop3A_712 : i32 to index
        %parallel_loop3A_717 = arith.constant 0 : index
        %parallel_loop3A_718 = tpu.vector_load %arg7[%parallel_loop3A_714, %parallel_loop3A_715, %parallel_loop3A_716, %parallel_loop3A_717] {strides = array<i32>} : memref<4x8x8x128xf32, #tpu.memory_space<vmem>>, vector<16xf32>,
        tpu.vector_store %arg7[%parallel_loop3A_714, %parallel_loop3A_715, %parallel_loop3A_716, %parallel_loop3A_717], %parallel_loop3A_672 {strides = array<i32>} : memref<4x8x8x128xf32, #tpu.memory_space<vmem>>, vector<16xf32>,
        %parallel_loop3A_719 = tpu.memref_slice %arg5[%parallel_loop3A_670] : memref<32768xf32, #tpu.memory_space<vmem>> -> memref<512xf32, #tpu.memory_space<vmem>>
        %parallel_loop3A_720 = tpu.vector_load_idx %parallel_loop3A_719[%get3A_460] : memref<512xf32, #tpu.memory_space<vmem>>[vector<16xi32>], vector<16xf32>,
        %parallel_loop3A_721 = arith.constant 8 : i32
        %parallel_loop3A_722 = arith.divsi %parallel_loop3A_668, %parallel_loop3A_721 : i32
        %parallel_loop3A_723 = arith.constant 0 : i32
        %parallel_loop3A_724 = arith.cmpi sgt, %parallel_loop3A_668, %parallel_loop3A_723 : i32
        %parallel_loop3A_725 = arith.extui %parallel_loop3A_724 : i1 to i32
        %parallel_loop3A_726 = arith.constant 0 : i32
        %parallel_loop3A_727 = arith.cmpi slt, %parallel_loop3A_668, %parallel_loop3A_726 : i32
        %parallel_loop3A_728 = arith.extui %parallel_loop3A_727 : i1 to i32
        %parallel_loop3A_729 = arith.subi %parallel_loop3A_725, %parallel_loop3A_728 : i32
        %parallel_loop3A_730 = arith.constant 0 : i32
        %parallel_loop3A_731 = arith.cmpi sgt, %parallel_loop3A_721, %parallel_loop3A_730 : i32
        %parallel_loop3A_732 = arith.extui %parallel_loop3A_731 : i1 to i32
        %parallel_loop3A_733 = arith.constant 0 : i32
        %parallel_loop3A_734 = arith.cmpi slt, %parallel_loop3A_721, %parallel_loop3A_733 : i32
        %parallel_loop3A_735 = arith.extui %parallel_loop3A_734 : i1 to i32
        %parallel_loop3A_736 = arith.subi %parallel_loop3A_732, %parallel_loop3A_735 : i32
        %parallel_loop3A_737 = arith.cmpi ne, %parallel_loop3A_729, %parallel_loop3A_736 : i32
        %parallel_loop3A_738 = arith.remsi %parallel_loop3A_668, %parallel_loop3A_721 : i32
        %parallel_loop3A_739 = arith.constant 0 : i32
        %parallel_loop3A_740 = arith.cmpi ne, %parallel_loop3A_738, %parallel_loop3A_739 : i32
        %parallel_loop3A_741 = arith.andi %parallel_loop3A_737, %parallel_loop3A_740 : i1
        %parallel_loop3A_742 = arith.constant 1 : i32
        %parallel_loop3A_743 = arith.subi %parallel_loop3A_722, %parallel_loop3A_742 : i32
        %parallel_loop3A_744 = arith.select %parallel_loop3A_741, %parallel_loop3A_743, %parallel_loop3A_722 : i32
        %parallel_loop3A_745 = arith.constant 8 : i32
        %parallel_loop3A_746 = arith.constant 0 : i32
        %parallel_loop3A_747 = arith.cmpi eq, %parallel_loop3A_745, %parallel_loop3A_746 : i32
        %parallel_loop3A_748 = arith.constant 1 : i32
        %parallel_loop3A_749 = arith.select %parallel_loop3A_747, %parallel_loop3A_748, %parallel_loop3A_745 : i32
        %parallel_loop3A_750 = arith.remsi %parallel_loop3A_668, %parallel_loop3A_749 : i32
        %parallel_loop3A_751 = arith.constant 0 : i32
        %parallel_loop3A_752 = arith.cmpi ne, %parallel_loop3A_750, %parallel_loop3A_751 : i32
        %parallel_loop3A_753 = arith.constant 0 : i32
        %parallel_loop3A_754 = arith.cmpi slt, %parallel_loop3A_750, %parallel_loop3A_753 : i32
        %parallel_loop3A_755 = arith.constant 0 : i32
        %parallel_loop3A_756 = arith.cmpi slt, %parallel_loop3A_749, %parallel_loop3A_755 : i32
        %parallel_loop3A_757 = arith.xori %parallel_loop3A_754, %parallel_loop3A_756 : i1
        %parallel_loop3A_758 = arith.andi %parallel_loop3A_757, %parallel_loop3A_752 : i1
        %parallel_loop3A_759 = arith.addi %parallel_loop3A_750, %parallel_loop3A_749 : i32
        %parallel_loop3A_760 = arith.select %parallel_loop3A_758, %parallel_loop3A_759, %parallel_loop3A_750 : i32
        %parallel_loop3A_761 = arith.constant 1 : i32
        %parallel_loop3A_762 = arith.index_cast %parallel_loop3A_761 : i32 to index
        %parallel_loop3A_763 = arith.index_cast %parallel_loop3A_744 : i32 to index
        %parallel_loop3A_764 = arith.index_cast %parallel_loop3A_760 : i32 to index
        %parallel_loop3A_765 = arith.constant 16 : index
        %parallel_loop3A_766 = tpu.vector_load %arg7[%parallel_loop3A_762, %parallel_loop3A_763, %parallel_loop3A_764, %parallel_loop3A_765] {strides = array<i32>} : memref<4x8x8x128xf32, #tpu.memory_space<vmem>>, vector<16xf32>,
        tpu.vector_store %arg7[%parallel_loop3A_762, %parallel_loop3A_763, %parallel_loop3A_764, %parallel_loop3A_765], %parallel_loop3A_720 {strides = array<i32>} : memref<4x8x8x128xf32, #tpu.memory_space<vmem>>, vector<16xf32>,
        %parallel_loop3A_767 = tpu.memref_slice %arg5[%parallel_loop3A_670] : memref<32768xf32, #tpu.memory_space<vmem>> -> memref<512xf32, #tpu.memory_space<vmem>>
        %parallel_loop3A_768 = tpu.vector_load_idx %parallel_loop3A_767[%get3A_463] : memref<512xf32, #tpu.memory_space<vmem>>[vector<16xi32>], vector<16xf32>,
        %parallel_loop3A_769 = arith.constant 8 : i32
        %parallel_loop3A_770 = arith.divsi %parallel_loop3A_668, %parallel_loop3A_769 : i32
        %parallel_loop3A_771 = arith.constant 0 : i32
        %parallel_loop3A_772 = arith.cmpi sgt, %parallel_loop3A_668, %parallel_loop3A_771 : i32
        %parallel_loop3A_773 = arith.extui %parallel_loop3A_772 : i1 to i32
        %parallel_loop3A_774 = arith.constant 0 : i32
        %parallel_loop3A_775 = arith.cmpi slt, %parallel_loop3A_668, %parallel_loop3A_774 : i32
        %parallel_loop3A_776 = arith.extui %parallel_loop3A_775 : i1 to i32
        %parallel_loop3A_777 = arith.subi %parallel_loop3A_773, %parallel_loop3A_776 : i32
        %parallel_loop3A_778 = arith.constant 0 : i32
        %parallel_loop3A_779 = arith.cmpi sgt, %parallel_loop3A_769, %parallel_loop3A_778 : i32
        %parallel_loop3A_780 = arith.extui %parallel_loop3A_779 : i1 to i32
        %parallel_loop3A_781 = arith.constant 0 : i32
        %parallel_loop3A_782 = arith.cmpi slt, %parallel_loop3A_769, %parallel_loop3A_781 : i32
        %parallel_loop3A_783 = arith.extui %parallel_loop3A_782 : i1 to i32
        %parallel_loop3A_784 = arith.subi %parallel_loop3A_780, %parallel_loop3A_783 : i32
        %parallel_loop3A_785 = arith.cmpi ne, %parallel_loop3A_777, %parallel_loop3A_784 : i32
        %parallel_loop3A_786 = arith.remsi %parallel_loop3A_668, %parallel_loop3A_769 : i32
        %parallel_loop3A_787 = arith.constant 0 : i32
        %parallel_loop3A_788 = arith.cmpi ne, %parallel_loop3A_786, %parallel_loop3A_787 : i32
        %parallel_loop3A_789 = arith.andi %parallel_loop3A_785, %parallel_loop3A_788 : i1
        %parallel_loop3A_790 = arith.constant 1 : i32
        %parallel_loop3A_791 = arith.subi %parallel_loop3A_770, %parallel_loop3A_790 : i32
        %parallel_loop3A_792 = arith.select %parallel_loop3A_789, %parallel_loop3A_791, %parallel_loop3A_770 : i32
        %parallel_loop3A_793 = arith.constant 8 : i32
        %parallel_loop3A_794 = arith.constant 0 : i32
        %parallel_loop3A_795 = arith.cmpi eq, %parallel_loop3A_793, %parallel_loop3A_794 : i32
        %parallel_loop3A_796 = arith.constant 1 : i32
        %parallel_loop3A_797 = arith.select %parallel_loop3A_795, %parallel_loop3A_796, %parallel_loop3A_793 : i32
        %parallel_loop3A_798 = arith.remsi %parallel_loop3A_668, %parallel_loop3A_797 : i32
        %parallel_loop3A_799 = arith.constant 0 : i32
        %parallel_loop3A_800 = arith.cmpi ne, %parallel_loop3A_798, %parallel_loop3A_799 : i32
        %parallel_loop3A_801 = arith.constant 0 : i32
        %parallel_loop3A_802 = arith.cmpi slt, %parallel_loop3A_798, %parallel_loop3A_801 : i32
        %parallel_loop3A_803 = arith.constant 0 : i32
        %parallel_loop3A_804 = arith.cmpi slt, %parallel_loop3A_797, %parallel_loop3A_803 : i32
        %parallel_loop3A_805 = arith.xori %parallel_loop3A_802, %parallel_loop3A_804 : i1
        %parallel_loop3A_806 = arith.andi %parallel_loop3A_805, %parallel_loop3A_800 : i1
        %parallel_loop3A_807 = arith.addi %parallel_loop3A_798, %parallel_loop3A_797 : i32
        %parallel_loop3A_808 = arith.select %parallel_loop3A_806, %parallel_loop3A_807, %parallel_loop3A_798 : i32
        %parallel_loop3A_809 = arith.constant 1 : i32
        %parallel_loop3A_810 = arith.index_cast %parallel_loop3A_809 : i32 to index
        %parallel_loop3A_811 = arith.index_cast %parallel_loop3A_792 : i32 to index
        %parallel_loop3A_812 = arith.index_cast %parallel_loop3A_808 : i32 to index
        %parallel_loop3A_813 = arith.constant 32 : index
        %parallel_loop3A_814 = tpu.vector_load %arg7[%parallel_loop3A_810, %parallel_loop3A_811, %parallel_loop3A_812, %parallel_loop3A_813] {strides = array<i32>} : memref<4x8x8x128xf32, #tpu.memory_space<vmem>>, vector<16xf32>,
        tpu.vector_store %arg7[%parallel_loop3A_810, %parallel_loop3A_811, %parallel_loop3A_812, %parallel_loop3A_813], %parallel_loop3A_768 {strides = array<i32>} : memref<4x8x8x128xf32, #tpu.memory_space<vmem>>, vector<16xf32>,
        %parallel_loop3A_815 = tpu.memref_slice %arg5[%parallel_loop3A_670] : memref<32768xf32, #tpu.memory_space<vmem>> -> memref<512xf32, #tpu.memory_space<vmem>>
        %parallel_loop3A_816 = tpu.vector_load_idx %parallel_loop3A_815[%get3A_466] : memref<512xf32, #tpu.memory_space<vmem>>[vector<16xi32>], vector<16xf32>,
        %parallel_loop3A_817 = arith.constant 8 : i32
        %parallel_loop3A_818 = arith.divsi %parallel_loop3A_668, %parallel_loop3A_817 : i32
        %parallel_loop3A_819 = arith.constant 0 : i32
        %parallel_loop3A_820 = arith.cmpi sgt, %parallel_loop3A_668, %parallel_loop3A_819 : i32
        %parallel_loop3A_821 = arith.extui %parallel_loop3A_820 : i1 to i32
        %parallel_loop3A_822 = arith.constant 0 : i32
        %parallel_loop3A_823 = arith.cmpi slt, %parallel_loop3A_668, %parallel_loop3A_822 : i32
        %parallel_loop3A_824 = arith.extui %parallel_loop3A_823 : i1 to i32
        %parallel_loop3A_825 = arith.subi %parallel_loop3A_821, %parallel_loop3A_824 : i32
        %parallel_loop3A_826 = arith.constant 0 : i32
        %parallel_loop3A_827 = arith.cmpi sgt, %parallel_loop3A_817, %parallel_loop3A_826 : i32
        %parallel_loop3A_828 = arith.extui %parallel_loop3A_827 : i1 to i32
        %parallel_loop3A_829 = arith.constant 0 : i32
        %parallel_loop3A_830 = arith.cmpi slt, %parallel_loop3A_817, %parallel_loop3A_829 : i32
        %parallel_loop3A_831 = arith.extui %parallel_loop3A_830 : i1 to i32
        %parallel_loop3A_832 = arith.subi %parallel_loop3A_828, %parallel_loop3A_831 : i32
        %parallel_loop3A_833 = arith.cmpi ne, %parallel_loop3A_825, %parallel_loop3A_832 : i32
        %parallel_loop3A_834 = arith.remsi %parallel_loop3A_668, %parallel_loop3A_817 : i32
        %parallel_loop3A_835 = arith.constant 0 : i32
        %parallel_loop3A_836 = arith.cmpi ne, %parallel_loop3A_834, %parallel_loop3A_835 : i32
        %parallel_loop3A_837 = arith.andi %parallel_loop3A_833, %parallel_loop3A_836 : i1
        %parallel_loop3A_838 = arith.constant 1 : i32
        %parallel_loop3A_839 = arith.subi %parallel_loop3A_818, %parallel_loop3A_838 : i32
        %parallel_loop3A_840 = arith.select %parallel_loop3A_837, %parallel_loop3A_839, %parallel_loop3A_818 : i32
        %parallel_loop3A_841 = arith.constant 8 : i32
        %parallel_loop3A_842 = arith.constant 0 : i32
        %parallel_loop3A_843 = arith.cmpi eq, %parallel_loop3A_841, %parallel_loop3A_842 : i32
        %parallel_loop3A_844 = arith.constant 1 : i32
        %parallel_loop3A_845 = arith.select %parallel_loop3A_843, %parallel_loop3A_844, %parallel_loop3A_841 : i32
        %parallel_loop3A_846 = arith.remsi %parallel_loop3A_668, %parallel_loop3A_845 : i32
        %parallel_loop3A_847 = arith.constant 0 : i32
        %parallel_loop3A_848 = arith.cmpi ne, %parallel_loop3A_846, %parallel_loop3A_847 : i32
        %parallel_loop3A_849 = arith.constant 0 : i32
        %parallel_loop3A_850 = arith.cmpi slt, %parallel_loop3A_846, %parallel_loop3A_849 : i32
        %parallel_loop3A_851 = arith.constant 0 : i32
        %parallel_loop3A_852 = arith.cmpi slt, %parallel_loop3A_845, %parallel_loop3A_851 : i32
        %parallel_loop3A_853 = arith.xori %parallel_loop3A_850, %parallel_loop3A_852 : i1
        %parallel_loop3A_854 = arith.andi %parallel_loop3A_853, %parallel_loop3A_848 : i1
        %parallel_loop3A_855 = arith.addi %parallel_loop3A_846, %parallel_loop3A_845 : i32
        %parallel_loop3A_856 = arith.select %parallel_loop3A_854, %parallel_loop3A_855, %parallel_loop3A_846 : i32
        %parallel_loop3A_857 = arith.constant 1 : i32
        %parallel_loop3A_858 = arith.index_cast %parallel_loop3A_857 : i32 to index
        %parallel_loop3A_859 = arith.index_cast %parallel_loop3A_840 : i32 to index
        %parallel_loop3A_860 = arith.index_cast %parallel_loop3A_856 : i32 to index
        %parallel_loop3A_861 = arith.constant 48 : index
        %parallel_loop3A_862 = tpu.vector_load %arg7[%parallel_loop3A_858, %parallel_loop3A_859, %parallel_loop3A_860, %parallel_loop3A_861] {strides = array<i32>} : memref<4x8x8x128xf32, #tpu.memory_space<vmem>>, vector<16xf32>,
        tpu.vector_store %arg7[%parallel_loop3A_858, %parallel_loop3A_859, %parallel_loop3A_860, %parallel_loop3A_861], %parallel_loop3A_816 {strides = array<i32>} : memref<4x8x8x128xf32, #tpu.memory_space<vmem>>, vector<16xf32>,
        %parallel_loop3A_863 = tpu.memref_slice %arg5[%parallel_loop3A_670] : memref<32768xf32, #tpu.memory_space<vmem>> -> memref<512xf32, #tpu.memory_space<vmem>>
        %parallel_loop3A_864 = tpu.vector_load_idx %parallel_loop3A_863[%get3A_469] : memref<512xf32, #tpu.memory_space<vmem>>[vector<16xi32>], vector<16xf32>,
        %parallel_loop3A_865 = arith.constant 8 : i32
        %parallel_loop3A_866 = arith.divsi %parallel_loop3A_668, %parallel_loop3A_865 : i32
        %parallel_loop3A_867 = arith.constant 0 : i32
        %parallel_loop3A_868 = arith.cmpi sgt, %parallel_loop3A_668, %parallel_loop3A_867 : i32
        %parallel_loop3A_869 = arith.extui %parallel_loop3A_868 : i1 to i32
        %parallel_loop3A_870 = arith.constant 0 : i32
        %parallel_loop3A_871 = arith.cmpi slt, %parallel_loop3A_668, %parallel_loop3A_870 : i32
        %parallel_loop3A_872 = arith.extui %parallel_loop3A_871 : i1 to i32
        %parallel_loop3A_873 = arith.subi %parallel_loop3A_869, %parallel_loop3A_872 : i32
        %parallel_loop3A_874 = arith.constant 0 : i32
        %parallel_loop3A_875 = arith.cmpi sgt, %parallel_loop3A_865, %parallel_loop3A_874 : i32
        %parallel_loop3A_876 = arith.extui %parallel_loop3A_875 : i1 to i32
        %parallel_loop3A_877 = arith.constant 0 : i32
        %parallel_loop3A_878 = arith.cmpi slt, %parallel_loop3A_865, %parallel_loop3A_877 : i32
        %parallel_loop3A_879 = arith.extui %parallel_loop3A_878 : i1 to i32
        %parallel_loop3A_880 = arith.subi %parallel_loop3A_876, %parallel_loop3A_879 : i32
        %parallel_loop3A_881 = arith.cmpi ne, %parallel_loop3A_873, %parallel_loop3A_880 : i32
        %parallel_loop3A_882 = arith.remsi %parallel_loop3A_668, %parallel_loop3A_865 : i32
        %parallel_loop3A_883 = arith.constant 0 : i32
        %parallel_loop3A_884 = arith.cmpi ne, %parallel_loop3A_882, %parallel_loop3A_883 : i32
        %parallel_loop3A_885 = arith.andi %parallel_loop3A_881, %parallel_loop3A_884 : i1
        %parallel_loop3A_886 = arith.constant 1 : i32
        %parallel_loop3A_887 = arith.subi %parallel_loop3A_866, %parallel_loop3A_886 : i32
        %parallel_loop3A_888 = arith.select %parallel_loop3A_885, %parallel_loop3A_887, %parallel_loop3A_866 : i32
        %parallel_loop3A_889 = arith.constant 8 : i32
        %parallel_loop3A_890 = arith.constant 0 : i32
        %parallel_loop3A_891 = arith.cmpi eq, %parallel_loop3A_889, %parallel_loop3A_890 : i32
        %parallel_loop3A_892 = arith.constant 1 : i32
        %parallel_loop3A_893 = arith.select %parallel_loop3A_891, %parallel_loop3A_892, %parallel_loop3A_889 : i32
        %parallel_loop3A_894 = arith.remsi %parallel_loop3A_668, %parallel_loop3A_893 : i32
        %parallel_loop3A_895 = arith.constant 0 : i32
        %parallel_loop3A_896 = arith.cmpi ne, %parallel_loop3A_894, %parallel_loop3A_895 : i32
        %parallel_loop3A_897 = arith.constant 0 : i32
        %parallel_loop3A_898 = arith.cmpi slt, %parallel_loop3A_894, %parallel_loop3A_897 : i32
        %parallel_loop3A_899 = arith.constant 0 : i32
        %parallel_loop3A_900 = arith.cmpi slt, %parallel_loop3A_893, %parallel_loop3A_899 : i32
        %parallel_loop3A_901 = arith.xori %parallel_loop3A_898, %parallel_loop3A_900 : i1
        %parallel_loop3A_902 = arith.andi %parallel_loop3A_901, %parallel_loop3A_896 : i1
        %parallel_loop3A_903 = arith.addi %parallel_loop3A_894, %parallel_loop3A_893 : i32
        %parallel_loop3A_904 = arith.select %parallel_loop3A_902, %parallel_loop3A_903, %parallel_loop3A_894 : i32
        %parallel_loop3A_905 = arith.constant 1 : i32
        %parallel_loop3A_906 = arith.index_cast %parallel_loop3A_905 : i32 to index
        %parallel_loop3A_907 = arith.index_cast %parallel_loop3A_888 : i32 to index
        %parallel_loop3A_908 = arith.index_cast %parallel_loop3A_904 : i32 to index
        %parallel_loop3A_909 = arith.constant 64 : index
        %parallel_loop3A_910 = tpu.vector_load %arg7[%parallel_loop3A_906, %parallel_loop3A_907, %parallel_loop3A_908, %parallel_loop3A_909] {strides = array<i32>} : memref<4x8x8x128xf32, #tpu.memory_space<vmem>>, vector<16xf32>,
        tpu.vector_store %arg7[%parallel_loop3A_906, %parallel_loop3A_907, %parallel_loop3A_908, %parallel_loop3A_909], %parallel_loop3A_864 {strides = array<i32>} : memref<4x8x8x128xf32, #tpu.memory_space<vmem>>, vector<16xf32>,
        %parallel_loop3A_911 = tpu.memref_slice %arg5[%parallel_loop3A_670] : memref<32768xf32, #tpu.memory_space<vmem>> -> memref<512xf32, #tpu.memory_space<vmem>>
        %parallel_loop3A_912 = tpu.vector_load_idx %parallel_loop3A_911[%get3A_472] : memref<512xf32, #tpu.memory_space<vmem>>[vector<16xi32>], vector<16xf32>,
        %parallel_loop3A_913 = arith.constant 8 : i32
        %parallel_loop3A_914 = arith.divsi %parallel_loop3A_668, %parallel_loop3A_913 : i32
        %parallel_loop3A_915 = arith.constant 0 : i32
        %parallel_loop3A_916 = arith.cmpi sgt, %parallel_loop3A_668, %parallel_loop3A_915 : i32
        %parallel_loop3A_917 = arith.extui %parallel_loop3A_916 : i1 to i32
        %parallel_loop3A_918 = arith.constant 0 : i32
        %parallel_loop3A_919 = arith.cmpi slt, %parallel_loop3A_668, %parallel_loop3A_918 : i32
        %parallel_loop3A_920 = arith.extui %parallel_loop3A_919 : i1 to i32
        %parallel_loop3A_921 = arith.subi %parallel_loop3A_917, %parallel_loop3A_920 : i32
        %parallel_loop3A_922 = arith.constant 0 : i32
        %parallel_loop3A_923 = arith.cmpi sgt, %parallel_loop3A_913, %parallel_loop3A_922 : i32
        %parallel_loop3A_924 = arith.extui %parallel_loop3A_923 : i1 to i32
        %parallel_loop3A_925 = arith.constant 0 : i32
        %parallel_loop3A_926 = arith.cmpi slt, %parallel_loop3A_913, %parallel_loop3A_925 : i32
        %parallel_loop3A_927 = arith.extui %parallel_loop3A_926 : i1 to i32
        %parallel_loop3A_928 = arith.subi %parallel_loop3A_924, %parallel_loop3A_927 : i32
        %parallel_loop3A_929 = arith.cmpi ne, %parallel_loop3A_921, %parallel_loop3A_928 : i32
        %parallel_loop3A_930 = arith.remsi %parallel_loop3A_668, %parallel_loop3A_913 : i32
        %parallel_loop3A_931 = arith.constant 0 : i32
        %parallel_loop3A_932 = arith.cmpi ne, %parallel_loop3A_930, %parallel_loop3A_931 : i32
        %parallel_loop3A_933 = arith.andi %parallel_loop3A_929, %parallel_loop3A_932 : i1
        %parallel_loop3A_934 = arith.constant 1 : i32
        %parallel_loop3A_935 = arith.subi %parallel_loop3A_914, %parallel_loop3A_934 : i32
        %parallel_loop3A_936 = arith.select %parallel_loop3A_933, %parallel_loop3A_935, %parallel_loop3A_914 : i32
        %parallel_loop3A_937 = arith.constant 8 : i32
        %parallel_loop3A_938 = arith.constant 0 : i32
        %parallel_loop3A_939 = arith.cmpi eq, %parallel_loop3A_937, %parallel_loop3A_938 : i32
        %parallel_loop3A_940 = arith.constant 1 : i32
        %parallel_loop3A_941 = arith.select %parallel_loop3A_939, %parallel_loop3A_940, %parallel_loop3A_937 : i32
        %parallel_loop3A_942 = arith.remsi %parallel_loop3A_668, %parallel_loop3A_941 : i32
        %parallel_loop3A_943 = arith.constant 0 : i32
        %parallel_loop3A_944 = arith.cmpi ne, %parallel_loop3A_942, %parallel_loop3A_943 : i32
        %parallel_loop3A_945 = arith.constant 0 : i32
        %parallel_loop3A_946 = arith.cmpi slt, %parallel_loop3A_942, %parallel_loop3A_945 : i32
        %parallel_loop3A_947 = arith.constant 0 : i32
        %parallel_loop3A_948 = arith.cmpi slt, %parallel_loop3A_941, %parallel_loop3A_947 : i32
        %parallel_loop3A_949 = arith.xori %parallel_loop3A_946, %parallel_loop3A_948 : i1
        %parallel_loop3A_950 = arith.andi %parallel_loop3A_949, %parallel_loop3A_944 : i1
        %parallel_loop3A_951 = arith.addi %parallel_loop3A_942, %parallel_loop3A_941 : i32
        %parallel_loop3A_952 = arith.select %parallel_loop3A_950, %parallel_loop3A_951, %parallel_loop3A_942 : i32
        %parallel_loop3A_953 = arith.constant 1 : i32
        %parallel_loop3A_954 = arith.index_cast %parallel_loop3A_953 : i32 to index
        %parallel_loop3A_955 = arith.index_cast %parallel_loop3A_936 : i32 to index
        %parallel_loop3A_956 = arith.index_cast %parallel_loop3A_952 : i32 to index
        %parallel_loop3A_957 = arith.constant 80 : index
        %parallel_loop3A_958 = tpu.vector_load %arg7[%parallel_loop3A_954, %parallel_loop3A_955, %parallel_loop3A_956, %parallel_loop3A_957] {strides = array<i32>} : memref<4x8x8x128xf32, #tpu.memory_space<vmem>>, vector<16xf32>,
        tpu.vector_store %arg7[%parallel_loop3A_954, %parallel_loop3A_955, %parallel_loop3A_956, %parallel_loop3A_957], %parallel_loop3A_912 {strides = array<i32>} : memref<4x8x8x128xf32, #tpu.memory_space<vmem>>, vector<16xf32>,
        %parallel_loop3A_959 = tpu.memref_slice %arg5[%parallel_loop3A_670] : memref<32768xf32, #tpu.memory_space<vmem>> -> memref<512xf32, #tpu.memory_space<vmem>>
        %parallel_loop3A_960 = tpu.vector_load_idx %parallel_loop3A_959[%get3A_475] : memref<512xf32, #tpu.memory_space<vmem>>[vector<16xi32>], vector<16xf32>,
        %parallel_loop3A_961 = arith.constant 8 : i32
        %parallel_loop3A_962 = arith.divsi %parallel_loop3A_668, %parallel_loop3A_961 : i32
        %parallel_loop3A_963 = arith.constant 0 : i32
        %parallel_loop3A_964 = arith.cmpi sgt, %parallel_loop3A_668, %parallel_loop3A_963 : i32
        %parallel_loop3A_965 = arith.extui %parallel_loop3A_964 : i1 to i32
        %parallel_loop3A_966 = arith.constant 0 : i32
        %parallel_loop3A_967 = arith.cmpi slt, %parallel_loop3A_668, %parallel_loop3A_966 : i32
        %parallel_loop3A_968 = arith.extui %parallel_loop3A_967 : i1 to i32
        %parallel_loop3A_969 = arith.subi %parallel_loop3A_965, %parallel_loop3A_968 : i32
        %parallel_loop3A_970 = arith.constant 0 : i32
        %parallel_loop3A_971 = arith.cmpi sgt, %parallel_loop3A_961, %parallel_loop3A_970 : i32
        %parallel_loop3A_972 = arith.extui %parallel_loop3A_971 : i1 to i32
        %parallel_loop3A_973 = arith.constant 0 : i32
        %parallel_loop3A_974 = arith.cmpi slt, %parallel_loop3A_961, %parallel_loop3A_973 : i32
        %parallel_loop3A_975 = arith.extui %parallel_loop3A_974 : i1 to i32
        %parallel_loop3A_976 = arith.subi %parallel_loop3A_972, %parallel_loop3A_975 : i32
        %parallel_loop3A_977 = arith.cmpi ne, %parallel_loop3A_969, %parallel_loop3A_976 : i32
        %parallel_loop3A_978 = arith.remsi %parallel_loop3A_668, %parallel_loop3A_961 : i32
        %parallel_loop3A_979 = arith.constant 0 : i32
        %parallel_loop3A_980 = arith.cmpi ne, %parallel_loop3A_978, %parallel_loop3A_979 : i32
        %parallel_loop3A_981 = arith.andi %parallel_loop3A_977, %parallel_loop3A_980 : i1
        %parallel_loop3A_982 = arith.constant 1 : i32
        %parallel_loop3A_983 = arith.subi %parallel_loop3A_962, %parallel_loop3A_982 : i32
        %parallel_loop3A_984 = arith.select %parallel_loop3A_981, %parallel_loop3A_983, %parallel_loop3A_962 : i32
        %parallel_loop3A_985 = arith.constant 8 : i32
        %parallel_loop3A_986 = arith.constant 0 : i32
        %parallel_loop3A_987 = arith.cmpi eq, %parallel_loop3A_985, %parallel_loop3A_986 : i32
        %parallel_loop3A_988 = arith.constant 1 : i32
        %parallel_loop3A_989 = arith.select %parallel_loop3A_987, %parallel_loop3A_988, %parallel_loop3A_985 : i32
        %parallel_loop3A_990 = arith.remsi %parallel_loop3A_668, %parallel_loop3A_989 : i32
        %parallel_loop3A_991 = arith.constant 0 : i32
        %parallel_loop3A_992 = arith.cmpi ne, %parallel_loop3A_990, %parallel_loop3A_991 : i32
        %parallel_loop3A_993 = arith.constant 0 : i32
        %parallel_loop3A_994 = arith.cmpi slt, %parallel_loop3A_990, %parallel_loop3A_993 : i32
        %parallel_loop3A_995 = arith.constant 0 : i32
        %parallel_loop3A_996 = arith.cmpi slt, %parallel_loop3A_989, %parallel_loop3A_995 : i32
        %parallel_loop3A_997 = arith.xori %parallel_loop3A_994, %parallel_loop3A_996 : i1
        %parallel_loop3A_998 = arith.andi %parallel_loop3A_997, %parallel_loop3A_992 : i1
        %parallel_loop3A_999 = arith.addi %parallel_loop3A_990, %parallel_loop3A_989 : i32
        %parallel_loop3A_1000 = arith.select %parallel_loop3A_998, %parallel_loop3A_999, %parallel_loop3A_990 : i32
        %parallel_loop3A_1001 = arith.constant 1 : i32
        %parallel_loop3A_1002 = arith.index_cast %parallel_loop3A_1001 : i32 to index
        %parallel_loop3A_1003 = arith.index_cast %parallel_loop3A_984 : i32 to index
        %parallel_loop3A_1004 = arith.index_cast %parallel_loop3A_1000 : i32 to index
        %parallel_loop3A_1005 = arith.constant 96 : index
        %parallel_loop3A_1006 = tpu.vector_load %arg7[%parallel_loop3A_1002, %parallel_loop3A_1003, %parallel_loop3A_1004, %parallel_loop3A_1005] {strides = array<i32>} : memref<4x8x8x128xf32, #tpu.memory_space<vmem>>, vector<16xf32>,
        tpu.vector_store %arg7[%parallel_loop3A_1002, %parallel_loop3A_1003, %parallel_loop3A_1004, %parallel_loop3A_1005], %parallel_loop3A_960 {strides = array<i32>} : memref<4x8x8x128xf32, #tpu.memory_space<vmem>>, vector<16xf32>,
        %parallel_loop3A_1007 = tpu.memref_slice %arg5[%parallel_loop3A_670] : memref<32768xf32, #tpu.memory_space<vmem>> -> memref<512xf32, #tpu.memory_space<vmem>>
        %parallel_loop3A_1008 = tpu.vector_load_idx %parallel_loop3A_1007[%get3A_478] : memref<512xf32, #tpu.memory_space<vmem>>[vector<16xi32>], vector<16xf32>,
        %parallel_loop3A_1009 = arith.constant 8 : i32
        %parallel_loop3A_1010 = arith.divsi %parallel_loop3A_668, %parallel_loop3A_1009 : i32
        %parallel_loop3A_1011 = arith.constant 0 : i32
        %parallel_loop3A_1012 = arith.cmpi sgt, %parallel_loop3A_668, %parallel_loop3A_1011 : i32
        %parallel_loop3A_1013 = arith.extui %parallel_loop3A_1012 : i1 to i32
        %parallel_loop3A_1014 = arith.constant 0 : i32
        %parallel_loop3A_1015 = arith.cmpi slt, %parallel_loop3A_668, %parallel_loop3A_1014 : i32
        %parallel_loop3A_1016 = arith.extui %parallel_loop3A_1015 : i1 to i32
        %parallel_loop3A_1017 = arith.subi %parallel_loop3A_1013, %parallel_loop3A_1016 : i32
        %parallel_loop3A_1018 = arith.constant 0 : i32
        %parallel_loop3A_1019 = arith.cmpi sgt, %parallel_loop3A_1009, %parallel_loop3A_1018 : i32
        %parallel_loop3A_1020 = arith.extui %parallel_loop3A_1019 : i1 to i32
        %parallel_loop3A_1021 = arith.constant 0 : i32
        %parallel_loop3A_1022 = arith.cmpi slt, %parallel_loop3A_1009, %parallel_loop3A_1021 : i32
        %parallel_loop3A_1023 = arith.extui %parallel_loop3A_1022 : i1 to i32
        %parallel_loop3A_1024 = arith.subi %parallel_loop3A_1020, %parallel_loop3A_1023 : i32
        %parallel_loop3A_1025 = arith.cmpi ne, %parallel_loop3A_1017, %parallel_loop3A_1024 : i32
        %parallel_loop3A_1026 = arith.remsi %parallel_loop3A_668, %parallel_loop3A_1009 : i32
        %parallel_loop3A_1027 = arith.constant 0 : i32
        %parallel_loop3A_1028 = arith.cmpi ne, %parallel_loop3A_1026, %parallel_loop3A_1027 : i32
        %parallel_loop3A_1029 = arith.andi %parallel_loop3A_1025, %parallel_loop3A_1028 : i1
        %parallel_loop3A_1030 = arith.constant 1 : i32
        %parallel_loop3A_1031 = arith.subi %parallel_loop3A_1010, %parallel_loop3A_1030 : i32
        %parallel_loop3A_1032 = arith.select %parallel_loop3A_1029, %parallel_loop3A_1031, %parallel_loop3A_1010 : i32
        %parallel_loop3A_1033 = arith.constant 8 : i32
        %parallel_loop3A_1034 = arith.constant 0 : i32
        %parallel_loop3A_1035 = arith.cmpi eq, %parallel_loop3A_1033, %parallel_loop3A_1034 : i32
        %parallel_loop3A_1036 = arith.constant 1 : i32
        %parallel_loop3A_1037 = arith.select %parallel_loop3A_1035, %parallel_loop3A_1036, %parallel_loop3A_1033 : i32
        %parallel_loop3A_1038 = arith.remsi %parallel_loop3A_668, %parallel_loop3A_1037 : i32
        %parallel_loop3A_1039 = arith.constant 0 : i32
        %parallel_loop3A_1040 = arith.cmpi ne, %parallel_loop3A_1038, %parallel_loop3A_1039 : i32
        %parallel_loop3A_1041 = arith.constant 0 : i32
        %parallel_loop3A_1042 = arith.cmpi slt, %parallel_loop3A_1038, %parallel_loop3A_1041 : i32
        %parallel_loop3A_1043 = arith.constant 0 : i32
        %parallel_loop3A_1044 = arith.cmpi slt, %parallel_loop3A_1037, %parallel_loop3A_1043 : i32
        %parallel_loop3A_1045 = arith.xori %parallel_loop3A_1042, %parallel_loop3A_1044 : i1
        %parallel_loop3A_1046 = arith.andi %parallel_loop3A_1045, %parallel_loop3A_1040 : i1
        %parallel_loop3A_1047 = arith.addi %parallel_loop3A_1038, %parallel_loop3A_1037 : i32
        %parallel_loop3A_1048 = arith.select %parallel_loop3A_1046, %parallel_loop3A_1047, %parallel_loop3A_1038 : i32
        %parallel_loop3A_1049 = arith.constant 1 : i32
        %parallel_loop3A_1050 = arith.index_cast %parallel_loop3A_1049 : i32 to index
        %parallel_loop3A_1051 = arith.index_cast %parallel_loop3A_1032 : i32 to index
        %parallel_loop3A_1052 = arith.index_cast %parallel_loop3A_1048 : i32 to index
        %parallel_loop3A_1053 = arith.constant 112 : index
        %parallel_loop3A_1054 = tpu.vector_load %arg7[%parallel_loop3A_1050, %parallel_loop3A_1051, %parallel_loop3A_1052, %parallel_loop3A_1053] {strides = array<i32>} : memref<4x8x8x128xf32, #tpu.memory_space<vmem>>, vector<16xf32>,
        tpu.vector_store %arg7[%parallel_loop3A_1050, %parallel_loop3A_1051, %parallel_loop3A_1052, %parallel_loop3A_1053], %parallel_loop3A_1008 {strides = array<i32>} : memref<4x8x8x128xf32, #tpu.memory_space<vmem>>, vector<16xf32>,
      } {sc.loop_unroll_factor = 4 : i64, sc.parallel_access}
      %dma_start3A_482 = arith.constant 1 : i32
      %dma_start3A_483 = arith.constant 1 : i32
      %dma_start3A_484 = arith.constant 0 : i32
      %dma_start3A_485 = arith.constant 0 : i32
      %dma_start3A_486 = arith.constant 0 : i32
      %dma_start3A_487 = tpu.memref_slice %arg7[%dma_start3A_482, %dma_start3A_484, %dma_start3A_485, %dma_start3A_486] : memref<4x8x8x128xf32, #tpu.memory_space<vmem>> -> memref<1x8x8x128xf32, #tpu.memory_space<vmem>>
      %dma_start3A_488 = tpu.memref_squeeze %dma_start3A_487 : memref<1x8x8x128xf32, #tpu.memory_space<vmem>> -> memref<8x8x128xf32, #tpu.memory_space<vmem>>
      %dma_start3A_489 = arith.constant 0 : i32
      %dma_start3A_490 = arith.constant 0 : i32
      %dma_start3A_491 = arith.constant 0 : i32
      %dma_start3A_492 = tpu.memref_slice %arg4[%add3A_428, %dma_start3A_489, %add3A, %dma_start3A_490, %dma_start3A_491] : memref<200x8x32x8x128xf32, #tpu.memory_space<hbm>> -> memref<1x8x1x8x128xf32, #tpu.memory_space<hbm>>
      %dma_start3A_493 = tpu.memref_squeeze %dma_start3A_492 : memref<1x8x1x8x128xf32, #tpu.memory_space<hbm>> -> memref<8x8x128xf32, #tpu.memory_space<hbm>>
      %dma_start3A_494 = tpu.memref_slice %arg8[%dma_start3A_483] : memref<4x!tpu.dma_semaphore, #tpu.memory_space<semaphore_mem>> -> memref<1x!tpu.dma_semaphore, #tpu.memory_space<semaphore_mem>>
      %dma_start3A_495 = tpu.memref_squeeze %dma_start3A_494 : memref<1x!tpu.dma_semaphore, #tpu.memory_space<semaphore_mem>> -> memref<!tpu.dma_semaphore, #tpu.memory_space<semaphore_mem>>
      %dma_start3A_496 = arith.constant 0 : i32
      %dma_start3A_497 = arith.constant 0 : i32
      %dma_start3A_498 = arith.constant 0 : i32
      %dma_start3A_499 = tpu.memref_slice %arg4[%add3A_428, %dma_start3A_496, %add3A, %dma_start3A_497, %dma_start3A_498] : memref<200x8x32x8x128xf32, #tpu.memory_space<hbm>> -> memref<1x8x1x8x128xf32, #tpu.memory_space<hbm>>
      %dma_start3A_500 = tpu.memref_squeeze %dma_start3A_499 : memref<1x8x1x8x128xf32, #tpu.memory_space<hbm>> -> memref<8x8x128xf32, #tpu.memory_space<hbm>>
      %dma_start3A_501 = arith.constant 0 : i32
      %dma_start3A_502 = arith.constant 0 : i32
      %dma_start3A_503 = arith.constant 0 : i32
      %dma_start3A_504 = tpu.memref_slice %arg7[%dma_start3A_482, %dma_start3A_501, %dma_start3A_502, %dma_start3A_503] : memref<4x8x8x128xf32, #tpu.memory_space<vmem>> -> memref<1x8x8x128xf32, #tpu.memory_space<vmem>>
      %dma_start3A_505 = tpu.memref_squeeze %dma_start3A_504 : memref<1x8x8x128xf32, #tpu.memory_space<vmem>> -> memref<8x8x128xf32, #tpu.memory_space<vmem>>
      tpu.enqueue_dma source(%dma_start3A_505 : memref<8x8x128xf32, #tpu.memory_space<vmem>>) target(%dma_start3A_500 : memref<8x8x128xf32, #tpu.memory_space<hbm>>) target_semaphore(%dma_start3A_495 : memref<!tpu.dma_semaphore, #tpu.memory_space<semaphore_mem>>)
      %mul3A_506 = arith.constant 4 : i32
      %mul3A_507 = arith.muli %scan3A_344, %mul3A_506 : i32
      %add3A_508 = arith.constant 2 : i32
      %add3A_509 = arith.addi %mul3A_507, %add3A_508 : i32
      %sub3A_510 = arith.constant 4 : i32
      %sub3A_511 = arith.subi %add3A_509, %sub3A_510 : i32
      %dma_wait3A_512 = arith.constant 2 : i32
      %dma_wait3A_513 = arith.constant 2 : i32
      %dma_wait3A_514 = arith.constant 0 : i32
      %dma_wait3A_515 = arith.constant 0 : i32
      %dma_wait3A_516 = arith.constant 0 : i32
      %dma_wait3A_517 = tpu.memref_slice %arg7[%dma_wait3A_512, %dma_wait3A_514, %dma_wait3A_515, %dma_wait3A_516] : memref<4x8x8x128xf32, #tpu.memory_space<vmem>> -> memref<1x8x8x128xf32, #tpu.memory_space<vmem>>
      %dma_wait3A_518 = tpu.memref_squeeze %dma_wait3A_517 : memref<1x8x8x128xf32, #tpu.memory_space<vmem>> -> memref<8x8x128xf32, #tpu.memory_space<vmem>>
      %dma_wait3A_519 = arith.constant 0 : i32
      %dma_wait3A_520 = arith.constant 0 : i32
      %dma_wait3A_521 = arith.constant 0 : i32
      %dma_wait3A_522 = tpu.memref_slice %arg4[%sub3A_511, %dma_wait3A_519, %add3A, %dma_wait3A_520, %dma_wait3A_521] : memref<200x8x32x8x128xf32, #tpu.memory_space<hbm>> -> memref<1x8x1x8x128xf32, #tpu.memory_space<hbm>>
      %dma_wait3A_523 = tpu.memref_squeeze %dma_wait3A_522 : memref<1x8x1x8x128xf32, #tpu.memory_space<hbm>> -> memref<8x8x128xf32, #tpu.memory_space<hbm>>
      %dma_wait3A_524 = tpu.memref_slice %arg8[%dma_wait3A_513] : memref<4x!tpu.dma_semaphore, #tpu.memory_space<semaphore_mem>> -> memref<1x!tpu.dma_semaphore, #tpu.memory_space<semaphore_mem>>
      %dma_wait3A_525 = tpu.memref_squeeze %dma_wait3A_524 : memref<1x!tpu.dma_semaphore, #tpu.memory_space<semaphore_mem>> -> memref<!tpu.dma_semaphore, #tpu.memory_space<semaphore_mem>>
      %dma_wait3A_526 = arith.constant 0 : i32
      %dma_wait3A_527 = arith.constant 0 : i32
      %dma_wait3A_528 = arith.constant 0 : i32
      %dma_wait3A_529 = tpu.memref_slice %arg4[%sub3A_511, %dma_wait3A_526, %add3A, %dma_wait3A_527, %dma_wait3A_528] : memref<200x8x32x8x128xf32, #tpu.memory_space<hbm>> -> memref<1x8x1x8x128xf32, #tpu.memory_space<hbm>>
      %dma_wait3A_530 = tpu.memref_squeeze %dma_wait3A_529 : memref<1x8x1x8x128xf32, #tpu.memory_space<hbm>> -> memref<8x8x128xf32, #tpu.memory_space<hbm>>
      %dma_wait3A_531 = arith.constant 0 : i32
      %dma_wait3A_532 = arith.constant 0 : i32
      %dma_wait3A_533 = arith.constant 0 : i32
      %dma_wait3A_534 = tpu.memref_slice %arg7[%dma_wait3A_512, %dma_wait3A_531, %dma_wait3A_532, %dma_wait3A_533] : memref<4x8x8x128xf32, #tpu.memory_space<vmem>> -> memref<1x8x8x128xf32, #tpu.memory_space<vmem>>
      %dma_wait3A_535 = tpu.memref_squeeze %dma_wait3A_534 : memref<1x8x8x128xf32, #tpu.memory_space<vmem>> -> memref<8x8x128xf32, #tpu.memory_space<vmem>>
      tpu.wait_dma2 semaphore(%dma_wait3A_525 : memref<!tpu.dma_semaphore, #tpu.memory_space<semaphore_mem>>) src(%dma_wait3A_535 : memref<8x8x128xf32, #tpu.memory_space<vmem>>) dst(%dma_wait3A_530 : memref<8x8x128xf32, #tpu.memory_space<hbm>>)
      %get3A_536 = arith.index_cast %add3A_509 : i32 to index
      %get3A_537 = arith.constant 0 : index
      %get3A_538 = tpu.vector_load %arg6[%get3A_536, %get3A_537] {strides = array<i32>} : memref<200x128xi32, #tpu.memory_space<vmem>>, vector<16xi32>,
      %get3A_539 = arith.index_cast %add3A_509 : i32 to index
      %get3A_540 = arith.constant 16 : index
      %get3A_541 = tpu.vector_load %arg6[%get3A_539, %get3A_540] {strides = array<i32>} : memref<200x128xi32, #tpu.memory_space<vmem>>, vector<16xi32>,
      %get3A_542 = arith.index_cast %add3A_509 : i32 to index
      %get3A_543 = arith.constant 32 : index
      %get3A_544 = tpu.vector_load %arg6[%get3A_542, %get3A_543] {strides = array<i32>} : memref<200x128xi32, #tpu.memory_space<vmem>>, vector<16xi32>,
      %get3A_545 = arith.index_cast %add3A_509 : i32 to index
      %get3A_546 = arith.constant 48 : index
      %get3A_547 = tpu.vector_load %arg6[%get3A_545, %get3A_546] {strides = array<i32>} : memref<200x128xi32, #tpu.memory_space<vmem>>, vector<16xi32>,
      %get3A_548 = arith.index_cast %add3A_509 : i32 to index
      %get3A_549 = arith.constant 64 : index
      %get3A_550 = tpu.vector_load %arg6[%get3A_548, %get3A_549] {strides = array<i32>} : memref<200x128xi32, #tpu.memory_space<vmem>>, vector<16xi32>,
      %get3A_551 = arith.index_cast %add3A_509 : i32 to index
      %get3A_552 = arith.constant 80 : index
      %get3A_553 = tpu.vector_load %arg6[%get3A_551, %get3A_552] {strides = array<i32>} : memref<200x128xi32, #tpu.memory_space<vmem>>, vector<16xi32>,
      %get3A_554 = arith.index_cast %add3A_509 : i32 to index
      %get3A_555 = arith.constant 96 : index
      %get3A_556 = tpu.vector_load %arg6[%get3A_554, %get3A_555] {strides = array<i32>} : memref<200x128xi32, #tpu.memory_space<vmem>>, vector<16xi32>,
      %get3A_557 = arith.index_cast %add3A_509 : i32 to index
      %get3A_558 = arith.constant 112 : index
      %get3A_559 = tpu.vector_load %arg6[%get3A_557, %get3A_558] {strides = array<i32>} : memref<200x128xi32, #tpu.memory_space<vmem>>, vector<16xi32>,
      %parallel_loop3A_560 = arith.constant 0 : i32
      %parallel_loop3A_561 = arith.constant 64 : i32
      %parallel_loop3A_562 = arith.constant 1 : i32
      scf.for %parallel_loop3A_668 = %parallel_loop3A_560 to %parallel_loop3A_561 step %parallel_loop3A_562  : i32 {
        %parallel_loop3A_669 = arith.constant 512 : i32
        %parallel_loop3A_670 = arith.muli %parallel_loop3A_668, %parallel_loop3A_669 : i32
        %parallel_loop3A_671 = tpu.memref_slice %arg5[%parallel_loop3A_670] : memref<32768xf32, #tpu.memory_space<vmem>> -> memref<512xf32, #tpu.memory_space<vmem>>
        %parallel_loop3A_672 = tpu.vector_load_idx %parallel_loop3A_671[%get3A_538] : memref<512xf32, #tpu.memory_space<vmem>>[vector<16xi32>], vector<16xf32>,
        %parallel_loop3A_673 = arith.constant 8 : i32
        %parallel_loop3A_674 = arith.divsi %parallel_loop3A_668, %parallel_loop3A_673 : i32
        %parallel_loop3A_675 = arith.constant 0 : i32
        %parallel_loop3A_676 = arith.cmpi sgt, %parallel_loop3A_668, %parallel_loop3A_675 : i32
        %parallel_loop3A_677 = arith.extui %parallel_loop3A_676 : i1 to i32
        %parallel_loop3A_678 = arith.constant 0 : i32
        %parallel_loop3A_679 = arith.cmpi slt, %parallel_loop3A_668, %parallel_loop3A_678 : i32
        %parallel_loop3A_680 = arith.extui %parallel_loop3A_679 : i1 to i32
        %parallel_loop3A_681 = arith.subi %parallel_loop3A_677, %parallel_loop3A_680 : i32
        %parallel_loop3A_682 = arith.constant 0 : i32
        %parallel_loop3A_683 = arith.cmpi sgt, %parallel_loop3A_673, %parallel_loop3A_682 : i32
        %parallel_loop3A_684 = arith.extui %parallel_loop3A_683 : i1 to i32
        %parallel_loop3A_685 = arith.constant 0 : i32
        %parallel_loop3A_686 = arith.cmpi slt, %parallel_loop3A_673, %parallel_loop3A_685 : i32
        %parallel_loop3A_687 = arith.extui %parallel_loop3A_686 : i1 to i32
        %parallel_loop3A_688 = arith.subi %parallel_loop3A_684, %parallel_loop3A_687 : i32
        %parallel_loop3A_689 = arith.cmpi ne, %parallel_loop3A_681, %parallel_loop3A_688 : i32
        %parallel_loop3A_690 = arith.remsi %parallel_loop3A_668, %parallel_loop3A_673 : i32
        %parallel_loop3A_691 = arith.constant 0 : i32
        %parallel_loop3A_692 = arith.cmpi ne, %parallel_loop3A_690, %parallel_loop3A_691 : i32
        %parallel_loop3A_693 = arith.andi %parallel_loop3A_689, %parallel_loop3A_692 : i1
        %parallel_loop3A_694 = arith.constant 1 : i32
        %parallel_loop3A_695 = arith.subi %parallel_loop3A_674, %parallel_loop3A_694 : i32
        %parallel_loop3A_696 = arith.select %parallel_loop3A_693, %parallel_loop3A_695, %parallel_loop3A_674 : i32
        %parallel_loop3A_697 = arith.constant 8 : i32
        %parallel_loop3A_698 = arith.constant 0 : i32
        %parallel_loop3A_699 = arith.cmpi eq, %parallel_loop3A_697, %parallel_loop3A_698 : i32
        %parallel_loop3A_700 = arith.constant 1 : i32
        %parallel_loop3A_701 = arith.select %parallel_loop3A_699, %parallel_loop3A_700, %parallel_loop3A_697 : i32
        %parallel_loop3A_702 = arith.remsi %parallel_loop3A_668, %parallel_loop3A_701 : i32
        %parallel_loop3A_703 = arith.constant 0 : i32
        %parallel_loop3A_704 = arith.cmpi ne, %parallel_loop3A_702, %parallel_loop3A_703 : i32
        %parallel_loop3A_705 = arith.constant 0 : i32
        %parallel_loop3A_706 = arith.cmpi slt, %parallel_loop3A_702, %parallel_loop3A_705 : i32
        %parallel_loop3A_707 = arith.constant 0 : i32
        %parallel_loop3A_708 = arith.cmpi slt, %parallel_loop3A_701, %parallel_loop3A_707 : i32
        %parallel_loop3A_709 = arith.xori %parallel_loop3A_706, %parallel_loop3A_708 : i1
        %parallel_loop3A_710 = arith.andi %parallel_loop3A_709, %parallel_loop3A_704 : i1
        %parallel_loop3A_711 = arith.addi %parallel_loop3A_702, %parallel_loop3A_701 : i32
        %parallel_loop3A_712 = arith.select %parallel_loop3A_710, %parallel_loop3A_711, %parallel_loop3A_702 : i32
        %parallel_loop3A_713 = arith.constant 2 : i32
        %parallel_loop3A_714 = arith.index_cast %parallel_loop3A_713 : i32 to index
        %parallel_loop3A_715 = arith.index_cast %parallel_loop3A_696 : i32 to index
        %parallel_loop3A_716 = arith.index_cast %parallel_loop3A_712 : i32 to index
        %parallel_loop3A_717 = arith.constant 0 : index
        %parallel_loop3A_718 = tpu.vector_load %arg7[%parallel_loop3A_714, %parallel_loop3A_715, %parallel_loop3A_716, %parallel_loop3A_717] {strides = array<i32>} : memref<4x8x8x128xf32, #tpu.memory_space<vmem>>, vector<16xf32>,
        tpu.vector_store %arg7[%parallel_loop3A_714, %parallel_loop3A_715, %parallel_loop3A_716, %parallel_loop3A_717], %parallel_loop3A_672 {strides = array<i32>} : memref<4x8x8x128xf32, #tpu.memory_space<vmem>>, vector<16xf32>,
        %parallel_loop3A_719 = tpu.memref_slice %arg5[%parallel_loop3A_670] : memref<32768xf32, #tpu.memory_space<vmem>> -> memref<512xf32, #tpu.memory_space<vmem>>
        %parallel_loop3A_720 = tpu.vector_load_idx %parallel_loop3A_719[%get3A_541] : memref<512xf32, #tpu.memory_space<vmem>>[vector<16xi32>], vector<16xf32>,
        %parallel_loop3A_721 = arith.constant 8 : i32
        %parallel_loop3A_722 = arith.divsi %parallel_loop3A_668, %parallel_loop3A_721 : i32
        %parallel_loop3A_723 = arith.constant 0 : i32
        %parallel_loop3A_724 = arith.cmpi sgt, %parallel_loop3A_668, %parallel_loop3A_723 : i32
        %parallel_loop3A_725 = arith.extui %parallel_loop3A_724 : i1 to i32
        %parallel_loop3A_726 = arith.constant 0 : i32
        %parallel_loop3A_727 = arith.cmpi slt, %parallel_loop3A_668, %parallel_loop3A_726 : i32
        %parallel_loop3A_728 = arith.extui %parallel_loop3A_727 : i1 to i32
        %parallel_loop3A_729 = arith.subi %parallel_loop3A_725, %parallel_loop3A_728 : i32
        %parallel_loop3A_730 = arith.constant 0 : i32
        %parallel_loop3A_731 = arith.cmpi sgt, %parallel_loop3A_721, %parallel_loop3A_730 : i32
        %parallel_loop3A_732 = arith.extui %parallel_loop3A_731 : i1 to i32
        %parallel_loop3A_733 = arith.constant 0 : i32
        %parallel_loop3A_734 = arith.cmpi slt, %parallel_loop3A_721, %parallel_loop3A_733 : i32
        %parallel_loop3A_735 = arith.extui %parallel_loop3A_734 : i1 to i32
        %parallel_loop3A_736 = arith.subi %parallel_loop3A_732, %parallel_loop3A_735 : i32
        %parallel_loop3A_737 = arith.cmpi ne, %parallel_loop3A_729, %parallel_loop3A_736 : i32
        %parallel_loop3A_738 = arith.remsi %parallel_loop3A_668, %parallel_loop3A_721 : i32
        %parallel_loop3A_739 = arith.constant 0 : i32
        %parallel_loop3A_740 = arith.cmpi ne, %parallel_loop3A_738, %parallel_loop3A_739 : i32
        %parallel_loop3A_741 = arith.andi %parallel_loop3A_737, %parallel_loop3A_740 : i1
        %parallel_loop3A_742 = arith.constant 1 : i32
        %parallel_loop3A_743 = arith.subi %parallel_loop3A_722, %parallel_loop3A_742 : i32
        %parallel_loop3A_744 = arith.select %parallel_loop3A_741, %parallel_loop3A_743, %parallel_loop3A_722 : i32
        %parallel_loop3A_745 = arith.constant 8 : i32
        %parallel_loop3A_746 = arith.constant 0 : i32
        %parallel_loop3A_747 = arith.cmpi eq, %parallel_loop3A_745, %parallel_loop3A_746 : i32
        %parallel_loop3A_748 = arith.constant 1 : i32
        %parallel_loop3A_749 = arith.select %parallel_loop3A_747, %parallel_loop3A_748, %parallel_loop3A_745 : i32
        %parallel_loop3A_750 = arith.remsi %parallel_loop3A_668, %parallel_loop3A_749 : i32
        %parallel_loop3A_751 = arith.constant 0 : i32
        %parallel_loop3A_752 = arith.cmpi ne, %parallel_loop3A_750, %parallel_loop3A_751 : i32
        %parallel_loop3A_753 = arith.constant 0 : i32
        %parallel_loop3A_754 = arith.cmpi slt, %parallel_loop3A_750, %parallel_loop3A_753 : i32
        %parallel_loop3A_755 = arith.constant 0 : i32
        %parallel_loop3A_756 = arith.cmpi slt, %parallel_loop3A_749, %parallel_loop3A_755 : i32
        %parallel_loop3A_757 = arith.xori %parallel_loop3A_754, %parallel_loop3A_756 : i1
        %parallel_loop3A_758 = arith.andi %parallel_loop3A_757, %parallel_loop3A_752 : i1
        %parallel_loop3A_759 = arith.addi %parallel_loop3A_750, %parallel_loop3A_749 : i32
        %parallel_loop3A_760 = arith.select %parallel_loop3A_758, %parallel_loop3A_759, %parallel_loop3A_750 : i32
        %parallel_loop3A_761 = arith.constant 2 : i32
        %parallel_loop3A_762 = arith.index_cast %parallel_loop3A_761 : i32 to index
        %parallel_loop3A_763 = arith.index_cast %parallel_loop3A_744 : i32 to index
        %parallel_loop3A_764 = arith.index_cast %parallel_loop3A_760 : i32 to index
        %parallel_loop3A_765 = arith.constant 16 : index
        %parallel_loop3A_766 = tpu.vector_load %arg7[%parallel_loop3A_762, %parallel_loop3A_763, %parallel_loop3A_764, %parallel_loop3A_765] {strides = array<i32>} : memref<4x8x8x128xf32, #tpu.memory_space<vmem>>, vector<16xf32>,
        tpu.vector_store %arg7[%parallel_loop3A_762, %parallel_loop3A_763, %parallel_loop3A_764, %parallel_loop3A_765], %parallel_loop3A_720 {strides = array<i32>} : memref<4x8x8x128xf32, #tpu.memory_space<vmem>>, vector<16xf32>,
        %parallel_loop3A_767 = tpu.memref_slice %arg5[%parallel_loop3A_670] : memref<32768xf32, #tpu.memory_space<vmem>> -> memref<512xf32, #tpu.memory_space<vmem>>
        %parallel_loop3A_768 = tpu.vector_load_idx %parallel_loop3A_767[%get3A_544] : memref<512xf32, #tpu.memory_space<vmem>>[vector<16xi32>], vector<16xf32>,
        %parallel_loop3A_769 = arith.constant 8 : i32
        %parallel_loop3A_770 = arith.divsi %parallel_loop3A_668, %parallel_loop3A_769 : i32
        %parallel_loop3A_771 = arith.constant 0 : i32
        %parallel_loop3A_772 = arith.cmpi sgt, %parallel_loop3A_668, %parallel_loop3A_771 : i32
        %parallel_loop3A_773 = arith.extui %parallel_loop3A_772 : i1 to i32
        %parallel_loop3A_774 = arith.constant 0 : i32
        %parallel_loop3A_775 = arith.cmpi slt, %parallel_loop3A_668, %parallel_loop3A_774 : i32
        %parallel_loop3A_776 = arith.extui %parallel_loop3A_775 : i1 to i32
        %parallel_loop3A_777 = arith.subi %parallel_loop3A_773, %parallel_loop3A_776 : i32
        %parallel_loop3A_778 = arith.constant 0 : i32
        %parallel_loop3A_779 = arith.cmpi sgt, %parallel_loop3A_769, %parallel_loop3A_778 : i32
        %parallel_loop3A_780 = arith.extui %parallel_loop3A_779 : i1 to i32
        %parallel_loop3A_781 = arith.constant 0 : i32
        %parallel_loop3A_782 = arith.cmpi slt, %parallel_loop3A_769, %parallel_loop3A_781 : i32
        %parallel_loop3A_783 = arith.extui %parallel_loop3A_782 : i1 to i32
        %parallel_loop3A_784 = arith.subi %parallel_loop3A_780, %parallel_loop3A_783 : i32
        %parallel_loop3A_785 = arith.cmpi ne, %parallel_loop3A_777, %parallel_loop3A_784 : i32
        %parallel_loop3A_786 = arith.remsi %parallel_loop3A_668, %parallel_loop3A_769 : i32
        %parallel_loop3A_787 = arith.constant 0 : i32
        %parallel_loop3A_788 = arith.cmpi ne, %parallel_loop3A_786, %parallel_loop3A_787 : i32
        %parallel_loop3A_789 = arith.andi %parallel_loop3A_785, %parallel_loop3A_788 : i1
        %parallel_loop3A_790 = arith.constant 1 : i32
        %parallel_loop3A_791 = arith.subi %parallel_loop3A_770, %parallel_loop3A_790 : i32
        %parallel_loop3A_792 = arith.select %parallel_loop3A_789, %parallel_loop3A_791, %parallel_loop3A_770 : i32
        %parallel_loop3A_793 = arith.constant 8 : i32
        %parallel_loop3A_794 = arith.constant 0 : i32
        %parallel_loop3A_795 = arith.cmpi eq, %parallel_loop3A_793, %parallel_loop3A_794 : i32
        %parallel_loop3A_796 = arith.constant 1 : i32
        %parallel_loop3A_797 = arith.select %parallel_loop3A_795, %parallel_loop3A_796, %parallel_loop3A_793 : i32
        %parallel_loop3A_798 = arith.remsi %parallel_loop3A_668, %parallel_loop3A_797 : i32
        %parallel_loop3A_799 = arith.constant 0 : i32
        %parallel_loop3A_800 = arith.cmpi ne, %parallel_loop3A_798, %parallel_loop3A_799 : i32
        %parallel_loop3A_801 = arith.constant 0 : i32
        %parallel_loop3A_802 = arith.cmpi slt, %parallel_loop3A_798, %parallel_loop3A_801 : i32
        %parallel_loop3A_803 = arith.constant 0 : i32
        %parallel_loop3A_804 = arith.cmpi slt, %parallel_loop3A_797, %parallel_loop3A_803 : i32
        %parallel_loop3A_805 = arith.xori %parallel_loop3A_802, %parallel_loop3A_804 : i1
        %parallel_loop3A_806 = arith.andi %parallel_loop3A_805, %parallel_loop3A_800 : i1
        %parallel_loop3A_807 = arith.addi %parallel_loop3A_798, %parallel_loop3A_797 : i32
        %parallel_loop3A_808 = arith.select %parallel_loop3A_806, %parallel_loop3A_807, %parallel_loop3A_798 : i32
        %parallel_loop3A_809 = arith.constant 2 : i32
        %parallel_loop3A_810 = arith.index_cast %parallel_loop3A_809 : i32 to index
        %parallel_loop3A_811 = arith.index_cast %parallel_loop3A_792 : i32 to index
        %parallel_loop3A_812 = arith.index_cast %parallel_loop3A_808 : i32 to index
        %parallel_loop3A_813 = arith.constant 32 : index
        %parallel_loop3A_814 = tpu.vector_load %arg7[%parallel_loop3A_810, %parallel_loop3A_811, %parallel_loop3A_812, %parallel_loop3A_813] {strides = array<i32>} : memref<4x8x8x128xf32, #tpu.memory_space<vmem>>, vector<16xf32>,
        tpu.vector_store %arg7[%parallel_loop3A_810, %parallel_loop3A_811, %parallel_loop3A_812, %parallel_loop3A_813], %parallel_loop3A_768 {strides = array<i32>} : memref<4x8x8x128xf32, #tpu.memory_space<vmem>>, vector<16xf32>,
        %parallel_loop3A_815 = tpu.memref_slice %arg5[%parallel_loop3A_670] : memref<32768xf32, #tpu.memory_space<vmem>> -> memref<512xf32, #tpu.memory_space<vmem>>
        %parallel_loop3A_816 = tpu.vector_load_idx %parallel_loop3A_815[%get3A_547] : memref<512xf32, #tpu.memory_space<vmem>>[vector<16xi32>], vector<16xf32>,
        %parallel_loop3A_817 = arith.constant 8 : i32
        %parallel_loop3A_818 = arith.divsi %parallel_loop3A_668, %parallel_loop3A_817 : i32
        %parallel_loop3A_819 = arith.constant 0 : i32
        %parallel_loop3A_820 = arith.cmpi sgt, %parallel_loop3A_668, %parallel_loop3A_819 : i32
        %parallel_loop3A_821 = arith.extui %parallel_loop3A_820 : i1 to i32
        %parallel_loop3A_822 = arith.constant 0 : i32
        %parallel_loop3A_823 = arith.cmpi slt, %parallel_loop3A_668, %parallel_loop3A_822 : i32
        %parallel_loop3A_824 = arith.extui %parallel_loop3A_823 : i1 to i32
        %parallel_loop3A_825 = arith.subi %parallel_loop3A_821, %parallel_loop3A_824 : i32
        %parallel_loop3A_826 = arith.constant 0 : i32
        %parallel_loop3A_827 = arith.cmpi sgt, %parallel_loop3A_817, %parallel_loop3A_826 : i32
        %parallel_loop3A_828 = arith.extui %parallel_loop3A_827 : i1 to i32
        %parallel_loop3A_829 = arith.constant 0 : i32
        %parallel_loop3A_830 = arith.cmpi slt, %parallel_loop3A_817, %parallel_loop3A_829 : i32
        %parallel_loop3A_831 = arith.extui %parallel_loop3A_830 : i1 to i32
        %parallel_loop3A_832 = arith.subi %parallel_loop3A_828, %parallel_loop3A_831 : i32
        %parallel_loop3A_833 = arith.cmpi ne, %parallel_loop3A_825, %parallel_loop3A_832 : i32
        %parallel_loop3A_834 = arith.remsi %parallel_loop3A_668, %parallel_loop3A_817 : i32
        %parallel_loop3A_835 = arith.constant 0 : i32
        %parallel_loop3A_836 = arith.cmpi ne, %parallel_loop3A_834, %parallel_loop3A_835 : i32
        %parallel_loop3A_837 = arith.andi %parallel_loop3A_833, %parallel_loop3A_836 : i1
        %parallel_loop3A_838 = arith.constant 1 : i32
        %parallel_loop3A_839 = arith.subi %parallel_loop3A_818, %parallel_loop3A_838 : i32
        %parallel_loop3A_840 = arith.select %parallel_loop3A_837, %parallel_loop3A_839, %parallel_loop3A_818 : i32
        %parallel_loop3A_841 = arith.constant 8 : i32
        %parallel_loop3A_842 = arith.constant 0 : i32
        %parallel_loop3A_843 = arith.cmpi eq, %parallel_loop3A_841, %parallel_loop3A_842 : i32
        %parallel_loop3A_844 = arith.constant 1 : i32
        %parallel_loop3A_845 = arith.select %parallel_loop3A_843, %parallel_loop3A_844, %parallel_loop3A_841 : i32
        %parallel_loop3A_846 = arith.remsi %parallel_loop3A_668, %parallel_loop3A_845 : i32
        %parallel_loop3A_847 = arith.constant 0 : i32
        %parallel_loop3A_848 = arith.cmpi ne, %parallel_loop3A_846, %parallel_loop3A_847 : i32
        %parallel_loop3A_849 = arith.constant 0 : i32
        %parallel_loop3A_850 = arith.cmpi slt, %parallel_loop3A_846, %parallel_loop3A_849 : i32
        %parallel_loop3A_851 = arith.constant 0 : i32
        %parallel_loop3A_852 = arith.cmpi slt, %parallel_loop3A_845, %parallel_loop3A_851 : i32
        %parallel_loop3A_853 = arith.xori %parallel_loop3A_850, %parallel_loop3A_852 : i1
        %parallel_loop3A_854 = arith.andi %parallel_loop3A_853, %parallel_loop3A_848 : i1
        %parallel_loop3A_855 = arith.addi %parallel_loop3A_846, %parallel_loop3A_845 : i32
        %parallel_loop3A_856 = arith.select %parallel_loop3A_854, %parallel_loop3A_855, %parallel_loop3A_846 : i32
        %parallel_loop3A_857 = arith.constant 2 : i32
        %parallel_loop3A_858 = arith.index_cast %parallel_loop3A_857 : i32 to index
        %parallel_loop3A_859 = arith.index_cast %parallel_loop3A_840 : i32 to index
        %parallel_loop3A_860 = arith.index_cast %parallel_loop3A_856 : i32 to index
        %parallel_loop3A_861 = arith.constant 48 : index
        %parallel_loop3A_862 = tpu.vector_load %arg7[%parallel_loop3A_858, %parallel_loop3A_859, %parallel_loop3A_860, %parallel_loop3A_861] {strides = array<i32>} : memref<4x8x8x128xf32, #tpu.memory_space<vmem>>, vector<16xf32>,
        tpu.vector_store %arg7[%parallel_loop3A_858, %parallel_loop3A_859, %parallel_loop3A_860, %parallel_loop3A_861], %parallel_loop3A_816 {strides = array<i32>} : memref<4x8x8x128xf32, #tpu.memory_space<vmem>>, vector<16xf32>,
        %parallel_loop3A_863 = tpu.memref_slice %arg5[%parallel_loop3A_670] : memref<32768xf32, #tpu.memory_space<vmem>> -> memref<512xf32, #tpu.memory_space<vmem>>
        %parallel_loop3A_864 = tpu.vector_load_idx %parallel_loop3A_863[%get3A_550] : memref<512xf32, #tpu.memory_space<vmem>>[vector<16xi32>], vector<16xf32>,
        %parallel_loop3A_865 = arith.constant 8 : i32
        %parallel_loop3A_866 = arith.divsi %parallel_loop3A_668, %parallel_loop3A_865 : i32
        %parallel_loop3A_867 = arith.constant 0 : i32
        %parallel_loop3A_868 = arith.cmpi sgt, %parallel_loop3A_668, %parallel_loop3A_867 : i32
        %parallel_loop3A_869 = arith.extui %parallel_loop3A_868 : i1 to i32
        %parallel_loop3A_870 = arith.constant 0 : i32
        %parallel_loop3A_871 = arith.cmpi slt, %parallel_loop3A_668, %parallel_loop3A_870 : i32
        %parallel_loop3A_872 = arith.extui %parallel_loop3A_871 : i1 to i32
        %parallel_loop3A_873 = arith.subi %parallel_loop3A_869, %parallel_loop3A_872 : i32
        %parallel_loop3A_874 = arith.constant 0 : i32
        %parallel_loop3A_875 = arith.cmpi sgt, %parallel_loop3A_865, %parallel_loop3A_874 : i32
        %parallel_loop3A_876 = arith.extui %parallel_loop3A_875 : i1 to i32
        %parallel_loop3A_877 = arith.constant 0 : i32
        %parallel_loop3A_878 = arith.cmpi slt, %parallel_loop3A_865, %parallel_loop3A_877 : i32
        %parallel_loop3A_879 = arith.extui %parallel_loop3A_878 : i1 to i32
        %parallel_loop3A_880 = arith.subi %parallel_loop3A_876, %parallel_loop3A_879 : i32
        %parallel_loop3A_881 = arith.cmpi ne, %parallel_loop3A_873, %parallel_loop3A_880 : i32
        %parallel_loop3A_882 = arith.remsi %parallel_loop3A_668, %parallel_loop3A_865 : i32
        %parallel_loop3A_883 = arith.constant 0 : i32
        %parallel_loop3A_884 = arith.cmpi ne, %parallel_loop3A_882, %parallel_loop3A_883 : i32
        %parallel_loop3A_885 = arith.andi %parallel_loop3A_881, %parallel_loop3A_884 : i1
        %parallel_loop3A_886 = arith.constant 1 : i32
        %parallel_loop3A_887 = arith.subi %parallel_loop3A_866, %parallel_loop3A_886 : i32
        %parallel_loop3A_888 = arith.select %parallel_loop3A_885, %parallel_loop3A_887, %parallel_loop3A_866 : i32
        %parallel_loop3A_889 = arith.constant 8 : i32
        %parallel_loop3A_890 = arith.constant 0 : i32
        %parallel_loop3A_891 = arith.cmpi eq, %parallel_loop3A_889, %parallel_loop3A_890 : i32
        %parallel_loop3A_892 = arith.constant 1 : i32
        %parallel_loop3A_893 = arith.select %parallel_loop3A_891, %parallel_loop3A_892, %parallel_loop3A_889 : i32
        %parallel_loop3A_894 = arith.remsi %parallel_loop3A_668, %parallel_loop3A_893 : i32
        %parallel_loop3A_895 = arith.constant 0 : i32
        %parallel_loop3A_896 = arith.cmpi ne, %parallel_loop3A_894, %parallel_loop3A_895 : i32
        %parallel_loop3A_897 = arith.constant 0 : i32
        %parallel_loop3A_898 = arith.cmpi slt, %parallel_loop3A_894, %parallel_loop3A_897 : i32
        %parallel_loop3A_899 = arith.constant 0 : i32
        %parallel_loop3A_900 = arith.cmpi slt, %parallel_loop3A_893, %parallel_loop3A_899 : i32
        %parallel_loop3A_901 = arith.xori %parallel_loop3A_898, %parallel_loop3A_900 : i1
        %parallel_loop3A_902 = arith.andi %parallel_loop3A_901, %parallel_loop3A_896 : i1
        %parallel_loop3A_903 = arith.addi %parallel_loop3A_894, %parallel_loop3A_893 : i32
        %parallel_loop3A_904 = arith.select %parallel_loop3A_902, %parallel_loop3A_903, %parallel_loop3A_894 : i32
        %parallel_loop3A_905 = arith.constant 2 : i32
        %parallel_loop3A_906 = arith.index_cast %parallel_loop3A_905 : i32 to index
        %parallel_loop3A_907 = arith.index_cast %parallel_loop3A_888 : i32 to index
        %parallel_loop3A_908 = arith.index_cast %parallel_loop3A_904 : i32 to index
        %parallel_loop3A_909 = arith.constant 64 : index
        %parallel_loop3A_910 = tpu.vector_load %arg7[%parallel_loop3A_906, %parallel_loop3A_907, %parallel_loop3A_908, %parallel_loop3A_909] {strides = array<i32>} : memref<4x8x8x128xf32, #tpu.memory_space<vmem>>, vector<16xf32>,
        tpu.vector_store %arg7[%parallel_loop3A_906, %parallel_loop3A_907, %parallel_loop3A_908, %parallel_loop3A_909], %parallel_loop3A_864 {strides = array<i32>} : memref<4x8x8x128xf32, #tpu.memory_space<vmem>>, vector<16xf32>,
        %parallel_loop3A_911 = tpu.memref_slice %arg5[%parallel_loop3A_670] : memref<32768xf32, #tpu.memory_space<vmem>> -> memref<512xf32, #tpu.memory_space<vmem>>
        %parallel_loop3A_912 = tpu.vector_load_idx %parallel_loop3A_911[%get3A_553] : memref<512xf32, #tpu.memory_space<vmem>>[vector<16xi32>], vector<16xf32>,
        %parallel_loop3A_913 = arith.constant 8 : i32
        %parallel_loop3A_914 = arith.divsi %parallel_loop3A_668, %parallel_loop3A_913 : i32
        %parallel_loop3A_915 = arith.constant 0 : i32
        %parallel_loop3A_916 = arith.cmpi sgt, %parallel_loop3A_668, %parallel_loop3A_915 : i32
        %parallel_loop3A_917 = arith.extui %parallel_loop3A_916 : i1 to i32
        %parallel_loop3A_918 = arith.constant 0 : i32
        %parallel_loop3A_919 = arith.cmpi slt, %parallel_loop3A_668, %parallel_loop3A_918 : i32
        %parallel_loop3A_920 = arith.extui %parallel_loop3A_919 : i1 to i32
        %parallel_loop3A_921 = arith.subi %parallel_loop3A_917, %parallel_loop3A_920 : i32
        %parallel_loop3A_922 = arith.constant 0 : i32
        %parallel_loop3A_923 = arith.cmpi sgt, %parallel_loop3A_913, %parallel_loop3A_922 : i32
        %parallel_loop3A_924 = arith.extui %parallel_loop3A_923 : i1 to i32
        %parallel_loop3A_925 = arith.constant 0 : i32
        %parallel_loop3A_926 = arith.cmpi slt, %parallel_loop3A_913, %parallel_loop3A_925 : i32
        %parallel_loop3A_927 = arith.extui %parallel_loop3A_926 : i1 to i32
        %parallel_loop3A_928 = arith.subi %parallel_loop3A_924, %parallel_loop3A_927 : i32
        %parallel_loop3A_929 = arith.cmpi ne, %parallel_loop3A_921, %parallel_loop3A_928 : i32
        %parallel_loop3A_930 = arith.remsi %parallel_loop3A_668, %parallel_loop3A_913 : i32
        %parallel_loop3A_931 = arith.constant 0 : i32
        %parallel_loop3A_932 = arith.cmpi ne, %parallel_loop3A_930, %parallel_loop3A_931 : i32
        %parallel_loop3A_933 = arith.andi %parallel_loop3A_929, %parallel_loop3A_932 : i1
        %parallel_loop3A_934 = arith.constant 1 : i32
        %parallel_loop3A_935 = arith.subi %parallel_loop3A_914, %parallel_loop3A_934 : i32
        %parallel_loop3A_936 = arith.select %parallel_loop3A_933, %parallel_loop3A_935, %parallel_loop3A_914 : i32
        %parallel_loop3A_937 = arith.constant 8 : i32
        %parallel_loop3A_938 = arith.constant 0 : i32
        %parallel_loop3A_939 = arith.cmpi eq, %parallel_loop3A_937, %parallel_loop3A_938 : i32
        %parallel_loop3A_940 = arith.constant 1 : i32
        %parallel_loop3A_941 = arith.select %parallel_loop3A_939, %parallel_loop3A_940, %parallel_loop3A_937 : i32
        %parallel_loop3A_942 = arith.remsi %parallel_loop3A_668, %parallel_loop3A_941 : i32
        %parallel_loop3A_943 = arith.constant 0 : i32
        %parallel_loop3A_944 = arith.cmpi ne, %parallel_loop3A_942, %parallel_loop3A_943 : i32
        %parallel_loop3A_945 = arith.constant 0 : i32
        %parallel_loop3A_946 = arith.cmpi slt, %parallel_loop3A_942, %parallel_loop3A_945 : i32
        %parallel_loop3A_947 = arith.constant 0 : i32
        %parallel_loop3A_948 = arith.cmpi slt, %parallel_loop3A_941, %parallel_loop3A_947 : i32
        %parallel_loop3A_949 = arith.xori %parallel_loop3A_946, %parallel_loop3A_948 : i1
        %parallel_loop3A_950 = arith.andi %parallel_loop3A_949, %parallel_loop3A_944 : i1
        %parallel_loop3A_951 = arith.addi %parallel_loop3A_942, %parallel_loop3A_941 : i32
        %parallel_loop3A_952 = arith.select %parallel_loop3A_950, %parallel_loop3A_951, %parallel_loop3A_942 : i32
        %parallel_loop3A_953 = arith.constant 2 : i32
        %parallel_loop3A_954 = arith.index_cast %parallel_loop3A_953 : i32 to index
        %parallel_loop3A_955 = arith.index_cast %parallel_loop3A_936 : i32 to index
        %parallel_loop3A_956 = arith.index_cast %parallel_loop3A_952 : i32 to index
        %parallel_loop3A_957 = arith.constant 80 : index
        %parallel_loop3A_958 = tpu.vector_load %arg7[%parallel_loop3A_954, %parallel_loop3A_955, %parallel_loop3A_956, %parallel_loop3A_957] {strides = array<i32>} : memref<4x8x8x128xf32, #tpu.memory_space<vmem>>, vector<16xf32>,
        tpu.vector_store %arg7[%parallel_loop3A_954, %parallel_loop3A_955, %parallel_loop3A_956, %parallel_loop3A_957], %parallel_loop3A_912 {strides = array<i32>} : memref<4x8x8x128xf32, #tpu.memory_space<vmem>>, vector<16xf32>,
        %parallel_loop3A_959 = tpu.memref_slice %arg5[%parallel_loop3A_670] : memref<32768xf32, #tpu.memory_space<vmem>> -> memref<512xf32, #tpu.memory_space<vmem>>
        %parallel_loop3A_960 = tpu.vector_load_idx %parallel_loop3A_959[%get3A_556] : memref<512xf32, #tpu.memory_space<vmem>>[vector<16xi32>], vector<16xf32>,
        %parallel_loop3A_961 = arith.constant 8 : i32
        %parallel_loop3A_962 = arith.divsi %parallel_loop3A_668, %parallel_loop3A_961 : i32
        %parallel_loop3A_963 = arith.constant 0 : i32
        %parallel_loop3A_964 = arith.cmpi sgt, %parallel_loop3A_668, %parallel_loop3A_963 : i32
        %parallel_loop3A_965 = arith.extui %parallel_loop3A_964 : i1 to i32
        %parallel_loop3A_966 = arith.constant 0 : i32
        %parallel_loop3A_967 = arith.cmpi slt, %parallel_loop3A_668, %parallel_loop3A_966 : i32
        %parallel_loop3A_968 = arith.extui %parallel_loop3A_967 : i1 to i32
        %parallel_loop3A_969 = arith.subi %parallel_loop3A_965, %parallel_loop3A_968 : i32
        %parallel_loop3A_970 = arith.constant 0 : i32
        %parallel_loop3A_971 = arith.cmpi sgt, %parallel_loop3A_961, %parallel_loop3A_970 : i32
        %parallel_loop3A_972 = arith.extui %parallel_loop3A_971 : i1 to i32
        %parallel_loop3A_973 = arith.constant 0 : i32
        %parallel_loop3A_974 = arith.cmpi slt, %parallel_loop3A_961, %parallel_loop3A_973 : i32
        %parallel_loop3A_975 = arith.extui %parallel_loop3A_974 : i1 to i32
        %parallel_loop3A_976 = arith.subi %parallel_loop3A_972, %parallel_loop3A_975 : i32
        %parallel_loop3A_977 = arith.cmpi ne, %parallel_loop3A_969, %parallel_loop3A_976 : i32
        %parallel_loop3A_978 = arith.remsi %parallel_loop3A_668, %parallel_loop3A_961 : i32
        %parallel_loop3A_979 = arith.constant 0 : i32
        %parallel_loop3A_980 = arith.cmpi ne, %parallel_loop3A_978, %parallel_loop3A_979 : i32
        %parallel_loop3A_981 = arith.andi %parallel_loop3A_977, %parallel_loop3A_980 : i1
        %parallel_loop3A_982 = arith.constant 1 : i32
        %parallel_loop3A_983 = arith.subi %parallel_loop3A_962, %parallel_loop3A_982 : i32
        %parallel_loop3A_984 = arith.select %parallel_loop3A_981, %parallel_loop3A_983, %parallel_loop3A_962 : i32
        %parallel_loop3A_985 = arith.constant 8 : i32
        %parallel_loop3A_986 = arith.constant 0 : i32
        %parallel_loop3A_987 = arith.cmpi eq, %parallel_loop3A_985, %parallel_loop3A_986 : i32
        %parallel_loop3A_988 = arith.constant 1 : i32
        %parallel_loop3A_989 = arith.select %parallel_loop3A_987, %parallel_loop3A_988, %parallel_loop3A_985 : i32
        %parallel_loop3A_990 = arith.remsi %parallel_loop3A_668, %parallel_loop3A_989 : i32
        %parallel_loop3A_991 = arith.constant 0 : i32
        %parallel_loop3A_992 = arith.cmpi ne, %parallel_loop3A_990, %parallel_loop3A_991 : i32
        %parallel_loop3A_993 = arith.constant 0 : i32
        %parallel_loop3A_994 = arith.cmpi slt, %parallel_loop3A_990, %parallel_loop3A_993 : i32
        %parallel_loop3A_995 = arith.constant 0 : i32
        %parallel_loop3A_996 = arith.cmpi slt, %parallel_loop3A_989, %parallel_loop3A_995 : i32
        %parallel_loop3A_997 = arith.xori %parallel_loop3A_994, %parallel_loop3A_996 : i1
        %parallel_loop3A_998 = arith.andi %parallel_loop3A_997, %parallel_loop3A_992 : i1
        %parallel_loop3A_999 = arith.addi %parallel_loop3A_990, %parallel_loop3A_989 : i32
        %parallel_loop3A_1000 = arith.select %parallel_loop3A_998, %parallel_loop3A_999, %parallel_loop3A_990 : i32
        %parallel_loop3A_1001 = arith.constant 2 : i32
        %parallel_loop3A_1002 = arith.index_cast %parallel_loop3A_1001 : i32 to index
        %parallel_loop3A_1003 = arith.index_cast %parallel_loop3A_984 : i32 to index
        %parallel_loop3A_1004 = arith.index_cast %parallel_loop3A_1000 : i32 to index
        %parallel_loop3A_1005 = arith.constant 96 : index
        %parallel_loop3A_1006 = tpu.vector_load %arg7[%parallel_loop3A_1002, %parallel_loop3A_1003, %parallel_loop3A_1004, %parallel_loop3A_1005] {strides = array<i32>} : memref<4x8x8x128xf32, #tpu.memory_space<vmem>>, vector<16xf32>,
        tpu.vector_store %arg7[%parallel_loop3A_1002, %parallel_loop3A_1003, %parallel_loop3A_1004, %parallel_loop3A_1005], %parallel_loop3A_960 {strides = array<i32>} : memref<4x8x8x128xf32, #tpu.memory_space<vmem>>, vector<16xf32>,
        %parallel_loop3A_1007 = tpu.memref_slice %arg5[%parallel_loop3A_670] : memref<32768xf32, #tpu.memory_space<vmem>> -> memref<512xf32, #tpu.memory_space<vmem>>
        %parallel_loop3A_1008 = tpu.vector_load_idx %parallel_loop3A_1007[%get3A_559] : memref<512xf32, #tpu.memory_space<vmem>>[vector<16xi32>], vector<16xf32>,
        %parallel_loop3A_1009 = arith.constant 8 : i32
        %parallel_loop3A_1010 = arith.divsi %parallel_loop3A_668, %parallel_loop3A_1009 : i32
        %parallel_loop3A_1011 = arith.constant 0 : i32
        %parallel_loop3A_1012 = arith.cmpi sgt, %parallel_loop3A_668, %parallel_loop3A_1011 : i32
        %parallel_loop3A_1013 = arith.extui %parallel_loop3A_1012 : i1 to i32
        %parallel_loop3A_1014 = arith.constant 0 : i32
        %parallel_loop3A_1015 = arith.cmpi slt, %parallel_loop3A_668, %parallel_loop3A_1014 : i32
        %parallel_loop3A_1016 = arith.extui %parallel_loop3A_1015 : i1 to i32
        %parallel_loop3A_1017 = arith.subi %parallel_loop3A_1013, %parallel_loop3A_1016 : i32
        %parallel_loop3A_1018 = arith.constant 0 : i32
        %parallel_loop3A_1019 = arith.cmpi sgt, %parallel_loop3A_1009, %parallel_loop3A_1018 : i32
        %parallel_loop3A_1020 = arith.extui %parallel_loop3A_1019 : i1 to i32
        %parallel_loop3A_1021 = arith.constant 0 : i32
        %parallel_loop3A_1022 = arith.cmpi slt, %parallel_loop3A_1009, %parallel_loop3A_1021 : i32
        %parallel_loop3A_1023 = arith.extui %parallel_loop3A_1022 : i1 to i32
        %parallel_loop3A_1024 = arith.subi %parallel_loop3A_1020, %parallel_loop3A_1023 : i32
        %parallel_loop3A_1025 = arith.cmpi ne, %parallel_loop3A_1017, %parallel_loop3A_1024 : i32
        %parallel_loop3A_1026 = arith.remsi %parallel_loop3A_668, %parallel_loop3A_1009 : i32
        %parallel_loop3A_1027 = arith.constant 0 : i32
        %parallel_loop3A_1028 = arith.cmpi ne, %parallel_loop3A_1026, %parallel_loop3A_1027 : i32
        %parallel_loop3A_1029 = arith.andi %parallel_loop3A_1025, %parallel_loop3A_1028 : i1
        %parallel_loop3A_1030 = arith.constant 1 : i32
        %parallel_loop3A_1031 = arith.subi %parallel_loop3A_1010, %parallel_loop3A_1030 : i32
        %parallel_loop3A_1032 = arith.select %parallel_loop3A_1029, %parallel_loop3A_1031, %parallel_loop3A_1010 : i32
        %parallel_loop3A_1033 = arith.constant 8 : i32
        %parallel_loop3A_1034 = arith.constant 0 : i32
        %parallel_loop3A_1035 = arith.cmpi eq, %parallel_loop3A_1033, %parallel_loop3A_1034 : i32
        %parallel_loop3A_1036 = arith.constant 1 : i32
        %parallel_loop3A_1037 = arith.select %parallel_loop3A_1035, %parallel_loop3A_1036, %parallel_loop3A_1033 : i32
        %parallel_loop3A_1038 = arith.remsi %parallel_loop3A_668, %parallel_loop3A_1037 : i32
        %parallel_loop3A_1039 = arith.constant 0 : i32
        %parallel_loop3A_1040 = arith.cmpi ne, %parallel_loop3A_1038, %parallel_loop3A_1039 : i32
        %parallel_loop3A_1041 = arith.constant 0 : i32
        %parallel_loop3A_1042 = arith.cmpi slt, %parallel_loop3A_1038, %parallel_loop3A_1041 : i32
        %parallel_loop3A_1043 = arith.constant 0 : i32
        %parallel_loop3A_1044 = arith.cmpi slt, %parallel_loop3A_1037, %parallel_loop3A_1043 : i32
        %parallel_loop3A_1045 = arith.xori %parallel_loop3A_1042, %parallel_loop3A_1044 : i1
        %parallel_loop3A_1046 = arith.andi %parallel_loop3A_1045, %parallel_loop3A_1040 : i1
        %parallel_loop3A_1047 = arith.addi %parallel_loop3A_1038, %parallel_loop3A_1037 : i32
        %parallel_loop3A_1048 = arith.select %parallel_loop3A_1046, %parallel_loop3A_1047, %parallel_loop3A_1038 : i32
        %parallel_loop3A_1049 = arith.constant 2 : i32
        %parallel_loop3A_1050 = arith.index_cast %parallel_loop3A_1049 : i32 to index
        %parallel_loop3A_1051 = arith.index_cast %parallel_loop3A_1032 : i32 to index
        %parallel_loop3A_1052 = arith.index_cast %parallel_loop3A_1048 : i32 to index
        %parallel_loop3A_1053 = arith.constant 112 : index
        %parallel_loop3A_1054 = tpu.vector_load %arg7[%parallel_loop3A_1050, %parallel_loop3A_1051, %parallel_loop3A_1052, %parallel_loop3A_1053] {strides = array<i32>} : memref<4x8x8x128xf32, #tpu.memory_space<vmem>>, vector<16xf32>,
        tpu.vector_store %arg7[%parallel_loop3A_1050, %parallel_loop3A_1051, %parallel_loop3A_1052, %parallel_loop3A_1053], %parallel_loop3A_1008 {strides = array<i32>} : memref<4x8x8x128xf32, #tpu.memory_space<vmem>>, vector<16xf32>,
      } {sc.loop_unroll_factor = 4 : i64, sc.parallel_access}
      %dma_start3A_563 = arith.constant 2 : i32
      %dma_start3A_564 = arith.constant 2 : i32
      %dma_start3A_565 = arith.constant 0 : i32
      %dma_start3A_566 = arith.constant 0 : i32
      %dma_start3A_567 = arith.constant 0 : i32
      %dma_start3A_568 = tpu.memref_slice %arg7[%dma_start3A_563, %dma_start3A_565, %dma_start3A_566, %dma_start3A_567] : memref<4x8x8x128xf32, #tpu.memory_space<vmem>> -> memref<1x8x8x128xf32, #tpu.memory_space<vmem>>
      %dma_start3A_569 = tpu.memref_squeeze %dma_start3A_568 : memref<1x8x8x128xf32, #tpu.memory_space<vmem>> -> memref<8x8x128xf32, #tpu.memory_space<vmem>>
      %dma_start3A_570 = arith.constant 0 : i32
      %dma_start3A_571 = arith.constant 0 : i32
      %dma_start3A_572 = arith.constant 0 : i32
      %dma_start3A_573 = tpu.memref_slice %arg4[%add3A_509, %dma_start3A_570, %add3A, %dma_start3A_571, %dma_start3A_572] : memref<200x8x32x8x128xf32, #tpu.memory_space<hbm>> -> memref<1x8x1x8x128xf32, #tpu.memory_space<hbm>>
      %dma_start3A_574 = tpu.memref_squeeze %dma_start3A_573 : memref<1x8x1x8x128xf32, #tpu.memory_space<hbm>> -> memref<8x8x128xf32, #tpu.memory_space<hbm>>
      %dma_start3A_575 = tpu.memref_slice %arg8[%dma_start3A_564] : memref<4x!tpu.dma_semaphore, #tpu.memory_space<semaphore_mem>> -> memref<1x!tpu.dma_semaphore, #tpu.memory_space<semaphore_mem>>
      %dma_start3A_576 = tpu.memref_squeeze %dma_start3A_575 : memref<1x!tpu.dma_semaphore, #tpu.memory_space<semaphore_mem>> -> memref<!tpu.dma_semaphore, #tpu.memory_space<semaphore_mem>>
      %dma_start3A_577 = arith.constant 0 : i32
      %dma_start3A_578 = arith.constant 0 : i32
      %dma_start3A_579 = arith.constant 0 : i32
      %dma_start3A_580 = tpu.memref_slice %arg4[%add3A_509, %dma_start3A_577, %add3A, %dma_start3A_578, %dma_start3A_579] : memref<200x8x32x8x128xf32, #tpu.memory_space<hbm>> -> memref<1x8x1x8x128xf32, #tpu.memory_space<hbm>>
      %dma_start3A_581 = tpu.memref_squeeze %dma_start3A_580 : memref<1x8x1x8x128xf32, #tpu.memory_space<hbm>> -> memref<8x8x128xf32, #tpu.memory_space<hbm>>
      %dma_start3A_582 = arith.constant 0 : i32
      %dma_start3A_583 = arith.constant 0 : i32
      %dma_start3A_584 = arith.constant 0 : i32
      %dma_start3A_585 = tpu.memref_slice %arg7[%dma_start3A_563, %dma_start3A_582, %dma_start3A_583, %dma_start3A_584] : memref<4x8x8x128xf32, #tpu.memory_space<vmem>> -> memref<1x8x8x128xf32, #tpu.memory_space<vmem>>
      %dma_start3A_586 = tpu.memref_squeeze %dma_start3A_585 : memref<1x8x8x128xf32, #tpu.memory_space<vmem>> -> memref<8x8x128xf32, #tpu.memory_space<vmem>>
      tpu.enqueue_dma source(%dma_start3A_586 : memref<8x8x128xf32, #tpu.memory_space<vmem>>) target(%dma_start3A_581 : memref<8x8x128xf32, #tpu.memory_space<hbm>>) target_semaphore(%dma_start3A_576 : memref<!tpu.dma_semaphore, #tpu.memory_space<semaphore_mem>>)
      %mul3A_587 = arith.constant 4 : i32
      %mul3A_588 = arith.muli %scan3A_344, %mul3A_587 : i32
      %add3A_589 = arith.constant 3 : i32
      %add3A_590 = arith.addi %mul3A_588, %add3A_589 : i32
      %sub3A_591 = arith.constant 4 : i32
      %sub3A_592 = arith.subi %add3A_590, %sub3A_591 : i32
      %dma_wait3A_593 = arith.constant 3 : i32
      %dma_wait3A_594 = arith.constant 3 : i32
      %dma_wait3A_595 = arith.constant 0 : i32
      %dma_wait3A_596 = arith.constant 0 : i32
      %dma_wait3A_597 = arith.constant 0 : i32
      %dma_wait3A_598 = tpu.memref_slice %arg7[%dma_wait3A_593, %dma_wait3A_595, %dma_wait3A_596, %dma_wait3A_597] : memref<4x8x8x128xf32, #tpu.memory_space<vmem>> -> memref<1x8x8x128xf32, #tpu.memory_space<vmem>>
      %dma_wait3A_599 = tpu.memref_squeeze %dma_wait3A_598 : memref<1x8x8x128xf32, #tpu.memory_space<vmem>> -> memref<8x8x128xf32, #tpu.memory_space<vmem>>
      %dma_wait3A_600 = arith.constant 0 : i32
      %dma_wait3A_601 = arith.constant 0 : i32
      %dma_wait3A_602 = arith.constant 0 : i32
      %dma_wait3A_603 = tpu.memref_slice %arg4[%sub3A_592, %dma_wait3A_600, %add3A, %dma_wait3A_601, %dma_wait3A_602] : memref<200x8x32x8x128xf32, #tpu.memory_space<hbm>> -> memref<1x8x1x8x128xf32, #tpu.memory_space<hbm>>
      %dma_wait3A_604 = tpu.memref_squeeze %dma_wait3A_603 : memref<1x8x1x8x128xf32, #tpu.memory_space<hbm>> -> memref<8x8x128xf32, #tpu.memory_space<hbm>>
      %dma_wait3A_605 = tpu.memref_slice %arg8[%dma_wait3A_594] : memref<4x!tpu.dma_semaphore, #tpu.memory_space<semaphore_mem>> -> memref<1x!tpu.dma_semaphore, #tpu.memory_space<semaphore_mem>>
      %dma_wait3A_606 = tpu.memref_squeeze %dma_wait3A_605 : memref<1x!tpu.dma_semaphore, #tpu.memory_space<semaphore_mem>> -> memref<!tpu.dma_semaphore, #tpu.memory_space<semaphore_mem>>
      %dma_wait3A_607 = arith.constant 0 : i32
      %dma_wait3A_608 = arith.constant 0 : i32
      %dma_wait3A_609 = arith.constant 0 : i32
      %dma_wait3A_610 = tpu.memref_slice %arg4[%sub3A_592, %dma_wait3A_607, %add3A, %dma_wait3A_608, %dma_wait3A_609] : memref<200x8x32x8x128xf32, #tpu.memory_space<hbm>> -> memref<1x8x1x8x128xf32, #tpu.memory_space<hbm>>
      %dma_wait3A_611 = tpu.memref_squeeze %dma_wait3A_610 : memref<1x8x1x8x128xf32, #tpu.memory_space<hbm>> -> memref<8x8x128xf32, #tpu.memory_space<hbm>>
      %dma_wait3A_612 = arith.constant 0 : i32
      %dma_wait3A_613 = arith.constant 0 : i32
      %dma_wait3A_614 = arith.constant 0 : i32
      %dma_wait3A_615 = tpu.memref_slice %arg7[%dma_wait3A_593, %dma_wait3A_612, %dma_wait3A_613, %dma_wait3A_614] : memref<4x8x8x128xf32, #tpu.memory_space<vmem>> -> memref<1x8x8x128xf32, #tpu.memory_space<vmem>>
      %dma_wait3A_616 = tpu.memref_squeeze %dma_wait3A_615 : memref<1x8x8x128xf32, #tpu.memory_space<vmem>> -> memref<8x8x128xf32, #tpu.memory_space<vmem>>
      tpu.wait_dma2 semaphore(%dma_wait3A_606 : memref<!tpu.dma_semaphore, #tpu.memory_space<semaphore_mem>>) src(%dma_wait3A_616 : memref<8x8x128xf32, #tpu.memory_space<vmem>>) dst(%dma_wait3A_611 : memref<8x8x128xf32, #tpu.memory_space<hbm>>)
      %get3A_617 = arith.index_cast %add3A_590 : i32 to index
      %get3A_618 = arith.constant 0 : index
      %get3A_619 = tpu.vector_load %arg6[%get3A_617, %get3A_618] {strides = array<i32>} : memref<200x128xi32, #tpu.memory_space<vmem>>, vector<16xi32>,
      %get3A_620 = arith.index_cast %add3A_590 : i32 to index
      %get3A_621 = arith.constant 16 : index
      %get3A_622 = tpu.vector_load %arg6[%get3A_620, %get3A_621] {strides = array<i32>} : memref<200x128xi32, #tpu.memory_space<vmem>>, vector<16xi32>,
      %get3A_623 = arith.index_cast %add3A_590 : i32 to index
      %get3A_624 = arith.constant 32 : index
      %get3A_625 = tpu.vector_load %arg6[%get3A_623, %get3A_624] {strides = array<i32>} : memref<200x128xi32, #tpu.memory_space<vmem>>, vector<16xi32>,
      %get3A_626 = arith.index_cast %add3A_590 : i32 to index
      %get3A_627 = arith.constant 48 : index
      %get3A_628 = tpu.vector_load %arg6[%get3A_626, %get3A_627] {strides = array<i32>} : memref<200x128xi32, #tpu.memory_space<vmem>>, vector<16xi32>,
      %get3A_629 = arith.index_cast %add3A_590 : i32 to index
      %get3A_630 = arith.constant 64 : index
      %get3A_631 = tpu.vector_load %arg6[%get3A_629, %get3A_630] {strides = array<i32>} : memref<200x128xi32, #tpu.memory_space<vmem>>, vector<16xi32>,
      %get3A_632 = arith.index_cast %add3A_590 : i32 to index
      %get3A_633 = arith.constant 80 : index
      %get3A_634 = tpu.vector_load %arg6[%get3A_632, %get3A_633] {strides = array<i32>} : memref<200x128xi32, #tpu.memory_space<vmem>>, vector<16xi32>,
      %get3A_635 = arith.index_cast %add3A_590 : i32 to index
      %get3A_636 = arith.constant 96 : index
      %get3A_637 = tpu.vector_load %arg6[%get3A_635, %get3A_636] {strides = array<i32>} : memref<200x128xi32, #tpu.memory_space<vmem>>, vector<16xi32>,
      %get3A_638 = arith.index_cast %add3A_590 : i32 to index
      %get3A_639 = arith.constant 112 : index
      %get3A_640 = tpu.vector_load %arg6[%get3A_638, %get3A_639] {strides = array<i32>} : memref<200x128xi32, #tpu.memory_space<vmem>>, vector<16xi32>,
      %parallel_loop3A_641 = arith.constant 0 : i32
      %parallel_loop3A_642 = arith.constant 64 : i32
      %parallel_loop3A_643 = arith.constant 1 : i32
      scf.for %parallel_loop3A_668 = %parallel_loop3A_641 to %parallel_loop3A_642 step %parallel_loop3A_643  : i32 {
        %parallel_loop3A_669 = arith.constant 512 : i32
        %parallel_loop3A_670 = arith.muli %parallel_loop3A_668, %parallel_loop3A_669 : i32
        %parallel_loop3A_671 = tpu.memref_slice %arg5[%parallel_loop3A_670] : memref<32768xf32, #tpu.memory_space<vmem>> -> memref<512xf32, #tpu.memory_space<vmem>>
        %parallel_loop3A_672 = tpu.vector_load_idx %parallel_loop3A_671[%get3A_619] : memref<512xf32, #tpu.memory_space<vmem>>[vector<16xi32>], vector<16xf32>,
        %parallel_loop3A_673 = arith.constant 8 : i32
        %parallel_loop3A_674 = arith.divsi %parallel_loop3A_668, %parallel_loop3A_673 : i32
        %parallel_loop3A_675 = arith.constant 0 : i32
        %parallel_loop3A_676 = arith.cmpi sgt, %parallel_loop3A_668, %parallel_loop3A_675 : i32
        %parallel_loop3A_677 = arith.extui %parallel_loop3A_676 : i1 to i32
        %parallel_loop3A_678 = arith.constant 0 : i32
        %parallel_loop3A_679 = arith.cmpi slt, %parallel_loop3A_668, %parallel_loop3A_678 : i32
        %parallel_loop3A_680 = arith.extui %parallel_loop3A_679 : i1 to i32
        %parallel_loop3A_681 = arith.subi %parallel_loop3A_677, %parallel_loop3A_680 : i32
        %parallel_loop3A_682 = arith.constant 0 : i32
        %parallel_loop3A_683 = arith.cmpi sgt, %parallel_loop3A_673, %parallel_loop3A_682 : i32
        %parallel_loop3A_684 = arith.extui %parallel_loop3A_683 : i1 to i32
        %parallel_loop3A_685 = arith.constant 0 : i32
        %parallel_loop3A_686 = arith.cmpi slt, %parallel_loop3A_673, %parallel_loop3A_685 : i32
        %parallel_loop3A_687 = arith.extui %parallel_loop3A_686 : i1 to i32
        %parallel_loop3A_688 = arith.subi %parallel_loop3A_684, %parallel_loop3A_687 : i32
        %parallel_loop3A_689 = arith.cmpi ne, %parallel_loop3A_681, %parallel_loop3A_688 : i32
        %parallel_loop3A_690 = arith.remsi %parallel_loop3A_668, %parallel_loop3A_673 : i32
        %parallel_loop3A_691 = arith.constant 0 : i32
        %parallel_loop3A_692 = arith.cmpi ne, %parallel_loop3A_690, %parallel_loop3A_691 : i32
        %parallel_loop3A_693 = arith.andi %parallel_loop3A_689, %parallel_loop3A_692 : i1
        %parallel_loop3A_694 = arith.constant 1 : i32
        %parallel_loop3A_695 = arith.subi %parallel_loop3A_674, %parallel_loop3A_694 : i32
        %parallel_loop3A_696 = arith.select %parallel_loop3A_693, %parallel_loop3A_695, %parallel_loop3A_674 : i32
        %parallel_loop3A_697 = arith.constant 8 : i32
        %parallel_loop3A_698 = arith.constant 0 : i32
        %parallel_loop3A_699 = arith.cmpi eq, %parallel_loop3A_697, %parallel_loop3A_698 : i32
        %parallel_loop3A_700 = arith.constant 1 : i32
        %parallel_loop3A_701 = arith.select %parallel_loop3A_699, %parallel_loop3A_700, %parallel_loop3A_697 : i32
        %parallel_loop3A_702 = arith.remsi %parallel_loop3A_668, %parallel_loop3A_701 : i32
        %parallel_loop3A_703 = arith.constant 0 : i32
        %parallel_loop3A_704 = arith.cmpi ne, %parallel_loop3A_702, %parallel_loop3A_703 : i32
        %parallel_loop3A_705 = arith.constant 0 : i32
        %parallel_loop3A_706 = arith.cmpi slt, %parallel_loop3A_702, %parallel_loop3A_705 : i32
        %parallel_loop3A_707 = arith.constant 0 : i32
        %parallel_loop3A_708 = arith.cmpi slt, %parallel_loop3A_701, %parallel_loop3A_707 : i32
        %parallel_loop3A_709 = arith.xori %parallel_loop3A_706, %parallel_loop3A_708 : i1
        %parallel_loop3A_710 = arith.andi %parallel_loop3A_709, %parallel_loop3A_704 : i1
        %parallel_loop3A_711 = arith.addi %parallel_loop3A_702, %parallel_loop3A_701 : i32
        %parallel_loop3A_712 = arith.select %parallel_loop3A_710, %parallel_loop3A_711, %parallel_loop3A_702 : i32
        %parallel_loop3A_713 = arith.constant 3 : i32
        %parallel_loop3A_714 = arith.index_cast %parallel_loop3A_713 : i32 to index
        %parallel_loop3A_715 = arith.index_cast %parallel_loop3A_696 : i32 to index
        %parallel_loop3A_716 = arith.index_cast %parallel_loop3A_712 : i32 to index
        %parallel_loop3A_717 = arith.constant 0 : index
        %parallel_loop3A_718 = tpu.vector_load %arg7[%parallel_loop3A_714, %parallel_loop3A_715, %parallel_loop3A_716, %parallel_loop3A_717] {strides = array<i32>} : memref<4x8x8x128xf32, #tpu.memory_space<vmem>>, vector<16xf32>,
        tpu.vector_store %arg7[%parallel_loop3A_714, %parallel_loop3A_715, %parallel_loop3A_716, %parallel_loop3A_717], %parallel_loop3A_672 {strides = array<i32>} : memref<4x8x8x128xf32, #tpu.memory_space<vmem>>, vector<16xf32>,
        %parallel_loop3A_719 = tpu.memref_slice %arg5[%parallel_loop3A_670] : memref<32768xf32, #tpu.memory_space<vmem>> -> memref<512xf32, #tpu.memory_space<vmem>>
        %parallel_loop3A_720 = tpu.vector_load_idx %parallel_loop3A_719[%get3A_622] : memref<512xf32, #tpu.memory_space<vmem>>[vector<16xi32>], vector<16xf32>,
        %parallel_loop3A_721 = arith.constant 8 : i32
        %parallel_loop3A_722 = arith.divsi %parallel_loop3A_668, %parallel_loop3A_721 : i32
        %parallel_loop3A_723 = arith.constant 0 : i32
        %parallel_loop3A_724 = arith.cmpi sgt, %parallel_loop3A_668, %parallel_loop3A_723 : i32
        %parallel_loop3A_725 = arith.extui %parallel_loop3A_724 : i1 to i32
        %parallel_loop3A_726 = arith.constant 0 : i32
        %parallel_loop3A_727 = arith.cmpi slt, %parallel_loop3A_668, %parallel_loop3A_726 : i32
        %parallel_loop3A_728 = arith.extui %parallel_loop3A_727 : i1 to i32
        %parallel_loop3A_729 = arith.subi %parallel_loop3A_725, %parallel_loop3A_728 : i32
        %parallel_loop3A_730 = arith.constant 0 : i32
        %parallel_loop3A_731 = arith.cmpi sgt, %parallel_loop3A_721, %parallel_loop3A_730 : i32
        %parallel_loop3A_732 = arith.extui %parallel_loop3A_731 : i1 to i32
        %parallel_loop3A_733 = arith.constant 0 : i32
        %parallel_loop3A_734 = arith.cmpi slt, %parallel_loop3A_721, %parallel_loop3A_733 : i32
        %parallel_loop3A_735 = arith.extui %parallel_loop3A_734 : i1 to i32
        %parallel_loop3A_736 = arith.subi %parallel_loop3A_732, %parallel_loop3A_735 : i32
        %parallel_loop3A_737 = arith.cmpi ne, %parallel_loop3A_729, %parallel_loop3A_736 : i32
        %parallel_loop3A_738 = arith.remsi %parallel_loop3A_668, %parallel_loop3A_721 : i32
        %parallel_loop3A_739 = arith.constant 0 : i32
        %parallel_loop3A_740 = arith.cmpi ne, %parallel_loop3A_738, %parallel_loop3A_739 : i32
        %parallel_loop3A_741 = arith.andi %parallel_loop3A_737, %parallel_loop3A_740 : i1
        %parallel_loop3A_742 = arith.constant 1 : i32
        %parallel_loop3A_743 = arith.subi %parallel_loop3A_722, %parallel_loop3A_742 : i32
        %parallel_loop3A_744 = arith.select %parallel_loop3A_741, %parallel_loop3A_743, %parallel_loop3A_722 : i32
        %parallel_loop3A_745 = arith.constant 8 : i32
        %parallel_loop3A_746 = arith.constant 0 : i32
        %parallel_loop3A_747 = arith.cmpi eq, %parallel_loop3A_745, %parallel_loop3A_746 : i32
        %parallel_loop3A_748 = arith.constant 1 : i32
        %parallel_loop3A_749 = arith.select %parallel_loop3A_747, %parallel_loop3A_748, %parallel_loop3A_745 : i32
        %parallel_loop3A_750 = arith.remsi %parallel_loop3A_668, %parallel_loop3A_749 : i32
        %parallel_loop3A_751 = arith.constant 0 : i32
        %parallel_loop3A_752 = arith.cmpi ne, %parallel_loop3A_750, %parallel_loop3A_751 : i32
        %parallel_loop3A_753 = arith.constant 0 : i32
        %parallel_loop3A_754 = arith.cmpi slt, %parallel_loop3A_750, %parallel_loop3A_753 : i32
        %parallel_loop3A_755 = arith.constant 0 : i32
        %parallel_loop3A_756 = arith.cmpi slt, %parallel_loop3A_749, %parallel_loop3A_755 : i32
        %parallel_loop3A_757 = arith.xori %parallel_loop3A_754, %parallel_loop3A_756 : i1
        %parallel_loop3A_758 = arith.andi %parallel_loop3A_757, %parallel_loop3A_752 : i1
        %parallel_loop3A_759 = arith.addi %parallel_loop3A_750, %parallel_loop3A_749 : i32
        %parallel_loop3A_760 = arith.select %parallel_loop3A_758, %parallel_loop3A_759, %parallel_loop3A_750 : i32
        %parallel_loop3A_761 = arith.constant 3 : i32
        %parallel_loop3A_762 = arith.index_cast %parallel_loop3A_761 : i32 to index
        %parallel_loop3A_763 = arith.index_cast %parallel_loop3A_744 : i32 to index
        %parallel_loop3A_764 = arith.index_cast %parallel_loop3A_760 : i32 to index
        %parallel_loop3A_765 = arith.constant 16 : index
        %parallel_loop3A_766 = tpu.vector_load %arg7[%parallel_loop3A_762, %parallel_loop3A_763, %parallel_loop3A_764, %parallel_loop3A_765] {strides = array<i32>} : memref<4x8x8x128xf32, #tpu.memory_space<vmem>>, vector<16xf32>,
        tpu.vector_store %arg7[%parallel_loop3A_762, %parallel_loop3A_763, %parallel_loop3A_764, %parallel_loop3A_765], %parallel_loop3A_720 {strides = array<i32>} : memref<4x8x8x128xf32, #tpu.memory_space<vmem>>, vector<16xf32>,
        %parallel_loop3A_767 = tpu.memref_slice %arg5[%parallel_loop3A_670] : memref<32768xf32, #tpu.memory_space<vmem>> -> memref<512xf32, #tpu.memory_space<vmem>>
        %parallel_loop3A_768 = tpu.vector_load_idx %parallel_loop3A_767[%get3A_625] : memref<512xf32, #tpu.memory_space<vmem>>[vector<16xi32>], vector<16xf32>,
        %parallel_loop3A_769 = arith.constant 8 : i32
        %parallel_loop3A_770 = arith.divsi %parallel_loop3A_668, %parallel_loop3A_769 : i32
        %parallel_loop3A_771 = arith.constant 0 : i32
        %parallel_loop3A_772 = arith.cmpi sgt, %parallel_loop3A_668, %parallel_loop3A_771 : i32
        %parallel_loop3A_773 = arith.extui %parallel_loop3A_772 : i1 to i32
        %parallel_loop3A_774 = arith.constant 0 : i32
        %parallel_loop3A_775 = arith.cmpi slt, %parallel_loop3A_668, %parallel_loop3A_774 : i32
        %parallel_loop3A_776 = arith.extui %parallel_loop3A_775 : i1 to i32
        %parallel_loop3A_777 = arith.subi %parallel_loop3A_773, %parallel_loop3A_776 : i32
        %parallel_loop3A_778 = arith.constant 0 : i32
        %parallel_loop3A_779 = arith.cmpi sgt, %parallel_loop3A_769, %parallel_loop3A_778 : i32
        %parallel_loop3A_780 = arith.extui %parallel_loop3A_779 : i1 to i32
        %parallel_loop3A_781 = arith.constant 0 : i32
        %parallel_loop3A_782 = arith.cmpi slt, %parallel_loop3A_769, %parallel_loop3A_781 : i32
        %parallel_loop3A_783 = arith.extui %parallel_loop3A_782 : i1 to i32
        %parallel_loop3A_784 = arith.subi %parallel_loop3A_780, %parallel_loop3A_783 : i32
        %parallel_loop3A_785 = arith.cmpi ne, %parallel_loop3A_777, %parallel_loop3A_784 : i32
        %parallel_loop3A_786 = arith.remsi %parallel_loop3A_668, %parallel_loop3A_769 : i32
        %parallel_loop3A_787 = arith.constant 0 : i32
        %parallel_loop3A_788 = arith.cmpi ne, %parallel_loop3A_786, %parallel_loop3A_787 : i32
        %parallel_loop3A_789 = arith.andi %parallel_loop3A_785, %parallel_loop3A_788 : i1
        %parallel_loop3A_790 = arith.constant 1 : i32
        %parallel_loop3A_791 = arith.subi %parallel_loop3A_770, %parallel_loop3A_790 : i32
        %parallel_loop3A_792 = arith.select %parallel_loop3A_789, %parallel_loop3A_791, %parallel_loop3A_770 : i32
        %parallel_loop3A_793 = arith.constant 8 : i32
        %parallel_loop3A_794 = arith.constant 0 : i32
        %parallel_loop3A_795 = arith.cmpi eq, %parallel_loop3A_793, %parallel_loop3A_794 : i32
        %parallel_loop3A_796 = arith.constant 1 : i32
        %parallel_loop3A_797 = arith.select %parallel_loop3A_795, %parallel_loop3A_796, %parallel_loop3A_793 : i32
        %parallel_loop3A_798 = arith.remsi %parallel_loop3A_668, %parallel_loop3A_797 : i32
        %parallel_loop3A_799 = arith.constant 0 : i32
        %parallel_loop3A_800 = arith.cmpi ne, %parallel_loop3A_798, %parallel_loop3A_799 : i32
        %parallel_loop3A_801 = arith.constant 0 : i32
        %parallel_loop3A_802 = arith.cmpi slt, %parallel_loop3A_798, %parallel_loop3A_801 : i32
        %parallel_loop3A_803 = arith.constant 0 : i32
        %parallel_loop3A_804 = arith.cmpi slt, %parallel_loop3A_797, %parallel_loop3A_803 : i32
        %parallel_loop3A_805 = arith.xori %parallel_loop3A_802, %parallel_loop3A_804 : i1
        %parallel_loop3A_806 = arith.andi %parallel_loop3A_805, %parallel_loop3A_800 : i1
        %parallel_loop3A_807 = arith.addi %parallel_loop3A_798, %parallel_loop3A_797 : i32
        %parallel_loop3A_808 = arith.select %parallel_loop3A_806, %parallel_loop3A_807, %parallel_loop3A_798 : i32
        %parallel_loop3A_809 = arith.constant 3 : i32
        %parallel_loop3A_810 = arith.index_cast %parallel_loop3A_809 : i32 to index
        %parallel_loop3A_811 = arith.index_cast %parallel_loop3A_792 : i32 to index
        %parallel_loop3A_812 = arith.index_cast %parallel_loop3A_808 : i32 to index
        %parallel_loop3A_813 = arith.constant 32 : index
        %parallel_loop3A_814 = tpu.vector_load %arg7[%parallel_loop3A_810, %parallel_loop3A_811, %parallel_loop3A_812, %parallel_loop3A_813] {strides = array<i32>} : memref<4x8x8x128xf32, #tpu.memory_space<vmem>>, vector<16xf32>,
        tpu.vector_store %arg7[%parallel_loop3A_810, %parallel_loop3A_811, %parallel_loop3A_812, %parallel_loop3A_813], %parallel_loop3A_768 {strides = array<i32>} : memref<4x8x8x128xf32, #tpu.memory_space<vmem>>, vector<16xf32>,
        %parallel_loop3A_815 = tpu.memref_slice %arg5[%parallel_loop3A_670] : memref<32768xf32, #tpu.memory_space<vmem>> -> memref<512xf32, #tpu.memory_space<vmem>>
        %parallel_loop3A_816 = tpu.vector_load_idx %parallel_loop3A_815[%get3A_628] : memref<512xf32, #tpu.memory_space<vmem>>[vector<16xi32>], vector<16xf32>,
        %parallel_loop3A_817 = arith.constant 8 : i32
        %parallel_loop3A_818 = arith.divsi %parallel_loop3A_668, %parallel_loop3A_817 : i32
        %parallel_loop3A_819 = arith.constant 0 : i32
        %parallel_loop3A_820 = arith.cmpi sgt, %parallel_loop3A_668, %parallel_loop3A_819 : i32
        %parallel_loop3A_821 = arith.extui %parallel_loop3A_820 : i1 to i32
        %parallel_loop3A_822 = arith.constant 0 : i32
        %parallel_loop3A_823 = arith.cmpi slt, %parallel_loop3A_668, %parallel_loop3A_822 : i32
        %parallel_loop3A_824 = arith.extui %parallel_loop3A_823 : i1 to i32
        %parallel_loop3A_825 = arith.subi %parallel_loop3A_821, %parallel_loop3A_824 : i32
        %parallel_loop3A_826 = arith.constant 0 : i32
        %parallel_loop3A_827 = arith.cmpi sgt, %parallel_loop3A_817, %parallel_loop3A_826 : i32
        %parallel_loop3A_828 = arith.extui %parallel_loop3A_827 : i1 to i32
        %parallel_loop3A_829 = arith.constant 0 : i32
        %parallel_loop3A_830 = arith.cmpi slt, %parallel_loop3A_817, %parallel_loop3A_829 : i32
        %parallel_loop3A_831 = arith.extui %parallel_loop3A_830 : i1 to i32
        %parallel_loop3A_832 = arith.subi %parallel_loop3A_828, %parallel_loop3A_831 : i32
        %parallel_loop3A_833 = arith.cmpi ne, %parallel_loop3A_825, %parallel_loop3A_832 : i32
        %parallel_loop3A_834 = arith.remsi %parallel_loop3A_668, %parallel_loop3A_817 : i32
        %parallel_loop3A_835 = arith.constant 0 : i32
        %parallel_loop3A_836 = arith.cmpi ne, %parallel_loop3A_834, %parallel_loop3A_835 : i32
        %parallel_loop3A_837 = arith.andi %parallel_loop3A_833, %parallel_loop3A_836 : i1
        %parallel_loop3A_838 = arith.constant 1 : i32
        %parallel_loop3A_839 = arith.subi %parallel_loop3A_818, %parallel_loop3A_838 : i32
        %parallel_loop3A_840 = arith.select %parallel_loop3A_837, %parallel_loop3A_839, %parallel_loop3A_818 : i32
        %parallel_loop3A_841 = arith.constant 8 : i32
        %parallel_loop3A_842 = arith.constant 0 : i32
        %parallel_loop3A_843 = arith.cmpi eq, %parallel_loop3A_841, %parallel_loop3A_842 : i32
        %parallel_loop3A_844 = arith.constant 1 : i32
        %parallel_loop3A_845 = arith.select %parallel_loop3A_843, %parallel_loop3A_844, %parallel_loop3A_841 : i32
        %parallel_loop3A_846 = arith.remsi %parallel_loop3A_668, %parallel_loop3A_845 : i32
        %parallel_loop3A_847 = arith.constant 0 : i32
        %parallel_loop3A_848 = arith.cmpi ne, %parallel_loop3A_846, %parallel_loop3A_847 : i32
        %parallel_loop3A_849 = arith.constant 0 : i32
        %parallel_loop3A_850 = arith.cmpi slt, %parallel_loop3A_846, %parallel_loop3A_849 : i32
        %parallel_loop3A_851 = arith.constant 0 : i32
        %parallel_loop3A_852 = arith.cmpi slt, %parallel_loop3A_845, %parallel_loop3A_851 : i32
        %parallel_loop3A_853 = arith.xori %parallel_loop3A_850, %parallel_loop3A_852 : i1
        %parallel_loop3A_854 = arith.andi %parallel_loop3A_853, %parallel_loop3A_848 : i1
        %parallel_loop3A_855 = arith.addi %parallel_loop3A_846, %parallel_loop3A_845 : i32
        %parallel_loop3A_856 = arith.select %parallel_loop3A_854, %parallel_loop3A_855, %parallel_loop3A_846 : i32
        %parallel_loop3A_857 = arith.constant 3 : i32
        %parallel_loop3A_858 = arith.index_cast %parallel_loop3A_857 : i32 to index
        %parallel_loop3A_859 = arith.index_cast %parallel_loop3A_840 : i32 to index
        %parallel_loop3A_860 = arith.index_cast %parallel_loop3A_856 : i32 to index
        %parallel_loop3A_861 = arith.constant 48 : index
        %parallel_loop3A_862 = tpu.vector_load %arg7[%parallel_loop3A_858, %parallel_loop3A_859, %parallel_loop3A_860, %parallel_loop3A_861] {strides = array<i32>} : memref<4x8x8x128xf32, #tpu.memory_space<vmem>>, vector<16xf32>,
        tpu.vector_store %arg7[%parallel_loop3A_858, %parallel_loop3A_859, %parallel_loop3A_860, %parallel_loop3A_861], %parallel_loop3A_816 {strides = array<i32>} : memref<4x8x8x128xf32, #tpu.memory_space<vmem>>, vector<16xf32>,
        %parallel_loop3A_863 = tpu.memref_slice %arg5[%parallel_loop3A_670] : memref<32768xf32, #tpu.memory_space<vmem>> -> memref<512xf32, #tpu.memory_space<vmem>>
        %parallel_loop3A_864 = tpu.vector_load_idx %parallel_loop3A_863[%get3A_631] : memref<512xf32, #tpu.memory_space<vmem>>[vector<16xi32>], vector<16xf32>,
        %parallel_loop3A_865 = arith.constant 8 : i32
        %parallel_loop3A_866 = arith.divsi %parallel_loop3A_668, %parallel_loop3A_865 : i32
        %parallel_loop3A_867 = arith.constant 0 : i32
        %parallel_loop3A_868 = arith.cmpi sgt, %parallel_loop3A_668, %parallel_loop3A_867 : i32
        %parallel_loop3A_869 = arith.extui %parallel_loop3A_868 : i1 to i32
        %parallel_loop3A_870 = arith.constant 0 : i32
        %parallel_loop3A_871 = arith.cmpi slt, %parallel_loop3A_668, %parallel_loop3A_870 : i32
        %parallel_loop3A_872 = arith.extui %parallel_loop3A_871 : i1 to i32
        %parallel_loop3A_873 = arith.subi %parallel_loop3A_869, %parallel_loop3A_872 : i32
        %parallel_loop3A_874 = arith.constant 0 : i32
        %parallel_loop3A_875 = arith.cmpi sgt, %parallel_loop3A_865, %parallel_loop3A_874 : i32
        %parallel_loop3A_876 = arith.extui %parallel_loop3A_875 : i1 to i32
        %parallel_loop3A_877 = arith.constant 0 : i32
        %parallel_loop3A_878 = arith.cmpi slt, %parallel_loop3A_865, %parallel_loop3A_877 : i32
        %parallel_loop3A_879 = arith.extui %parallel_loop3A_878 : i1 to i32
        %parallel_loop3A_880 = arith.subi %parallel_loop3A_876, %parallel_loop3A_879 : i32
        %parallel_loop3A_881 = arith.cmpi ne, %parallel_loop3A_873, %parallel_loop3A_880 : i32
        %parallel_loop3A_882 = arith.remsi %parallel_loop3A_668, %parallel_loop3A_865 : i32
        %parallel_loop3A_883 = arith.constant 0 : i32
        %parallel_loop3A_884 = arith.cmpi ne, %parallel_loop3A_882, %parallel_loop3A_883 : i32
        %parallel_loop3A_885 = arith.andi %parallel_loop3A_881, %parallel_loop3A_884 : i1
        %parallel_loop3A_886 = arith.constant 1 : i32
        %parallel_loop3A_887 = arith.subi %parallel_loop3A_866, %parallel_loop3A_886 : i32
        %parallel_loop3A_888 = arith.select %parallel_loop3A_885, %parallel_loop3A_887, %parallel_loop3A_866 : i32
        %parallel_loop3A_889 = arith.constant 8 : i32
        %parallel_loop3A_890 = arith.constant 0 : i32
        %parallel_loop3A_891 = arith.cmpi eq, %parallel_loop3A_889, %parallel_loop3A_890 : i32
        %parallel_loop3A_892 = arith.constant 1 : i32
        %parallel_loop3A_893 = arith.select %parallel_loop3A_891, %parallel_loop3A_892, %parallel_loop3A_889 : i32
        %parallel_loop3A_894 = arith.remsi %parallel_loop3A_668, %parallel_loop3A_893 : i32
        %parallel_loop3A_895 = arith.constant 0 : i32
        %parallel_loop3A_896 = arith.cmpi ne, %parallel_loop3A_894, %parallel_loop3A_895 : i32
        %parallel_loop3A_897 = arith.constant 0 : i32
        %parallel_loop3A_898 = arith.cmpi slt, %parallel_loop3A_894, %parallel_loop3A_897 : i32
        %parallel_loop3A_899 = arith.constant 0 : i32
        %parallel_loop3A_900 = arith.cmpi slt, %parallel_loop3A_893, %parallel_loop3A_899 : i32
        %parallel_loop3A_901 = arith.xori %parallel_loop3A_898, %parallel_loop3A_900 : i1
        %parallel_loop3A_902 = arith.andi %parallel_loop3A_901, %parallel_loop3A_896 : i1
        %parallel_loop3A_903 = arith.addi %parallel_loop3A_894, %parallel_loop3A_893 : i32
        %parallel_loop3A_904 = arith.select %parallel_loop3A_902, %parallel_loop3A_903, %parallel_loop3A_894 : i32
        %parallel_loop3A_905 = arith.constant 3 : i32
        %parallel_loop3A_906 = arith.index_cast %parallel_loop3A_905 : i32 to index
        %parallel_loop3A_907 = arith.index_cast %parallel_loop3A_888 : i32 to index
        %parallel_loop3A_908 = arith.index_cast %parallel_loop3A_904 : i32 to index
        %parallel_loop3A_909 = arith.constant 64 : index
        %parallel_loop3A_910 = tpu.vector_load %arg7[%parallel_loop3A_906, %parallel_loop3A_907, %parallel_loop3A_908, %parallel_loop3A_909] {strides = array<i32>} : memref<4x8x8x128xf32, #tpu.memory_space<vmem>>, vector<16xf32>,
        tpu.vector_store %arg7[%parallel_loop3A_906, %parallel_loop3A_907, %parallel_loop3A_908, %parallel_loop3A_909], %parallel_loop3A_864 {strides = array<i32>} : memref<4x8x8x128xf32, #tpu.memory_space<vmem>>, vector<16xf32>,
        %parallel_loop3A_911 = tpu.memref_slice %arg5[%parallel_loop3A_670] : memref<32768xf32, #tpu.memory_space<vmem>> -> memref<512xf32, #tpu.memory_space<vmem>>
        %parallel_loop3A_912 = tpu.vector_load_idx %parallel_loop3A_911[%get3A_634] : memref<512xf32, #tpu.memory_space<vmem>>[vector<16xi32>], vector<16xf32>,
        %parallel_loop3A_913 = arith.constant 8 : i32
        %parallel_loop3A_914 = arith.divsi %parallel_loop3A_668, %parallel_loop3A_913 : i32
        %parallel_loop3A_915 = arith.constant 0 : i32
        %parallel_loop3A_916 = arith.cmpi sgt, %parallel_loop3A_668, %parallel_loop3A_915 : i32
        %parallel_loop3A_917 = arith.extui %parallel_loop3A_916 : i1 to i32
        %parallel_loop3A_918 = arith.constant 0 : i32
        %parallel_loop3A_919 = arith.cmpi slt, %parallel_loop3A_668, %parallel_loop3A_918 : i32
        %parallel_loop3A_920 = arith.extui %parallel_loop3A_919 : i1 to i32
        %parallel_loop3A_921 = arith.subi %parallel_loop3A_917, %parallel_loop3A_920 : i32
        %parallel_loop3A_922 = arith.constant 0 : i32
        %parallel_loop3A_923 = arith.cmpi sgt, %parallel_loop3A_913, %parallel_loop3A_922 : i32
        %parallel_loop3A_924 = arith.extui %parallel_loop3A_923 : i1 to i32
        %parallel_loop3A_925 = arith.constant 0 : i32
        %parallel_loop3A_926 = arith.cmpi slt, %parallel_loop3A_913, %parallel_loop3A_925 : i32
        %parallel_loop3A_927 = arith.extui %parallel_loop3A_926 : i1 to i32
        %parallel_loop3A_928 = arith.subi %parallel_loop3A_924, %parallel_loop3A_927 : i32
        %parallel_loop3A_929 = arith.cmpi ne, %parallel_loop3A_921, %parallel_loop3A_928 : i32
        %parallel_loop3A_930 = arith.remsi %parallel_loop3A_668, %parallel_loop3A_913 : i32
        %parallel_loop3A_931 = arith.constant 0 : i32
        %parallel_loop3A_932 = arith.cmpi ne, %parallel_loop3A_930, %parallel_loop3A_931 : i32
        %parallel_loop3A_933 = arith.andi %parallel_loop3A_929, %parallel_loop3A_932 : i1
        %parallel_loop3A_934 = arith.constant 1 : i32
        %parallel_loop3A_935 = arith.subi %parallel_loop3A_914, %parallel_loop3A_934 : i32
        %parallel_loop3A_936 = arith.select %parallel_loop3A_933, %parallel_loop3A_935, %parallel_loop3A_914 : i32
        %parallel_loop3A_937 = arith.constant 8 : i32
        %parallel_loop3A_938 = arith.constant 0 : i32
        %parallel_loop3A_939 = arith.cmpi eq, %parallel_loop3A_937, %parallel_loop3A_938 : i32
        %parallel_loop3A_940 = arith.constant 1 : i32
        %parallel_loop3A_941 = arith.select %parallel_loop3A_939, %parallel_loop3A_940, %parallel_loop3A_937 : i32
        %parallel_loop3A_942 = arith.remsi %parallel_loop3A_668, %parallel_loop3A_941 : i32
        %parallel_loop3A_943 = arith.constant 0 : i32
        %parallel_loop3A_944 = arith.cmpi ne, %parallel_loop3A_942, %parallel_loop3A_943 : i32
        %parallel_loop3A_945 = arith.constant 0 : i32
        %parallel_loop3A_946 = arith.cmpi slt, %parallel_loop3A_942, %parallel_loop3A_945 : i32
        %parallel_loop3A_947 = arith.constant 0 : i32
        %parallel_loop3A_948 = arith.cmpi slt, %parallel_loop3A_941, %parallel_loop3A_947 : i32
        %parallel_loop3A_949 = arith.xori %parallel_loop3A_946, %parallel_loop3A_948 : i1
        %parallel_loop3A_950 = arith.andi %parallel_loop3A_949, %parallel_loop3A_944 : i1
        %parallel_loop3A_951 = arith.addi %parallel_loop3A_942, %parallel_loop3A_941 : i32
        %parallel_loop3A_952 = arith.select %parallel_loop3A_950, %parallel_loop3A_951, %parallel_loop3A_942 : i32
        %parallel_loop3A_953 = arith.constant 3 : i32
        %parallel_loop3A_954 = arith.index_cast %parallel_loop3A_953 : i32 to index
        %parallel_loop3A_955 = arith.index_cast %parallel_loop3A_936 : i32 to index
        %parallel_loop3A_956 = arith.index_cast %parallel_loop3A_952 : i32 to index
        %parallel_loop3A_957 = arith.constant 80 : index
        %parallel_loop3A_958 = tpu.vector_load %arg7[%parallel_loop3A_954, %parallel_loop3A_955, %parallel_loop3A_956, %parallel_loop3A_957] {strides = array<i32>} : memref<4x8x8x128xf32, #tpu.memory_space<vmem>>, vector<16xf32>,
        tpu.vector_store %arg7[%parallel_loop3A_954, %parallel_loop3A_955, %parallel_loop3A_956, %parallel_loop3A_957], %parallel_loop3A_912 {strides = array<i32>} : memref<4x8x8x128xf32, #tpu.memory_space<vmem>>, vector<16xf32>,
        %parallel_loop3A_959 = tpu.memref_slice %arg5[%parallel_loop3A_670] : memref<32768xf32, #tpu.memory_space<vmem>> -> memref<512xf32, #tpu.memory_space<vmem>>
        %parallel_loop3A_960 = tpu.vector_load_idx %parallel_loop3A_959[%get3A_637] : memref<512xf32, #tpu.memory_space<vmem>>[vector<16xi32>], vector<16xf32>,
        %parallel_loop3A_961 = arith.constant 8 : i32
        %parallel_loop3A_962 = arith.divsi %parallel_loop3A_668, %parallel_loop3A_961 : i32
        %parallel_loop3A_963 = arith.constant 0 : i32
        %parallel_loop3A_964 = arith.cmpi sgt, %parallel_loop3A_668, %parallel_loop3A_963 : i32
        %parallel_loop3A_965 = arith.extui %parallel_loop3A_964 : i1 to i32
        %parallel_loop3A_966 = arith.constant 0 : i32
        %parallel_loop3A_967 = arith.cmpi slt, %parallel_loop3A_668, %parallel_loop3A_966 : i32
        %parallel_loop3A_968 = arith.extui %parallel_loop3A_967 : i1 to i32
        %parallel_loop3A_969 = arith.subi %parallel_loop3A_965, %parallel_loop3A_968 : i32
        %parallel_loop3A_970 = arith.constant 0 : i32
        %parallel_loop3A_971 = arith.cmpi sgt, %parallel_loop3A_961, %parallel_loop3A_970 : i32
        %parallel_loop3A_972 = arith.extui %parallel_loop3A_971 : i1 to i32
        %parallel_loop3A_973 = arith.constant 0 : i32
        %parallel_loop3A_974 = arith.cmpi slt, %parallel_loop3A_961, %parallel_loop3A_973 : i32
        %parallel_loop3A_975 = arith.extui %parallel_loop3A_974 : i1 to i32
        %parallel_loop3A_976 = arith.subi %parallel_loop3A_972, %parallel_loop3A_975 : i32
        %parallel_loop3A_977 = arith.cmpi ne, %parallel_loop3A_969, %parallel_loop3A_976 : i32
        %parallel_loop3A_978 = arith.remsi %parallel_loop3A_668, %parallel_loop3A_961 : i32
        %parallel_loop3A_979 = arith.constant 0 : i32
        %parallel_loop3A_980 = arith.cmpi ne, %parallel_loop3A_978, %parallel_loop3A_979 : i32
        %parallel_loop3A_981 = arith.andi %parallel_loop3A_977, %parallel_loop3A_980 : i1
        %parallel_loop3A_982 = arith.constant 1 : i32
        %parallel_loop3A_983 = arith.subi %parallel_loop3A_962, %parallel_loop3A_982 : i32
        %parallel_loop3A_984 = arith.select %parallel_loop3A_981, %parallel_loop3A_983, %parallel_loop3A_962 : i32
        %parallel_loop3A_985 = arith.constant 8 : i32
        %parallel_loop3A_986 = arith.constant 0 : i32
        %parallel_loop3A_987 = arith.cmpi eq, %parallel_loop3A_985, %parallel_loop3A_986 : i32
        %parallel_loop3A_988 = arith.constant 1 : i32
        %parallel_loop3A_989 = arith.select %parallel_loop3A_987, %parallel_loop3A_988, %parallel_loop3A_985 : i32
        %parallel_loop3A_990 = arith.remsi %parallel_loop3A_668, %parallel_loop3A_989 : i32
        %parallel_loop3A_991 = arith.constant 0 : i32
        %parallel_loop3A_992 = arith.cmpi ne, %parallel_loop3A_990, %parallel_loop3A_991 : i32
        %parallel_loop3A_993 = arith.constant 0 : i32
        %parallel_loop3A_994 = arith.cmpi slt, %parallel_loop3A_990, %parallel_loop3A_993 : i32
        %parallel_loop3A_995 = arith.constant 0 : i32
        %parallel_loop3A_996 = arith.cmpi slt, %parallel_loop3A_989, %parallel_loop3A_995 : i32
        %parallel_loop3A_997 = arith.xori %parallel_loop3A_994, %parallel_loop3A_996 : i1
        %parallel_loop3A_998 = arith.andi %parallel_loop3A_997, %parallel_loop3A_992 : i1
        %parallel_loop3A_999 = arith.addi %parallel_loop3A_990, %parallel_loop3A_989 : i32
        %parallel_loop3A_1000 = arith.select %parallel_loop3A_998, %parallel_loop3A_999, %parallel_loop3A_990 : i32
        %parallel_loop3A_1001 = arith.constant 3 : i32
        %parallel_loop3A_1002 = arith.index_cast %parallel_loop3A_1001 : i32 to index
        %parallel_loop3A_1003 = arith.index_cast %parallel_loop3A_984 : i32 to index
        %parallel_loop3A_1004 = arith.index_cast %parallel_loop3A_1000 : i32 to index
        %parallel_loop3A_1005 = arith.constant 96 : index
        %parallel_loop3A_1006 = tpu.vector_load %arg7[%parallel_loop3A_1002, %parallel_loop3A_1003, %parallel_loop3A_1004, %parallel_loop3A_1005] {strides = array<i32>} : memref<4x8x8x128xf32, #tpu.memory_space<vmem>>, vector<16xf32>,
        tpu.vector_store %arg7[%parallel_loop3A_1002, %parallel_loop3A_1003, %parallel_loop3A_1004, %parallel_loop3A_1005], %parallel_loop3A_960 {strides = array<i32>} : memref<4x8x8x128xf32, #tpu.memory_space<vmem>>, vector<16xf32>,
        %parallel_loop3A_1007 = tpu.memref_slice %arg5[%parallel_loop3A_670] : memref<32768xf32, #tpu.memory_space<vmem>> -> memref<512xf32, #tpu.memory_space<vmem>>
        %parallel_loop3A_1008 = tpu.vector_load_idx %parallel_loop3A_1007[%get3A_640] : memref<512xf32, #tpu.memory_space<vmem>>[vector<16xi32>], vector<16xf32>,
        %parallel_loop3A_1009 = arith.constant 8 : i32
        %parallel_loop3A_1010 = arith.divsi %parallel_loop3A_668, %parallel_loop3A_1009 : i32
        %parallel_loop3A_1011 = arith.constant 0 : i32
        %parallel_loop3A_1012 = arith.cmpi sgt, %parallel_loop3A_668, %parallel_loop3A_1011 : i32
        %parallel_loop3A_1013 = arith.extui %parallel_loop3A_1012 : i1 to i32
        %parallel_loop3A_1014 = arith.constant 0 : i32
        %parallel_loop3A_1015 = arith.cmpi slt, %parallel_loop3A_668, %parallel_loop3A_1014 : i32
        %parallel_loop3A_1016 = arith.extui %parallel_loop3A_1015 : i1 to i32
        %parallel_loop3A_1017 = arith.subi %parallel_loop3A_1013, %parallel_loop3A_1016 : i32
        %parallel_loop3A_1018 = arith.constant 0 : i32
        %parallel_loop3A_1019 = arith.cmpi sgt, %parallel_loop3A_1009, %parallel_loop3A_1018 : i32
        %parallel_loop3A_1020 = arith.extui %parallel_loop3A_1019 : i1 to i32
        %parallel_loop3A_1021 = arith.constant 0 : i32
        %parallel_loop3A_1022 = arith.cmpi slt, %parallel_loop3A_1009, %parallel_loop3A_1021 : i32
        %parallel_loop3A_1023 = arith.extui %parallel_loop3A_1022 : i1 to i32
        %parallel_loop3A_1024 = arith.subi %parallel_loop3A_1020, %parallel_loop3A_1023 : i32
        %parallel_loop3A_1025 = arith.cmpi ne, %parallel_loop3A_1017, %parallel_loop3A_1024 : i32
        %parallel_loop3A_1026 = arith.remsi %parallel_loop3A_668, %parallel_loop3A_1009 : i32
        %parallel_loop3A_1027 = arith.constant 0 : i32
        %parallel_loop3A_1028 = arith.cmpi ne, %parallel_loop3A_1026, %parallel_loop3A_1027 : i32
        %parallel_loop3A_1029 = arith.andi %parallel_loop3A_1025, %parallel_loop3A_1028 : i1
        %parallel_loop3A_1030 = arith.constant 1 : i32
        %parallel_loop3A_1031 = arith.subi %parallel_loop3A_1010, %parallel_loop3A_1030 : i32
        %parallel_loop3A_1032 = arith.select %parallel_loop3A_1029, %parallel_loop3A_1031, %parallel_loop3A_1010 : i32
        %parallel_loop3A_1033 = arith.constant 8 : i32
        %parallel_loop3A_1034 = arith.constant 0 : i32
        %parallel_loop3A_1035 = arith.cmpi eq, %parallel_loop3A_1033, %parallel_loop3A_1034 : i32
        %parallel_loop3A_1036 = arith.constant 1 : i32
        %parallel_loop3A_1037 = arith.select %parallel_loop3A_1035, %parallel_loop3A_1036, %parallel_loop3A_1033 : i32
        %parallel_loop3A_1038 = arith.remsi %parallel_loop3A_668, %parallel_loop3A_1037 : i32
        %parallel_loop3A_1039 = arith.constant 0 : i32
        %parallel_loop3A_1040 = arith.cmpi ne, %parallel_loop3A_1038, %parallel_loop3A_1039 : i32
        %parallel_loop3A_1041 = arith.constant 0 : i32
        %parallel_loop3A_1042 = arith.cmpi slt, %parallel_loop3A_1038, %parallel_loop3A_1041 : i32
        %parallel_loop3A_1043 = arith.constant 0 : i32
        %parallel_loop3A_1044 = arith.cmpi slt, %parallel_loop3A_1037, %parallel_loop3A_1043 : i32
        %parallel_loop3A_1045 = arith.xori %parallel_loop3A_1042, %parallel_loop3A_1044 : i1
        %parallel_loop3A_1046 = arith.andi %parallel_loop3A_1045, %parallel_loop3A_1040 : i1
        %parallel_loop3A_1047 = arith.addi %parallel_loop3A_1038, %parallel_loop3A_1037 : i32
        %parallel_loop3A_1048 = arith.select %parallel_loop3A_1046, %parallel_loop3A_1047, %parallel_loop3A_1038 : i32
        %parallel_loop3A_1049 = arith.constant 3 : i32
        %parallel_loop3A_1050 = arith.index_cast %parallel_loop3A_1049 : i32 to index
        %parallel_loop3A_1051 = arith.index_cast %parallel_loop3A_1032 : i32 to index
        %parallel_loop3A_1052 = arith.index_cast %parallel_loop3A_1048 : i32 to index
        %parallel_loop3A_1053 = arith.constant 112 : index
        %parallel_loop3A_1054 = tpu.vector_load %arg7[%parallel_loop3A_1050, %parallel_loop3A_1051, %parallel_loop3A_1052, %parallel_loop3A_1053] {strides = array<i32>} : memref<4x8x8x128xf32, #tpu.memory_space<vmem>>, vector<16xf32>,
        tpu.vector_store %arg7[%parallel_loop3A_1050, %parallel_loop3A_1051, %parallel_loop3A_1052, %parallel_loop3A_1053], %parallel_loop3A_1008 {strides = array<i32>} : memref<4x8x8x128xf32, #tpu.memory_space<vmem>>, vector<16xf32>,
      } {sc.loop_unroll_factor = 4 : i64, sc.parallel_access}
      %dma_start3A_644 = arith.constant 3 : i32
      %dma_start3A_645 = arith.constant 3 : i32
      %dma_start3A_646 = arith.constant 0 : i32
      %dma_start3A_647 = arith.constant 0 : i32
      %dma_start3A_648 = arith.constant 0 : i32
      %dma_start3A_649 = tpu.memref_slice %arg7[%dma_start3A_644, %dma_start3A_646, %dma_start3A_647, %dma_start3A_648] : memref<4x8x8x128xf32, #tpu.memory_space<vmem>> -> memref<1x8x8x128xf32, #tpu.memory_space<vmem>>
      %dma_start3A_650 = tpu.memref_squeeze %dma_start3A_649 : memref<1x8x8x128xf32, #tpu.memory_space<vmem>> -> memref<8x8x128xf32, #tpu.memory_space<vmem>>
      %dma_start3A_651 = arith.constant 0 : i32
      %dma_start3A_652 = arith.constant 0 : i32
      %dma_start3A_653 = arith.constant 0 : i32
      %dma_start3A_654 = tpu.memref_slice %arg4[%add3A_590, %dma_start3A_651, %add3A, %dma_start3A_652, %dma_start3A_653] : memref<200x8x32x8x128xf32, #tpu.memory_space<hbm>> -> memref<1x8x1x8x128xf32, #tpu.memory_space<hbm>>
      %dma_start3A_655 = tpu.memref_squeeze %dma_start3A_654 : memref<1x8x1x8x128xf32, #tpu.memory_space<hbm>> -> memref<8x8x128xf32, #tpu.memory_space<hbm>>
      %dma_start3A_656 = tpu.memref_slice %arg8[%dma_start3A_645] : memref<4x!tpu.dma_semaphore, #tpu.memory_space<semaphore_mem>> -> memref<1x!tpu.dma_semaphore, #tpu.memory_space<semaphore_mem>>
      %dma_start3A_657 = tpu.memref_squeeze %dma_start3A_656 : memref<1x!tpu.dma_semaphore, #tpu.memory_space<semaphore_mem>> -> memref<!tpu.dma_semaphore, #tpu.memory_space<semaphore_mem>>
      %dma_start3A_658 = arith.constant 0 : i32
      %dma_start3A_659 = arith.constant 0 : i32
      %dma_start3A_660 = arith.constant 0 : i32
      %dma_start3A_661 = tpu.memref_slice %arg4[%add3A_590, %dma_start3A_658, %add3A, %dma_start3A_659, %dma_start3A_660] : memref<200x8x32x8x128xf32, #tpu.memory_space<hbm>> -> memref<1x8x1x8x128xf32, #tpu.memory_space<hbm>>
      %dma_start3A_662 = tpu.memref_squeeze %dma_start3A_661 : memref<1x8x1x8x128xf32, #tpu.memory_space<hbm>> -> memref<8x8x128xf32, #tpu.memory_space<hbm>>
      %dma_start3A_663 = arith.constant 0 : i32
      %dma_start3A_664 = arith.constant 0 : i32
      %dma_start3A_665 = arith.constant 0 : i32
      %dma_start3A_666 = tpu.memref_slice %arg7[%dma_start3A_644, %dma_start3A_663, %dma_start3A_664, %dma_start3A_665] : memref<4x8x8x128xf32, #tpu.memory_space<vmem>> -> memref<1x8x8x128xf32, #tpu.memory_space<vmem>>
      %dma_start3A_667 = tpu.memref_squeeze %dma_start3A_666 : memref<1x8x8x128xf32, #tpu.memory_space<vmem>> -> memref<8x8x128xf32, #tpu.memory_space<vmem>>
      tpu.enqueue_dma source(%dma_start3A_667 : memref<8x8x128xf32, #tpu.memory_space<vmem>>) target(%dma_start3A_662 : memref<8x8x128xf32, #tpu.memory_space<hbm>>) target_semaphore(%dma_start3A_657 : memref<!tpu.dma_semaphore, #tpu.memory_space<semaphore_mem>>)
    }
    %scan3A_244 = arith.constant 49 : i32
    %dma_wait3A = arith.constant 0 : i32
    %dma_wait3A_245 = arith.constant 196 : i32
    %dma_wait3A_246 = arith.constant 0 : i32
    %dma_wait3A_247 = arith.constant 0 : i32
    %dma_wait3A_248 = arith.constant 0 : i32
    %dma_wait3A_249 = arith.constant 0 : i32
    %dma_wait3A_250 = tpu.memref_slice %arg7[%dma_wait3A, %dma_wait3A_247, %dma_wait3A_248, %dma_wait3A_249] : memref<4x8x8x128xf32, #tpu.memory_space<vmem>> -> memref<1x8x8x128xf32, #tpu.memory_space<vmem>>
    %dma_wait3A_251 = tpu.memref_squeeze %dma_wait3A_250 : memref<1x8x8x128xf32, #tpu.memory_space<vmem>> -> memref<8x8x128xf32, #tpu.memory_space<vmem>>
    %dma_wait3A_252 = arith.constant 0 : i32
    %dma_wait3A_253 = arith.constant 0 : i32
    %dma_wait3A_254 = arith.constant 0 : i32
    %dma_wait3A_255 = tpu.memref_slice %arg4[%dma_wait3A_245, %dma_wait3A_252, %add3A, %dma_wait3A_253, %dma_wait3A_254] : memref<200x8x32x8x128xf32, #tpu.memory_space<hbm>> -> memref<1x8x1x8x128xf32, #tpu.memory_space<hbm>>
    %dma_wait3A_256 = tpu.memref_squeeze %dma_wait3A_255 : memref<1x8x1x8x128xf32, #tpu.memory_space<hbm>> -> memref<8x8x128xf32, #tpu.memory_space<hbm>>
    %dma_wait3A_257 = tpu.memref_slice %arg8[%dma_wait3A_246] : memref<4x!tpu.dma_semaphore, #tpu.memory_space<semaphore_mem>> -> memref<1x!tpu.dma_semaphore, #tpu.memory_space<semaphore_mem>>
    %dma_wait3A_258 = tpu.memref_squeeze %dma_wait3A_257 : memref<1x!tpu.dma_semaphore, #tpu.memory_space<semaphore_mem>> -> memref<!tpu.dma_semaphore, #tpu.memory_space<semaphore_mem>>
    %dma_wait3A_259 = arith.constant 0 : i32
    %dma_wait3A_260 = arith.constant 0 : i32
    %dma_wait3A_261 = arith.constant 0 : i32
    %dma_wait3A_262 = tpu.memref_slice %arg4[%dma_wait3A_245, %dma_wait3A_259, %add3A, %dma_wait3A_260, %dma_wait3A_261] : memref<200x8x32x8x128xf32, #tpu.memory_space<hbm>> -> memref<1x8x1x8x128xf32, #tpu.memory_space<hbm>>
    %dma_wait3A_263 = tpu.memref_squeeze %dma_wait3A_262 : memref<1x8x1x8x128xf32, #tpu.memory_space<hbm>> -> memref<8x8x128xf32, #tpu.memory_space<hbm>>
    %dma_wait3A_264 = arith.constant 0 : i32
    %dma_wait3A_265 = arith.constant 0 : i32
    %dma_wait3A_266 = arith.constant 0 : i32
    %dma_wait3A_267 = tpu.memref_slice %arg7[%dma_wait3A, %dma_wait3A_264, %dma_wait3A_265, %dma_wait3A_266] : memref<4x8x8x128xf32, #tpu.memory_space<vmem>> -> memref<1x8x8x128xf32, #tpu.memory_space<vmem>>
    %dma_wait3A_268 = tpu.memref_squeeze %dma_wait3A_267 : memref<1x8x8x128xf32, #tpu.memory_space<vmem>> -> memref<8x8x128xf32, #tpu.memory_space<vmem>>
    tpu.wait_dma2 semaphore(%dma_wait3A_258 : memref<!tpu.dma_semaphore, #tpu.memory_space<semaphore_mem>>) src(%dma_wait3A_268 : memref<8x8x128xf32, #tpu.memory_space<vmem>>) dst(%dma_wait3A_263 : memref<8x8x128xf32, #tpu.memory_space<hbm>>)
    %dma_wait3A_269 = arith.constant 1 : i32
    %dma_wait3A_270 = arith.constant 197 : i32
    %dma_wait3A_271 = arith.constant 1 : i32
    %dma_wait3A_272 = arith.constant 0 : i32
    %dma_wait3A_273 = arith.constant 0 : i32
    %dma_wait3A_274 = arith.constant 0 : i32
    %dma_wait3A_275 = tpu.memref_slice %arg7[%dma_wait3A_269, %dma_wait3A_272, %dma_wait3A_273, %dma_wait3A_274] : memref<4x8x8x128xf32, #tpu.memory_space<vmem>> -> memref<1x8x8x128xf32, #tpu.memory_space<vmem>>
    %dma_wait3A_276 = tpu.memref_squeeze %dma_wait3A_275 : memref<1x8x8x128xf32, #tpu.memory_space<vmem>> -> memref<8x8x128xf32, #tpu.memory_space<vmem>>
    %dma_wait3A_277 = arith.constant 0 : i32
    %dma_wait3A_278 = arith.constant 0 : i32
    %dma_wait3A_279 = arith.constant 0 : i32
    %dma_wait3A_280 = tpu.memref_slice %arg4[%dma_wait3A_270, %dma_wait3A_277, %add3A, %dma_wait3A_278, %dma_wait3A_279] : memref<200x8x32x8x128xf32, #tpu.memory_space<hbm>> -> memref<1x8x1x8x128xf32, #tpu.memory_space<hbm>>
    %dma_wait3A_281 = tpu.memref_squeeze %dma_wait3A_280 : memref<1x8x1x8x128xf32, #tpu.memory_space<hbm>> -> memref<8x8x128xf32, #tpu.memory_space<hbm>>
    %dma_wait3A_282 = tpu.memref_slice %arg8[%dma_wait3A_271] : memref<4x!tpu.dma_semaphore, #tpu.memory_space<semaphore_mem>> -> memref<1x!tpu.dma_semaphore, #tpu.memory_space<semaphore_mem>>
    %dma_wait3A_283 = tpu.memref_squeeze %dma_wait3A_282 : memref<1x!tpu.dma_semaphore, #tpu.memory_space<semaphore_mem>> -> memref<!tpu.dma_semaphore, #tpu.memory_space<semaphore_mem>>
    %dma_wait3A_284 = arith.constant 0 : i32
    %dma_wait3A_285 = arith.constant 0 : i32
    %dma_wait3A_286 = arith.constant 0 : i32
    %dma_wait3A_287 = tpu.memref_slice %arg4[%dma_wait3A_270, %dma_wait3A_284, %add3A, %dma_wait3A_285, %dma_wait3A_286] : memref<200x8x32x8x128xf32, #tpu.memory_space<hbm>> -> memref<1x8x1x8x128xf32, #tpu.memory_space<hbm>>
    %dma_wait3A_288 = tpu.memref_squeeze %dma_wait3A_287 : memref<1x8x1x8x128xf32, #tpu.memory_space<hbm>> -> memref<8x8x128xf32, #tpu.memory_space<hbm>>
    %dma_wait3A_289 = arith.constant 0 : i32
    %dma_wait3A_290 = arith.constant 0 : i32
    %dma_wait3A_291 = arith.constant 0 : i32
    %dma_wait3A_292 = tpu.memref_slice %arg7[%dma_wait3A_269, %dma_wait3A_289, %dma_wait3A_290, %dma_wait3A_291] : memref<4x8x8x128xf32, #tpu.memory_space<vmem>> -> memref<1x8x8x128xf32, #tpu.memory_space<vmem>>
    %dma_wait3A_293 = tpu.memref_squeeze %dma_wait3A_292 : memref<1x8x8x128xf32, #tpu.memory_space<vmem>> -> memref<8x8x128xf32, #tpu.memory_space<vmem>>
    tpu.wait_dma2 semaphore(%dma_wait3A_283 : memref<!tpu.dma_semaphore, #tpu.memory_space<semaphore_mem>>) src(%dma_wait3A_293 : memref<8x8x128xf32, #tpu.memory_space<vmem>>) dst(%dma_wait3A_288 : memref<8x8x128xf32, #tpu.memory_space<hbm>>)
    %dma_wait3A_294 = arith.constant 2 : i32
    %dma_wait3A_295 = arith.constant 198 : i32
    %dma_wait3A_296 = arith.constant 2 : i32
    %dma_wait3A_297 = arith.constant 0 : i32
    %dma_wait3A_298 = arith.constant 0 : i32
    %dma_wait3A_299 = arith.constant 0 : i32
    %dma_wait3A_300 = tpu.memref_slice %arg7[%dma_wait3A_294, %dma_wait3A_297, %dma_wait3A_298, %dma_wait3A_299] : memref<4x8x8x128xf32, #tpu.memory_space<vmem>> -> memref<1x8x8x128xf32, #tpu.memory_space<vmem>>
    %dma_wait3A_301 = tpu.memref_squeeze %dma_wait3A_300 : memref<1x8x8x128xf32, #tpu.memory_space<vmem>> -> memref<8x8x128xf32, #tpu.memory_space<vmem>>
    %dma_wait3A_302 = arith.constant 0 : i32
    %dma_wait3A_303 = arith.constant 0 : i32
    %dma_wait3A_304 = arith.constant 0 : i32
    %dma_wait3A_305 = tpu.memref_slice %arg4[%dma_wait3A_295, %dma_wait3A_302, %add3A, %dma_wait3A_303, %dma_wait3A_304] : memref<200x8x32x8x128xf32, #tpu.memory_space<hbm>> -> memref<1x8x1x8x128xf32, #tpu.memory_space<hbm>>
    %dma_wait3A_306 = tpu.memref_squeeze %dma_wait3A_305 : memref<1x8x1x8x128xf32, #tpu.memory_space<hbm>> -> memref<8x8x128xf32, #tpu.memory_space<hbm>>
    %dma_wait3A_307 = tpu.memref_slice %arg8[%dma_wait3A_296] : memref<4x!tpu.dma_semaphore, #tpu.memory_space<semaphore_mem>> -> memref<1x!tpu.dma_semaphore, #tpu.memory_space<semaphore_mem>>
    %dma_wait3A_308 = tpu.memref_squeeze %dma_wait3A_307 : memref<1x!tpu.dma_semaphore, #tpu.memory_space<semaphore_mem>> -> memref<!tpu.dma_semaphore, #tpu.memory_space<semaphore_mem>>
    %dma_wait3A_309 = arith.constant 0 : i32
    %dma_wait3A_310 = arith.constant 0 : i32
    %dma_wait3A_311 = arith.constant 0 : i32
    %dma_wait3A_312 = tpu.memref_slice %arg4[%dma_wait3A_295, %dma_wait3A_309, %add3A, %dma_wait3A_310, %dma_wait3A_311] : memref<200x8x32x8x128xf32, #tpu.memory_space<hbm>> -> memref<1x8x1x8x128xf32, #tpu.memory_space<hbm>>
    %dma_wait3A_313 = tpu.memref_squeeze %dma_wait3A_312 : memref<1x8x1x8x128xf32, #tpu.memory_space<hbm>> -> memref<8x8x128xf32, #tpu.memory_space<hbm>>
    %dma_wait3A_314 = arith.constant 0 : i32
    %dma_wait3A_315 = arith.constant 0 : i32
    %dma_wait3A_316 = arith.constant 0 : i32
    %dma_wait3A_317 = tpu.memref_slice %arg7[%dma_wait3A_294, %dma_wait3A_314, %dma_wait3A_315, %dma_wait3A_316] : memref<4x8x8x128xf32, #tpu.memory_space<vmem>> -> memref<1x8x8x128xf32, #tpu.memory_space<vmem>>
    %dma_wait3A_318 = tpu.memref_squeeze %dma_wait3A_317 : memref<1x8x8x128xf32, #tpu.memory_space<vmem>> -> memref<8x8x128xf32, #tpu.memory_space<vmem>>
    tpu.wait_dma2 semaphore(%dma_wait3A_308 : memref<!tpu.dma_semaphore, #tpu.memory_space<semaphore_mem>>) src(%dma_wait3A_318 : memref<8x8x128xf32, #tpu.memory_space<vmem>>) dst(%dma_wait3A_313 : memref<8x8x128xf32, #tpu.memory_space<hbm>>)
    %dma_wait3A_319 = arith.constant 3 : i32
    %dma_wait3A_320 = arith.constant 199 : i32
    %dma_wait3A_321 = arith.constant 3 : i32
    %dma_wait3A_322 = arith.constant 0 : i32
    %dma_wait3A_323 = arith.constant 0 : i32
    %dma_wait3A_324 = arith.constant 0 : i32
    %dma_wait3A_325 = tpu.memref_slice %arg7[%dma_wait3A_319, %dma_wait3A_322, %dma_wait3A_323, %dma_wait3A_324] : memref<4x8x8x128xf32, #tpu.memory_space<vmem>> -> memref<1x8x8x128xf32, #tpu.memory_space<vmem>>
    %dma_wait3A_326 = tpu.memref_squeeze %dma_wait3A_325 : memref<1x8x8x128xf32, #tpu.memory_space<vmem>> -> memref<8x8x128xf32, #tpu.memory_space<vmem>>
    %dma_wait3A_327 = arith.constant 0 : i32
    %dma_wait3A_328 = arith.constant 0 : i32
    %dma_wait3A_329 = arith.constant 0 : i32
    %dma_wait3A_330 = tpu.memref_slice %arg4[%dma_wait3A_320, %dma_wait3A_327, %add3A, %dma_wait3A_328, %dma_wait3A_329] : memref<200x8x32x8x128xf32, #tpu.memory_space<hbm>> -> memref<1x8x1x8x128xf32, #tpu.memory_space<hbm>>
    %dma_wait3A_331 = tpu.memref_squeeze %dma_wait3A_330 : memref<1x8x1x8x128xf32, #tpu.memory_space<hbm>> -> memref<8x8x128xf32, #tpu.memory_space<hbm>>
    %dma_wait3A_332 = tpu.memref_slice %arg8[%dma_wait3A_321] : memref<4x!tpu.dma_semaphore, #tpu.memory_space<semaphore_mem>> -> memref<1x!tpu.dma_semaphore, #tpu.memory_space<semaphore_mem>>
    %dma_wait3A_333 = tpu.memref_squeeze %dma_wait3A_332 : memref<1x!tpu.dma_semaphore, #tpu.memory_space<semaphore_mem>> -> memref<!tpu.dma_semaphore, #tpu.memory_space<semaphore_mem>>
    %dma_wait3A_334 = arith.constant 0 : i32
    %dma_wait3A_335 = arith.constant 0 : i32
    %dma_wait3A_336 = arith.constant 0 : i32
    %dma_wait3A_337 = tpu.memref_slice %arg4[%dma_wait3A_320, %dma_wait3A_334, %add3A, %dma_wait3A_335, %dma_wait3A_336] : memref<200x8x32x8x128xf32, #tpu.memory_space<hbm>> -> memref<1x8x1x8x128xf32, #tpu.memory_space<hbm>>
    %dma_wait3A_338 = tpu.memref_squeeze %dma_wait3A_337 : memref<1x8x1x8x128xf32, #tpu.memory_space<hbm>> -> memref<8x8x128xf32, #tpu.memory_space<hbm>>
    %dma_wait3A_339 = arith.constant 0 : i32
    %dma_wait3A_340 = arith.constant 0 : i32
    %dma_wait3A_341 = arith.constant 0 : i32
    %dma_wait3A_342 = tpu.memref_slice %arg7[%dma_wait3A_319, %dma_wait3A_339, %dma_wait3A_340, %dma_wait3A_341] : memref<4x8x8x128xf32, #tpu.memory_space<vmem>> -> memref<1x8x8x128xf32, #tpu.memory_space<vmem>>
    %dma_wait3A_343 = tpu.memref_squeeze %dma_wait3A_342 : memref<1x8x8x128xf32, #tpu.memory_space<vmem>> -> memref<8x8x128xf32, #tpu.memory_space<vmem>>
    tpu.wait_dma2 semaphore(%dma_wait3A_333 : memref<!tpu.dma_semaphore, #tpu.memory_space<semaphore_mem>>) src(%dma_wait3A_343 : memref<8x8x128xf32, #tpu.memory_space<vmem>>) dst(%dma_wait3A_338 : memref<8x8x128xf32, #tpu.memory_space<hbm>>)
    return
  }
}

module attributes {stable_mosaic.version = 14 : i64} {
  func.func @_add_t_body(%arg0: memref<512x64xf32, #tpu.memory_space<vmem>>, %arg1: memref<512x64xf32, #tpu.memory_space<vmem>>, %arg2: memref<64x512xf32, #tpu.memory_space<vmem>>) attributes {dimension_semantics = [], scalar_prefetch = 0 : i64, scratch_operands = 0 : i64, tpu.core_type = #tpu.core_type<tc>} {
    %get3A = arith.constant 0 : index
    %get3A_0 = arith.constant 0 : index
    %get3A_1 = vector.load %arg0[%get3A, %get3A_0] : memref<512x64xf32, #tpu.memory_space<vmem>>, vector<512x64xf32>
    %get3A_2 = arith.constant 0 : index
    %get3A_3 = arith.constant 0 : index
    %get3A_4 = vector.load %arg1[%get3A_2, %get3A_3] : memref<512x64xf32, #tpu.memory_space<vmem>>, vector<512x64xf32>
    %add3A = arith.addf %get3A_1, %get3A_4 : vector<512x64xf32>
    %transpose3A = tpu.transpose %add3A, [1, 0] : vector<512x64xf32> -> vector<64x512xf32>
    %swap3A = arith.constant 0 : index
    %swap3A_5 = arith.constant 0 : index
    %swap3A_6 = vector.load %arg2[%swap3A, %swap3A_5] : memref<64x512xf32, #tpu.memory_space<vmem>>, vector<64x512xf32>
    tpu.vector_store %arg2[%swap3A, %swap3A_5], %transpose3A {strides = array<i32>} : memref<64x512xf32, #tpu.memory_space<vmem>>, vector<64x512xf32>,
    return
  }
}

</mosaic_0001>

<sc_bundles>
// kernel: kernel.4.cloned.1.call-start
scs
__scs_entry_jumppad:
0x0: {  	(pc) =	sbr.rel $0x88, $3  }
0x1: {  	(tag) =	ssettag $0x0;
	lr =	simm.s32 $0x1  }
0x2: {  	[smem:$0x3F9E] =	sst lr;
	_ =	strace $0xD0000000  }
0x3: {  	_ = 	snop  }
0x4: {  	_ = 	snop  }
0x5: {  	_ = 	snop  }
0x6: {  	_ = 	snop  }
0x7: {  	_ = 	snop  }
__scs_overlays_trampoline_lowered:
0x8: {  	[smem:$0x3FAD] =	sst s0  }
0x9: {  	[smem:$0x3FAE] =	sst s1  }
0xa: {  	[smem:$0x3FAF] =	sst s2  }
0xb: {  	[smem:$0x3FB0] =	sst s3  }
0xc: {  	[smem:$0x3FB1] =	sst s4  }
0xd: {  	[smem:$0x3FB2] =	sst s5  }
0xe: {  	[smem:$0x3FB3] =	sst s6  }
0xf: {  	[smem:$0x3FB4] =	sst s7  }
0x10: {  	[smem:$0x3FB5] =	sst s8  }
0x11: {  	[smem:$0x3FB6] =	sst s9;
	s0 =	simm.s32 @!p0 $0x0  }
0x12: {  	s1 =	sld [smem:$0x3F9C];
	s0 =	simm.s32 @p0 $0x1  }
0x13: {  	[smem:$0x3FB7] =	sst s0;
	s0 =	simm.s32 @!p1 $0x0  }
0x14: {  	s2 =	sld [smem:$0x3F9B];
	s0 =	simm.s32 @p1 $0x1  }
0x15: {  	[smem:$0x3FB8] =	sst s0;
	s0 =	simm.s32 @!p2 $0x0  }
0x16: {  	s3 =	sld [smem:$0x3FDB];
	s0 =	simm.s32 @p2 $0x1  }
0x17: {  	s4 =	simm.s32 $0x1BF5;
	[smem:$0x3FBA] =	sst s0  }
0x18: {  	s0 =	sld [smem:$0x3F9D];
	_ =	swait.ge [sflag:s4], $0x0  }
0x19: {  	s7 =	sld [smem:$0x3F9E]  }
0x1a: {  	s8 =	sadd.s32 $0xFFFFE003, lr  }
0x1b: {  	s9 =	sadd.s32 $0xFFFFFEF7, lr;
	s5 =	simm.s32 $0xFFFFFFFF;
	p2 =	slt.u32 s8, $0xFFFFF086  }
0x1c: {  	p1 =	slt.u32 s9, $0xF7A;
	s5 =	simm.s32 @!p2 $0x0  }
0x1d: {  	s5 =	simm.s32 @p1 $0x1;
	p0 =	seq.s32 s7, s2  }
0x1e: {  	s7 =	smul.u32 @!p0 $0xF7A, s2;
	p2 =	seq.s32 @!p0 s5, $0x0  }
0x1f: {  	s9 =	smul.u32 $0xF7A, s1;
	s8 =	simm.s32 @!p0 $0x1BF5;
	p2 =	por !p2, p0  }
0x20: {  	[sflag:s8] =	ssyncset.s32 @!p0 $0xFFFFF086;
	s6 =	sadd.s32 @!p0 s3, s7;
	s7 =	simm.s32 @!p0 $0x108  }
0x21: {  	s3 =	sadd.s32 s3, s9;
	s6 =	sadd.s32 @!p0 $0x88, s6;
	s7 =	simm.s32 @p2 $0x1082  }
0x22: {  	[simem:s7], [sflag:s8] =	dma.local @!p0 [hbm:s6], $0xF7A  }
0x23: {  	s9 =	sor.u32 $0xD0000000, s2;
	s6 =	simm.s32 $0x108;
	_ =	swait.ge @!p0 [sflag:s8], $0x0  }
0x24: {  	s3 =	sadd.s32 $0x88, s3;
	s6 =	simm.s32 @!p1 $0x1082;
	[sflag:s4] =	ssyncset.s32 $0xFFFFF086  }
0x25: {  	[simem:s6], [sflag:s4] =	dma.local [hbm:s3], $0xF7A  }
0x26: {  	[smem:$0x3F9E] =	sst s1;
	(tag) =	ssettag s2;
	_ =	strace s9  }
0x27: {  	s1 =	sld [smem:$0x3FAE]  }
0x28: {  	s2 =	sld [smem:$0x3FAF]  }
0x29: {  	s4 =	sld [smem:$0x3FB1]  }
0x2a: {  	p0 =	seq.s32 s5, $0x0;
	s5 =	sld [smem:$0x3FB2]  }
0x2b: {  	s6 =	sld [smem:$0x3FB3]  }
0x2c: {  	s7 =	sld [smem:$0x3FB4]  }
0x2d: {  	s3 =	simm.s32 $0x108;
	s8 =	sld [smem:$0x3FB5]  }
0x2e: {  	s3 =	simm.s32 @!p0 $0x1082;
	s9 =	sld [smem:$0x3FB6]  }
0x2f: {  	lr =	sadd.s32 s0, s3;
	s0 =	sld [smem:$0x3FAD]  }
0x30: {  	s3 =	sld [smem:$0x3FB0]  }
0x31: {  	[smem:$0x3FB9] =	sst s10  }
0x32: {  	s10 =	sld [smem:$0x3FB7];
	_ =	sdelay $0x3  }
0x33: {  	p0 =	seq.s32 s10, $0x1;
	s10 =	sld [smem:$0x3FB9];
	_ =	sdelay $0x3  }
0x34: {  	[smem:$0x3FB9] =	sst s10  }
0x35: {  	s10 =	sld [smem:$0x3FB8];
	_ =	sdelay $0x3  }
0x36: {  	p1 =	seq.s32 s10, $0x1;
	s10 =	sld [smem:$0x3FB9];
	_ =	sdelay $0x3  }
0x37: {  	[smem:$0x3FB9] =	sst s10  }
0x38: {  	s10 =	sld [smem:$0x3FBA]  }
0x39: {  	_ = 	snop;
	(pc) =	sbr.ind lr, $3  }
0x3a: {  	_ = 	snop  }
0x3b: {  	_ = 	snop  }
0x3c: {  	p2 =	seq.s32 s10, $0x1;
	s10 =	sld [smem:$0x3FB9]  }
0x3d: {  	_ =	shalt  }
0x3e: {  	_ =	shalt  }
0x3f: {  	_ =	shalt  }
0x40: {  	_ =	shalt  }
0x41: {  	_ =	shalt  }
0x42: {  	_ =	shalt  }
0x43: {  	_ =	shalt  }
0x44: {  	_ =	shalt  }
0x45: {  	_ =	shalt  }
0x46: {  	_ =	shalt  }
0x47: {  	_ =	shalt  }
0x48: {  	_ =	shalt  }
0x49: {  	_ =	shalt  }
0x4a: {  	_ =	shalt  }
0x4b: {  	_ =	shalt  }
0x4c: {  	_ =	shalt  }
0x4d: {  	_ =	shalt  }
0x4e: {  	_ =	shalt  }
0x4f: {  	_ =	shalt  }
0x50: {  	_ =	shalt  }
0x51: {  	_ =	shalt  }
0x52: {  	_ =	shalt  }
0x53: {  	_ =	shalt  }
0x54: {  	_ =	shalt  }
0x55: {  	_ =	shalt  }
0x56: {  	_ =	shalt  }
0x57: {  	_ =	shalt  }
0x58: {  	_ =	shalt  }
0x59: {  	_ =	shalt  }
0x5a: {  	_ =	shalt  }
0x5b: {  	_ =	shalt  }
0x5c: {  	_ =	shalt  }
0x5d: {  	_ =	shalt  }
0x5e: {  	_ =	shalt  }
0x5f: {  	_ =	shalt  }
0x60: {  	_ =	shalt  }
0x61: {  	_ =	shalt  }
0x62: {  	_ =	shalt  }
0x63: {  	_ =	shalt  }
0x64: {  	_ =	shalt  }
0x65: {  	_ =	shalt  }
0x66: {  	_ =	shalt  }
0x67: {  	_ =	shalt  }
0x68: {  	_ =	shalt  }
0x69: {  	_ =	shalt  }
0x6a: {  	_ =	shalt  }
0x6b: {  	_ =	shalt  }
0x6c: {  	_ =	shalt  }
0x6d: {  	_ =	shalt  }
0x6e: {  	_ =	shalt  }
0x6f: {  	_ =	shalt  }
0x70: {  	_ =	shalt  }
0x71: {  	_ =	shalt  }
0x72: {  	_ =	shalt  }
0x73: {  	_ =	shalt  }
0x74: {  	_ =	shalt  }
0x75: {  	_ =	shalt  }
0x76: {  	_ =	shalt  }
0x77: {  	_ =	shalt  }
0x78: {  	_ =	shalt  }
0x79: {  	_ =	shalt  }
0x7a: {  	_ =	shalt  }
0x7b: {  	_ =	shalt  }
0x7c: {  	_ =	shalt  }
0x7d: {  	_ =	shalt  }
0x7e: {  	_ =	shalt  }
0x7f: {  	_ =	shalt  }
0x80: {  	_ =	shalt  }
0x81: {  	_ =	shalt  }
0x82: {  	_ =	shalt  }
0x83: {  	_ =	shalt  }
0x84: {  	_ =	shalt  }
0x85: {  	_ =	shalt  }
0x86: {  	_ =	shalt  }
0x87: {  	_ =	shalt  }
.Lfunc_end0:
.L_simem_size_0:
called_computation_lowered:
.L_overlay_start_0:
0x88: {  	s2 =	sld [smem:$0x3FD9]  }
0x89: {  	s3 =	sld [smem:$0x3FFE];
	_ =	sdelay $0x1  }
0x8a: {  	s1 =	srdreg.scid  }
0x8b: {  	s0 =	sand.u32 $0x1, s1  }
0x8c: {  	s17 =	sshll.u32 s0, $0xA;
	s2 =	sadd.s32 s3, s2  }
0x8d: {  	s2 =	sadd.s32 s2, s17  }
0x8e: {  	[smem:$0x3FC5] =	sst s2  }
0x8f: {  	_ = 	snop  }
0x90: {  	s2 =	sld [smem:$0x3FD0];
	(tm) =	ssettm $0x1  }
0x91: {  	s18 =	sld [smem:$0x3FFB];
	_ =	sdelay $0x3  }
0x92: {  	_ =	strace s18  }
0x93: {  	s3 =	sld [smem:$0x3FFC];
	_ =	sdelay $0x3  }
0x94: {  	_ =	strace s3  }
0x95: {  	s3 =	sld [smem:$0x3FFD];
	_ =	sdelay $0x3  }
0x96: {  	_ =	strace s3  }
0x97: {  	_ =	strace $0x8FFFFFFF  }
0x98: {  	s19 =	sld [smem:$0x3FDB];
	_ =	sdelay $0x1  }
0x99: {  	s4 =	simm.s32 $_scs_section_size  }
0x9a: {  	s5 =	simm.s32 $_size__tile_overlayer_lowered;
	s6 =	simm.s32 $_tile_overlayer_lowered  }
0x9b: {  	s22 =	simm.s32 $0x1BFF;
	s21 =	sshll.u32 s6, $0x1;
	s3 =	sadd.s32 s4, s19  }
0x9c: {  	s7 =	simm.s32 $0x0;
	s20 =	sshll.u32 s5, $0x1;
	s5 =	sadd.s32 s21, s3  }
0x9d: {  	[timem:s7], [sflag:s22] =	dma.local [hbm:s5], s20  }
0x9e: {  	_ =	swait.ge [sflag:s22], s20  }
0x9f: {  	s4 =	ssub.s32 $0x0, s20;
	[sflag:s22] =	ssyncset.done $0x0  }
0xa0: {  	[sflag:s22] =	ssyncadd.s32 s4;
	_ =	sdelay $0x1  }
0xa1: {  	s23 =	simm.s32 $0x1B8B  }
0xa2: {  	_ =	swait.ge [sflag:s23], $0x1  }
0xa3: {  	[sflag:s23] =	ssyncset.done $0x0  }
0xa4: {  	s25 =	simm.s32 $0x1B8E;
	s24 =	sld [smem:$0x3FFE];
	[sflag:s23] =	ssyncadd.s32 $0xFFFFFFFF  }
0xa5: {  	s26 =	simm.s32 $execute0_lowered;
	[smem:$0x3FD2] =	sst s25  }
0xa6: {  	s5 =	sshll.u32 s26, $0x1;
	_ =	strace $0x80000046;
	[dreg:$0x1] =	wrdreg $0xFFFFFFFF  }
0xa7: {  	s28 =	simm.s32 $_size_execute0_lowered;
	s3 =	sadd.s32 s3, s5;
	[dreg:$0x0] =	wrdreg $0x0  }
0xa8: {  	s5 =	sshll.u32 s28, $0x1;
	[dreg:$0x2] =	wrdreg s3  }
0xa9: {  	[dreg:$0x3] =	wrdreg s5  }
0xaa: {  	[dreg:$0x4] =	wrdreg $0xC0  }
0xab: {  	_ =	task [dreg:s7], $0x5FFFF  }
0xac: {  	[dreg:$0x1] =	wrdreg $0xFFFFFFFF  }
0xad: {  	[dreg:$0x0] =	wrdreg $0x60  }
0xae: {  	[dreg:$0x2] =	wrdreg s24  }
0xaf: {  	[dreg:$0x3] =	wrdreg s2  }
0xb0: {  	[dreg:$0x4] =	wrdreg $0x9  }
0xb1: {  	_ =	task.clear_ibuf [dreg:s7], $0x5FFFF;
	_ =	strace $0x90000046  }
0xb2: {  	s29 =	simm.s32 $0x9;
	_ =	strace $0x80000048  }
0xb3: {  	_ =	swait.ge [sflag:s29], $0x1  }
0xb4: {  	[sflag:s29] =	ssyncadd.s32 $0xFFFFFFFF  }
0xb5: {  	_ =	strace $0x90000048  }
0xb6: {  	_ =	sfence  }
0xb7: {  	s30 =	sld [smem:$0x0];
	_ =	sdelay $0x2  }
0xb8: {  	s31 =	sshll.u32 s1, $0xD;
	s1 =	sshrl.u32 s1, $0x2  }
0xb9: {  	s3 =	sand.u32 $0x4000, s31;
	s1 =	sadd.s32 s1, s30  }
0xba: {  	s0 =	sor.u32 s3, s0;
	s1 =	sshll.u32 s1, $0x11  }
0xbb: {  	s0 =	sor.u32 s1, s0  }
0xbc: {  	s0 =	sadd.s32 $0x8F2B, s0  }
0xbd: {  	[sflag:s0] =	ssyncadd.remote.s32 $0x1  }
0xbe: {  	_ =	sfence.sel $0xFFFF  }
0xbf: {  	[dreg:$0x0] =	wrdreg $0xFFFFFFFF;
	(pc) =	sbr.abs _section_cstart, $3  }
0xc0: {  	[dreg:$0x1] =	wrdreg $0xFFFFFFFF  }
0xc1: {  	_ =	task.clear_ibuf [dreg:s7], $0x2FFFF;
	_ =	strace $0x9FFFFFFF  }
0xc2: {  	(tm) =	ssettm $0x7FFFFFFF  }
0xc3: {  	_ =	shalt  }
tec
execute0_lowered:
.L_overlay_start_1:
0x0: {  	(tag) =	ssettag $0x1  }
0x1: {  	s0 =	rddreg [dreg:$0x0]  }
0x2: {  	s2 =	rddreg [dreg:$0x1];
	s4 =	simm.s32 $0x0  }
0x3: {  	s1 =	srdreg.scid;
	s3 =	stileid.u32;
	s15 =	simm.s32 $0x8000  }
0x4: {  	s16 =	simm.s32 $0x400;
	s17 =	simm.s32 $0xE400;
	s18 =	simm.s32 $0x10400  }
0x5: {  	s19 =	simm.s32 $0x12400;
	s20 =	simm.s32 $0x14400;
	s21 =	simm.s32 $0x1  }
0x6: {  	s22 =	simm.s32 $0x2;
	s1 =	sand.u32 $0x1, s1;
	s3 =	sshll.u32 s3, $0x1  }
0x7: {  	[smem:$0x7FF] =	sst s4;
	s24 =	sadd.s32 $0x400, s0;
	s3 =	sor.u32 s1, s3  }
0x8: {  	_ =	strace $0x80000047;
	s25 =	sshll.u32 s3, $0x4;
	s26 =	sshll.u32 s3, $0x7  }
0x9: {  	[dreg:$0x3] =	wrdreg s24;
	s0 =	sadd.s32 s25, s0;
	s28 =	sadd.s32 s2, s26  }
0xa: {  	s1 =	ssub.s32 $0x2, s1;
	s0 =	sadd.s32 $0x1400, s0;
	[dreg:$0x5] =	wrdreg s28  }
0xb: {  	s5 =	sshrl.u32 s1, $0x1;
	s29 =	sadd.s32 $0x8000, s28;
	[dreg:$0x4] =	wrdreg s0  }
0xc: {  	s1 =	ssub.s32 s1, s5;
	s30 =	sadd.s32 $0x10000, s28;
	[dreg:$0x6] =	wrdreg s29  }
0xd: {  	s23 =	simm.s32 $0x3;
	s31 =	smax.u32 s1, $0x1;
	[dreg:$0x7] =	wrdreg s30  }
0xe: {  	s24 =	simm.s32 $0x4;
	s0 =	sadd.s32 $0x18000, s28;
	[dreg:$0x9] =	wrdreg s31  }
0xf: {  	s6 =	sshll.u32 s3, $0xA;
	s25 =	simm.s32 $0x0;
	[dreg:$0x8] =	wrdreg s0  }
.LBB2_1:
0x10: {  	s0 =	simm.s32 $0x0;
	s1 =	rddreg [dreg:$0x3];
	s5 =	simm.s32 $0x5  }
0x11: {  	[tilespmem:s0], [sflag:$0x5] =	stream.linear.gather [hbm4b:s1+s0], $0x8000, $0x38;
	[tilespmem:$0x16400] =	vst v63  }
0x12: {  	_ =	swait.ge [sflag:s5], $0x8000  }
0x13: {  	s3 =	simm.s32 $0x80;
	[sflag:s5] =	ssyncset.done $0x0  }
0x14: {  	s4 =	simm.s32 $0x1000;
	s7 =	rddreg [dreg:$0x4];
	[sflag:s5] =	ssyncadd.s32 $0xFFFF8000  }
0x15: {  	[tilespmem:s15], [sflag:$0x5] =	stream.strided.gather [hbm4b:s7+s3], $0x6400, s4, s3, $0x38;
	[tilespmem:$0x16400] =	vst v63  }
0x16: {  	_ =	swait.ge [sflag:s5], $0x6400  }
0x17: {  	[sflag:s5] =	ssyncset.done $0x0  }
0x18: {  	[sflag:s5] =	ssyncadd.s32 $0xFFFF9C00  }
0x19: {  	v3 =	vld [tilespmem:$0x8000];
	_ =	sdelay $0x3  }
0x1a: {  	v4 =	vld [tilespmem:$0x8010]  }
0x1b: {  	v5 =	vld [tilespmem:$0x8020]  }
0x1c: {  	v7 =	vld [tilespmem:$0x8030]  }
0x1d: {  	s14 =	simm.s32 $0x600;
	v6 =	vld [tilespmem:$0x8040]  }
0x1e: {  	v8 =	vld.idx.msk [tilespmem:v3+s14+$0x0], $0xffff  }
0x1f: {  	s8 =	simm.s32 $0x0;
	v9 =	vld.idx.msk [tilespmem:v3+s14+$0xFFFFFC00], $0xffff  }
0x20: {  	s9 =	simm.s32 $0x180;
	s0 =	sand.u32 $0x1C00, s8;
	v1 =	vld [tilespmem:$0x8050]  }
0x21: {  	s10 =	simm.s32 $0x80;
	s1 =	sand.u32 $0x380, s9;
	s0 =	sadd.s32 $0xE400, s0;
	v10 =	vld.idx.msk [tilespmem:v3+s14+$0xFFFFFE00], $0xffff  }
0x22: {  	s8 =	sor.u32 s1, s0;
	s3 =	sand.u32 $0x280, s10;
	v2 =	vld [tilespmem:$0x8060]  }
0x23: {  	s11 =	simm.s32 $0x100;
	s26 =	sor.u32 s3, s0;
	v0 =	vld [tilespmem:$0x8070];
	[tilespmem:s8+$0x0] =	vst v8  }
0x24: {  	s12 =	sand.u32 $0x300, s11;
	[tilespmem:s26+$0x0] =	vst v9;
	v8 =	vld.idx.msk [tilespmem:v4+s14+$0x0], $0xffff  }
0x25: {  	s28 =	sor.u32 s12, s0;
	v9 =	vld.idx.msk [tilespmem:v4+s14+$0xFFFFFC00], $0xffff  }
0x26: {  	v11 =	vld.idx.msk [tilespmem:v3+s14+$0xFFFFFA00], $0xffff;
	[tilespmem:s28+$0x0] =	vst v10  }
0x27: {  	v10 =	vld.idx.msk [tilespmem:v4+s14+$0xFFFFFE00], $0xffff  }
0x28: {  	s0 =	simm.s32 $0xE00  }
0x29: {  	v12 =	vld.idx.msk [tilespmem:v3+s0+$0x0], $0xffff;
	[tilespmem:s8+$0x10] =	vst v8  }
0x2a: {  	s29 =	simm.s32 $0xE440;
	s13 =	simm.s32 $0x200;
	[tilespmem:s26+$0x10] =	vst v9;
	v8 =	vld.idx.msk [tilespmem:v5+s14+$0x0], $0xffff  }
0x2b: {  	s1 =	sand.u32 $0x1C00, s13;
	s4 =	simm.s32 $0x380;
	[tilespmem:s29+$0xFFFFFFC0] =	vst v11;
	v9 =	vld.idx.msk [tilespmem:v5+s14+$0xFFFFFC00], $0xffff  }
0x2c: {  	s9 =	sadd.s32 $0xE400, s1;
	s31 =	sand.u32 $0x380, s4;
	v11 =	vld.idx.msk [tilespmem:v4+s14+$0xFFFFFA00], $0xffff;
	[tilespmem:s28+$0x10] =	vst v10  }
0x2d: {  	s1 =	sor.u32 s31, s9;
	v10 =	vld.idx.msk [tilespmem:v5+s14+$0xFFFFFE00], $0xffff  }
0x2e: {  	v13 =	vld.idx.msk [tilespmem:v3+s0+$0xFFFFFC00], $0xffff;
	[tilespmem:s1+$0x0] =	vst v12  }
0x2f: {  	v14 =	vld.idx.msk [tilespmem:v3+s0+$0xFFFFFE00], $0xffff;
	[tilespmem:s8+$0x20] =	vst v8  }
0x30: {  	s30 =	simm.s32 $0x280;
	[tilespmem:s26+$0x20] =	vst v9;
	v8 =	vld.idx.msk [tilespmem:v7+s14+$0x0], $0xffff  }
0x31: {  	s3 =	sand.u32 $0x280, s30;
	s5 =	simm.s32 $0x300;
	[tilespmem:s29+$0xFFFFFFD0] =	vst v11;
	v9 =	vld.idx.msk [tilespmem:v7+s14+$0xFFFFFC00], $0xffff  }
0x32: {  	s10 =	sand.u32 $0x300, s5;
	s5 =	sor.u32 s3, s9;
	v11 =	vld.idx.msk [tilespmem:v5+s14+$0xFFFFFA00], $0xffff;
	[tilespmem:s28+$0x20] =	vst v10  }
0x33: {  	s13 =	sor.u32 s10, s9;
	[tilespmem:s5+$0x0] =	vst v13;
	v10 =	vld.idx.msk [tilespmem:v7+s14+$0xFFFFFE00], $0xffff  }
0x34: {  	[tilespmem:s13+$0x0] =	vst v14;
	v12 =	vld.idx.msk [tilespmem:v4+s0+$0x0], $0xffff  }
0x35: {  	v13 =	vld.idx.msk [tilespmem:v4+s0+$0xFFFFFC00], $0xffff;
	[tilespmem:s8+$0x30] =	vst v8  }
0x36: {  	[tilespmem:s26+$0x30] =	vst v9;
	v8 =	vld.idx.msk [tilespmem:v6+s14+$0x0], $0xffff  }
0x37: {  	[tilespmem:s29+$0xFFFFFFE0] =	vst v11;
	v9 =	vld.idx.msk [tilespmem:v6+s14+$0xFFFFFC00], $0xffff  }
0x38: {  	v11 =	vld.idx.msk [tilespmem:v7+s14+$0xFFFFFA00], $0xffff;
	[tilespmem:s28+$0x30] =	vst v10  }
0x39: {  	[tilespmem:s1+$0x10] =	vst v12;
	v10 =	vld.idx.msk [tilespmem:v6+s14+$0xFFFFFE00], $0xffff  }
0x3a: {  	v14 =	vld.idx.msk [tilespmem:v4+s0+$0xFFFFFE00], $0xffff;
	[tilespmem:s5+$0x10] =	vst v13  }
0x3b: {  	v12 =	vld.idx.msk [tilespmem:v5+s0+$0x0], $0xffff;
	[tilespmem:s8+$0x40] =	vst v8  }
0x3c: {  	[tilespmem:s26+$0x40] =	vst v9;
	v9 =	vld.idx.msk [tilespmem:v3+s0+$0xFFFFFA00], $0xffff  }
0x3d: {  	[tilespmem:s29+$0xFFFFFFF0] =	vst v11;
	v8 =	vld.idx.msk [tilespmem:v1+s14+$0x0], $0xffff  }
0x3e: {  	[tilespmem:s28+$0x40] =	vst v10;
	v10 =	vld.idx.msk [tilespmem:v6+s14+$0xFFFFFA00], $0xffff  }
0x3f: {  	[tilespmem:s13+$0x10] =	vst v14;
	v13 =	vld.idx.msk [tilespmem:v5+s0+$0xFFFFFC00], $0xffff  }
0x40: {  	s3 =	simm.s32 $0xE640;
	v14 =	vld.idx.msk [tilespmem:v5+s0+$0xFFFFFE00], $0xffff;
	[tilespmem:s1+$0x20] =	vst v12  }
0x41: {  	v11 =	vld.idx.msk [tilespmem:v1+s14+$0xFFFFFC00], $0xffff;
	[tilespmem:s3+$0xFFFFFFC0] =	vst v9  }
0x42: {  	[tilespmem:s8+$0x50] =	vst v8;
	v9 =	vld.idx.msk [tilespmem:v4+s0+$0xFFFFFA00], $0xffff  }
0x43: {  	[tilespmem:s29+$0x0] =	vst v10;
	v8 =	vld.idx.msk [tilespmem:v2+s14+$0x0], $0xffff  }
0x44: {  	[tilespmem:s5+$0x20] =	vst v13;
	v10 =	vld.idx.msk [tilespmem:v1+s14+$0xFFFFFA00], $0xffff  }
0x45: {  	[tilespmem:s13+$0x20] =	vst v14;
	v12 =	vld.idx.msk [tilespmem:v7+s0+$0x0], $0xffff  }
0x46: {  	[tilespmem:s26+$0x50] =	vst v11;
	v11 =	vld.idx.msk [tilespmem:v1+s14+$0xFFFFFE00], $0xffff  }
0x47: {  	v13 =	vld.idx.msk [tilespmem:v7+s0+$0xFFFFFC00], $0xffff;
	[tilespmem:s3+$0xFFFFFFD0] =	vst v9  }
0x48: {  	[tilespmem:s8+$0x60] =	vst v8;
	v9 =	vld.idx.msk [tilespmem:v5+s0+$0xFFFFFA00], $0xffff  }
0x49: {  	[tilespmem:s29+$0x10] =	vst v10;
	v8 =	vld.idx.msk [tilespmem:v0+s14+$0x0], $0xffff  }
0x4a: {  	[tilespmem:s1+$0x30] =	vst v12;
	v10 =	vld.idx.msk [tilespmem:v2+s14+$0xFFFFFA00], $0xffff  }
0x4b: {  	[tilespmem:s28+$0x50] =	vst v11;
	v11 =	vld.idx.msk [tilespmem:v2+s14+$0xFFFFFC00], $0xffff  }
0x4c: {  	v14 =	vld.idx.msk [tilespmem:v7+s0+$0xFFFFFE00], $0xffff;
	[tilespmem:s5+$0x30] =	vst v13  }
0x4d: {  	v13 =	vld.idx.msk [tilespmem:v6+s0+$0x0], $0xffff;
	[tilespmem:s3+$0xFFFFFFE0] =	vst v9  }
0x4e: {  	[tilespmem:s8+$0x70] =	vst v8;
	v8 =	vld.idx.msk [tilespmem:v2+s14+$0xFFFFFE00], $0xffff  }
0x4f: {  	[tilespmem:s29+$0x20] =	vst v10;
	v15 =	vld.idx.msk [tilespmem:v7+s0+$0xFFFFFA00], $0xffff  }
0x50: {  	[tilespmem:s26+$0x60] =	vst v11;
	v10 =	vld.idx.msk [tilespmem:v0+s14+$0xFFFFFA00], $0xffff  }
0x51: {  	v9 =	vld.idx.msk [tilespmem:v0+s14+$0xFFFFFC00], $0xffff  }
0x52: {  	[tilespmem:s13+$0x30] =	vst v14;
	v12 =	vld.idx.msk [tilespmem:v6+s0+$0xFFFFFC00], $0xffff  }
0x53: {  	v11 =	vld.idx.msk [tilespmem:v6+s0+$0xFFFFFE00], $0xffff;
	[tilespmem:s28+$0x60] =	vst v8  }
0x54: {  	s9 =	simm.s32 $0x1600;
	s8 =	simm.s32 $0x4;
	[tilespmem:s3+$0xFFFFFFF0] =	vst v15;
	v8 =	vld.idx.msk [tilespmem:v0+s14+$0xFFFFFE00], $0xffff  }
.LBB2_2:
0x55: {  	v14 =	vld.idx.msk [tilespmem:v3+s9+$0x0], $0xffff;
	s8 =	sadd.s32 $0x4, s8;
	[tilespmem:s29+$0x30] =	vst v10;
	s29 =	smov.u32 s3  }
0x56: {  	s4 =	sadd.s32 $0x200, s4;
	v10 =	vld.idx.msk [tilespmem:v3+s9+$0xFFFFFC00], $0xffff;
	p0 =	slt.u32 s8, $0x3C;
	[tilespmem:s26+$0x70] =	vst v9;
	s26 =	smov.u32 s5  }
0x57: {  	s5 =	sadd.s32 $0xFFFFFE80, s4;
	s10 =	sadd.s32 $0xFFFFFF00, s4;
	s14 =	sadd.s32 $0xFFFFFF80, s4;
	v9 =	vld.idx.msk [tilespmem:v3+s9+$0xFFFFFE00], $0xffff;
	[tilespmem:s1+$0x40] =	vst v13  }
0x58: {  	s5 =	sand.u32 $0x1C00, s5;
	s10 =	sand.u32 $0x280, s10;
	s14 =	sand.u32 $0x300, s14;
	[tilespmem:s26+$0x40] =	vst v12;
	v12 =	vld.idx.msk [tilespmem:v1+s0+$0x0], $0xffff  }
0x59: {  	s31 =	sand.u32 $0x380, s4;
	s30 =	sadd.s32 $0xE400, s5;
	v13 =	vld.idx.msk [tilespmem:v3+s9+$0xFFFFFA00], $0xffff;
	[tilespmem:s13+$0x40] =	vst v11  }
0x5a: {  	s5 =	sor.u32 s10, s30;
	s10 =	sor.u32 s14, s30;
	s14 =	sor.u32 s31, s30;
	v11 =	vld.idx.msk [tilespmem:v6+s0+$0xFFFFFA00], $0xffff;
	[tilespmem:s28+$0x70] =	vst v8  }
0x5b: {  	s28 =	smov.u32 s13;
	s13 =	smov.u32 s10;
	[tilespmem:s14+$0x0] =	vst v14;
	v8 =	vld.idx.msk [tilespmem:v1+s0+$0xFFFFFC00], $0xffff  }
0x5c: {  	[tilespmem:s5+$0x0] =	vst v10;
	v10 =	vld.idx.msk [tilespmem:v4+s9+$0x0], $0xffff  }
0x5d: {  	v14 =	vld.idx.msk [tilespmem:v4+s9+$0xFFFFFC00], $0xffff;
	[tilespmem:s13+$0x0] =	vst v9  }
0x5e: {  	s3 =	sadd.s32 $0x200, s3;
	v9 =	vld.idx.msk [tilespmem:v4+s9+$0xFFFFFE00], $0xffff;
	[tilespmem:s1+$0x50] =	vst v12  }
0x5f: {  	[tilespmem:s3+$0xFFFFFFC0] =	vst v13;
	v12 =	vld.idx.msk [tilespmem:v2+s0+$0x0], $0xffff  }
0x60: {  	v13 =	vld.idx.msk [tilespmem:v4+s9+$0xFFFFFA00], $0xffff;
	[tilespmem:s29+$0x0] =	vst v11  }
0x61: {  	v11 =	vld.idx.msk [tilespmem:v1+s0+$0xFFFFFA00], $0xffff;
	[tilespmem:s26+$0x50] =	vst v8  }
0x62: {  	[tilespmem:s14+$0x10] =	vst v10;
	v8 =	vld.idx.msk [tilespmem:v1+s0+$0xFFFFFE00], $0xffff  }
0x63: {  	[tilespmem:s5+$0x10] =	vst v14;
	v10 =	vld.idx.msk [tilespmem:v5+s9+$0x0], $0xffff  }
0x64: {  	v14 =	vld.idx.msk [tilespmem:v5+s9+$0xFFFFFC00], $0xffff;
	[tilespmem:s13+$0x10] =	vst v9  }
0x65: {  	v9 =	vld.idx.msk [tilespmem:v5+s9+$0xFFFFFE00], $0xffff;
	[tilespmem:s1+$0x60] =	vst v12  }
0x66: {  	[tilespmem:s3+$0xFFFFFFD0] =	vst v13;
	v12 =	vld.idx.msk [tilespmem:v0+s0+$0x0], $0xffff  }
0x67: {  	v13 =	vld.idx.msk [tilespmem:v5+s9+$0xFFFFFA00], $0xffff;
	[tilespmem:s29+$0x10] =	vst v11  }
0x68: {  	v11 =	vld.idx.msk [tilespmem:v2+s0+$0xFFFFFA00], $0xffff;
	[tilespmem:s28+$0x50] =	vst v8  }
0x69: {  	[tilespmem:s14+$0x20] =	vst v10;
	v8 =	vld.idx.msk [tilespmem:v2+s0+$0xFFFFFC00], $0xffff  }
0x6a: {  	[tilespmem:s5+$0x20] =	vst v14;
	v14 =	vld.idx.msk [tilespmem:v7+s9+$0x0], $0xffff  }
0x6b: {  	v15 =	vld.idx.msk [tilespmem:v7+s9+$0xFFFFFC00], $0xffff;
	[tilespmem:s13+$0x20] =	vst v9  }
0x6c: {  	v16 =	vld.idx.msk [tilespmem:v7+s9+$0xFFFFFE00], $0xffff;
	[tilespmem:s1+$0x70] =	vst v12;
	s1 =	smov.u32 s14  }
0x6d: {  	[tilespmem:s3+$0xFFFFFFE0] =	vst v13;
	v17 =	vld.idx.msk [tilespmem:v2+s0+$0xFFFFFE00], $0xffff  }
0x6e: {  	v18 =	vld.idx.msk [tilespmem:v7+s9+$0xFFFFFA00], $0xffff;
	[tilespmem:s29+$0x20] =	vst v11  }
0x6f: {  	v10 =	vld.idx.msk [tilespmem:v0+s0+$0xFFFFFA00], $0xffff;
	[tilespmem:s26+$0x60] =	vst v8  }
.Ltmp0:
0x70: {  	[tilespmem:s1+$0x30] =	vst v14;
	v9 =	vld.idx.msk [tilespmem:v0+s0+$0xFFFFFC00], $0xffff;
	(pc) =	sbr.rel @p0 .LBB2_2-.Ltmp0, $4  }
0x71: {  	[tilespmem:s5+$0x30] =	vst v15;
	v13 =	vld.idx.msk [tilespmem:v6+s9+$0x0], $0xffff  }
0x72: {  	v12 =	vld.idx.msk [tilespmem:v6+s9+$0xFFFFFC00], $0xffff;
	[tilespmem:s13+$0x30] =	vst v16  }
0x73: {  	v11 =	vld.idx.msk [tilespmem:v6+s9+$0xFFFFFE00], $0xffff;
	[tilespmem:s28+$0x60] =	vst v17  }
0x74: {  	[tilespmem:s3+$0xFFFFFFF0] =	vst v18;
	v8 =	vld.idx.msk [tilespmem:v0+s0+$0xFFFFFE00], $0xffff;
	s0 =	smov.u32 s9;
	s9 =	sadd.s32 $0x800, s9  }
0x75: {  	_ =	sdelay $0x3  }
0x76: {  	v3 =	vld.idx.msk [tilespmem:v6+s0+$0xFFFFFA00], $0xffff;
	_ =	sdelay $0x2  }
0x77: {  	[tilespmem:s1+$0x40] =	vst v13  }
0x78: {  	v4 =	vld.idx.msk [tilespmem:v1+s0+$0x0], $0xffff;
	[tilespmem:s5+$0x40] =	vst v12  }
0x79: {  	v5 =	vld.idx.msk [tilespmem:v1+s0+$0xFFFFFC00], $0xffff;
	[tilespmem:s3+$0x0] =	vst v3  }
0x7a: {  	[tilespmem:s13+$0x40] =	vst v11;
	v3 =	vld.idx.msk [tilespmem:v1+s0+$0xFFFFFA00], $0xffff  }
0x7b: {  	v1 =	vld.idx.msk [tilespmem:v1+s0+$0xFFFFFE00], $0xffff;
	_ =	sdelay $0x1  }
0x7c: {  	[tilespmem:s1+$0x50] =	vst v4  }
0x7d: {  	[tilespmem:s5+$0x50] =	vst v5  }
0x7e: {  	v4 =	vld.idx.msk [tilespmem:v2+s0+$0x0], $0xffff;
	[tilespmem:s3+$0x10] =	vst v3  }
0x7f: {  	[tilespmem:s13+$0x50] =	vst v1;
	v1 =	vld.idx.msk [tilespmem:v2+s0+$0xFFFFFC00], $0xffff  }
0x80: {  	v3 =	vld.idx.msk [tilespmem:v2+s0+$0xFFFFFA00], $0xffff  }
0x81: {  	v2 =	vld.idx.msk [tilespmem:v2+s0+$0xFFFFFE00], $0xffff  }
0x82: {  	[tilespmem:s29+$0x30] =	vst v10  }
0x83: {  	[tilespmem:s1+$0x60] =	vst v4  }
0x84: {  	v4 =	vld.idx.msk [tilespmem:v0+s0+$0x0], $0xffff;
	[tilespmem:s5+$0x60] =	vst v1  }
0x85: {  	[tilespmem:s3+$0x20] =	vst v3;
	v1 =	vld.idx.msk [tilespmem:v0+s0+$0xFFFFFC00], $0xffff  }
0x86: {  	[tilespmem:s13+$0x60] =	vst v2;
	v3 =	vld.idx.msk [tilespmem:v0+s0+$0xFFFFFA00], $0xffff  }
0x87: {  	[tilespmem:s26+$0x70] =	vst v9;
	v0 =	vld.idx.msk [tilespmem:v0+s0+$0xFFFFFE00], $0xffff  }
0x88: {  	[tilespmem:s28+$0x70] =	vst v8  }
0x89: {  	[tilespmem:s1+$0x70] =	vst v4  }
0x8a: {  	[tilespmem:s5+$0x70] =	vst v1  }
0x8b: {  	[tilespmem:s3+$0x30] =	vst v3  }
0x8c: {  	[tilespmem:s13+$0x70] =	vst v0  }
0x8d: {  	s7 =	rddreg [dreg:$0x5]  }
0x8e: {  	[hbm4b:s7+s16] =	stream.strided.scatter [tilespmem:s17], [sflag:$0x1], $0x2000, s15, s16, $0x38;
	[tilespmem:$0x16400] =	vst v63  }
0x8f: {  	v3 =	vld [tilespmem:$0x8080];
	_ =	sdelay $0x3  }
0x90: {  	v4 =	vld [tilespmem:$0x8090]  }
0x91: {  	v5 =	vld [tilespmem:$0x80A0]  }
0x92: {  	v7 =	vld [tilespmem:$0x80B0]  }
0x93: {  	s14 =	simm.s32 $0x600;
	v6 =	vld [tilespmem:$0x80C0]  }
0x94: {  	v8 =	vld.idx.msk [tilespmem:v3+s14+$0x0], $0xffff  }
0x95: {  	s8 =	simm.s32 $0x0;
	v9 =	vld.idx.msk [tilespmem:v3+s14+$0xFFFFFC00], $0xffff  }
0x96: {  	s9 =	simm.s32 $0x180;
	s0 =	sand.u32 $0x1C00, s8;
	v1 =	vld [tilespmem:$0x80D0]  }
0x97: {  	s10 =	simm.s32 $0x80;
	s0 =	sadd.s32 $0xE400, s0;
	s1 =	sand.u32 $0x380, s9;
	v10 =	vld.idx.msk [tilespmem:v3+s14+$0xFFFFFE00], $0xffff  }
0x98: {  	s8 =	sor.u32 s1, s0;
	s3 =	sand.u32 $0x280, s10;
	v2 =	vld [tilespmem:$0x80E0]  }
0x99: {  	s4 =	simm.s32 $0x100;
	s26 =	sor.u32 s3, s0;
	v0 =	vld [tilespmem:$0x80F0];
	[tilespmem:s8+$0x2000] =	vst v8  }
0x9a: {  	s11 =	sand.u32 $0x300, s4;
	[tilespmem:s26+$0x2000] =	vst v9;
	v8 =	vld.idx.msk [tilespmem:v4+s14+$0x0], $0xffff  }
0x9b: {  	s28 =	sor.u32 s11, s0;
	v9 =	vld.idx.msk [tilespmem:v4+s14+$0xFFFFFC00], $0xffff  }
0x9c: {  	v11 =	vld.idx.msk [tilespmem:v3+s14+$0xFFFFFA00], $0xffff;
	[tilespmem:s28+$0x2000] =	vst v10  }
0x9d: {  	v10 =	vld.idx.msk [tilespmem:v4+s14+$0xFFFFFE00], $0xffff  }
0x9e: {  	s0 =	simm.s32 $0xE00  }
0x9f: {  	v12 =	vld.idx.msk [tilespmem:v3+s0+$0x0], $0xffff;
	[tilespmem:s8+$0x2010] =	vst v8  }
0xa0: {  	s29 =	simm.s32 $0x10470;
	s12 =	simm.s32 $0x200;
	[tilespmem:s26+$0x2010] =	vst v9;
	v8 =	vld.idx.msk [tilespmem:v5+s14+$0x0], $0xffff  }
0xa1: {  	s4 =	simm.s32 $0x380;
	s1 =	sand.u32 $0x1C00, s12;
	[tilespmem:s29+$0xFFFFFF90] =	vst v11;
	v9 =	vld.idx.msk [tilespmem:v5+s14+$0xFFFFFC00], $0xffff  }
0xa2: {  	s30 =	sand.u32 $0x380, s4;
	s9 =	sadd.s32 $0xE400, s1;
	v11 =	vld.idx.msk [tilespmem:v4+s14+$0xFFFFFA00], $0xffff;
	[tilespmem:s28+$0x2010] =	vst v10  }
0xa3: {  	s1 =	sor.u32 s30, s9;
	v10 =	vld.idx.msk [tilespmem:v5+s14+$0xFFFFFE00], $0xffff  }
0xa4: {  	v13 =	vld.idx.msk [tilespmem:v3+s0+$0xFFFFFC00], $0xffff;
	[tilespmem:s1+$0x2000] =	vst v12  }
0xa5: {  	v14 =	vld.idx.msk [tilespmem:v3+s0+$0xFFFFFE00], $0xffff;
	[tilespmem:s8+$0x2020] =	vst v8  }
0xa6: {  	s13 =	simm.s32 $0x280;
	[tilespmem:s26+$0x2020] =	vst v9;
	v8 =	vld.idx.msk [tilespmem:v7+s14+$0x0], $0xffff  }
0xa7: {  	s31 =	simm.s32 $0x300;
	s3 =	sand.u32 $0x280, s13;
	[tilespmem:s29+$0xFFFFFFA0] =	vst v11;
	v9 =	vld.idx.msk [tilespmem:v7+s14+$0xFFFFFC00], $0xffff  }
0xa8: {  	s10 =	sand.u32 $0x300, s31;
	s5 =	sor.u32 s3, s9;
	v11 =	vld.idx.msk [tilespmem:v5+s14+$0xFFFFFA00], $0xffff;
	[tilespmem:s28+$0x2020] =	vst v10  }
0xa9: {  	s13 =	sor.u32 s10, s9;
	[tilespmem:s5+$0x2000] =	vst v13;
	v10 =	vld.idx.msk [tilespmem:v7+s14+$0xFFFFFE00], $0xffff  }
0xaa: {  	[tilespmem:s13+$0x2000] =	vst v14;
	v12 =	vld.idx.msk [tilespmem:v4+s0+$0x0], $0xffff  }
0xab: {  	v13 =	vld.idx.msk [tilespmem:v4+s0+$0xFFFFFC00], $0xffff;
	[tilespmem:s8+$0x2030] =	vst v8  }
0xac: {  	[tilespmem:s26+$0x2030] =	vst v9;
	v8 =	vld.idx.msk [tilespmem:v6+s14+$0x0], $0xffff  }
0xad: {  	[tilespmem:s29+$0xFFFFFFB0] =	vst v11;
	v9 =	vld.idx.msk [tilespmem:v6+s14+$0xFFFFFC00], $0xffff  }
0xae: {  	v11 =	vld.idx.msk [tilespmem:v7+s14+$0xFFFFFA00], $0xffff;
	[tilespmem:s28+$0x2030] =	vst v10  }
0xaf: {  	[tilespmem:s1+$0x2010] =	vst v12;
	v10 =	vld.idx.msk [tilespmem:v6+s14+$0xFFFFFE00], $0xffff  }
0xb0: {  	v14 =	vld.idx.msk [tilespmem:v4+s0+$0xFFFFFE00], $0xffff;
	[tilespmem:s5+$0x2010] =	vst v13  }
0xb1: {  	v12 =	vld.idx.msk [tilespmem:v5+s0+$0x0], $0xffff;
	[tilespmem:s8+$0x2040] =	vst v8  }
0xb2: {  	[tilespmem:s26+$0x2040] =	vst v9;
	v9 =	vld.idx.msk [tilespmem:v3+s0+$0xFFFFFA00], $0xffff  }
0xb3: {  	[tilespmem:s29+$0xFFFFFFC0] =	vst v11;
	v8 =	vld.idx.msk [tilespmem:v1+s14+$0x0], $0xffff  }
0xb4: {  	[tilespmem:s28+$0x2040] =	vst v10;
	v10 =	vld.idx.msk [tilespmem:v6+s14+$0xFFFFFA00], $0xffff  }
0xb5: {  	[tilespmem:s13+$0x2010] =	vst v14;
	v13 =	vld.idx.msk [tilespmem:v5+s0+$0xFFFFFC00], $0xffff  }
0xb6: {  	s3 =	simm.s32 $0x10670;
	v14 =	vld.idx.msk [tilespmem:v5+s0+$0xFFFFFE00], $0xffff;
	[tilespmem:s1+$0x2020] =	vst v12  }
0xb7: {  	v11 =	vld.idx.msk [tilespmem:v1+s14+$0xFFFFFC00], $0xffff;
	[tilespmem:s3+$0xFFFFFF90] =	vst v9  }
0xb8: {  	[tilespmem:s8+$0x2050] =	vst v8;
	v9 =	vld.idx.msk [tilespmem:v4+s0+$0xFFFFFA00], $0xffff  }
0xb9: {  	[tilespmem:s29+$0xFFFFFFD0] =	vst v10;
	v8 =	vld.idx.msk [tilespmem:v2+s14+$0x0], $0xffff  }
0xba: {  	[tilespmem:s5+$0x2020] =	vst v13;
	v10 =	vld.idx.msk [tilespmem:v1+s14+$0xFFFFFA00], $0xffff  }
0xbb: {  	[tilespmem:s13+$0x2020] =	vst v14;
	v12 =	vld.idx.msk [tilespmem:v7+s0+$0x0], $0xffff  }
0xbc: {  	[tilespmem:s26+$0x2050] =	vst v11;
	v11 =	vld.idx.msk [tilespmem:v1+s14+$0xFFFFFE00], $0xffff  }
0xbd: {  	v13 =	vld.idx.msk [tilespmem:v7+s0+$0xFFFFFC00], $0xffff;
	[tilespmem:s3+$0xFFFFFFA0] =	vst v9  }
0xbe: {  	[tilespmem:s8+$0x2060] =	vst v8;
	v9 =	vld.idx.msk [tilespmem:v5+s0+$0xFFFFFA00], $0xffff  }
0xbf: {  	[tilespmem:s29+$0xFFFFFFE0] =	vst v10;
	v8 =	vld.idx.msk [tilespmem:v0+s14+$0x0], $0xffff  }
0xc0: {  	[tilespmem:s1+$0x2030] =	vst v12;
	v10 =	vld.idx.msk [tilespmem:v2+s14+$0xFFFFFA00], $0xffff  }
0xc1: {  	[tilespmem:s28+$0x2050] =	vst v11;
	v11 =	vld.idx.msk [tilespmem:v2+s14+$0xFFFFFC00], $0xffff  }
0xc2: {  	v14 =	vld.idx.msk [tilespmem:v7+s0+$0xFFFFFE00], $0xffff;
	[tilespmem:s5+$0x2030] =	vst v13  }
0xc3: {  	v13 =	vld.idx.msk [tilespmem:v6+s0+$0x0], $0xffff;
	[tilespmem:s3+$0xFFFFFFB0] =	vst v9  }
0xc4: {  	[tilespmem:s8+$0x2070] =	vst v8;
	v8 =	vld.idx.msk [tilespmem:v2+s14+$0xFFFFFE00], $0xffff  }
0xc5: {  	[tilespmem:s29+$0xFFFFFFF0] =	vst v10;
	v15 =	vld.idx.msk [tilespmem:v7+s0+$0xFFFFFA00], $0xffff  }
0xc6: {  	[tilespmem:s26+$0x2060] =	vst v11;
	v10 =	vld.idx.msk [tilespmem:v0+s14+$0xFFFFFA00], $0xffff  }
0xc7: {  	v9 =	vld.idx.msk [tilespmem:v0+s14+$0xFFFFFC00], $0xffff  }
0xc8: {  	[tilespmem:s13+$0x2030] =	vst v14;
	v12 =	vld.idx.msk [tilespmem:v6+s0+$0xFFFFFC00], $0xffff  }
0xc9: {  	v11 =	vld.idx.msk [tilespmem:v6+s0+$0xFFFFFE00], $0xffff;
	[tilespmem:s28+$0x2060] =	vst v8  }
0xca: {  	s9 =	simm.s32 $0x1600;
	s8 =	simm.s32 $0x4;
	[tilespmem:s3+$0xFFFFFFC0] =	vst v15;
	v8 =	vld.idx.msk [tilespmem:v0+s14+$0xFFFFFE00], $0xffff  }
.LBB2_4:
0xcb: {  	v14 =	vld.idx.msk [tilespmem:v3+s9+$0x0], $0xffff;
	s8 =	sadd.s32 $0x4, s8;
	[tilespmem:s29+$0x0] =	vst v10;
	s29 =	smov.u32 s3  }
0xcc: {  	s4 =	sadd.s32 $0x200, s4;
	v10 =	vld.idx.msk [tilespmem:v3+s9+$0xFFFFFC00], $0xffff;
	p0 =	slt.u32 s8, $0x3C;
	[tilespmem:s26+$0x2070] =	vst v9;
	s26 =	smov.u32 s5  }
0xcd: {  	s5 =	sadd.s32 $0xFFFFFE80, s4;
	s10 =	sadd.s32 $0xFFFFFF00, s4;
	s14 =	sadd.s32 $0xFFFFFF80, s4;
	v9 =	vld.idx.msk [tilespmem:v3+s9+$0xFFFFFE00], $0xffff;
	[tilespmem:s1+$0x2040] =	vst v13  }
0xce: {  	s5 =	sand.u32 $0x1C00, s5;
	s10 =	sand.u32 $0x280, s10;
	s14 =	sand.u32 $0x300, s14;
	[tilespmem:s26+$0x2040] =	vst v12;
	v12 =	vld.idx.msk [tilespmem:v1+s0+$0x0], $0xffff  }
0xcf: {  	s31 =	sand.u32 $0x380, s4;
	s30 =	sadd.s32 $0xE400, s5;
	v13 =	vld.idx.msk [tilespmem:v3+s9+$0xFFFFFA00], $0xffff;
	[tilespmem:s13+$0x2040] =	vst v11  }
0xd0: {  	s5 =	sor.u32 s10, s30;
	s10 =	sor.u32 s14, s30;
	s14 =	sor.u32 s31, s30;
	v11 =	vld.idx.msk [tilespmem:v6+s0+$0xFFFFFA00], $0xffff;
	[tilespmem:s28+$0x2070] =	vst v8  }
0xd1: {  	s28 =	smov.u32 s13;
	s13 =	smov.u32 s10;
	[tilespmem:s14+$0x2000] =	vst v14;
	v8 =	vld.idx.msk [tilespmem:v1+s0+$0xFFFFFC00], $0xffff  }
0xd2: {  	[tilespmem:s5+$0x2000] =	vst v10;
	v10 =	vld.idx.msk [tilespmem:v4+s9+$0x0], $0xffff  }
0xd3: {  	v14 =	vld.idx.msk [tilespmem:v4+s9+$0xFFFFFC00], $0xffff;
	[tilespmem:s13+$0x2000] =	vst v9  }
0xd4: {  	s3 =	sadd.s32 $0x200, s3;
	v9 =	vld.idx.msk [tilespmem:v4+s9+$0xFFFFFE00], $0xffff;
	[tilespmem:s1+$0x2050] =	vst v12  }
0xd5: {  	[tilespmem:s3+$0xFFFFFF90] =	vst v13;
	v12 =	vld.idx.msk [tilespmem:v2+s0+$0x0], $0xffff  }
0xd6: {  	v13 =	vld.idx.msk [tilespmem:v4+s9+$0xFFFFFA00], $0xffff;
	[tilespmem:s29+$0xFFFFFFD0] =	vst v11  }
0xd7: {  	v11 =	vld.idx.msk [tilespmem:v1+s0+$0xFFFFFA00], $0xffff;
	[tilespmem:s26+$0x2050] =	vst v8  }
0xd8: {  	[tilespmem:s14+$0x2010] =	vst v10;
	v8 =	vld.idx.msk [tilespmem:v1+s0+$0xFFFFFE00], $0xffff  }
0xd9: {  	[tilespmem:s5+$0x2010] =	vst v14;
	v10 =	vld.idx.msk [tilespmem:v5+s9+$0x0], $0xffff  }
0xda: {  	v14 =	vld.idx.msk [tilespmem:v5+s9+$0xFFFFFC00], $0xffff;
	[tilespmem:s13+$0x2010] =	vst v9  }
0xdb: {  	v9 =	vld.idx.msk [tilespmem:v5+s9+$0xFFFFFE00], $0xffff;
	[tilespmem:s1+$0x2060] =	vst v12  }
0xdc: {  	[tilespmem:s3+$0xFFFFFFA0] =	vst v13;
	v12 =	vld.idx.msk [tilespmem:v0+s0+$0x0], $0xffff  }
0xdd: {  	v13 =	vld.idx.msk [tilespmem:v5+s9+$0xFFFFFA00], $0xffff;
	[tilespmem:s29+$0xFFFFFFE0] =	vst v11  }
0xde: {  	v11 =	vld.idx.msk [tilespmem:v2+s0+$0xFFFFFA00], $0xffff;
	[tilespmem:s28+$0x2050] =	vst v8  }
0xdf: {  	[tilespmem:s14+$0x2020] =	vst v10;
	v8 =	vld.idx.msk [tilespmem:v2+s0+$0xFFFFFC00], $0xffff  }
0xe0: {  	[tilespmem:s5+$0x2020] =	vst v14;
	v14 =	vld.idx.msk [tilespmem:v7+s9+$0x0], $0xffff  }
0xe1: {  	v15 =	vld.idx.msk [tilespmem:v7+s9+$0xFFFFFC00], $0xffff;
	[tilespmem:s13+$0x2020] =	vst v9  }
0xe2: {  	v16 =	vld.idx.msk [tilespmem:v7+s9+$0xFFFFFE00], $0xffff;
	[tilespmem:s1+$0x2070] =	vst v12;
	s1 =	smov.u32 s14  }
0xe3: {  	[tilespmem:s3+$0xFFFFFFB0] =	vst v13;
	v17 =	vld.idx.msk [tilespmem:v2+s0+$0xFFFFFE00], $0xffff  }
0xe4: {  	v18 =	vld.idx.msk [tilespmem:v7+s9+$0xFFFFFA00], $0xffff;
	[tilespmem:s29+$0xFFFFFFF0] =	vst v11  }
0xe5: {  	v10 =	vld.idx.msk [tilespmem:v0+s0+$0xFFFFFA00], $0xffff;
	[tilespmem:s26+$0x2060] =	vst v8  }
.Ltmp1:
0xe6: {  	[tilespmem:s1+$0x2030] =	vst v14;
	v9 =	vld.idx.msk [tilespmem:v0+s0+$0xFFFFFC00], $0xffff;
	(pc) =	sbr.rel @p0 .LBB2_4-.Ltmp1, $4  }
0xe7: {  	[tilespmem:s5+$0x2030] =	vst v15;
	v13 =	vld.idx.msk [tilespmem:v6+s9+$0x0], $0xffff  }
0xe8: {  	v12 =	vld.idx.msk [tilespmem:v6+s9+$0xFFFFFC00], $0xffff;
	[tilespmem:s13+$0x2030] =	vst v16  }
0xe9: {  	v11 =	vld.idx.msk [tilespmem:v6+s9+$0xFFFFFE00], $0xffff;
	[tilespmem:s28+$0x2060] =	vst v17  }
0xea: {  	[tilespmem:s3+$0xFFFFFFC0] =	vst v18;
	v8 =	vld.idx.msk [tilespmem:v0+s0+$0xFFFFFE00], $0xffff;
	s0 =	smov.u32 s9;
	s9 =	sadd.s32 $0x800, s9  }
0xeb: {  	_ =	sdelay $0x3  }
0xec: {  	v3 =	vld.idx.msk [tilespmem:v6+s0+$0xFFFFFA00], $0xffff;
	_ =	sdelay $0x2  }
0xed: {  	[tilespmem:s1+$0x2040] =	vst v13  }
0xee: {  	v4 =	vld.idx.msk [tilespmem:v1+s0+$0x0], $0xffff;
	[tilespmem:s5+$0x2040] =	vst v12  }
0xef: {  	v5 =	vld.idx.msk [tilespmem:v1+s0+$0xFFFFFC00], $0xffff;
	[tilespmem:s3+$0xFFFFFFD0] =	vst v3  }
0xf0: {  	[tilespmem:s13+$0x2040] =	vst v11;
	v3 =	vld.idx.msk [tilespmem:v1+s0+$0xFFFFFA00], $0xffff  }
0xf1: {  	v1 =	vld.idx.msk [tilespmem:v1+s0+$0xFFFFFE00], $0xffff;
	_ =	sdelay $0x1  }
0xf2: {  	[tilespmem:s1+$0x2050] =	vst v4  }
0xf3: {  	[tilespmem:s5+$0x2050] =	vst v5  }
0xf4: {  	v4 =	vld.idx.msk [tilespmem:v2+s0+$0x0], $0xffff;
	[tilespmem:s3+$0xFFFFFFE0] =	vst v3  }
0xf5: {  	[tilespmem:s13+$0x2050] =	vst v1;
	v1 =	vld.idx.msk [tilespmem:v2+s0+$0xFFFFFC00], $0xffff  }
0xf6: {  	v3 =	vld.idx.msk [tilespmem:v2+s0+$0xFFFFFA00], $0xffff  }
0xf7: {  	v2 =	vld.idx.msk [tilespmem:v2+s0+$0xFFFFFE00], $0xffff  }
0xf8: {  	[tilespmem:s29+$0x0] =	vst v10  }
0xf9: {  	[tilespmem:s1+$0x2060] =	vst v4  }
0xfa: {  	v4 =	vld.idx.msk [tilespmem:v0+s0+$0x0], $0xffff;
	[tilespmem:s5+$0x2060] =	vst v1  }
0xfb: {  	[tilespmem:s3+$0xFFFFFFF0] =	vst v3;
	v1 =	vld.idx.msk [tilespmem:v0+s0+$0xFFFFFC00], $0xffff  }
0xfc: {  	[tilespmem:s13+$0x2060] =	vst v2;
	v3 =	vld.idx.msk [tilespmem:v0+s0+$0xFFFFFA00], $0xffff  }
0xfd: {  	[tilespmem:s26+$0x2070] =	vst v9;
	v0 =	vld.idx.msk [tilespmem:v0+s0+$0xFFFFFE00], $0xffff  }
0xfe: {  	[tilespmem:s28+$0x2070] =	vst v8  }
0xff: {  	[tilespmem:s1+$0x2070] =	vst v4  }
0x100: {  	[tilespmem:s5+$0x2070] =	vst v1  }
0x101: {  	[tilespmem:s3+$0x0] =	vst v3  }
0x102: {  	[tilespmem:s13+$0x2070] =	vst v0  }
0x103: {  	s7 =	rddreg [dreg:$0x6]  }
0x104: {  	[hbm4b:s7+s16] =	stream.strided.scatter [tilespmem:s18], [sflag:$0x2], $0x2000, s15, s16, $0x38;
	[tilespmem:$0x16400] =	vst v63  }
0x105: {  	v3 =	vld [tilespmem:$0x8100];
	_ =	sdelay $0x3  }
0x106: {  	v4 =	vld [tilespmem:$0x8110]  }
0x107: {  	v5 =	vld [tilespmem:$0x8120]  }
0x108: {  	v7 =	vld [tilespmem:$0x8130]  }
0x109: {  	s14 =	simm.s32 $0x600;
	v6 =	vld [tilespmem:$0x8140]  }
0x10a: {  	v8 =	vld.idx.msk [tilespmem:v3+s14+$0x0], $0xffff  }
0x10b: {  	s8 =	simm.s32 $0x0;
	v9 =	vld.idx.msk [tilespmem:v3+s14+$0xFFFFFC00], $0xffff  }
0x10c: {  	s9 =	simm.s32 $0x180;
	s0 =	sand.u32 $0x1C00, s8;
	v1 =	vld [tilespmem:$0x8150]  }
0x10d: {  	s10 =	simm.s32 $0x80;
	s0 =	sadd.s32 $0xE400, s0;
	s1 =	sand.u32 $0x380, s9;
	v10 =	vld.idx.msk [tilespmem:v3+s14+$0xFFFFFE00], $0xffff  }
0x10e: {  	s8 =	sor.u32 s1, s0;
	s3 =	sand.u32 $0x280, s10;
	v2 =	vld [tilespmem:$0x8160]  }
0x10f: {  	s4 =	simm.s32 $0x100;
	s26 =	sor.u32 s3, s0;
	v0 =	vld [tilespmem:$0x8170];
	[tilespmem:s8+$0x4000] =	vst v8  }
0x110: {  	s11 =	sand.u32 $0x300, s4;
	[tilespmem:s26+$0x4000] =	vst v9;
	v8 =	vld.idx.msk [tilespmem:v4+s14+$0x0], $0xffff  }
0x111: {  	s28 =	sor.u32 s11, s0;
	v9 =	vld.idx.msk [tilespmem:v4+s14+$0xFFFFFC00], $0xffff  }
0x112: {  	v11 =	vld.idx.msk [tilespmem:v3+s14+$0xFFFFFA00], $0xffff;
	[tilespmem:s28+$0x4000] =	vst v10  }
0x113: {  	v10 =	vld.idx.msk [tilespmem:v4+s14+$0xFFFFFE00], $0xffff  }
0x114: {  	s0 =	simm.s32 $0xE00  }
0x115: {  	v12 =	vld.idx.msk [tilespmem:v3+s0+$0x0], $0xffff;
	[tilespmem:s8+$0x4010] =	vst v8  }
0x116: {  	s29 =	simm.s32 $0x12470;
	s12 =	simm.s32 $0x200;
	[tilespmem:s26+$0x4010] =	vst v9;
	v8 =	vld.idx.msk [tilespmem:v5+s14+$0x0], $0xffff  }
0x117: {  	s4 =	simm.s32 $0x380;
	s1 =	sand.u32 $0x1C00, s12;
	[tilespmem:s29+$0xFFFFFF90] =	vst v11;
	v9 =	vld.idx.msk [tilespmem:v5+s14+$0xFFFFFC00], $0xffff  }
0x118: {  	s30 =	sand.u32 $0x380, s4;
	s9 =	sadd.s32 $0xE400, s1;
	v11 =	vld.idx.msk [tilespmem:v4+s14+$0xFFFFFA00], $0xffff;
	[tilespmem:s28+$0x4010] =	vst v10  }
0x119: {  	s1 =	sor.u32 s30, s9;
	v10 =	vld.idx.msk [tilespmem:v5+s14+$0xFFFFFE00], $0xffff  }
0x11a: {  	v13 =	vld.idx.msk [tilespmem:v3+s0+$0xFFFFFC00], $0xffff;
	[tilespmem:s1+$0x4000] =	vst v12  }
0x11b: {  	v14 =	vld.idx.msk [tilespmem:v3+s0+$0xFFFFFE00], $0xffff;
	[tilespmem:s8+$0x4020] =	vst v8  }
0x11c: {  	s13 =	simm.s32 $0x280;
	[tilespmem:s26+$0x4020] =	vst v9;
	v8 =	vld.idx.msk [tilespmem:v7+s14+$0x0], $0xffff  }
0x11d: {  	s31 =	simm.s32 $0x300;
	s3 =	sand.u32 $0x280, s13;
	[tilespmem:s29+$0xFFFFFFA0] =	vst v11;
	v9 =	vld.idx.msk [tilespmem:v7+s14+$0xFFFFFC00], $0xffff  }
0x11e: {  	s10 =	sand.u32 $0x300, s31;
	s5 =	sor.u32 s3, s9;
	v11 =	vld.idx.msk [tilespmem:v5+s14+$0xFFFFFA00], $0xffff;
	[tilespmem:s28+$0x4020] =	vst v10  }
0x11f: {  	s13 =	sor.u32 s10, s9;
	[tilespmem:s5+$0x4000] =	vst v13;
	v10 =	vld.idx.msk [tilespmem:v7+s14+$0xFFFFFE00], $0xffff  }
0x120: {  	[tilespmem:s13+$0x4000] =	vst v14;
	v12 =	vld.idx.msk [tilespmem:v4+s0+$0x0], $0xffff  }
0x121: {  	v13 =	vld.idx.msk [tilespmem:v4+s0+$0xFFFFFC00], $0xffff;
	[tilespmem:s8+$0x4030] =	vst v8  }
0x122: {  	[tilespmem:s26+$0x4030] =	vst v9;
	v8 =	vld.idx.msk [tilespmem:v6+s14+$0x0], $0xffff  }
0x123: {  	[tilespmem:s29+$0xFFFFFFB0] =	vst v11;
	v9 =	vld.idx.msk [tilespmem:v6+s14+$0xFFFFFC00], $0xffff  }
0x124: {  	v11 =	vld.idx.msk [tilespmem:v7+s14+$0xFFFFFA00], $0xffff;
	[tilespmem:s28+$0x4030] =	vst v10  }
0x125: {  	[tilespmem:s1+$0x4010] =	vst v12;
	v10 =	vld.idx.msk [tilespmem:v6+s14+$0xFFFFFE00], $0xffff  }
0x126: {  	v14 =	vld.idx.msk [tilespmem:v4+s0+$0xFFFFFE00], $0xffff;
	[tilespmem:s5+$0x4010] =	vst v13  }
0x127: {  	v12 =	vld.idx.msk [tilespmem:v5+s0+$0x0], $0xffff;
	[tilespmem:s8+$0x4040] =	vst v8  }
0x128: {  	[tilespmem:s26+$0x4040] =	vst v9;
	v9 =	vld.idx.msk [tilespmem:v3+s0+$0xFFFFFA00], $0xffff  }
0x129: {  	[tilespmem:s29+$0xFFFFFFC0] =	vst v11;
	v8 =	vld.idx.msk [tilespmem:v1+s14+$0x0], $0xffff  }
0x12a: {  	[tilespmem:s28+$0x4040] =	vst v10;
	v10 =	vld.idx.msk [tilespmem:v6+s14+$0xFFFFFA00], $0xffff  }
0x12b: {  	[tilespmem:s13+$0x4010] =	vst v14;
	v13 =	vld.idx.msk [tilespmem:v5+s0+$0xFFFFFC00], $0xffff  }
0x12c: {  	s3 =	simm.s32 $0x12670;
	v14 =	vld.idx.msk [tilespmem:v5+s0+$0xFFFFFE00], $0xffff;
	[tilespmem:s1+$0x4020] =	vst v12  }
0x12d: {  	v11 =	vld.idx.msk [tilespmem:v1+s14+$0xFFFFFC00], $0xffff;
	[tilespmem:s3+$0xFFFFFF90] =	vst v9  }
0x12e: {  	[tilespmem:s8+$0x4050] =	vst v8;
	v9 =	vld.idx.msk [tilespmem:v4+s0+$0xFFFFFA00], $0xffff  }
0x12f: {  	[tilespmem:s29+$0xFFFFFFD0] =	vst v10;
	v8 =	vld.idx.msk [tilespmem:v2+s14+$0x0], $0xffff  }
0x130: {  	[tilespmem:s5+$0x4020] =	vst v13;
	v10 =	vld.idx.msk [tilespmem:v1+s14+$0xFFFFFA00], $0xffff  }
0x131: {  	[tilespmem:s13+$0x4020] =	vst v14;
	v12 =	vld.idx.msk [tilespmem:v7+s0+$0x0], $0xffff  }
0x132: {  	[tilespmem:s26+$0x4050] =	vst v11;
	v11 =	vld.idx.msk [tilespmem:v1+s14+$0xFFFFFE00], $0xffff  }
0x133: {  	v13 =	vld.idx.msk [tilespmem:v7+s0+$0xFFFFFC00], $0xffff;
	[tilespmem:s3+$0xFFFFFFA0] =	vst v9  }
0x134: {  	[tilespmem:s8+$0x4060] =	vst v8;
	v9 =	vld.idx.msk [tilespmem:v5+s0+$0xFFFFFA00], $0xffff  }
0x135: {  	[tilespmem:s29+$0xFFFFFFE0] =	vst v10;
	v8 =	vld.idx.msk [tilespmem:v0+s14+$0x0], $0xffff  }
0x136: {  	[tilespmem:s1+$0x4030] =	vst v12;
	v10 =	vld.idx.msk [tilespmem:v2+s14+$0xFFFFFA00], $0xffff  }
0x137: {  	[tilespmem:s28+$0x4050] =	vst v11;
	v11 =	vld.idx.msk [tilespmem:v2+s14+$0xFFFFFC00], $0xffff  }
0x138: {  	v14 =	vld.idx.msk [tilespmem:v7+s0+$0xFFFFFE00], $0xffff;
	[tilespmem:s5+$0x4030] =	vst v13  }
0x139: {  	v13 =	vld.idx.msk [tilespmem:v6+s0+$0x0], $0xffff;
	[tilespmem:s3+$0xFFFFFFB0] =	vst v9  }
0x13a: {  	[tilespmem:s8+$0x4070] =	vst v8;
	v8 =	vld.idx.msk [tilespmem:v2+s14+$0xFFFFFE00], $0xffff  }
0x13b: {  	[tilespmem:s29+$0xFFFFFFF0] =	vst v10;
	v15 =	vld.idx.msk [tilespmem:v7+s0+$0xFFFFFA00], $0xffff  }
0x13c: {  	[tilespmem:s26+$0x4060] =	vst v11;
	v10 =	vld.idx.msk [tilespmem:v0+s14+$0xFFFFFA00], $0xffff  }
0x13d: {  	v9 =	vld.idx.msk [tilespmem:v0+s14+$0xFFFFFC00], $0xffff  }
0x13e: {  	[tilespmem:s13+$0x4030] =	vst v14;
	v12 =	vld.idx.msk [tilespmem:v6+s0+$0xFFFFFC00], $0xffff  }
0x13f: {  	v11 =	vld.idx.msk [tilespmem:v6+s0+$0xFFFFFE00], $0xffff;
	[tilespmem:s28+$0x4060] =	vst v8  }
0x140: {  	s9 =	simm.s32 $0x1600;
	s8 =	simm.s32 $0x4;
	[tilespmem:s3+$0xFFFFFFC0] =	vst v15;
	v8 =	vld.idx.msk [tilespmem:v0+s14+$0xFFFFFE00], $0xffff  }
.LBB2_6:
0x141: {  	v14 =	vld.idx.msk [tilespmem:v3+s9+$0x0], $0xffff;
	s8 =	sadd.s32 $0x4, s8;
	[tilespmem:s29+$0x0] =	vst v10;
	s29 =	smov.u32 s3  }
0x142: {  	s4 =	sadd.s32 $0x200, s4;
	v10 =	vld.idx.msk [tilespmem:v3+s9+$0xFFFFFC00], $0xffff;
	p0 =	slt.u32 s8, $0x3C;
	[tilespmem:s26+$0x4070] =	vst v9;
	s26 =	smov.u32 s5  }
0x143: {  	s5 =	sadd.s32 $0xFFFFFE80, s4;
	s10 =	sadd.s32 $0xFFFFFF00, s4;
	s14 =	sadd.s32 $0xFFFFFF80, s4;
	v9 =	vld.idx.msk [tilespmem:v3+s9+$0xFFFFFE00], $0xffff;
	[tilespmem:s1+$0x4040] =	vst v13  }
0x144: {  	s5 =	sand.u32 $0x1C00, s5;
	s10 =	sand.u32 $0x280, s10;
	s14 =	sand.u32 $0x300, s14;
	[tilespmem:s26+$0x4040] =	vst v12;
	v12 =	vld.idx.msk [tilespmem:v1+s0+$0x0], $0xffff  }
0x145: {  	s31 =	sand.u32 $0x380, s4;
	s30 =	sadd.s32 $0xE400, s5;
	v13 =	vld.idx.msk [tilespmem:v3+s9+$0xFFFFFA00], $0xffff;
	[tilespmem:s13+$0x4040] =	vst v11  }
0x146: {  	s5 =	sor.u32 s10, s30;
	s10 =	sor.u32 s14, s30;
	s14 =	sor.u32 s31, s30;
	v11 =	vld.idx.msk [tilespmem:v6+s0+$0xFFFFFA00], $0xffff;
	[tilespmem:s28+$0x4070] =	vst v8  }
0x147: {  	s28 =	smov.u32 s13;
	s13 =	smov.u32 s10;
	[tilespmem:s14+$0x4000] =	vst v14;
	v8 =	vld.idx.msk [tilespmem:v1+s0+$0xFFFFFC00], $0xffff  }
0x148: {  	[tilespmem:s5+$0x4000] =	vst v10;
	v10 =	vld.idx.msk [tilespmem:v4+s9+$0x0], $0xffff  }
0x149: {  	v14 =	vld.idx.msk [tilespmem:v4+s9+$0xFFFFFC00], $0xffff;
	[tilespmem:s13+$0x4000] =	vst v9  }
0x14a: {  	s3 =	sadd.s32 $0x200, s3;
	v9 =	vld.idx.msk [tilespmem:v4+s9+$0xFFFFFE00], $0xffff;
	[tilespmem:s1+$0x4050] =	vst v12  }
0x14b: {  	[tilespmem:s3+$0xFFFFFF90] =	vst v13;
	v12 =	vld.idx.msk [tilespmem:v2+s0+$0x0], $0xffff  }
0x14c: {  	v13 =	vld.idx.msk [tilespmem:v4+s9+$0xFFFFFA00], $0xffff;
	[tilespmem:s29+$0xFFFFFFD0] =	vst v11  }
0x14d: {  	v11 =	vld.idx.msk [tilespmem:v1+s0+$0xFFFFFA00], $0xffff;
	[tilespmem:s26+$0x4050] =	vst v8  }
0x14e: {  	[tilespmem:s14+$0x4010] =	vst v10;
	v8 =	vld.idx.msk [tilespmem:v1+s0+$0xFFFFFE00], $0xffff  }
0x14f: {  	[tilespmem:s5+$0x4010] =	vst v14;
	v10 =	vld.idx.msk [tilespmem:v5+s9+$0x0], $0xffff  }
0x150: {  	v14 =	vld.idx.msk [tilespmem:v5+s9+$0xFFFFFC00], $0xffff;
	[tilespmem:s13+$0x4010] =	vst v9  }
0x151: {  	v9 =	vld.idx.msk [tilespmem:v5+s9+$0xFFFFFE00], $0xffff;
	[tilespmem:s1+$0x4060] =	vst v12  }
0x152: {  	[tilespmem:s3+$0xFFFFFFA0] =	vst v13;
	v12 =	vld.idx.msk [tilespmem:v0+s0+$0x0], $0xffff  }
0x153: {  	v13 =	vld.idx.msk [tilespmem:v5+s9+$0xFFFFFA00], $0xffff;
	[tilespmem:s29+$0xFFFFFFE0] =	vst v11  }
0x154: {  	v11 =	vld.idx.msk [tilespmem:v2+s0+$0xFFFFFA00], $0xffff;
	[tilespmem:s28+$0x4050] =	vst v8  }
0x155: {  	[tilespmem:s14+$0x4020] =	vst v10;
	v8 =	vld.idx.msk [tilespmem:v2+s0+$0xFFFFFC00], $0xffff  }
0x156: {  	[tilespmem:s5+$0x4020] =	vst v14;
	v14 =	vld.idx.msk [tilespmem:v7+s9+$0x0], $0xffff  }
0x157: {  	v15 =	vld.idx.msk [tilespmem:v7+s9+$0xFFFFFC00], $0xffff;
	[tilespmem:s13+$0x4020] =	vst v9  }
0x158: {  	v16 =	vld.idx.msk [tilespmem:v7+s9+$0xFFFFFE00], $0xffff;
	[tilespmem:s1+$0x4070] =	vst v12;
	s1 =	smov.u32 s14  }
0x159: {  	[tilespmem:s3+$0xFFFFFFB0] =	vst v13;
	v17 =	vld.idx.msk [tilespmem:v2+s0+$0xFFFFFE00], $0xffff  }
0x15a: {  	v18 =	vld.idx.msk [tilespmem:v7+s9+$0xFFFFFA00], $0xffff;
	[tilespmem:s29+$0xFFFFFFF0] =	vst v11  }
0x15b: {  	v10 =	vld.idx.msk [tilespmem:v0+s0+$0xFFFFFA00], $0xffff;
	[tilespmem:s26+$0x4060] =	vst v8  }
.Ltmp2:
0x15c: {  	[tilespmem:s1+$0x4030] =	vst v14;
	v9 =	vld.idx.msk [tilespmem:v0+s0+$0xFFFFFC00], $0xffff;
	(pc) =	sbr.rel @p0 .LBB2_6-.Ltmp2, $4  }
0x15d: {  	[tilespmem:s5+$0x4030] =	vst v15;
	v13 =	vld.idx.msk [tilespmem:v6+s9+$0x0], $0xffff  }
0x15e: {  	v12 =	vld.idx.msk [tilespmem:v6+s9+$0xFFFFFC00], $0xffff;
	[tilespmem:s13+$0x4030] =	vst v16  }
0x15f: {  	v11 =	vld.idx.msk [tilespmem:v6+s9+$0xFFFFFE00], $0xffff;
	[tilespmem:s28+$0x4060] =	vst v17  }
0x160: {  	[tilespmem:s3+$0xFFFFFFC0] =	vst v18;
	v8 =	vld.idx.msk [tilespmem:v0+s0+$0xFFFFFE00], $0xffff;
	s0 =	smov.u32 s9;
	s9 =	sadd.s32 $0x800, s9  }
0x161: {  	_ =	sdelay $0x3  }
0x162: {  	v3 =	vld.idx.msk [tilespmem:v6+s0+$0xFFFFFA00], $0xffff;
	_ =	sdelay $0x2  }
0x163: {  	[tilespmem:s1+$0x4040] =	vst v13  }
0x164: {  	v4 =	vld.idx.msk [tilespmem:v1+s0+$0x0], $0xffff;
	[tilespmem:s5+$0x4040] =	vst v12  }
0x165: {  	v5 =	vld.idx.msk [tilespmem:v1+s0+$0xFFFFFC00], $0xffff;
	[tilespmem:s3+$0xFFFFFFD0] =	vst v3  }
0x166: {  	[tilespmem:s13+$0x4040] =	vst v11;
	v3 =	vld.idx.msk [tilespmem:v1+s0+$0xFFFFFA00], $0xffff  }
0x167: {  	v1 =	vld.idx.msk [tilespmem:v1+s0+$0xFFFFFE00], $0xffff;
	_ =	sdelay $0x1  }
0x168: {  	[tilespmem:s1+$0x4050] =	vst v4  }
0x169: {  	[tilespmem:s5+$0x4050] =	vst v5  }
0x16a: {  	v4 =	vld.idx.msk [tilespmem:v2+s0+$0x0], $0xffff;
	[tilespmem:s3+$0xFFFFFFE0] =	vst v3  }
0x16b: {  	[tilespmem:s13+$0x4050] =	vst v1;
	v1 =	vld.idx.msk [tilespmem:v2+s0+$0xFFFFFC00], $0xffff  }
0x16c: {  	v3 =	vld.idx.msk [tilespmem:v2+s0+$0xFFFFFA00], $0xffff  }
0x16d: {  	v2 =	vld.idx.msk [tilespmem:v2+s0+$0xFFFFFE00], $0xffff  }
0x16e: {  	[tilespmem:s29+$0x0] =	vst v10  }
0x16f: {  	[tilespmem:s1+$0x4060] =	vst v4  }
0x170: {  	v4 =	vld.idx.msk [tilespmem:v0+s0+$0x0], $0xffff;
	[tilespmem:s5+$0x4060] =	vst v1  }
0x171: {  	[tilespmem:s3+$0xFFFFFFF0] =	vst v3;
	v1 =	vld.idx.msk [tilespmem:v0+s0+$0xFFFFFC00], $0xffff  }
0x172: {  	[tilespmem:s13+$0x4060] =	vst v2;
	v3 =	vld.idx.msk [tilespmem:v0+s0+$0xFFFFFA00], $0xffff  }
0x173: {  	[tilespmem:s26+$0x4070] =	vst v9;
	v0 =	vld.idx.msk [tilespmem:v0+s0+$0xFFFFFE00], $0xffff  }
0x174: {  	[tilespmem:s28+$0x4070] =	vst v8  }
0x175: {  	[tilespmem:s1+$0x4070] =	vst v4  }
0x176: {  	[tilespmem:s5+$0x4070] =	vst v1  }
0x177: {  	[tilespmem:s3+$0x0] =	vst v3  }
0x178: {  	[tilespmem:s13+$0x4070] =	vst v0  }
0x179: {  	s7 =	rddreg [dreg:$0x7]  }
0x17a: {  	[hbm4b:s7+s16] =	stream.strided.scatter [tilespmem:s19], [sflag:$0x3], $0x2000, s15, s16, $0x38;
	[tilespmem:$0x16400] =	vst v63  }
0x17b: {  	v3 =	vld [tilespmem:$0x8180];
	_ =	sdelay $0x3  }
0x17c: {  	v4 =	vld [tilespmem:$0x8190]  }
0x17d: {  	v5 =	vld [tilespmem:$0x81A0]  }
0x17e: {  	v7 =	vld [tilespmem:$0x81B0]  }
0x17f: {  	s14 =	simm.s32 $0x600;
	v6 =	vld [tilespmem:$0x81C0]  }
0x180: {  	v8 =	vld.idx.msk [tilespmem:v3+s14+$0x0], $0xffff  }
0x181: {  	s8 =	simm.s32 $0x0;
	v9 =	vld.idx.msk [tilespmem:v3+s14+$0xFFFFFC00], $0xffff  }
0x182: {  	s9 =	simm.s32 $0x180;
	s0 =	sand.u32 $0x1C00, s8;
	v1 =	vld [tilespmem:$0x81D0]  }
0x183: {  	s10 =	simm.s32 $0x80;
	s0 =	sadd.s32 $0xE400, s0;
	s1 =	sand.u32 $0x380, s9;
	v10 =	vld.idx.msk [tilespmem:v3+s14+$0xFFFFFE00], $0xffff  }
0x184: {  	s8 =	sor.u32 s1, s0;
	s3 =	sand.u32 $0x280, s10;
	v2 =	vld [tilespmem:$0x81E0]  }
0x185: {  	s4 =	simm.s32 $0x100;
	s26 =	sor.u32 s3, s0;
	v0 =	vld [tilespmem:$0x81F0];
	[tilespmem:s8+$0x6000] =	vst v8  }
0x186: {  	s11 =	sand.u32 $0x300, s4;
	[tilespmem:s26+$0x6000] =	vst v9;
	v8 =	vld.idx.msk [tilespmem:v4+s14+$0x0], $0xffff  }
0x187: {  	s28 =	sor.u32 s11, s0;
	v9 =	vld.idx.msk [tilespmem:v4+s14+$0xFFFFFC00], $0xffff  }
0x188: {  	v11 =	vld.idx.msk [tilespmem:v3+s14+$0xFFFFFA00], $0xffff;
	[tilespmem:s28+$0x6000] =	vst v10  }
0x189: {  	v10 =	vld.idx.msk [tilespmem:v4+s14+$0xFFFFFE00], $0xffff  }
0x18a: {  	s0 =	simm.s32 $0xE00  }
0x18b: {  	v12 =	vld.idx.msk [tilespmem:v3+s0+$0x0], $0xffff;
	[tilespmem:s8+$0x6010] =	vst v8  }
0x18c: {  	s29 =	simm.s32 $0x14470;
	s12 =	simm.s32 $0x200;
	[tilespmem:s26+$0x6010] =	vst v9;
	v8 =	vld.idx.msk [tilespmem:v5+s14+$0x0], $0xffff  }
0x18d: {  	s4 =	simm.s32 $0x380;
	s1 =	sand.u32 $0x1C00, s12;
	[tilespmem:s29+$0xFFFFFF90] =	vst v11;
	v9 =	vld.idx.msk [tilespmem:v5+s14+$0xFFFFFC00], $0xffff  }
0x18e: {  	s30 =	sand.u32 $0x380, s4;
	s9 =	sadd.s32 $0xE400, s1;
	v11 =	vld.idx.msk [tilespmem:v4+s14+$0xFFFFFA00], $0xffff;
	[tilespmem:s28+$0x6010] =	vst v10  }
0x18f: {  	s1 =	sor.u32 s30, s9;
	v10 =	vld.idx.msk [tilespmem:v5+s14+$0xFFFFFE00], $0xffff  }
0x190: {  	v13 =	vld.idx.msk [tilespmem:v3+s0+$0xFFFFFC00], $0xffff;
	[tilespmem:s1+$0x6000] =	vst v12  }
0x191: {  	v14 =	vld.idx.msk [tilespmem:v3+s0+$0xFFFFFE00], $0xffff;
	[tilespmem:s8+$0x6020] =	vst v8  }
0x192: {  	s13 =	simm.s32 $0x280;
	[tilespmem:s26+$0x6020] =	vst v9;
	v8 =	vld.idx.msk [tilespmem:v7+s14+$0x0], $0xffff  }
0x193: {  	s31 =	simm.s32 $0x300;
	s3 =	sand.u32 $0x280, s13;
	[tilespmem:s29+$0xFFFFFFA0] =	vst v11;
	v9 =	vld.idx.msk [tilespmem:v7+s14+$0xFFFFFC00], $0xffff  }
0x194: {  	s10 =	sand.u32 $0x300, s31;
	s5 =	sor.u32 s3, s9;
	v11 =	vld.idx.msk [tilespmem:v5+s14+$0xFFFFFA00], $0xffff;
	[tilespmem:s28+$0x6020] =	vst v10  }
0x195: {  	s13 =	sor.u32 s10, s9;
	[tilespmem:s5+$0x6000] =	vst v13;
	v10 =	vld.idx.msk [tilespmem:v7+s14+$0xFFFFFE00], $0xffff  }
0x196: {  	[tilespmem:s13+$0x6000] =	vst v14;
	v12 =	vld.idx.msk [tilespmem:v4+s0+$0x0], $0xffff  }
0x197: {  	v13 =	vld.idx.msk [tilespmem:v4+s0+$0xFFFFFC00], $0xffff;
	[tilespmem:s8+$0x6030] =	vst v8  }
0x198: {  	[tilespmem:s26+$0x6030] =	vst v9;
	v8 =	vld.idx.msk [tilespmem:v6+s14+$0x0], $0xffff  }
0x199: {  	[tilespmem:s29+$0xFFFFFFB0] =	vst v11;
	v9 =	vld.idx.msk [tilespmem:v6+s14+$0xFFFFFC00], $0xffff  }
0x19a: {  	v11 =	vld.idx.msk [tilespmem:v7+s14+$0xFFFFFA00], $0xffff;
	[tilespmem:s28+$0x6030] =	vst v10  }
0x19b: {  	[tilespmem:s1+$0x6010] =	vst v12;
	v10 =	vld.idx.msk [tilespmem:v6+s14+$0xFFFFFE00], $0xffff  }
0x19c: {  	v14 =	vld.idx.msk [tilespmem:v4+s0+$0xFFFFFE00], $0xffff;
	[tilespmem:s5+$0x6010] =	vst v13  }
0x19d: {  	v12 =	vld.idx.msk [tilespmem:v5+s0+$0x0], $0xffff;
	[tilespmem:s8+$0x6040] =	vst v8  }
0x19e: {  	[tilespmem:s26+$0x6040] =	vst v9;
	v9 =	vld.idx.msk [tilespmem:v3+s0+$0xFFFFFA00], $0xffff  }
0x19f: {  	[tilespmem:s29+$0xFFFFFFC0] =	vst v11;
	v8 =	vld.idx.msk [tilespmem:v1+s14+$0x0], $0xffff  }
0x1a0: {  	[tilespmem:s28+$0x6040] =	vst v10;
	v10 =	vld.idx.msk [tilespmem:v6+s14+$0xFFFFFA00], $0xffff  }
0x1a1: {  	[tilespmem:s13+$0x6010] =	vst v14;
	v13 =	vld.idx.msk [tilespmem:v5+s0+$0xFFFFFC00], $0xffff  }
0x1a2: {  	s3 =	simm.s32 $0x14670;
	v14 =	vld.idx.msk [tilespmem:v5+s0+$0xFFFFFE00], $0xffff;
	[tilespmem:s1+$0x6020] =	vst v12  }
0x1a3: {  	v11 =	vld.idx.msk [tilespmem:v1+s14+$0xFFFFFC00], $0xffff;
	[tilespmem:s3+$0xFFFFFF90] =	vst v9  }
0x1a4: {  	[tilespmem:s8+$0x6050] =	vst v8;
	v9 =	vld.idx.msk [tilespmem:v4+s0+$0xFFFFFA00], $0xffff  }
0x1a5: {  	[tilespmem:s29+$0xFFFFFFD0] =	vst v10;
	v8 =	vld.idx.msk [tilespmem:v2+s14+$0x0], $0xffff  }
0x1a6: {  	[tilespmem:s5+$0x6020] =	vst v13;
	v10 =	vld.idx.msk [tilespmem:v1+s14+$0xFFFFFA00], $0xffff  }
0x1a7: {  	[tilespmem:s13+$0x6020] =	vst v14;
	v12 =	vld.idx.msk [tilespmem:v7+s0+$0x0], $0xffff  }
0x1a8: {  	[tilespmem:s26+$0x6050] =	vst v11;
	v11 =	vld.idx.msk [tilespmem:v1+s14+$0xFFFFFE00], $0xffff  }
0x1a9: {  	v13 =	vld.idx.msk [tilespmem:v7+s0+$0xFFFFFC00], $0xffff;
	[tilespmem:s3+$0xFFFFFFA0] =	vst v9  }
0x1aa: {  	[tilespmem:s8+$0x6060] =	vst v8;
	v9 =	vld.idx.msk [tilespmem:v5+s0+$0xFFFFFA00], $0xffff  }
0x1ab: {  	[tilespmem:s29+$0xFFFFFFE0] =	vst v10;
	v8 =	vld.idx.msk [tilespmem:v0+s14+$0x0], $0xffff  }
0x1ac: {  	[tilespmem:s1+$0x6030] =	vst v12;
	v10 =	vld.idx.msk [tilespmem:v2+s14+$0xFFFFFA00], $0xffff  }
0x1ad: {  	[tilespmem:s28+$0x6050] =	vst v11;
	v11 =	vld.idx.msk [tilespmem:v2+s14+$0xFFFFFC00], $0xffff  }
0x1ae: {  	v14 =	vld.idx.msk [tilespmem:v7+s0+$0xFFFFFE00], $0xffff;
	[tilespmem:s5+$0x6030] =	vst v13  }
0x1af: {  	v13 =	vld.idx.msk [tilespmem:v6+s0+$0x0], $0xffff;
	[tilespmem:s3+$0xFFFFFFB0] =	vst v9  }
0x1b0: {  	[tilespmem:s8+$0x6070] =	vst v8;
	v8 =	vld.idx.msk [tilespmem:v2+s14+$0xFFFFFE00], $0xffff  }
0x1b1: {  	[tilespmem:s29+$0xFFFFFFF0] =	vst v10;
	v15 =	vld.idx.msk [tilespmem:v7+s0+$0xFFFFFA00], $0xffff  }
0x1b2: {  	[tilespmem:s26+$0x6060] =	vst v11;
	v10 =	vld.idx.msk [tilespmem:v0+s14+$0xFFFFFA00], $0xffff  }
0x1b3: {  	v9 =	vld.idx.msk [tilespmem:v0+s14+$0xFFFFFC00], $0xffff  }
0x1b4: {  	[tilespmem:s13+$0x6030] =	vst v14;
	v12 =	vld.idx.msk [tilespmem:v6+s0+$0xFFFFFC00], $0xffff  }
0x1b5: {  	v11 =	vld.idx.msk [tilespmem:v6+s0+$0xFFFFFE00], $0xffff;
	[tilespmem:s28+$0x6060] =	vst v8  }
0x1b6: {  	s9 =	simm.s32 $0x1600;
	s8 =	simm.s32 $0x4;
	[tilespmem:s3+$0xFFFFFFC0] =	vst v15;
	v8 =	vld.idx.msk [tilespmem:v0+s14+$0xFFFFFE00], $0xffff  }
.LBB2_8:
0x1b7: {  	v14 =	vld.idx.msk [tilespmem:v3+s9+$0x0], $0xffff;
	s8 =	sadd.s32 $0x4, s8;
	[tilespmem:s29+$0x0] =	vst v10;
	s29 =	smov.u32 s3  }
0x1b8: {  	s4 =	sadd.s32 $0x200, s4;
	v10 =	vld.idx.msk [tilespmem:v3+s9+$0xFFFFFC00], $0xffff;
	p0 =	slt.u32 s8, $0x3C;
	[tilespmem:s26+$0x6070] =	vst v9;
	s26 =	smov.u32 s5  }
0x1b9: {  	s5 =	sadd.s32 $0xFFFFFE80, s4;
	s10 =	sadd.s32 $0xFFFFFF00, s4;
	s14 =	sadd.s32 $0xFFFFFF80, s4;
	v9 =	vld.idx.msk [tilespmem:v3+s9+$0xFFFFFE00], $0xffff;
	[tilespmem:s1+$0x6040] =	vst v13  }
0x1ba: {  	s5 =	sand.u32 $0x1C00, s5;
	s10 =	sand.u32 $0x280, s10;
	s14 =	sand.u32 $0x300, s14;
	[tilespmem:s26+$0x6040] =	vst v12;
	v12 =	vld.idx.msk [tilespmem:v1+s0+$0x0], $0xffff  }
0x1bb: {  	s31 =	sand.u32 $0x380, s4;
	s30 =	sadd.s32 $0xE400, s5;
	v13 =	vld.idx.msk [tilespmem:v3+s9+$0xFFFFFA00], $0xffff;
	[tilespmem:s13+$0x6040] =	vst v11  }
0x1bc: {  	s5 =	sor.u32 s10, s30;
	s10 =	sor.u32 s14, s30;
	s14 =	sor.u32 s31, s30;
	v11 =	vld.idx.msk [tilespmem:v6+s0+$0xFFFFFA00], $0xffff;
	[tilespmem:s28+$0x6070] =	vst v8  }
0x1bd: {  	s28 =	smov.u32 s13;
	s13 =	smov.u32 s10;
	[tilespmem:s14+$0x6000] =	vst v14;
	v8 =	vld.idx.msk [tilespmem:v1+s0+$0xFFFFFC00], $0xffff  }
0x1be: {  	[tilespmem:s5+$0x6000] =	vst v10;
	v10 =	vld.idx.msk [tilespmem:v4+s9+$0x0], $0xffff  }
0x1bf: {  	v14 =	vld.idx.msk [tilespmem:v4+s9+$0xFFFFFC00], $0xffff;
	[tilespmem:s13+$0x6000] =	vst v9  }
0x1c0: {  	s3 =	sadd.s32 $0x200, s3;
	v9 =	vld.idx.msk [tilespmem:v4+s9+$0xFFFFFE00], $0xffff;
	[tilespmem:s1+$0x6050] =	vst v12  }
0x1c1: {  	[tilespmem:s3+$0xFFFFFF90] =	vst v13;
	v12 =	vld.idx.msk [tilespmem:v2+s0+$0x0], $0xffff  }
0x1c2: {  	v13 =	vld.idx.msk [tilespmem:v4+s9+$0xFFFFFA00], $0xffff;
	[tilespmem:s29+$0xFFFFFFD0] =	vst v11  }
0x1c3: {  	v11 =	vld.idx.msk [tilespmem:v1+s0+$0xFFFFFA00], $0xffff;
	[tilespmem:s26+$0x6050] =	vst v8  }
0x1c4: {  	[tilespmem:s14+$0x6010] =	vst v10;
	v8 =	vld.idx.msk [tilespmem:v1+s0+$0xFFFFFE00], $0xffff  }
0x1c5: {  	[tilespmem:s5+$0x6010] =	vst v14;
	v10 =	vld.idx.msk [tilespmem:v5+s9+$0x0], $0xffff  }
0x1c6: {  	v14 =	vld.idx.msk [tilespmem:v5+s9+$0xFFFFFC00], $0xffff;
	[tilespmem:s13+$0x6010] =	vst v9  }
0x1c7: {  	v9 =	vld.idx.msk [tilespmem:v5+s9+$0xFFFFFE00], $0xffff;
	[tilespmem:s1+$0x6060] =	vst v12  }
0x1c8: {  	[tilespmem:s3+$0xFFFFFFA0] =	vst v13;
	v12 =	vld.idx.msk [tilespmem:v0+s0+$0x0], $0xffff  }
0x1c9: {  	v13 =	vld.idx.msk [tilespmem:v5+s9+$0xFFFFFA00], $0xffff;
	[tilespmem:s29+$0xFFFFFFE0] =	vst v11  }
0x1ca: {  	v11 =	vld.idx.msk [tilespmem:v2+s0+$0xFFFFFA00], $0xffff;
	[tilespmem:s28+$0x6050] =	vst v8  }
0x1cb: {  	[tilespmem:s14+$0x6020] =	vst v10;
	v8 =	vld.idx.msk [tilespmem:v2+s0+$0xFFFFFC00], $0xffff  }
0x1cc: {  	[tilespmem:s5+$0x6020] =	vst v14;
	v14 =	vld.idx.msk [tilespmem:v7+s9+$0x0], $0xffff  }
0x1cd: {  	v15 =	vld.idx.msk [tilespmem:v7+s9+$0xFFFFFC00], $0xffff;
	[tilespmem:s13+$0x6020] =	vst v9  }
0x1ce: {  	v16 =	vld.idx.msk [tilespmem:v7+s9+$0xFFFFFE00], $0xffff;
	[tilespmem:s1+$0x6070] =	vst v12;
	s1 =	smov.u32 s14  }
0x1cf: {  	[tilespmem:s3+$0xFFFFFFB0] =	vst v13;
	v17 =	vld.idx.msk [tilespmem:v2+s0+$0xFFFFFE00], $0xffff  }
0x1d0: {  	v18 =	vld.idx.msk [tilespmem:v7+s9+$0xFFFFFA00], $0xffff;
	[tilespmem:s29+$0xFFFFFFF0] =	vst v11  }
0x1d1: {  	v10 =	vld.idx.msk [tilespmem:v0+s0+$0xFFFFFA00], $0xffff;
	[tilespmem:s26+$0x6060] =	vst v8  }
.Ltmp3:
0x1d2: {  	[tilespmem:s1+$0x6030] =	vst v14;
	v9 =	vld.idx.msk [tilespmem:v0+s0+$0xFFFFFC00], $0xffff;
	(pc) =	sbr.rel @p0 .LBB2_8-.Ltmp3, $4  }
0x1d3: {  	[tilespmem:s5+$0x6030] =	vst v15;
	v13 =	vld.idx.msk [tilespmem:v6+s9+$0x0], $0xffff  }
0x1d4: {  	v12 =	vld.idx.msk [tilespmem:v6+s9+$0xFFFFFC00], $0xffff;
	[tilespmem:s13+$0x6030] =	vst v16  }
0x1d5: {  	v11 =	vld.idx.msk [tilespmem:v6+s9+$0xFFFFFE00], $0xffff;
	[tilespmem:s28+$0x6060] =	vst v17  }
0x1d6: {  	[tilespmem:s3+$0xFFFFFFC0] =	vst v18;
	v8 =	vld.idx.msk [tilespmem:v0+s0+$0xFFFFFE00], $0xffff;
	s0 =	smov.u32 s9;
	s9 =	sadd.s32 $0x800, s9  }
0x1d7: {  	_ =	sdelay $0x3  }
0x1d8: {  	v3 =	vld.idx.msk [tilespmem:v6+s0+$0xFFFFFA00], $0xffff;
	_ =	sdelay $0x1  }
0x1d9: {  	[tilespmem:s1+$0x6040] =	vst v13  }
0x1da: {  	v4 =	vld.idx.msk [tilespmem:v1+s0+$0x0], $0xffff;
	[tilespmem:s5+$0x6040] =	vst v12  }
0x1db: {  	[tilespmem:s13+$0x6040] =	vst v11;
	v5 =	vld.idx.msk [tilespmem:v1+s0+$0xFFFFFC00], $0xffff  }
0x1dc: {  	v60 =	vld.idx.msk [tilespmem:v1+s0+$0xFFFFFE00], $0xffff;
	[tilespmem:s3+$0xFFFFFFD0] =	vst v3  }
0x1dd: {  	v3 =	vld.idx.msk [tilespmem:v1+s0+$0xFFFFFA00], $0xffff;
	_ =	sdelay $0x1  }
0x1de: {  	[tilespmem:s1+$0x6050] =	vst v4  }
0x1df: {  	v4 =	vld.idx.msk [tilespmem:v2+s0+$0x0], $0xffff;
	[tilespmem:s5+$0x6050] =	vst v5  }
0x1e0: {  	[tilespmem:s13+$0x6050] =	vst v60;
	v61 =	vld.idx.msk [tilespmem:v2+s0+$0xFFFFFC00], $0xffff  }
0x1e1: {  	v62 =	vld.idx.msk [tilespmem:v2+s0+$0xFFFFFE00], $0xffff;
	[tilespmem:s3+$0xFFFFFFE0] =	vst v3  }
0x1e2: {  	v3 =	vld.idx.msk [tilespmem:v2+s0+$0xFFFFFA00], $0xffff  }
0x1e3: {  	[tilespmem:s29+$0x0] =	vst v10  }
0x1e4: {  	[tilespmem:s1+$0x6060] =	vst v4  }
0x1e5: {  	v4 =	vld.idx.msk [tilespmem:v0+s0+$0x0], $0xffff;
	[tilespmem:s5+$0x6060] =	vst v61  }
0x1e6: {  	v1 =	vld.idx.msk [tilespmem:v0+s0+$0xFFFFFC00], $0xffff;
	[tilespmem:s13+$0x6060] =	vst v62  }
0x1e7: {  	v63 =	vld.idx.msk [tilespmem:v0+s0+$0xFFFFFE00], $0xffff;
	[tilespmem:s3+$0xFFFFFFF0] =	vst v3  }
0x1e8: {  	[tilespmem:s26+$0x6070] =	vst v9;
	v3 =	vld.idx.msk [tilespmem:v0+s0+$0xFFFFFA00], $0xffff  }
0x1e9: {  	[tilespmem:s28+$0x6070] =	vst v8  }
0x1ea: {  	[tilespmem:s1+$0x6070] =	vst v4  }
0x1eb: {  	[tilespmem:s5+$0x6070] =	vst v1  }
0x1ec: {  	[tilespmem:s13+$0x6070] =	vst v63  }
0x1ed: {  	[tilespmem:s3+$0x0] =	vst v3  }
0x1ee: {  	s26 =	simm.s32 $0x1;
	s31 =	rddreg [dreg:$0x8]  }
0x1ef: {  	[hbm4b:s31+s16] =	stream.strided.scatter [tilespmem:s20], [sflag:$0x4], $0x2000, s15, s16, $0x38;
	[tilespmem:$0x16400] =	vst v63  }
.LBB2_10:
0x1f0: {  	_ =	swait.ge [sflag:s21], $0x2000  }
0x1f1: {  	s0 =	sshll.u32 s26, $0x9;
	[sflag:s21] =	ssyncset.done $0x0  }
0x1f2: {  	s0 =	sand.u32 $0x3FFFFE00, s0;
	[sflag:s21] =	ssyncadd.s32 $0xFFFFE000  }
0x1f3: {  	v3 =	vld [tilespmem:s0+$0x8000];
	_ =	sdelay $0x3  }
0x1f4: {  	v4 =	vld [tilespmem:s0+$0x8010]  }
0x1f5: {  	v5 =	vld [tilespmem:s0+$0x8020]  }
0x1f6: {  	v7 =	vld [tilespmem:s0+$0x8030]  }
0x1f7: {  	s5 =	simm.s32 $0x600;
	v6 =	vld [tilespmem:s0+$0x8040]  }
0x1f8: {  	v8 =	vld.idx.msk [tilespmem:v3+s5+$0x0], $0xffff  }
0x1f9: {  	s1 =	simm.s32 $0x0;
	v9 =	vld.idx.msk [tilespmem:v3+s5+$0xFFFFFC00], $0xffff  }
0x1fa: {  	s3 =	simm.s32 $0x180;
	s1 =	sand.u32 $0x1C00, s1;
	v1 =	vld [tilespmem:s0+$0x8050]  }
0x1fb: {  	s4 =	simm.s32 $0x80;
	s3 =	sand.u32 $0x380, s3;
	s1 =	sadd.s32 $0xE400, s1;
	v10 =	vld.idx.msk [tilespmem:v3+s5+$0xFFFFFE00], $0xffff  }
0x1fc: {  	s4 =	sand.u32 $0x280, s4;
	v2 =	vld [tilespmem:s0+$0x8060];
	s8 =	sor.u32 s3, s1  }
0x1fd: {  	s11 =	simm.s32 $0x100;
	v0 =	vld [tilespmem:s0+$0x8070];
	s28 =	sor.u32 s4, s1;
	[tilespmem:s8+$0x0] =	vst v8  }
0x1fe: {  	s0 =	sand.u32 $0x300, s11;
	[tilespmem:s28+$0x0] =	vst v9;
	v8 =	vld.idx.msk [tilespmem:v4+s5+$0x0], $0xffff  }
0x1ff: {  	s29 =	sor.u32 s0, s1;
	v9 =	vld.idx.msk [tilespmem:v4+s5+$0xFFFFFC00], $0xffff  }
0x200: {  	v11 =	vld.idx.msk [tilespmem:v3+s5+$0xFFFFFA00], $0xffff;
	[tilespmem:s29+$0x0] =	vst v10  }
0x201: {  	v10 =	vld.idx.msk [tilespmem:v4+s5+$0xFFFFFE00], $0xffff  }
0x202: {  	s0 =	simm.s32 $0xE00  }
0x203: {  	v12 =	vld.idx.msk [tilespmem:v3+s0+$0x0], $0xffff;
	[tilespmem:s8+$0x10] =	vst v8  }
0x204: {  	s30 =	simm.s32 $0xE440;
	s12 =	simm.s32 $0x200;
	[tilespmem:s28+$0x10] =	vst v9;
	v8 =	vld.idx.msk [tilespmem:v5+s5+$0x0], $0xffff  }
0x205: {  	s4 =	simm.s32 $0x380;
	s1 =	sand.u32 $0x1C00, s12;
	[tilespmem:s30+$0xFFFFFFC0] =	vst v11;
	v9 =	vld.idx.msk [tilespmem:v5+s5+$0xFFFFFC00], $0xffff  }
0x206: {  	s14 =	sand.u32 $0x380, s4;
	s9 =	sadd.s32 $0xE400, s1;
	v11 =	vld.idx.msk [tilespmem:v4+s5+$0xFFFFFA00], $0xffff;
	[tilespmem:s29+$0x10] =	vst v10  }
0x207: {  	s1 =	sor.u32 s14, s9;
	v10 =	vld.idx.msk [tilespmem:v5+s5+$0xFFFFFE00], $0xffff  }
0x208: {  	v13 =	vld.idx.msk [tilespmem:v3+s0+$0xFFFFFC00], $0xffff;
	[tilespmem:s1+$0x0] =	vst v12  }
0x209: {  	v14 =	vld.idx.msk [tilespmem:v3+s0+$0xFFFFFE00], $0xffff;
	[tilespmem:s8+$0x20] =	vst v8  }
0x20a: {  	s13 =	simm.s32 $0x280;
	[tilespmem:s28+$0x20] =	vst v9;
	v8 =	vld.idx.msk [tilespmem:v7+s5+$0x0], $0xffff  }
0x20b: {  	s10 =	simm.s32 $0x300;
	s3 =	sand.u32 $0x280, s13;
	[tilespmem:s30+$0xFFFFFFD0] =	vst v11;
	v9 =	vld.idx.msk [tilespmem:v7+s5+$0xFFFFFC00], $0xffff  }
0x20c: {  	s10 =	sand.u32 $0x300, s10;
	s3 =	sor.u32 s3, s9;
	v11 =	vld.idx.msk [tilespmem:v5+s5+$0xFFFFFA00], $0xffff;
	[tilespmem:s29+$0x20] =	vst v10  }
0x20d: {  	s31 =	sor.u32 s10, s9;
	[tilespmem:s3+$0x0] =	vst v13;
	v10 =	vld.idx.msk [tilespmem:v7+s5+$0xFFFFFE00], $0xffff  }
0x20e: {  	[tilespmem:s31+$0x0] =	vst v14;
	v12 =	vld.idx.msk [tilespmem:v4+s0+$0x0], $0xffff  }
0x20f: {  	v13 =	vld.idx.msk [tilespmem:v4+s0+$0xFFFFFC00], $0xffff;
	[tilespmem:s8+$0x30] =	vst v8  }
0x210: {  	[tilespmem:s28+$0x30] =	vst v9;
	v8 =	vld.idx.msk [tilespmem:v6+s5+$0x0], $0xffff  }
0x211: {  	[tilespmem:s30+$0xFFFFFFE0] =	vst v11;
	v9 =	vld.idx.msk [tilespmem:v6+s5+$0xFFFFFC00], $0xffff  }
0x212: {  	v11 =	vld.idx.msk [tilespmem:v7+s5+$0xFFFFFA00], $0xffff;
	[tilespmem:s29+$0x30] =	vst v10  }
0x213: {  	[tilespmem:s1+$0x10] =	vst v12;
	v10 =	vld.idx.msk [tilespmem:v6+s5+$0xFFFFFE00], $0xffff  }
0x214: {  	v14 =	vld.idx.msk [tilespmem:v4+s0+$0xFFFFFE00], $0xffff;
	[tilespmem:s3+$0x10] =	vst v13  }
0x215: {  	v12 =	vld.idx.msk [tilespmem:v5+s0+$0x0], $0xffff;
	[tilespmem:s8+$0x40] =	vst v8  }
0x216: {  	[tilespmem:s28+$0x40] =	vst v9;
	v9 =	vld.idx.msk [tilespmem:v3+s0+$0xFFFFFA00], $0xffff  }
0x217: {  	[tilespmem:s30+$0xFFFFFFF0] =	vst v11;
	v8 =	vld.idx.msk [tilespmem:v1+s5+$0x0], $0xffff  }
0x218: {  	[tilespmem:s29+$0x40] =	vst v10;
	v10 =	vld.idx.msk [tilespmem:v6+s5+$0xFFFFFA00], $0xffff  }
0x219: {  	[tilespmem:s31+$0x10] =	vst v14;
	v13 =	vld.idx.msk [tilespmem:v5+s0+$0xFFFFFC00], $0xffff  }
0x21a: {  	s13 =	simm.s32 $0xE640;
	v14 =	vld.idx.msk [tilespmem:v5+s0+$0xFFFFFE00], $0xffff;
	[tilespmem:s1+$0x20] =	vst v12  }
0x21b: {  	v11 =	vld.idx.msk [tilespmem:v1+s5+$0xFFFFFC00], $0xffff;
	[tilespmem:s13+$0xFFFFFFC0] =	vst v9  }
0x21c: {  	[tilespmem:s8+$0x50] =	vst v8;
	v9 =	vld.idx.msk [tilespmem:v4+s0+$0xFFFFFA00], $0xffff  }
0x21d: {  	[tilespmem:s30+$0x0] =	vst v10;
	v8 =	vld.idx.msk [tilespmem:v2+s5+$0x0], $0xffff  }
0x21e: {  	[tilespmem:s3+$0x20] =	vst v13;
	v10 =	vld.idx.msk [tilespmem:v1+s5+$0xFFFFFA00], $0xffff  }
0x21f: {  	[tilespmem:s31+$0x20] =	vst v14;
	v12 =	vld.idx.msk [tilespmem:v7+s0+$0x0], $0xffff  }
0x220: {  	[tilespmem:s28+$0x50] =	vst v11;
	v11 =	vld.idx.msk [tilespmem:v1+s5+$0xFFFFFE00], $0xffff  }
0x221: {  	v13 =	vld.idx.msk [tilespmem:v7+s0+$0xFFFFFC00], $0xffff;
	[tilespmem:s13+$0xFFFFFFD0] =	vst v9  }
0x222: {  	[tilespmem:s8+$0x60] =	vst v8;
	v9 =	vld.idx.msk [tilespmem:v5+s0+$0xFFFFFA00], $0xffff  }
0x223: {  	[tilespmem:s30+$0x10] =	vst v10;
	v8 =	vld.idx.msk [tilespmem:v0+s5+$0x0], $0xffff  }
0x224: {  	[tilespmem:s1+$0x30] =	vst v12;
	v10 =	vld.idx.msk [tilespmem:v2+s5+$0xFFFFFA00], $0xffff  }
0x225: {  	[tilespmem:s29+$0x50] =	vst v11;
	v11 =	vld.idx.msk [tilespmem:v2+s5+$0xFFFFFC00], $0xffff  }
0x226: {  	v14 =	vld.idx.msk [tilespmem:v7+s0+$0xFFFFFE00], $0xffff;
	[tilespmem:s3+$0x30] =	vst v13  }
0x227: {  	v13 =	vld.idx.msk [tilespmem:v6+s0+$0x0], $0xffff;
	[tilespmem:s13+$0xFFFFFFE0] =	vst v9  }
0x228: {  	[tilespmem:s8+$0x70] =	vst v8;
	v8 =	vld.idx.msk [tilespmem:v2+s5+$0xFFFFFE00], $0xffff  }
0x229: {  	[tilespmem:s30+$0x20] =	vst v10;
	v15 =	vld.idx.msk [tilespmem:v7+s0+$0xFFFFFA00], $0xffff  }
0x22a: {  	[tilespmem:s28+$0x60] =	vst v11;
	v10 =	vld.idx.msk [tilespmem:v0+s5+$0xFFFFFA00], $0xffff  }
0x22b: {  	v9 =	vld.idx.msk [tilespmem:v0+s5+$0xFFFFFC00], $0xffff  }
0x22c: {  	[tilespmem:s31+$0x30] =	vst v14;
	v12 =	vld.idx.msk [tilespmem:v6+s0+$0xFFFFFC00], $0xffff  }
0x22d: {  	v11 =	vld.idx.msk [tilespmem:v6+s0+$0xFFFFFE00], $0xffff;
	[tilespmem:s29+$0x60] =	vst v8  }
0x22e: {  	s9 =	simm.s32 $0x1600;
	s8 =	simm.s32 $0x4;
	[tilespmem:s13+$0xFFFFFFF0] =	vst v15;
	v8 =	vld.idx.msk [tilespmem:v0+s5+$0xFFFFFE00], $0xffff  }
.LBB2_11:
0x22f: {  	v14 =	vld.idx.msk [tilespmem:v3+s9+$0x0], $0xffff;
	s8 =	sadd.s32 $0x4, s8;
	[tilespmem:s30+$0x30] =	vst v10;
	s30 =	smov.u32 s13  }
0x230: {  	s4 =	sadd.s32 $0x200, s4;
	v10 =	vld.idx.msk [tilespmem:v3+s9+$0xFFFFFC00], $0xffff;
	p0 =	slt.u32 s8, $0x3C;
	[tilespmem:s28+$0x70] =	vst v9;
	s28 =	smov.u32 s3  }
0x231: {  	s3 =	sadd.s32 $0xFFFFFE80, s4;
	s5 =	sadd.s32 $0xFFFFFF00, s4;
	s10 =	sadd.s32 $0xFFFFFF80, s4;
	v9 =	vld.idx.msk [tilespmem:v3+s9+$0xFFFFFE00], $0xffff;
	[tilespmem:s1+$0x40] =	vst v13  }
0x232: {  	s3 =	sand.u32 $0x1C00, s3;
	s5 =	sand.u32 $0x280, s5;
	s10 =	sand.u32 $0x300, s10;
	[tilespmem:s28+$0x40] =	vst v12;
	v12 =	vld.idx.msk [tilespmem:v1+s0+$0x0], $0xffff  }
0x233: {  	s11 =	sand.u32 $0x380, s4;
	s14 =	sadd.s32 $0xE400, s3;
	v13 =	vld.idx.msk [tilespmem:v3+s9+$0xFFFFFA00], $0xffff;
	[tilespmem:s31+$0x40] =	vst v11  }
0x234: {  	s3 =	sor.u32 s5, s14;
	s5 =	sor.u32 s10, s14;
	s10 =	sor.u32 s11, s14;
	v11 =	vld.idx.msk [tilespmem:v6+s0+$0xFFFFFA00], $0xffff;
	[tilespmem:s29+$0x70] =	vst v8  }
0x235: {  	s29 =	smov.u32 s31;
	s31 =	smov.u32 s5;
	[tilespmem:s10+$0x0] =	vst v14;
	v8 =	vld.idx.msk [tilespmem:v1+s0+$0xFFFFFC00], $0xffff  }
0x236: {  	[tilespmem:s3+$0x0] =	vst v10;
	v10 =	vld.idx.msk [tilespmem:v4+s9+$0x0], $0xffff  }
0x237: {  	v14 =	vld.idx.msk [tilespmem:v4+s9+$0xFFFFFC00], $0xffff;
	[tilespmem:s31+$0x0] =	vst v9  }
0x238: {  	s13 =	sadd.s32 $0x200, s13;
	v9 =	vld.idx.msk [tilespmem:v4+s9+$0xFFFFFE00], $0xffff;
	[tilespmem:s1+$0x50] =	vst v12  }
0x239: {  	[tilespmem:s13+$0xFFFFFFC0] =	vst v13;
	v12 =	vld.idx.msk [tilespmem:v2+s0+$0x0], $0xffff  }
0x23a: {  	v13 =	vld.idx.msk [tilespmem:v4+s9+$0xFFFFFA00], $0xffff;
	[tilespmem:s30+$0x0] =	vst v11  }
0x23b: {  	v11 =	vld.idx.msk [tilespmem:v1+s0+$0xFFFFFA00], $0xffff;
	[tilespmem:s28+$0x50] =	vst v8  }
0x23c: {  	[tilespmem:s10+$0x10] =	vst v10;
	v8 =	vld.idx.msk [tilespmem:v1+s0+$0xFFFFFE00], $0xffff  }
0x23d: {  	[tilespmem:s3+$0x10] =	vst v14;
	v10 =	vld.idx.msk [tilespmem:v5+s9+$0x0], $0xffff  }
0x23e: {  	v14 =	vld.idx.msk [tilespmem:v5+s9+$0xFFFFFC00], $0xffff;
	[tilespmem:s31+$0x10] =	vst v9  }
0x23f: {  	v9 =	vld.idx.msk [tilespmem:v5+s9+$0xFFFFFE00], $0xffff;
	[tilespmem:s1+$0x60] =	vst v12  }
0x240: {  	[tilespmem:s13+$0xFFFFFFD0] =	vst v13;
	v12 =	vld.idx.msk [tilespmem:v0+s0+$0x0], $0xffff  }
0x241: {  	v13 =	vld.idx.msk [tilespmem:v5+s9+$0xFFFFFA00], $0xffff;
	[tilespmem:s30+$0x10] =	vst v11  }
0x242: {  	v11 =	vld.idx.msk [tilespmem:v2+s0+$0xFFFFFA00], $0xffff;
	[tilespmem:s29+$0x50] =	vst v8  }
0x243: {  	[tilespmem:s10+$0x20] =	vst v10;
	v8 =	vld.idx.msk [tilespmem:v2+s0+$0xFFFFFC00], $0xffff  }
0x244: {  	[tilespmem:s3+$0x20] =	vst v14;
	v14 =	vld.idx.msk [tilespmem:v7+s9+$0x0], $0xffff  }
0x245: {  	v15 =	vld.idx.msk [tilespmem:v7+s9+$0xFFFFFC00], $0xffff;
	[tilespmem:s31+$0x20] =	vst v9  }
0x246: {  	v16 =	vld.idx.msk [tilespmem:v7+s9+$0xFFFFFE00], $0xffff;
	[tilespmem:s1+$0x70] =	vst v12;
	s1 =	smov.u32 s10  }
0x247: {  	[tilespmem:s13+$0xFFFFFFE0] =	vst v13;
	v17 =	vld.idx.msk [tilespmem:v2+s0+$0xFFFFFE00], $0xffff  }
0x248: {  	v18 =	vld.idx.msk [tilespmem:v7+s9+$0xFFFFFA00], $0xffff;
	[tilespmem:s30+$0x20] =	vst v11  }
0x249: {  	v10 =	vld.idx.msk [tilespmem:v0+s0+$0xFFFFFA00], $0xffff;
	[tilespmem:s28+$0x60] =	vst v8  }
.Ltmp4:
0x24a: {  	[tilespmem:s1+$0x30] =	vst v14;
	v9 =	vld.idx.msk [tilespmem:v0+s0+$0xFFFFFC00], $0xffff;
	(pc) =	sbr.rel @p0 .LBB2_11-.Ltmp4, $4  }
0x24b: {  	[tilespmem:s3+$0x30] =	vst v15;
	v13 =	vld.idx.msk [tilespmem:v6+s9+$0x0], $0xffff  }
0x24c: {  	v12 =	vld.idx.msk [tilespmem:v6+s9+$0xFFFFFC00], $0xffff;
	[tilespmem:s31+$0x30] =	vst v16  }
0x24d: {  	v11 =	vld.idx.msk [tilespmem:v6+s9+$0xFFFFFE00], $0xffff;
	[tilespmem:s29+$0x60] =	vst v17  }
0x24e: {  	[tilespmem:s13+$0xFFFFFFF0] =	vst v18;
	v8 =	vld.idx.msk [tilespmem:v0+s0+$0xFFFFFE00], $0xffff;
	s0 =	smov.u32 s9;
	s9 =	sadd.s32 $0x800, s9  }
0x24f: {  	_ =	sdelay $0x3  }
0x250: {  	v3 =	vld.idx.msk [tilespmem:v6+s0+$0xFFFFFA00], $0xffff;
	_ =	sdelay $0x2  }
0x251: {  	[tilespmem:s1+$0x40] =	vst v13  }
0x252: {  	v4 =	vld.idx.msk [tilespmem:v1+s0+$0x0], $0xffff;
	[tilespmem:s3+$0x40] =	vst v12  }
0x253: {  	v5 =	vld.idx.msk [tilespmem:v1+s0+$0xFFFFFC00], $0xffff;
	[tilespmem:s13+$0x0] =	vst v3  }
0x254: {  	[tilespmem:s31+$0x40] =	vst v11;
	v3 =	vld.idx.msk [tilespmem:v1+s0+$0xFFFFFA00], $0xffff  }
0x255: {  	v1 =	vld.idx.msk [tilespmem:v1+s0+$0xFFFFFE00], $0xffff;
	_ =	sdelay $0x1  }
0x256: {  	[tilespmem:s1+$0x50] =	vst v4  }
0x257: {  	[tilespmem:s3+$0x50] =	vst v5  }
0x258: {  	v4 =	vld.idx.msk [tilespmem:v2+s0+$0x0], $0xffff;
	[tilespmem:s13+$0x10] =	vst v3  }
0x259: {  	[tilespmem:s31+$0x50] =	vst v1;
	v1 =	vld.idx.msk [tilespmem:v2+s0+$0xFFFFFC00], $0xffff  }
0x25a: {  	v3 =	vld.idx.msk [tilespmem:v2+s0+$0xFFFFFA00], $0xffff  }
0x25b: {  	v2 =	vld.idx.msk [tilespmem:v2+s0+$0xFFFFFE00], $0xffff  }
0x25c: {  	[tilespmem:s30+$0x30] =	vst v10  }
0x25d: {  	[tilespmem:s1+$0x60] =	vst v4  }
0x25e: {  	v4 =	vld.idx.msk [tilespmem:v0+s0+$0x0], $0xffff;
	[tilespmem:s3+$0x60] =	vst v1  }
0x25f: {  	[tilespmem:s13+$0x20] =	vst v3;
	v1 =	vld.idx.msk [tilespmem:v0+s0+$0xFFFFFC00], $0xffff  }
0x260: {  	[tilespmem:s31+$0x60] =	vst v2;
	v3 =	vld.idx.msk [tilespmem:v0+s0+$0xFFFFFA00], $0xffff  }
0x261: {  	[tilespmem:s28+$0x70] =	vst v9;
	v0 =	vld.idx.msk [tilespmem:v0+s0+$0xFFFFFE00], $0xffff  }
0x262: {  	[tilespmem:s29+$0x70] =	vst v8  }
0x263: {  	s7 =	sshll.u32 s26, $0x14;
	[tilespmem:s1+$0x70] =	vst v4  }
0x264: {  	s0 =	sor.u32 s6, s7;
	[tilespmem:s3+$0x70] =	vst v1  }
0x265: {  	s0 =	sshrl.u32 s0, $0x3;
	[tilespmem:s13+$0x30] =	vst v3  }
0x266: {  	s28 =	sshll.u32 s26, $0x2;
	s0 =	sadd.s32 s2, s0;
	[tilespmem:s31+$0x70] =	vst v0  }
0x267: {  	[hbm4b:s0+s16] =	stream.strided.scatter [tilespmem:s17], [sflag:$0x1], $0x2000, s15, s16, $0x38;
	[tilespmem:$0x16400] =	vst v63  }
0x268: {  	s29 =	sor.u32 $0x1, s28;
	_ =	swait.ge [sflag:s22], $0x2000  }
0x269: {  	s8 =	sshll.u32 s29, $0x7;
	[sflag:s22] =	ssyncset.done $0x0  }
0x26a: {  	s0 =	sand.u32 $0x3FFFFE80, s8;
	[sflag:s22] =	ssyncadd.s32 $0xFFFFE000  }
0x26b: {  	v3 =	vld [tilespmem:s0+$0x8000];
	_ =	sdelay $0x3  }
0x26c: {  	v4 =	vld [tilespmem:s0+$0x8010]  }
0x26d: {  	v5 =	vld [tilespmem:s0+$0x8020]  }
0x26e: {  	v7 =	vld [tilespmem:s0+$0x8030]  }
0x26f: {  	s8 =	simm.s32 $0x600;
	v6 =	vld [tilespmem:s0+$0x8040]  }
0x270: {  	v8 =	vld.idx.msk [tilespmem:v3+s8+$0x0], $0xffff  }
0x271: {  	s9 =	simm.s32 $0x0;
	v9 =	vld.idx.msk [tilespmem:v3+s8+$0xFFFFFC00], $0xffff  }
0x272: {  	s10 =	simm.s32 $0x180;
	s1 =	sand.u32 $0x1C00, s9;
	v1 =	vld [tilespmem:s0+$0x8050]  }
0x273: {  	s4 =	simm.s32 $0x80;
	s1 =	sadd.s32 $0xE400, s1;
	s3 =	sand.u32 $0x380, s10;
	v10 =	vld.idx.msk [tilespmem:v3+s8+$0xFFFFFE00], $0xffff  }
0x274: {  	s4 =	sand.u32 $0x280, s4;
	s9 =	sor.u32 s3, s1;
	v2 =	vld [tilespmem:s0+$0x8060]  }
0x275: {  	s11 =	simm.s32 $0x100;
	s30 =	sor.u32 s4, s1;
	v0 =	vld [tilespmem:s0+$0x8070];
	[tilespmem:s9+$0x2000] =	vst v8  }
0x276: {  	s0 =	sand.u32 $0x300, s11;
	[tilespmem:s30+$0x2000] =	vst v9;
	v8 =	vld.idx.msk [tilespmem:v4+s8+$0x0], $0xffff  }
0x277: {  	s31 =	sor.u32 s0, s1;
	v9 =	vld.idx.msk [tilespmem:v4+s8+$0xFFFFFC00], $0xffff  }
0x278: {  	v11 =	vld.idx.msk [tilespmem:v3+s8+$0xFFFFFA00], $0xffff;
	[tilespmem:s31+$0x2000] =	vst v10  }
0x279: {  	v10 =	vld.idx.msk [tilespmem:v4+s8+$0xFFFFFE00], $0xffff  }
0x27a: {  	s1 =	simm.s32 $0xE00  }
0x27b: {  	v12 =	vld.idx.msk [tilespmem:v3+s1+$0x0], $0xffff;
	[tilespmem:s9+$0x2010] =	vst v8  }
0x27c: {  	s12 =	simm.s32 $0x200;
	s0 =	simm.s32 $0x10470;
	[tilespmem:s30+$0x2010] =	vst v9;
	v8 =	vld.idx.msk [tilespmem:v5+s8+$0x0], $0xffff  }
0x27d: {  	s5 =	simm.s32 $0x380;
	s3 =	sand.u32 $0x1C00, s12;
	[tilespmem:s0+$0xFFFFFF90] =	vst v11;
	v9 =	vld.idx.msk [tilespmem:v5+s8+$0xFFFFFC00], $0xffff  }
0x27e: {  	s10 =	sand.u32 $0x380, s5;
	s13 =	simm.s32 $0x280;
	s3 =	sadd.s32 $0xE400, s3;
	v11 =	vld.idx.msk [tilespmem:v4+s8+$0xFFFFFA00], $0xffff;
	[tilespmem:s31+$0x2010] =	vst v10  }
0x27f: {  	s4 =	sand.u32 $0x280, s13;
	s13 =	sor.u32 s10, s3;
	v10 =	vld.idx.msk [tilespmem:v5+s8+$0xFFFFFE00], $0xffff  }
0x280: {  	v13 =	vld.idx.msk [tilespmem:v3+s1+$0xFFFFFC00], $0xffff;
	[tilespmem:s13+$0x2000] =	vst v12  }
0x281: {  	v14 =	vld.idx.msk [tilespmem:v3+s1+$0xFFFFFE00], $0xffff;
	[tilespmem:s9+$0x2020] =	vst v8  }
0x282: {  	[tilespmem:s30+$0x2020] =	vst v9;
	v8 =	vld.idx.msk [tilespmem:v7+s8+$0x0], $0xffff  }
0x283: {  	s11 =	simm.s32 $0x300;
	[tilespmem:s0+$0xFFFFFFA0] =	vst v11;
	v9 =	vld.idx.msk [tilespmem:v7+s8+$0xFFFFFC00], $0xffff  }
0x284: {  	s4 =	sor.u32 s4, s3;
	s14 =	sand.u32 $0x300, s11;
	v11 =	vld.idx.msk [tilespmem:v5+s8+$0xFFFFFA00], $0xffff;
	[tilespmem:s31+$0x2020] =	vst v10  }
0x285: {  	s14 =	sor.u32 s14, s3;
	[tilespmem:s4+$0x2000] =	vst v13;
	v10 =	vld.idx.msk [tilespmem:v7+s8+$0xFFFFFE00], $0xffff  }
0x286: {  	[tilespmem:s14+$0x2000] =	vst v14;
	v12 =	vld.idx.msk [tilespmem:v4+s1+$0x0], $0xffff  }
0x287: {  	v13 =	vld.idx.msk [tilespmem:v4+s1+$0xFFFFFC00], $0xffff;
	[tilespmem:s9+$0x2030] =	vst v8  }
0x288: {  	[tilespmem:s30+$0x2030] =	vst v9;
	v8 =	vld.idx.msk [tilespmem:v6+s8+$0x0], $0xffff  }
0x289: {  	[tilespmem:s0+$0xFFFFFFB0] =	vst v11;
	v9 =	vld.idx.msk [tilespmem:v6+s8+$0xFFFFFC00], $0xffff  }
0x28a: {  	v11 =	vld.idx.msk [tilespmem:v7+s8+$0xFFFFFA00], $0xffff;
	[tilespmem:s31+$0x2030] =	vst v10  }
0x28b: {  	[tilespmem:s13+$0x2010] =	vst v12;
	v10 =	vld.idx.msk [tilespmem:v6+s8+$0xFFFFFE00], $0xffff  }
0x28c: {  	v14 =	vld.idx.msk [tilespmem:v4+s1+$0xFFFFFE00], $0xffff;
	[tilespmem:s4+$0x2010] =	vst v13  }
0x28d: {  	v12 =	vld.idx.msk [tilespmem:v5+s1+$0x0], $0xffff;
	[tilespmem:s9+$0x2040] =	vst v8  }
0x28e: {  	[tilespmem:s30+$0x2040] =	vst v9;
	v9 =	vld.idx.msk [tilespmem:v3+s1+$0xFFFFFA00], $0xffff  }
0x28f: {  	[tilespmem:s0+$0xFFFFFFC0] =	vst v11;
	v8 =	vld.idx.msk [tilespmem:v1+s8+$0x0], $0xffff  }
0x290: {  	[tilespmem:s31+$0x2040] =	vst v10;
	v10 =	vld.idx.msk [tilespmem:v6+s8+$0xFFFFFA00], $0xffff  }
0x291: {  	[tilespmem:s14+$0x2010] =	vst v14;
	v13 =	vld.idx.msk [tilespmem:v5+s1+$0xFFFFFC00], $0xffff  }
0x292: {  	s3 =	simm.s32 $0x10670;
	v14 =	vld.idx.msk [tilespmem:v5+s1+$0xFFFFFE00], $0xffff;
	[tilespmem:s13+$0x2020] =	vst v12  }
0x293: {  	v11 =	vld.idx.msk [tilespmem:v1+s8+$0xFFFFFC00], $0xffff;
	[tilespmem:s3+$0xFFFFFF90] =	vst v9  }
0x294: {  	[tilespmem:s9+$0x2050] =	vst v8;
	v9 =	vld.idx.msk [tilespmem:v4+s1+$0xFFFFFA00], $0xffff  }
0x295: {  	[tilespmem:s0+$0xFFFFFFD0] =	vst v10;
	v8 =	vld.idx.msk [tilespmem:v2+s8+$0x0], $0xffff  }
0x296: {  	[tilespmem:s4+$0x2020] =	vst v13;
	v10 =	vld.idx.msk [tilespmem:v1+s8+$0xFFFFFA00], $0xffff  }
0x297: {  	[tilespmem:s14+$0x2020] =	vst v14;
	v12 =	vld.idx.msk [tilespmem:v7+s1+$0x0], $0xffff  }
0x298: {  	[tilespmem:s30+$0x2050] =	vst v11;
	v11 =	vld.idx.msk [tilespmem:v1+s8+$0xFFFFFE00], $0xffff  }
0x299: {  	v13 =	vld.idx.msk [tilespmem:v7+s1+$0xFFFFFC00], $0xffff;
	[tilespmem:s3+$0xFFFFFFA0] =	vst v9  }
0x29a: {  	[tilespmem:s9+$0x2060] =	vst v8;
	v9 =	vld.idx.msk [tilespmem:v5+s1+$0xFFFFFA00], $0xffff  }
0x29b: {  	[tilespmem:s0+$0xFFFFFFE0] =	vst v10;
	v8 =	vld.idx.msk [tilespmem:v0+s8+$0x0], $0xffff  }
0x29c: {  	[tilespmem:s13+$0x2030] =	vst v12;
	v10 =	vld.idx.msk [tilespmem:v2+s8+$0xFFFFFA00], $0xffff  }
0x29d: {  	[tilespmem:s31+$0x2050] =	vst v11;
	v11 =	vld.idx.msk [tilespmem:v2+s8+$0xFFFFFC00], $0xffff  }
0x29e: {  	v14 =	vld.idx.msk [tilespmem:v7+s1+$0xFFFFFE00], $0xffff;
	[tilespmem:s4+$0x2030] =	vst v13  }
0x29f: {  	v13 =	vld.idx.msk [tilespmem:v6+s1+$0x0], $0xffff;
	[tilespmem:s3+$0xFFFFFFB0] =	vst v9  }
0x2a0: {  	[tilespmem:s9+$0x2070] =	vst v8;
	v8 =	vld.idx.msk [tilespmem:v2+s8+$0xFFFFFE00], $0xffff  }
0x2a1: {  	[tilespmem:s0+$0xFFFFFFF0] =	vst v10;
	v15 =	vld.idx.msk [tilespmem:v7+s1+$0xFFFFFA00], $0xffff  }
0x2a2: {  	[tilespmem:s30+$0x2060] =	vst v11;
	v10 =	vld.idx.msk [tilespmem:v0+s8+$0xFFFFFA00], $0xffff  }
0x2a3: {  	v9 =	vld.idx.msk [tilespmem:v0+s8+$0xFFFFFC00], $0xffff  }
0x2a4: {  	[tilespmem:s14+$0x2030] =	vst v14;
	v12 =	vld.idx.msk [tilespmem:v6+s1+$0xFFFFFC00], $0xffff  }
0x2a5: {  	v11 =	vld.idx.msk [tilespmem:v6+s1+$0xFFFFFE00], $0xffff;
	[tilespmem:s31+$0x2060] =	vst v8  }
0x2a6: {  	s10 =	simm.s32 $0x1600;
	s9 =	simm.s32 $0x4;
	[tilespmem:s3+$0xFFFFFFC0] =	vst v15;
	v8 =	vld.idx.msk [tilespmem:v0+s8+$0xFFFFFE00], $0xffff  }
.LBB2_13:
0x2a7: {  	v14 =	vld.idx.msk [tilespmem:v3+s10+$0x0], $0xffff;
	s9 =	sadd.s32 $0x4, s9;
	[tilespmem:s0+$0x0] =	vst v10;
	s0 =	smov.u32 s3  }
0x2a8: {  	s5 =	sadd.s32 $0x200, s5;
	v10 =	vld.idx.msk [tilespmem:v3+s10+$0xFFFFFC00], $0xffff;
	p0 =	slt.u32 s9, $0x3C;
	[tilespmem:s30+$0x2070] =	vst v9;
	s30 =	smov.u32 s4  }
0x2a9: {  	s4 =	sadd.s32 $0xFFFFFE80, s5;
	s8 =	sadd.s32 $0xFFFFFF00, s5;
	s11 =	sadd.s32 $0xFFFFFF80, s5;
	v9 =	vld.idx.msk [tilespmem:v3+s10+$0xFFFFFE00], $0xffff;
	[tilespmem:s13+$0x2040] =	vst v13  }
0x2aa: {  	s4 =	sand.u32 $0x1C00, s4;
	s8 =	sand.u32 $0x280, s8;
	s11 =	sand.u32 $0x300, s11;
	[tilespmem:s30+$0x2040] =	vst v12;
	v12 =	vld.idx.msk [tilespmem:v1+s1+$0x0], $0xffff  }
0x2ab: {  	s12 =	sand.u32 $0x380, s5;
	s7 =	sadd.s32 $0xE400, s4;
	v13 =	vld.idx.msk [tilespmem:v3+s10+$0xFFFFFA00], $0xffff;
	[tilespmem:s14+$0x2040] =	vst v11  }
0x2ac: {  	s4 =	sor.u32 s8, s7;
	s8 =	sor.u32 s11, s7;
	s7 =	sor.u32 s12, s7;
	v11 =	vld.idx.msk [tilespmem:v6+s1+$0xFFFFFA00], $0xffff;
	[tilespmem:s31+$0x2070] =	vst v8  }
0x2ad: {  	s31 =	smov.u32 s14;
	s14 =	smov.u32 s8;
	[tilespmem:s7+$0x2000] =	vst v14;
	v8 =	vld.idx.msk [tilespmem:v1+s1+$0xFFFFFC00], $0xffff  }
0x2ae: {  	[tilespmem:s4+$0x2000] =	vst v10;
	v10 =	vld.idx.msk [tilespmem:v4+s10+$0x0], $0xffff  }
0x2af: {  	v14 =	vld.idx.msk [tilespmem:v4+s10+$0xFFFFFC00], $0xffff;
	[tilespmem:s14+$0x2000] =	vst v9  }
0x2b0: {  	s3 =	sadd.s32 $0x200, s3;
	v9 =	vld.idx.msk [tilespmem:v4+s10+$0xFFFFFE00], $0xffff;
	[tilespmem:s13+$0x2050] =	vst v12  }
0x2b1: {  	[tilespmem:s3+$0xFFFFFF90] =	vst v13;
	v12 =	vld.idx.msk [tilespmem:v2+s1+$0x0], $0xffff  }
0x2b2: {  	v13 =	vld.idx.msk [tilespmem:v4+s10+$0xFFFFFA00], $0xffff;
	[tilespmem:s0+$0xFFFFFFD0] =	vst v11  }
0x2b3: {  	v11 =	vld.idx.msk [tilespmem:v1+s1+$0xFFFFFA00], $0xffff;
	[tilespmem:s30+$0x2050] =	vst v8  }
0x2b4: {  	[tilespmem:s7+$0x2010] =	vst v10;
	v8 =	vld.idx.msk [tilespmem:v1+s1+$0xFFFFFE00], $0xffff  }
0x2b5: {  	[tilespmem:s4+$0x2010] =	vst v14;
	v10 =	vld.idx.msk [tilespmem:v5+s10+$0x0], $0xffff  }
0x2b6: {  	v14 =	vld.idx.msk [tilespmem:v5+s10+$0xFFFFFC00], $0xffff;
	[tilespmem:s14+$0x2010] =	vst v9  }
0x2b7: {  	v9 =	vld.idx.msk [tilespmem:v5+s10+$0xFFFFFE00], $0xffff;
	[tilespmem:s13+$0x2060] =	vst v12  }
0x2b8: {  	[tilespmem:s3+$0xFFFFFFA0] =	vst v13;
	v12 =	vld.idx.msk [tilespmem:v0+s1+$0x0], $0xffff  }
0x2b9: {  	v13 =	vld.idx.msk [tilespmem:v5+s10+$0xFFFFFA00], $0xffff;
	[tilespmem:s0+$0xFFFFFFE0] =	vst v11  }
0x2ba: {  	v11 =	vld.idx.msk [tilespmem:v2+s1+$0xFFFFFA00], $0xffff;
	[tilespmem:s31+$0x2050] =	vst v8  }
0x2bb: {  	[tilespmem:s7+$0x2020] =	vst v10;
	v8 =	vld.idx.msk [tilespmem:v2+s1+$0xFFFFFC00], $0xffff  }
0x2bc: {  	[tilespmem:s4+$0x2020] =	vst v14;
	v14 =	vld.idx.msk [tilespmem:v7+s10+$0x0], $0xffff  }
0x2bd: {  	v15 =	vld.idx.msk [tilespmem:v7+s10+$0xFFFFFC00], $0xffff;
	[tilespmem:s14+$0x2020] =	vst v9  }
0x2be: {  	v16 =	vld.idx.msk [tilespmem:v7+s10+$0xFFFFFE00], $0xffff;
	[tilespmem:s13+$0x2070] =	vst v12;
	s13 =	smov.u32 s7  }
0x2bf: {  	[tilespmem:s3+$0xFFFFFFB0] =	vst v13;
	v17 =	vld.idx.msk [tilespmem:v2+s1+$0xFFFFFE00], $0xffff  }
0x2c0: {  	v18 =	vld.idx.msk [tilespmem:v7+s10+$0xFFFFFA00], $0xffff;
	[tilespmem:s0+$0xFFFFFFF0] =	vst v11  }
0x2c1: {  	v10 =	vld.idx.msk [tilespmem:v0+s1+$0xFFFFFA00], $0xffff;
	[tilespmem:s30+$0x2060] =	vst v8  }
.Ltmp5:
0x2c2: {  	[tilespmem:s13+$0x2030] =	vst v14;
	v9 =	vld.idx.msk [tilespmem:v0+s1+$0xFFFFFC00], $0xffff;
	(pc) =	sbr.rel @p0 .LBB2_13-.Ltmp5, $4  }
0x2c3: {  	[tilespmem:s4+$0x2030] =	vst v15;
	v13 =	vld.idx.msk [tilespmem:v6+s10+$0x0], $0xffff  }
0x2c4: {  	v12 =	vld.idx.msk [tilespmem:v6+s10+$0xFFFFFC00], $0xffff;
	[tilespmem:s14+$0x2030] =	vst v16  }
0x2c5: {  	v11 =	vld.idx.msk [tilespmem:v6+s10+$0xFFFFFE00], $0xffff;
	[tilespmem:s31+$0x2060] =	vst v17  }
0x2c6: {  	[tilespmem:s3+$0xFFFFFFC0] =	vst v18;
	v8 =	vld.idx.msk [tilespmem:v0+s1+$0xFFFFFE00], $0xffff;
	s1 =	smov.u32 s10;
	s10 =	sadd.s32 $0x800, s10  }
0x2c7: {  	_ =	sdelay $0x3  }
0x2c8: {  	v3 =	vld.idx.msk [tilespmem:v6+s1+$0xFFFFFA00], $0xffff;
	_ =	sdelay $0x2  }
0x2c9: {  	[tilespmem:s13+$0x2040] =	vst v13  }
0x2ca: {  	v4 =	vld.idx.msk [tilespmem:v1+s1+$0x0], $0xffff;
	[tilespmem:s4+$0x2040] =	vst v12  }
0x2cb: {  	v5 =	vld.idx.msk [tilespmem:v1+s1+$0xFFFFFC00], $0xffff;
	[tilespmem:s3+$0xFFFFFFD0] =	vst v3  }
0x2cc: {  	[tilespmem:s14+$0x2040] =	vst v11;
	v3 =	vld.idx.msk [tilespmem:v1+s1+$0xFFFFFA00], $0xffff  }
0x2cd: {  	v1 =	vld.idx.msk [tilespmem:v1+s1+$0xFFFFFE00], $0xffff;
	_ =	sdelay $0x1  }
0x2ce: {  	[tilespmem:s13+$0x2050] =	vst v4  }
0x2cf: {  	[tilespmem:s4+$0x2050] =	vst v5  }
0x2d0: {  	v4 =	vld.idx.msk [tilespmem:v2+s1+$0x0], $0xffff;
	[tilespmem:s3+$0xFFFFFFE0] =	vst v3  }
0x2d1: {  	[tilespmem:s14+$0x2050] =	vst v1;
	v1 =	vld.idx.msk [tilespmem:v2+s1+$0xFFFFFC00], $0xffff  }
0x2d2: {  	v3 =	vld.idx.msk [tilespmem:v2+s1+$0xFFFFFA00], $0xffff  }
0x2d3: {  	v2 =	vld.idx.msk [tilespmem:v2+s1+$0xFFFFFE00], $0xffff  }
0x2d4: {  	[tilespmem:s0+$0x0] =	vst v10  }
0x2d5: {  	[tilespmem:s13+$0x2060] =	vst v4  }
0x2d6: {  	v4 =	vld.idx.msk [tilespmem:v0+s1+$0x0], $0xffff;
	[tilespmem:s4+$0x2060] =	vst v1  }
0x2d7: {  	[tilespmem:s3+$0xFFFFFFF0] =	vst v3;
	v1 =	vld.idx.msk [tilespmem:v0+s1+$0xFFFFFC00], $0xffff  }
0x2d8: {  	[tilespmem:s14+$0x2060] =	vst v2;
	v3 =	vld.idx.msk [tilespmem:v0+s1+$0xFFFFFA00], $0xffff  }
0x2d9: {  	[tilespmem:s30+$0x2070] =	vst v9;
	v0 =	vld.idx.msk [tilespmem:v0+s1+$0xFFFFFE00], $0xffff  }
0x2da: {  	[tilespmem:s31+$0x2070] =	vst v8  }
0x2db: {  	s1 =	sshll.u32 s29, $0x12;
	[tilespmem:s13+$0x2070] =	vst v4  }
0x2dc: {  	s0 =	sor.u32 s6, s1;
	[tilespmem:s4+$0x2070] =	vst v1  }
0x2dd: {  	s0 =	sshrl.u32 s0, $0x3;
	[tilespmem:s3+$0x0] =	vst v3  }
0x2de: {  	s0 =	sadd.s32 s2, s0;
	[tilespmem:s14+$0x2070] =	vst v0  }
0x2df: {  	[hbm4b:s0+s16] =	stream.strided.scatter [tilespmem:s18], [sflag:$0x2], $0x2000, s15, s16, $0x38;
	[tilespmem:$0x16400] =	vst v63  }
0x2e0: {  	s29 =	sor.u32 $0x2, s28;
	_ =	swait.ge [sflag:s23], $0x2000  }
0x2e1: {  	s5 =	sshll.u32 s29, $0x7;
	[sflag:s23] =	ssyncset.done $0x0  }
0x2e2: {  	s0 =	sand.u32 $0x3FFFFF80, s5;
	[sflag:s23] =	ssyncadd.s32 $0xFFFFE000  }
0x2e3: {  	v3 =	vld [tilespmem:s0+$0x8000];
	_ =	sdelay $0x3  }
0x2e4: {  	v4 =	vld [tilespmem:s0+$0x8010]  }
0x2e5: {  	v5 =	vld [tilespmem:s0+$0x8020]  }
0x2e6: {  	v7 =	vld [tilespmem:s0+$0x8030]  }
0x2e7: {  	s8 =	simm.s32 $0x600;
	v6 =	vld [tilespmem:s0+$0x8040]  }
0x2e8: {  	v8 =	vld.idx.msk [tilespmem:v3+s8+$0x0], $0xffff  }
0x2e9: {  	s7 =	simm.s32 $0x0;
	v9 =	vld.idx.msk [tilespmem:v3+s8+$0xFFFFFC00], $0xffff  }
0x2ea: {  	s9 =	simm.s32 $0x180;
	s1 =	sand.u32 $0x1C00, s7;
	v1 =	vld [tilespmem:s0+$0x8050]  }
0x2eb: {  	s10 =	simm.s32 $0x80;
	s1 =	sadd.s32 $0xE400, s1;
	s3 =	sand.u32 $0x380, s9;
	v10 =	vld.idx.msk [tilespmem:v3+s8+$0xFFFFFE00], $0xffff  }
0x2ec: {  	s4 =	sand.u32 $0x280, s10;
	s9 =	sor.u32 s3, s1;
	v2 =	vld [tilespmem:s0+$0x8060]  }
0x2ed: {  	s11 =	simm.s32 $0x100;
	s30 =	sor.u32 s4, s1;
	v0 =	vld [tilespmem:s0+$0x8070];
	[tilespmem:s9+$0x4000] =	vst v8  }
0x2ee: {  	s0 =	sand.u32 $0x300, s11;
	[tilespmem:s30+$0x4000] =	vst v9;
	v8 =	vld.idx.msk [tilespmem:v4+s8+$0x0], $0xffff  }
0x2ef: {  	s31 =	sor.u32 s0, s1;
	v9 =	vld.idx.msk [tilespmem:v4+s8+$0xFFFFFC00], $0xffff  }
0x2f0: {  	v11 =	vld.idx.msk [tilespmem:v3+s8+$0xFFFFFA00], $0xffff;
	[tilespmem:s31+$0x4000] =	vst v10  }
0x2f1: {  	v10 =	vld.idx.msk [tilespmem:v4+s8+$0xFFFFFE00], $0xffff  }
0x2f2: {  	s1 =	simm.s32 $0xE00  }
0x2f3: {  	v12 =	vld.idx.msk [tilespmem:v3+s1+$0x0], $0xffff;
	[tilespmem:s9+$0x4010] =	vst v8  }
0x2f4: {  	s12 =	simm.s32 $0x200;
	s0 =	simm.s32 $0x12470;
	[tilespmem:s30+$0x4010] =	vst v9;
	v8 =	vld.idx.msk [tilespmem:v5+s8+$0x0], $0xffff  }
0x2f5: {  	s5 =	simm.s32 $0x380;
	s3 =	sand.u32 $0x1C00, s12;
	[tilespmem:s0+$0xFFFFFF90] =	vst v11;
	v9 =	vld.idx.msk [tilespmem:v5+s8+$0xFFFFFC00], $0xffff  }
0x2f6: {  	s13 =	simm.s32 $0x280;
	s3 =	sadd.s32 $0xE400, s3;
	s7 =	sand.u32 $0x380, s5;
	v11 =	vld.idx.msk [tilespmem:v4+s8+$0xFFFFFA00], $0xffff;
	[tilespmem:s31+$0x4010] =	vst v10  }
0x2f7: {  	s4 =	sand.u32 $0x280, s13;
	s13 =	sor.u32 s7, s3;
	v10 =	vld.idx.msk [tilespmem:v5+s8+$0xFFFFFE00], $0xffff  }
0x2f8: {  	v13 =	vld.idx.msk [tilespmem:v3+s1+$0xFFFFFC00], $0xffff;
	[tilespmem:s13+$0x4000] =	vst v12  }
0x2f9: {  	v14 =	vld.idx.msk [tilespmem:v3+s1+$0xFFFFFE00], $0xffff;
	[tilespmem:s9+$0x4020] =	vst v8  }
0x2fa: {  	[tilespmem:s30+$0x4020] =	vst v9;
	v8 =	vld.idx.msk [tilespmem:v7+s8+$0x0], $0xffff  }
0x2fb: {  	s10 =	simm.s32 $0x300;
	[tilespmem:s0+$0xFFFFFFA0] =	vst v11;
	v9 =	vld.idx.msk [tilespmem:v7+s8+$0xFFFFFC00], $0xffff  }
0x2fc: {  	s14 =	sand.u32 $0x300, s10;
	s4 =	sor.u32 s4, s3;
	v11 =	vld.idx.msk [tilespmem:v5+s8+$0xFFFFFA00], $0xffff;
	[tilespmem:s31+$0x4020] =	vst v10  }
0x2fd: {  	s14 =	sor.u32 s14, s3;
	[tilespmem:s4+$0x4000] =	vst v13;
	v10 =	vld.idx.msk [tilespmem:v7+s8+$0xFFFFFE00], $0xffff  }
0x2fe: {  	[tilespmem:s14+$0x4000] =	vst v14;
	v12 =	vld.idx.msk [tilespmem:v4+s1+$0x0], $0xffff  }
0x2ff: {  	v13 =	vld.idx.msk [tilespmem:v4+s1+$0xFFFFFC00], $0xffff;
	[tilespmem:s9+$0x4030] =	vst v8  }
0x300: {  	[tilespmem:s30+$0x4030] =	vst v9;
	v8 =	vld.idx.msk [tilespmem:v6+s8+$0x0], $0xffff  }
0x301: {  	[tilespmem:s0+$0xFFFFFFB0] =	vst v11;
	v9 =	vld.idx.msk [tilespmem:v6+s8+$0xFFFFFC00], $0xffff  }
0x302: {  	v11 =	vld.idx.msk [tilespmem:v7+s8+$0xFFFFFA00], $0xffff;
	[tilespmem:s31+$0x4030] =	vst v10  }
0x303: {  	[tilespmem:s13+$0x4010] =	vst v12;
	v10 =	vld.idx.msk [tilespmem:v6+s8+$0xFFFFFE00], $0xffff  }
0x304: {  	v14 =	vld.idx.msk [tilespmem:v4+s1+$0xFFFFFE00], $0xffff;
	[tilespmem:s4+$0x4010] =	vst v13  }
0x305: {  	v12 =	vld.idx.msk [tilespmem:v5+s1+$0x0], $0xffff;
	[tilespmem:s9+$0x4040] =	vst v8  }
0x306: {  	[tilespmem:s30+$0x4040] =	vst v9;
	v9 =	vld.idx.msk [tilespmem:v3+s1+$0xFFFFFA00], $0xffff  }
0x307: {  	[tilespmem:s0+$0xFFFFFFC0] =	vst v11;
	v8 =	vld.idx.msk [tilespmem:v1+s8+$0x0], $0xffff  }
0x308: {  	[tilespmem:s31+$0x4040] =	vst v10;
	v10 =	vld.idx.msk [tilespmem:v6+s8+$0xFFFFFA00], $0xffff  }
0x309: {  	[tilespmem:s14+$0x4010] =	vst v14;
	v13 =	vld.idx.msk [tilespmem:v5+s1+$0xFFFFFC00], $0xffff  }
0x30a: {  	s3 =	simm.s32 $0x12670;
	v14 =	vld.idx.msk [tilespmem:v5+s1+$0xFFFFFE00], $0xffff;
	[tilespmem:s13+$0x4020] =	vst v12  }
0x30b: {  	v11 =	vld.idx.msk [tilespmem:v1+s8+$0xFFFFFC00], $0xffff;
	[tilespmem:s3+$0xFFFFFF90] =	vst v9  }
0x30c: {  	[tilespmem:s9+$0x4050] =	vst v8;
	v9 =	vld.idx.msk [tilespmem:v4+s1+$0xFFFFFA00], $0xffff  }
0x30d: {  	[tilespmem:s0+$0xFFFFFFD0] =	vst v10;
	v8 =	vld.idx.msk [tilespmem:v2+s8+$0x0], $0xffff  }
0x30e: {  	[tilespmem:s4+$0x4020] =	vst v13;
	v10 =	vld.idx.msk [tilespmem:v1+s8+$0xFFFFFA00], $0xffff  }
0x30f: {  	[tilespmem:s14+$0x4020] =	vst v14;
	v12 =	vld.idx.msk [tilespmem:v7+s1+$0x0], $0xffff  }
0x310: {  	[tilespmem:s30+$0x4050] =	vst v11;
	v11 =	vld.idx.msk [tilespmem:v1+s8+$0xFFFFFE00], $0xffff  }
0x311: {  	v13 =	vld.idx.msk [tilespmem:v7+s1+$0xFFFFFC00], $0xffff;
	[tilespmem:s3+$0xFFFFFFA0] =	vst v9  }
0x312: {  	[tilespmem:s9+$0x4060] =	vst v8;
	v9 =	vld.idx.msk [tilespmem:v5+s1+$0xFFFFFA00], $0xffff  }
0x313: {  	[tilespmem:s0+$0xFFFFFFE0] =	vst v10;
	v8 =	vld.idx.msk [tilespmem:v0+s8+$0x0], $0xffff  }
0x314: {  	[tilespmem:s13+$0x4030] =	vst v12;
	v10 =	vld.idx.msk [tilespmem:v2+s8+$0xFFFFFA00], $0xffff  }
0x315: {  	[tilespmem:s31+$0x4050] =	vst v11;
	v11 =	vld.idx.msk [tilespmem:v2+s8+$0xFFFFFC00], $0xffff  }
0x316: {  	v14 =	vld.idx.msk [tilespmem:v7+s1+$0xFFFFFE00], $0xffff;
	[tilespmem:s4+$0x4030] =	vst v13  }
0x317: {  	v13 =	vld.idx.msk [tilespmem:v6+s1+$0x0], $0xffff;
	[tilespmem:s3+$0xFFFFFFB0] =	vst v9  }
0x318: {  	[tilespmem:s9+$0x4070] =	vst v8;
	v8 =	vld.idx.msk [tilespmem:v2+s8+$0xFFFFFE00], $0xffff  }
0x319: {  	[tilespmem:s0+$0xFFFFFFF0] =	vst v10;
	v15 =	vld.idx.msk [tilespmem:v7+s1+$0xFFFFFA00], $0xffff  }
0x31a: {  	[tilespmem:s30+$0x4060] =	vst v11;
	v10 =	vld.idx.msk [tilespmem:v0+s8+$0xFFFFFA00], $0xffff  }
0x31b: {  	v9 =	vld.idx.msk [tilespmem:v0+s8+$0xFFFFFC00], $0xffff  }
0x31c: {  	[tilespmem:s14+$0x4030] =	vst v14;
	v12 =	vld.idx.msk [tilespmem:v6+s1+$0xFFFFFC00], $0xffff  }
0x31d: {  	v11 =	vld.idx.msk [tilespmem:v6+s1+$0xFFFFFE00], $0xffff;
	[tilespmem:s31+$0x4060] =	vst v8  }
0x31e: {  	s10 =	simm.s32 $0x1600;
	s9 =	simm.s32 $0x4;
	[tilespmem:s3+$0xFFFFFFC0] =	vst v15;
	v8 =	vld.idx.msk [tilespmem:v0+s8+$0xFFFFFE00], $0xffff  }
.LBB2_15:
0x31f: {  	v14 =	vld.idx.msk [tilespmem:v3+s10+$0x0], $0xffff;
	s9 =	sadd.s32 $0x4, s9;
	[tilespmem:s0+$0x0] =	vst v10;
	s0 =	smov.u32 s3  }
0x320: {  	s5 =	sadd.s32 $0x200, s5;
	v10 =	vld.idx.msk [tilespmem:v3+s10+$0xFFFFFC00], $0xffff;
	p0 =	slt.u32 s9, $0x3C;
	[tilespmem:s30+$0x4070] =	vst v9;
	s30 =	smov.u32 s4  }
0x321: {  	s4 =	sadd.s32 $0xFFFFFE80, s5;
	s7 =	sadd.s32 $0xFFFFFF00, s5;
	s8 =	sadd.s32 $0xFFFFFF80, s5;
	v9 =	vld.idx.msk [tilespmem:v3+s10+$0xFFFFFE00], $0xffff;
	[tilespmem:s13+$0x4040] =	vst v13  }
0x322: {  	s4 =	sand.u32 $0x1C00, s4;
	s7 =	sand.u32 $0x280, s7;
	s8 =	sand.u32 $0x300, s8;
	[tilespmem:s30+$0x4040] =	vst v12;
	v12 =	vld.idx.msk [tilespmem:v1+s1+$0x0], $0xffff  }
0x323: {  	s12 =	sand.u32 $0x380, s5;
	s11 =	sadd.s32 $0xE400, s4;
	v13 =	vld.idx.msk [tilespmem:v3+s10+$0xFFFFFA00], $0xffff;
	[tilespmem:s14+$0x4040] =	vst v11  }
0x324: {  	s4 =	sor.u32 s7, s11;
	s7 =	sor.u32 s8, s11;
	s8 =	sor.u32 s12, s11;
	v11 =	vld.idx.msk [tilespmem:v6+s1+$0xFFFFFA00], $0xffff;
	[tilespmem:s31+$0x4070] =	vst v8  }
0x325: {  	s31 =	smov.u32 s14;
	s14 =	smov.u32 s7;
	[tilespmem:s8+$0x4000] =	vst v14;
	v8 =	vld.idx.msk [tilespmem:v1+s1+$0xFFFFFC00], $0xffff  }
0x326: {  	[tilespmem:s4+$0x4000] =	vst v10;
	v10 =	vld.idx.msk [tilespmem:v4+s10+$0x0], $0xffff  }
0x327: {  	v14 =	vld.idx.msk [tilespmem:v4+s10+$0xFFFFFC00], $0xffff;
	[tilespmem:s14+$0x4000] =	vst v9  }
0x328: {  	s3 =	sadd.s32 $0x200, s3;
	v9 =	vld.idx.msk [tilespmem:v4+s10+$0xFFFFFE00], $0xffff;
	[tilespmem:s13+$0x4050] =	vst v12  }
0x329: {  	[tilespmem:s3+$0xFFFFFF90] =	vst v13;
	v12 =	vld.idx.msk [tilespmem:v2+s1+$0x0], $0xffff  }
0x32a: {  	v13 =	vld.idx.msk [tilespmem:v4+s10+$0xFFFFFA00], $0xffff;
	[tilespmem:s0+$0xFFFFFFD0] =	vst v11  }
0x32b: {  	v11 =	vld.idx.msk [tilespmem:v1+s1+$0xFFFFFA00], $0xffff;
	[tilespmem:s30+$0x4050] =	vst v8  }
0x32c: {  	[tilespmem:s8+$0x4010] =	vst v10;
	v8 =	vld.idx.msk [tilespmem:v1+s1+$0xFFFFFE00], $0xffff  }
0x32d: {  	[tilespmem:s4+$0x4010] =	vst v14;
	v10 =	vld.idx.msk [tilespmem:v5+s10+$0x0], $0xffff  }
0x32e: {  	v14 =	vld.idx.msk [tilespmem:v5+s10+$0xFFFFFC00], $0xffff;
	[tilespmem:s14+$0x4010] =	vst v9  }
0x32f: {  	v9 =	vld.idx.msk [tilespmem:v5+s10+$0xFFFFFE00], $0xffff;
	[tilespmem:s13+$0x4060] =	vst v12  }
0x330: {  	[tilespmem:s3+$0xFFFFFFA0] =	vst v13;
	v12 =	vld.idx.msk [tilespmem:v0+s1+$0x0], $0xffff  }
0x331: {  	v13 =	vld.idx.msk [tilespmem:v5+s10+$0xFFFFFA00], $0xffff;
	[tilespmem:s0+$0xFFFFFFE0] =	vst v11  }
0x332: {  	v11 =	vld.idx.msk [tilespmem:v2+s1+$0xFFFFFA00], $0xffff;
	[tilespmem:s31+$0x4050] =	vst v8  }
0x333: {  	[tilespmem:s8+$0x4020] =	vst v10;
	v8 =	vld.idx.msk [tilespmem:v2+s1+$0xFFFFFC00], $0xffff  }
0x334: {  	[tilespmem:s4+$0x4020] =	vst v14;
	v14 =	vld.idx.msk [tilespmem:v7+s10+$0x0], $0xffff  }
0x335: {  	v15 =	vld.idx.msk [tilespmem:v7+s10+$0xFFFFFC00], $0xffff;
	[tilespmem:s14+$0x4020] =	vst v9  }
0x336: {  	v16 =	vld.idx.msk [tilespmem:v7+s10+$0xFFFFFE00], $0xffff;
	[tilespmem:s13+$0x4070] =	vst v12;
	s13 =	smov.u32 s8  }
0x337: {  	[tilespmem:s3+$0xFFFFFFB0] =	vst v13;
	v17 =	vld.idx.msk [tilespmem:v2+s1+$0xFFFFFE00], $0xffff  }
0x338: {  	v18 =	vld.idx.msk [tilespmem:v7+s10+$0xFFFFFA00], $0xffff;
	[tilespmem:s0+$0xFFFFFFF0] =	vst v11  }
0x339: {  	v10 =	vld.idx.msk [tilespmem:v0+s1+$0xFFFFFA00], $0xffff;
	[tilespmem:s30+$0x4060] =	vst v8  }
.Ltmp6:
0x33a: {  	[tilespmem:s13+$0x4030] =	vst v14;
	v9 =	vld.idx.msk [tilespmem:v0+s1+$0xFFFFFC00], $0xffff;
	(pc) =	sbr.rel @p0 .LBB2_15-.Ltmp6, $4  }
0x33b: {  	[tilespmem:s4+$0x4030] =	vst v15;
	v13 =	vld.idx.msk [tilespmem:v6+s10+$0x0], $0xffff  }
0x33c: {  	v12 =	vld.idx.msk [tilespmem:v6+s10+$0xFFFFFC00], $0xffff;
	[tilespmem:s14+$0x4030] =	vst v16  }
0x33d: {  	v11 =	vld.idx.msk [tilespmem:v6+s10+$0xFFFFFE00], $0xffff;
	[tilespmem:s31+$0x4060] =	vst v17  }
0x33e: {  	[tilespmem:s3+$0xFFFFFFC0] =	vst v18;
	v8 =	vld.idx.msk [tilespmem:v0+s1+$0xFFFFFE00], $0xffff;
	s1 =	smov.u32 s10;
	s10 =	sadd.s32 $0x800, s10  }
0x33f: {  	_ =	sdelay $0x3  }
0x340: {  	v3 =	vld.idx.msk [tilespmem:v6+s1+$0xFFFFFA00], $0xffff;
	_ =	sdelay $0x2  }
0x341: {  	[tilespmem:s13+$0x4040] =	vst v13  }
0x342: {  	v4 =	vld.idx.msk [tilespmem:v1+s1+$0x0], $0xffff;
	[tilespmem:s4+$0x4040] =	vst v12  }
0x343: {  	v5 =	vld.idx.msk [tilespmem:v1+s1+$0xFFFFFC00], $0xffff;
	[tilespmem:s3+$0xFFFFFFD0] =	vst v3  }
0x344: {  	[tilespmem:s14+$0x4040] =	vst v11;
	v3 =	vld.idx.msk [tilespmem:v1+s1+$0xFFFFFA00], $0xffff  }
0x345: {  	v1 =	vld.idx.msk [tilespmem:v1+s1+$0xFFFFFE00], $0xffff;
	_ =	sdelay $0x1  }
0x346: {  	[tilespmem:s13+$0x4050] =	vst v4  }
0x347: {  	[tilespmem:s4+$0x4050] =	vst v5  }
0x348: {  	v4 =	vld.idx.msk [tilespmem:v2+s1+$0x0], $0xffff;
	[tilespmem:s3+$0xFFFFFFE0] =	vst v3  }
0x349: {  	[tilespmem:s14+$0x4050] =	vst v1;
	v1 =	vld.idx.msk [tilespmem:v2+s1+$0xFFFFFC00], $0xffff  }
0x34a: {  	v3 =	vld.idx.msk [tilespmem:v2+s1+$0xFFFFFA00], $0xffff  }
0x34b: {  	v2 =	vld.idx.msk [tilespmem:v2+s1+$0xFFFFFE00], $0xffff  }
0x34c: {  	[tilespmem:s0+$0x0] =	vst v10  }
0x34d: {  	[tilespmem:s13+$0x4060] =	vst v4  }
0x34e: {  	v4 =	vld.idx.msk [tilespmem:v0+s1+$0x0], $0xffff;
	[tilespmem:s4+$0x4060] =	vst v1  }
0x34f: {  	[tilespmem:s3+$0xFFFFFFF0] =	vst v3;
	v1 =	vld.idx.msk [tilespmem:v0+s1+$0xFFFFFC00], $0xffff  }
0x350: {  	[tilespmem:s14+$0x4060] =	vst v2;
	v3 =	vld.idx.msk [tilespmem:v0+s1+$0xFFFFFA00], $0xffff  }
0x351: {  	[tilespmem:s30+$0x4070] =	vst v9;
	v0 =	vld.idx.msk [tilespmem:v0+s1+$0xFFFFFE00], $0xffff  }
0x352: {  	[tilespmem:s31+$0x4070] =	vst v8  }
0x353: {  	s7 =	sshll.u32 s29, $0x12;
	[tilespmem:s13+$0x4070] =	vst v4  }
0x354: {  	s0 =	sor.u32 s6, s7;
	[tilespmem:s4+$0x4070] =	vst v1  }
0x355: {  	s0 =	sshrl.u32 s0, $0x3;
	[tilespmem:s3+$0x0] =	vst v3  }
0x356: {  	s0 =	sadd.s32 s2, s0;
	[tilespmem:s14+$0x4070] =	vst v0  }
0x357: {  	[hbm4b:s0+s16] =	stream.strided.scatter [tilespmem:s19], [sflag:$0x3], $0x2000, s15, s16, $0x38;
	[tilespmem:$0x16400] =	vst v63  }
0x358: {  	s28 =	sor.u32 $0x3, s28;
	_ =	swait.ge [sflag:s24], $0x2000  }
0x359: {  	s8 =	sshll.u32 s28, $0x7;
	[sflag:s24] =	ssyncset.done $0x0  }
0x35a: {  	s0 =	sand.u32 $0x3FFFFF80, s8;
	[sflag:s24] =	ssyncadd.s32 $0xFFFFE000  }
0x35b: {  	v3 =	vld [tilespmem:s0+$0x8000];
	_ =	sdelay $0x3  }
0x35c: {  	v4 =	vld [tilespmem:s0+$0x8010]  }
0x35d: {  	v5 =	vld [tilespmem:s0+$0x8020]  }
0x35e: {  	v7 =	vld [tilespmem:s0+$0x8030]  }
0x35f: {  	s8 =	simm.s32 $0x600;
	v6 =	vld [tilespmem:s0+$0x8040]  }
0x360: {  	v8 =	vld.idx.msk [tilespmem:v3+s8+$0x0], $0xffff  }
0x361: {  	s9 =	simm.s32 $0x0;
	v9 =	vld.idx.msk [tilespmem:v3+s8+$0xFFFFFC00], $0xffff  }
0x362: {  	s10 =	simm.s32 $0x180;
	s1 =	sand.u32 $0x1C00, s9;
	v1 =	vld [tilespmem:s0+$0x8050]  }
0x363: {  	s11 =	simm.s32 $0x80;
	s1 =	sadd.s32 $0xE400, s1;
	s3 =	sand.u32 $0x380, s10;
	v10 =	vld.idx.msk [tilespmem:v3+s8+$0xFFFFFE00], $0xffff  }
0x364: {  	s4 =	sand.u32 $0x280, s11;
	s9 =	sor.u32 s3, s1;
	v2 =	vld [tilespmem:s0+$0x8060]  }
0x365: {  	s12 =	simm.s32 $0x100;
	s29 =	sor.u32 s4, s1;
	v0 =	vld [tilespmem:s0+$0x8070];
	[tilespmem:s9+$0x6000] =	vst v8  }
0x366: {  	s0 =	sand.u32 $0x300, s12;
	[tilespmem:s29+$0x6000] =	vst v9;
	v8 =	vld.idx.msk [tilespmem:v4+s8+$0x0], $0xffff  }
0x367: {  	s30 =	sor.u32 s0, s1;
	v9 =	vld.idx.msk [tilespmem:v4+s8+$0xFFFFFC00], $0xffff  }
0x368: {  	v11 =	vld.idx.msk [tilespmem:v3+s8+$0xFFFFFA00], $0xffff;
	[tilespmem:s30+$0x6000] =	vst v10  }
0x369: {  	v10 =	vld.idx.msk [tilespmem:v4+s8+$0xFFFFFE00], $0xffff  }
0x36a: {  	s1 =	simm.s32 $0xE00  }
0x36b: {  	v12 =	vld.idx.msk [tilespmem:v3+s1+$0x0], $0xffff;
	[tilespmem:s9+$0x6010] =	vst v8  }
0x36c: {  	s13 =	simm.s32 $0x200;
	s0 =	simm.s32 $0x14470;
	[tilespmem:s29+$0x6010] =	vst v9;
	v8 =	vld.idx.msk [tilespmem:v5+s8+$0x0], $0xffff  }
0x36d: {  	s5 =	simm.s32 $0x380;
	s3 =	sand.u32 $0x1C00, s13;
	[tilespmem:s0+$0xFFFFFF90] =	vst v11;
	v9 =	vld.idx.msk [tilespmem:v5+s8+$0xFFFFFC00], $0xffff  }
0x36e: {  	s7 =	sand.u32 $0x380, s5;
	s3 =	sadd.s32 $0xE400, s3;
	v11 =	vld.idx.msk [tilespmem:v4+s8+$0xFFFFFA00], $0xffff;
	[tilespmem:s30+$0x6010] =	vst v10  }
0x36f: {  	s13 =	sor.u32 s7, s3;
	v10 =	vld.idx.msk [tilespmem:v5+s8+$0xFFFFFE00], $0xffff  }
0x370: {  	v13 =	vld.idx.msk [tilespmem:v3+s1+$0xFFFFFC00], $0xffff;
	[tilespmem:s13+$0x6000] =	vst v12  }
0x371: {  	v14 =	vld.idx.msk [tilespmem:v3+s1+$0xFFFFFE00], $0xffff;
	[tilespmem:s9+$0x6020] =	vst v8  }
0x372: {  	s14 =	simm.s32 $0x280;
	[tilespmem:s29+$0x6020] =	vst v9;
	v8 =	vld.idx.msk [tilespmem:v7+s8+$0x0], $0xffff  }
0x373: {  	s10 =	simm.s32 $0x300;
	s4 =	sand.u32 $0x280, s14;
	[tilespmem:s0+$0xFFFFFFA0] =	vst v11;
	v9 =	vld.idx.msk [tilespmem:v7+s8+$0xFFFFFC00], $0xffff  }
0x374: {  	s31 =	sand.u32 $0x300, s10;
	s4 =	sor.u32 s4, s3;
	v11 =	vld.idx.msk [tilespmem:v5+s8+$0xFFFFFA00], $0xffff;
	[tilespmem:s30+$0x6020] =	vst v10  }
0x375: {  	s14 =	sor.u32 s31, s3;
	[tilespmem:s4+$0x6000] =	vst v13;
	v10 =	vld.idx.msk [tilespmem:v7+s8+$0xFFFFFE00], $0xffff  }
0x376: {  	[tilespmem:s14+$0x6000] =	vst v14;
	v12 =	vld.idx.msk [tilespmem:v4+s1+$0x0], $0xffff  }
0x377: {  	v13 =	vld.idx.msk [tilespmem:v4+s1+$0xFFFFFC00], $0xffff;
	[tilespmem:s9+$0x6030] =	vst v8  }
0x378: {  	[tilespmem:s29+$0x6030] =	vst v9;
	v8 =	vld.idx.msk [tilespmem:v6+s8+$0x0], $0xffff  }
0x379: {  	[tilespmem:s0+$0xFFFFFFB0] =	vst v11;
	v9 =	vld.idx.msk [tilespmem:v6+s8+$0xFFFFFC00], $0xffff  }
0x37a: {  	v11 =	vld.idx.msk [tilespmem:v7+s8+$0xFFFFFA00], $0xffff;
	[tilespmem:s30+$0x6030] =	vst v10  }
0x37b: {  	[tilespmem:s13+$0x6010] =	vst v12;
	v10 =	vld.idx.msk [tilespmem:v6+s8+$0xFFFFFE00], $0xffff  }
0x37c: {  	v14 =	vld.idx.msk [tilespmem:v4+s1+$0xFFFFFE00], $0xffff;
	[tilespmem:s4+$0x6010] =	vst v13  }
0x37d: {  	v12 =	vld.idx.msk [tilespmem:v5+s1+$0x0], $0xffff;
	[tilespmem:s9+$0x6040] =	vst v8  }
0x37e: {  	[tilespmem:s29+$0x6040] =	vst v9;
	v9 =	vld.idx.msk [tilespmem:v3+s1+$0xFFFFFA00], $0xffff  }
0x37f: {  	[tilespmem:s0+$0xFFFFFFC0] =	vst v11;
	v8 =	vld.idx.msk [tilespmem:v1+s8+$0x0], $0xffff  }
0x380: {  	[tilespmem:s30+$0x6040] =	vst v10;
	v10 =	vld.idx.msk [tilespmem:v6+s8+$0xFFFFFA00], $0xffff  }
0x381: {  	[tilespmem:s14+$0x6010] =	vst v14;
	v13 =	vld.idx.msk [tilespmem:v5+s1+$0xFFFFFC00], $0xffff  }
0x382: {  	s3 =	simm.s32 $0x14670;
	v14 =	vld.idx.msk [tilespmem:v5+s1+$0xFFFFFE00], $0xffff;
	[tilespmem:s13+$0x6020] =	vst v12  }
0x383: {  	v11 =	vld.idx.msk [tilespmem:v1+s8+$0xFFFFFC00], $0xffff;
	[tilespmem:s3+$0xFFFFFF90] =	vst v9  }
0x384: {  	[tilespmem:s9+$0x6050] =	vst v8;
	v9 =	vld.idx.msk [tilespmem:v4+s1+$0xFFFFFA00], $0xffff  }
0x385: {  	[tilespmem:s0+$0xFFFFFFD0] =	vst v10;
	v8 =	vld.idx.msk [tilespmem:v2+s8+$0x0], $0xffff  }
0x386: {  	[tilespmem:s4+$0x6020] =	vst v13;
	v10 =	vld.idx.msk [tilespmem:v1+s8+$0xFFFFFA00], $0xffff  }
0x387: {  	[tilespmem:s14+$0x6020] =	vst v14;
	v12 =	vld.idx.msk [tilespmem:v7+s1+$0x0], $0xffff  }
0x388: {  	[tilespmem:s29+$0x6050] =	vst v11;
	v11 =	vld.idx.msk [tilespmem:v1+s8+$0xFFFFFE00], $0xffff  }
0x389: {  	v13 =	vld.idx.msk [tilespmem:v7+s1+$0xFFFFFC00], $0xffff;
	[tilespmem:s3+$0xFFFFFFA0] =	vst v9  }
0x38a: {  	[tilespmem:s9+$0x6060] =	vst v8;
	v9 =	vld.idx.msk [tilespmem:v5+s1+$0xFFFFFA00], $0xffff  }
0x38b: {  	[tilespmem:s0+$0xFFFFFFE0] =	vst v10;
	v8 =	vld.idx.msk [tilespmem:v0+s8+$0x0], $0xffff  }
0x38c: {  	[tilespmem:s13+$0x6030] =	vst v12;
	v10 =	vld.idx.msk [tilespmem:v2+s8+$0xFFFFFA00], $0xffff  }
0x38d: {  	[tilespmem:s30+$0x6050] =	vst v11;
	v11 =	vld.idx.msk [tilespmem:v2+s8+$0xFFFFFC00], $0xffff  }
0x38e: {  	v14 =	vld.idx.msk [tilespmem:v7+s1+$0xFFFFFE00], $0xffff;
	[tilespmem:s4+$0x6030] =	vst v13  }
0x38f: {  	v13 =	vld.idx.msk [tilespmem:v6+s1+$0x0], $0xffff;
	[tilespmem:s3+$0xFFFFFFB0] =	vst v9  }
0x390: {  	[tilespmem:s9+$0x6070] =	vst v8;
	v8 =	vld.idx.msk [tilespmem:v2+s8+$0xFFFFFE00], $0xffff  }
0x391: {  	[tilespmem:s0+$0xFFFFFFF0] =	vst v10;
	v15 =	vld.idx.msk [tilespmem:v7+s1+$0xFFFFFA00], $0xffff  }
0x392: {  	[tilespmem:s29+$0x6060] =	vst v11;
	v10 =	vld.idx.msk [tilespmem:v0+s8+$0xFFFFFA00], $0xffff  }
0x393: {  	v9 =	vld.idx.msk [tilespmem:v0+s8+$0xFFFFFC00], $0xffff  }
0x394: {  	[tilespmem:s14+$0x6030] =	vst v14;
	v12 =	vld.idx.msk [tilespmem:v6+s1+$0xFFFFFC00], $0xffff  }
0x395: {  	v11 =	vld.idx.msk [tilespmem:v6+s1+$0xFFFFFE00], $0xffff;
	[tilespmem:s30+$0x6060] =	vst v8  }
0x396: {  	s10 =	simm.s32 $0x1600;
	s9 =	simm.s32 $0x4;
	[tilespmem:s3+$0xFFFFFFC0] =	vst v15;
	v8 =	vld.idx.msk [tilespmem:v0+s8+$0xFFFFFE00], $0xffff  }
.LBB2_17:
0x397: {  	v14 =	vld.idx.msk [tilespmem:v3+s10+$0x0], $0xffff;
	s9 =	sadd.s32 $0x4, s9;
	[tilespmem:s0+$0x0] =	vst v10;
	s0 =	smov.u32 s3  }
0x398: {  	s5 =	sadd.s32 $0x200, s5;
	v10 =	vld.idx.msk [tilespmem:v3+s10+$0xFFFFFC00], $0xffff;
	p0 =	slt.u32 s9, $0x3C;
	[tilespmem:s29+$0x6070] =	vst v9;
	s29 =	smov.u32 s4  }
0x399: {  	s4 =	sadd.s32 $0xFFFFFE80, s5;
	s7 =	sadd.s32 $0xFFFFFF00, s5;
	s8 =	sadd.s32 $0xFFFFFF80, s5;
	v9 =	vld.idx.msk [tilespmem:v3+s10+$0xFFFFFE00], $0xffff;
	[tilespmem:s13+$0x6040] =	vst v13  }
0x39a: {  	s4 =	sand.u32 $0x1C00, s4;
	s7 =	sand.u32 $0x280, s7;
	s8 =	sand.u32 $0x300, s8;
	[tilespmem:s29+$0x6040] =	vst v12;
	v12 =	vld.idx.msk [tilespmem:v1+s1+$0x0], $0xffff  }
0x39b: {  	s12 =	sand.u32 $0x380, s5;
	s11 =	sadd.s32 $0xE400, s4;
	v13 =	vld.idx.msk [tilespmem:v3+s10+$0xFFFFFA00], $0xffff;
	[tilespmem:s14+$0x6040] =	vst v11  }
0x39c: {  	s4 =	sor.u32 s7, s11;
	s7 =	sor.u32 s8, s11;
	s8 =	sor.u32 s12, s11;
	v11 =	vld.idx.msk [tilespmem:v6+s1+$0xFFFFFA00], $0xffff;
	[tilespmem:s30+$0x6070] =	vst v8  }
0x39d: {  	s30 =	smov.u32 s14;
	s14 =	smov.u32 s7;
	[tilespmem:s8+$0x6000] =	vst v14;
	v8 =	vld.idx.msk [tilespmem:v1+s1+$0xFFFFFC00], $0xffff  }
0x39e: {  	[tilespmem:s4+$0x6000] =	vst v10;
	v10 =	vld.idx.msk [tilespmem:v4+s10+$0x0], $0xffff  }
0x39f: {  	v14 =	vld.idx.msk [tilespmem:v4+s10+$0xFFFFFC00], $0xffff;
	[tilespmem:s14+$0x6000] =	vst v9  }
0x3a0: {  	s3 =	sadd.s32 $0x200, s3;
	v9 =	vld.idx.msk [tilespmem:v4+s10+$0xFFFFFE00], $0xffff;
	[tilespmem:s13+$0x6050] =	vst v12  }
0x3a1: {  	[tilespmem:s3+$0xFFFFFF90] =	vst v13;
	v12 =	vld.idx.msk [tilespmem:v2+s1+$0x0], $0xffff  }
0x3a2: {  	v13 =	vld.idx.msk [tilespmem:v4+s10+$0xFFFFFA00], $0xffff;
	[tilespmem:s0+$0xFFFFFFD0] =	vst v11  }
0x3a3: {  	v11 =	vld.idx.msk [tilespmem:v1+s1+$0xFFFFFA00], $0xffff;
	[tilespmem:s29+$0x6050] =	vst v8  }
0x3a4: {  	[tilespmem:s8+$0x6010] =	vst v10;
	v8 =	vld.idx.msk [tilespmem:v1+s1+$0xFFFFFE00], $0xffff  }
0x3a5: {  	[tilespmem:s4+$0x6010] =	vst v14;
	v10 =	vld.idx.msk [tilespmem:v5+s10+$0x0], $0xffff  }
0x3a6: {  	v14 =	vld.idx.msk [tilespmem:v5+s10+$0xFFFFFC00], $0xffff;
	[tilespmem:s14+$0x6010] =	vst v9  }
0x3a7: {  	v9 =	vld.idx.msk [tilespmem:v5+s10+$0xFFFFFE00], $0xffff;
	[tilespmem:s13+$0x6060] =	vst v12  }
0x3a8: {  	[tilespmem:s3+$0xFFFFFFA0] =	vst v13;
	v12 =	vld.idx.msk [tilespmem:v0+s1+$0x0], $0xffff  }
0x3a9: {  	v13 =	vld.idx.msk [tilespmem:v5+s10+$0xFFFFFA00], $0xffff;
	[tilespmem:s0+$0xFFFFFFE0] =	vst v11  }
0x3aa: {  	v11 =	vld.idx.msk [tilespmem:v2+s1+$0xFFFFFA00], $0xffff;
	[tilespmem:s30+$0x6050] =	vst v8  }
0x3ab: {  	[tilespmem:s8+$0x6020] =	vst v10;
	v8 =	vld.idx.msk [tilespmem:v2+s1+$0xFFFFFC00], $0xffff  }
0x3ac: {  	[tilespmem:s4+$0x6020] =	vst v14;
	v14 =	vld.idx.msk [tilespmem:v7+s10+$0x0], $0xffff  }
0x3ad: {  	v15 =	vld.idx.msk [tilespmem:v7+s10+$0xFFFFFC00], $0xffff;
	[tilespmem:s14+$0x6020] =	vst v9  }
0x3ae: {  	v16 =	vld.idx.msk [tilespmem:v7+s10+$0xFFFFFE00], $0xffff;
	[tilespmem:s13+$0x6070] =	vst v12;
	s13 =	smov.u32 s8  }
0x3af: {  	[tilespmem:s3+$0xFFFFFFB0] =	vst v13;
	v17 =	vld.idx.msk [tilespmem:v2+s1+$0xFFFFFE00], $0xffff  }
0x3b0: {  	v18 =	vld.idx.msk [tilespmem:v7+s10+$0xFFFFFA00], $0xffff;
	[tilespmem:s0+$0xFFFFFFF0] =	vst v11  }
0x3b1: {  	v10 =	vld.idx.msk [tilespmem:v0+s1+$0xFFFFFA00], $0xffff;
	[tilespmem:s29+$0x6060] =	vst v8  }
.Ltmp7:
0x3b2: {  	[tilespmem:s13+$0x6030] =	vst v14;
	v9 =	vld.idx.msk [tilespmem:v0+s1+$0xFFFFFC00], $0xffff;
	(pc) =	sbr.rel @p0 .LBB2_17-.Ltmp7, $4  }
0x3b3: {  	[tilespmem:s4+$0x6030] =	vst v15;
	v13 =	vld.idx.msk [tilespmem:v6+s10+$0x0], $0xffff  }
0x3b4: {  	v12 =	vld.idx.msk [tilespmem:v6+s10+$0xFFFFFC00], $0xffff;
	[tilespmem:s14+$0x6030] =	vst v16  }
0x3b5: {  	v11 =	vld.idx.msk [tilespmem:v6+s10+$0xFFFFFE00], $0xffff;
	[tilespmem:s30+$0x6060] =	vst v17  }
0x3b6: {  	[tilespmem:s3+$0xFFFFFFC0] =	vst v18;
	v8 =	vld.idx.msk [tilespmem:v0+s1+$0xFFFFFE00], $0xffff;
	s1 =	smov.u32 s10;
	s10 =	sadd.s32 $0x800, s10  }
0x3b7: {  	_ =	sdelay $0x3  }
0x3b8: {  	v3 =	vld.idx.msk [tilespmem:v6+s1+$0xFFFFFA00], $0xffff;
	_ =	sdelay $0x1  }
0x3b9: {  	[tilespmem:s13+$0x6040] =	vst v13  }
0x3ba: {  	v4 =	vld.idx.msk [tilespmem:v1+s1+$0x0], $0xffff;
	[tilespmem:s4+$0x6040] =	vst v12  }
0x3bb: {  	[tilespmem:s14+$0x6040] =	vst v11;
	v5 =	vld.idx.msk [tilespmem:v1+s1+$0xFFFFFC00], $0xffff  }
0x3bc: {  	v60 =	vld.idx.msk [tilespmem:v1+s1+$0xFFFFFE00], $0xffff;
	[tilespmem:s3+$0xFFFFFFD0] =	vst v3  }
0x3bd: {  	v3 =	vld.idx.msk [tilespmem:v1+s1+$0xFFFFFA00], $0xffff;
	_ =	sdelay $0x1  }
0x3be: {  	[tilespmem:s13+$0x6050] =	vst v4  }
0x3bf: {  	v4 =	vld.idx.msk [tilespmem:v2+s1+$0x0], $0xffff;
	[tilespmem:s4+$0x6050] =	vst v5  }
0x3c0: {  	[tilespmem:s14+$0x6050] =	vst v60;
	v61 =	vld.idx.msk [tilespmem:v2+s1+$0xFFFFFC00], $0xffff  }
0x3c1: {  	v62 =	vld.idx.msk [tilespmem:v2+s1+$0xFFFFFE00], $0xffff;
	[tilespmem:s3+$0xFFFFFFE0] =	vst v3  }
0x3c2: {  	v3 =	vld.idx.msk [tilespmem:v2+s1+$0xFFFFFA00], $0xffff  }
0x3c3: {  	[tilespmem:s0+$0x0] =	vst v10  }
0x3c4: {  	[tilespmem:s13+$0x6060] =	vst v4  }
0x3c5: {  	v4 =	vld.idx.msk [tilespmem:v0+s1+$0x0], $0xffff;
	[tilespmem:s4+$0x6060] =	vst v61  }
0x3c6: {  	v1 =	vld.idx.msk [tilespmem:v0+s1+$0xFFFFFC00], $0xffff;
	[tilespmem:s14+$0x6060] =	vst v62  }
0x3c7: {  	v63 =	vld.idx.msk [tilespmem:v0+s1+$0xFFFFFE00], $0xffff;
	[tilespmem:s3+$0xFFFFFFF0] =	vst v3  }
0x3c8: {  	[tilespmem:s29+$0x6070] =	vst v9;
	s26 =	sadd.s32 $0x1, s26;
	v3 =	vld.idx.msk [tilespmem:v0+s1+$0xFFFFFA00], $0xffff  }
0x3c9: {  	p0 =	sne.s32 s26, $0x32;
	[tilespmem:s30+$0x6070] =	vst v8  }
.Ltmp8:
0x3ca: {  	s31 =	sshll.u32 s28, $0x12;
	[tilespmem:s13+$0x6070] =	vst v4;
	(pc) =	sbr.rel @p0 .LBB2_10-.Ltmp8, $4  }
0x3cb: {  	s0 =	sor.u32 s6, s31;
	[tilespmem:s4+$0x6070] =	vst v1  }
0x3cc: {  	s0 =	sshrl.u32 s0, $0x3;
	[tilespmem:s14+$0x6070] =	vst v63  }
0x3cd: {  	s0 =	sadd.s32 s2, s0;
	[tilespmem:s3+$0x0] =	vst v3  }
0x3ce: {  	[hbm4b:s0+s16] =	stream.strided.scatter [tilespmem:s20], [sflag:$0x4], $0x2000, s15, s16, $0x38;
	[tilespmem:$0x16400] =	vst v63  }
0x3cf: {  	_ =	swait.ge [sflag:s21], $0x2000  }
0x3d0: {  	[sflag:s21] =	ssyncset.done $0x0  }
0x3d1: {  	[sflag:s21] =	ssyncadd.s32 $0xFFFFE000  }
0x3d2: {  	_ =	swait.ge [sflag:s22], $0x2000  }
0x3d3: {  	[sflag:s22] =	ssyncset.done $0x0  }
0x3d4: {  	[sflag:s22] =	ssyncadd.s32 $0xFFFFE000  }
0x3d5: {  	_ =	swait.ge [sflag:s23], $0x2000  }
0x3d6: {  	[sflag:s23] =	ssyncset.done $0x0  }
0x3d7: {  	[sflag:s23] =	ssyncadd.s32 $0xFFFFE000  }
0x3d8: {  	_ =	swait.ge [sflag:s24], $0x2000  }
0x3d9: {  	s25 =	sadd.s32 $0x1, s25;
	s0 =	rddreg [dreg:$0x9]  }
0x3da: {  	p0 =	sne.s32 s25, s0  }
.Ltmp9:
0x3db: {  	_ = 	snop;
	(pc) =	sbr.rel @p0 .LBB2_1-.Ltmp9, $3  }
0x3dc: {  	_ =	sdelay $0x1  }
0x3dd: {  	[sflag:s24] =	ssyncset.done $0x0  }
0x3de: {  	[sflag:s24] =	ssyncadd.s32 $0xFFFFE000  }
0x3df: {  	_ =	sfence.sel $0x180000  }
0x3e0: {  	[bflag:$0x0] =	sbarrier.arrive $0xFFFF  }
0x3e1: {  	_ =	strace $0x90000047  }
0x3e2: {  	s0 =	stileid.u32;
	[bflag:$0x2] =	sbarrier.arrive $0xFFFF  }
0x3e3: {  	p0 =	sne.s32 s0, $0x0;
	s0 =	rddreg [dreg:$0x2]  }
0x3e4: {  	s0 =	sadd.s32 @!p0 $0x100000, s0  }
0x3e5: {  	[sflag:s0] =	ssyncadd.tile.s32 @!p0 $0x1;
	_ =	shalt  }
.Lfunc_end2:
_tile_overlayer_lowered:
.L_overlay_start_2:
0x3e6: {  	(tag) =	ssettag $0x2  }
0x3e7: {  	s0 =	rddreg [dreg:$0x0];
	s2 =	stileid.u32  }
0x3e8: {  	s1 =	rddreg [dreg:$0x1];
	p0 =	sne.s32 s2, $0x0  }
0x3e9: {  	s3 =	rddreg [dreg:$0x2];
	[bflag:$0x3] =	sbarrier.arrive $0xFFFF;
	s2 =	simm.s32 @!p0 $0x1C05  }
0x3ea: {  	[timem:s3], [sflag:s2] =	dma.local @!p0 [hbm:s0], s1  }
0x3eb: {  	s0 =	simm.s32 @!p0 $0x5  }
0x3ec: {  	_ =	swait.ge @!p0 [sflag:s0], s1  }
0x3ed: {  	s1 =	ssub.s32 @!p0 $0x0, s1;
	[sflag:s0] =	ssyncset.done @!p0 $0x0  }
0x3ee: {  	[sflag:s0] =	ssyncadd.s32 @!p0 s1  }
0x3ef: {  	[bflag:$0x3] =	sbarrier.arrive $0xFFFF  }
0x3f0: {  	_ =	shalt  }

</sc_bundles>
